<compile_context>
chip_gen: v7x
topology: tpu7x:2x2x1
jax: 0.10.2.dev20260603
libtpu: 0.0.44.dev20260713+nightly
codegen_flags: <defaults>
</compile_context>

<pallas_src>
import functools

import jax
import jax.numpy as jnp
import numpy as np
from jax import lax
from jax.experimental import pallas as pl
from jax.experimental.pallas import tpu as pltpu
from jax.experimental.pallas import tpu_sc as plsc

_B, _HOUT, _WOUT = 4, 512, 512
_NS = _B * _HOUT * _WOUT
_NW = 32
_PW = _NS // _NW
_S = 2048
_NCHUNK = _PW // _S
_LEVELS = (4096, 2048, 1024, 512)
_HI = np.int32(-65536)


def _tec_body(p1, p2, p3, p4, uvt_hbm, out_hbm,
              u_ab, v_ab,
              idx_a, val_a, w_a, idx_b, val_b, w_b,
              o_ab, sem_g, sem_uv, sem_o):
    ptabs = (p1, p2, p3, p4)
    bufs = ((idx_a, val_a, w_a, sem_g[0]), (idx_b, val_b, w_b, sem_g[1]))
    wid = lax.axis_index("s") * 2 + lax.axis_index("c")
    wbase = wid * _PW

    def uv_copies(c, p):
        base = wbase + c * _S
        return (pltpu.make_async_copy(
                    uvt_hbm.at[0, pl.ds(base, _S)], u_ab[p], sem_uv[p]),
                pltpu.make_async_copy(
                    uvt_hbm.at[1, pl.ds(base, _S)], v_ab[p], sem_uv[p]))

    def fire_uv(c, p):
        for cp in uv_copies(c, p):
            cp.start()

    def drain_uv(c, p):
        for cp in uv_copies(c, p):
            cp.wait()

    def compute(p):
        idx_refs, _, w_v, _ = bufs[p]
        u_v, v_v = u_ab[p], v_ab[p]

        @pl.loop(0, _S // 16)
        def _(j):
            off = j * 16
            u = u_v[pl.ds(off, 16)]
            v = v_v[pl.ds(off, 16)]
            gx = u * 2.0 - 1.0
            gy = v * 2.0 - 1.0
            for l, n in enumerate(_LEVELS):
                nf = float(n)
                ix = ((gx + 1.0) * nf - 1.0) / 2.0
                iy = ((gy + 1.0) * nf - 1.0) / 2.0
                x0p1 = (ix + 1.0).astype(jnp.int32)
                y0p1 = (iy + 1.0).astype(jnp.int32)
                ix0 = x0p1 - 1
                iy0 = y0p1 - 1
                wx1 = ix - ix0.astype(jnp.float32)
                wy1 = iy - iy0.astype(jnp.float32)
                wx0 = 1.0 - wx1
                wy0 = 1.0 - wy1
                wx0 = jnp.where(ix0 >= 0, wx0, 0.0)
                wx1 = jnp.where(x0p1 <= n - 1, wx1, 0.0)
                wy0 = jnp.where(iy0 >= 0, wy0, 0.0)
                wy1 = jnp.where(y0p1 <= n - 1, wy1, 0.0)
                yc0 = jnp.maximum(iy0, 0)
                yc1 = jnp.minimum(y0p1, n - 1)
                q0 = yc0 * n + x0p1
                q1 = yc1 * n + x0p1
                idx_refs[2 * l + 0][pl.ds(off, 16)] = q0
                idx_refs[2 * l + 1][pl.ds(off, 16)] = q1

                def wpack(walo, wahi):
                    pa = lax.bitcast_convert_type(walo, jnp.int32)
                    pb = lax.bitcast_convert_type(wahi, jnp.int32)
                    return lax.bitwise_or(
                        lax.bitwise_and(
                            lax.shift_right_logical(pa, 16), jnp.int32(65535)),
                        lax.bitwise_and(pb, _HI))

                w_v[2 * l + 0, pl.ds(off, 16)] = wpack(wy0 * wx0, wy0 * wx1)
                w_v[2 * l + 1, pl.ds(off, 16)] = wpack(wy1 * wx0, wy1 * wx1)

    def g_copies(p):
        idx_refs, val_refs, _, sem = bufs[p]
        return [
            pltpu.make_async_copy(
                ptabs[r // 2].at[idx_refs[r]], val_refs[r], sem)
            for r in range(8)
        ]

    def fire(p):
        for cp in g_copies(p):
            cp.start()

    def drain(p):
        for cp in g_copies(p):
            cp.wait()

    def o_copy(c, p):
        return pltpu.make_async_copy(
            o_ab[p], out_hbm.at[pl.ds(wbase + c * _S, _S)], sem_o[p])

    def combine_store(c, p):
        _, val_refs, w_v, _ = bufs[p]
        o_v = o_ab[p]

        @pl.when(c >= 2)
        def _():
            o_copy(c - 2, p).wait()

        @pl.loop(0, _S // 16)
        def _(j):
            off = j * 16
            acc = None
            for l in range(4):
                xi0 = val_refs[2 * l + 0][pl.ds(off, 16)]
                xi1 = val_refs[2 * l + 1][pl.ds(off, 16)]
                wp0 = w_v[2 * l + 0, pl.ds(off, 16)]
                wp1 = w_v[2 * l + 1, pl.ds(off, 16)]
                v00 = lax.bitcast_convert_type(lax.shift_left(xi0, 16), jnp.float32)
                v01 = lax.bitcast_convert_type(lax.bitwise_and(xi0, _HI), jnp.float32)
                v10 = lax.bitcast_convert_type(lax.shift_left(xi1, 16), jnp.float32)
                v11 = lax.bitcast_convert_type(lax.bitwise_and(xi1, _HI), jnp.float32)
                w00 = lax.bitcast_convert_type(lax.shift_left(wp0, 16), jnp.float32)
                w01 = lax.bitcast_convert_type(lax.bitwise_and(wp0, _HI), jnp.float32)
                w10 = lax.bitcast_convert_type(lax.shift_left(wp1, 16), jnp.float32)
                w11 = lax.bitcast_convert_type(lax.bitwise_and(wp1, _HI), jnp.float32)
                s = v00 * w00 + v01 * w01 + v10 * w10 + v11 * w11
                acc = s if acc is None else acc + s
            o_v[pl.ds(off, 16)] = acc

        o_copy(c, p).start()

    fire_uv(0, 0)
    fire_uv(1, 1)
    drain_uv(0, 0)
    compute(0)
    fire(0)

    @pl.loop(0, _NCHUNK // 2)
    def _(tt):
        i = tt * 2 + 1
        drain_uv(i, 1)
        compute(1)
        fire(1)

        @pl.when(i + 1 < _NCHUNK)
        def _():
            fire_uv(i + 1, 0)
        drain(0)
        combine_store(i - 1, 0)

        @pl.when(tt < _NCHUNK // 2 - 1)
        def _():
            i2 = i + 1
            drain_uv(i2, 0)
            compute(0)
            fire(0)
            fire_uv(i2 + 1, 1)
            drain(1)
            combine_store(i2 - 1, 1)

    drain(1)
    combine_store(_NCHUNK - 1, 1)
    o_copy(_NCHUNK - 2, 0).wait()
    o_copy(_NCHUNK - 1, 1).wait()


@functools.partial(
    pl.kernel,
    out_type=jax.ShapeDtypeStruct((_NS,), jnp.float32),
    mesh=plsc.VectorSubcoreMesh(core_axis_name="c", subcore_axis_name="s"),
    scratch_types=[
        [pltpu.VMEM((_S,), jnp.float32)] * 2,
        [pltpu.VMEM((_S,), jnp.float32)] * 2,
        [pltpu.VMEM((_S,), jnp.int32)] * 8,
        [pltpu.VMEM((_S,), jnp.int32)] * 8,
        pltpu.VMEM((8, _S), jnp.int32),
        [pltpu.VMEM((_S,), jnp.int32)] * 8,
        [pltpu.VMEM((_S,), jnp.int32)] * 8,
        pltpu.VMEM((8, _S), jnp.int32),
        [pltpu.VMEM((_S,), jnp.float32)] * 2,
        [pltpu.SemaphoreType.DMA] * 2,
        [pltpu.SemaphoreType.DMA] * 2,
        [pltpu.SemaphoreType.DMA] * 2,
    ],
)
def _sc_sample(p1, p2, p3, p4, uvt_hbm, out_hbm,
               u_ab, v_ab,
               idx_a, val_a, w_a, idx_b, val_b, w_b,
               o_ab, sem_g, sem_uv, sem_o):
    _tec_body(p1, p2, p3, p4, uvt_hbm, out_hbm,
              u_ab, v_ab,
              idx_a, val_a, w_a, idx_b, val_b, w_b,
              o_ab, sem_g, sem_uv, sem_o)


def _pair_table(layer):
    flat = layer.reshape(-1)
    bits = lax.bitcast_convert_type(
        flat.astype(jnp.bfloat16), jnp.uint16).astype(jnp.uint32)
    z = jnp.zeros((1,), jnp.uint32)
    lo = jnp.concatenate([z, bits])
    hi = jnp.concatenate([bits, z])
    return lax.bitcast_convert_type(lo | (hi << 16), jnp.int32)


@jax.jit
def kernel(uv, layer1, layer2, layer3, layer4):
    uvt = uv.reshape(_NS, 2).T
    out = _sc_sample(
        _pair_table(layer1), _pair_table(layer2),
        _pair_table(layer3), _pair_table(layer4),
        uvt,
    )
    return out.reshape(_B, 1, _HOUT, _WOUT)

# --- scband reference (transcript-rebuilt; emitter-appended) ---
"""Pipeline reference for scband-laplacian-pyramid-57758720197011 (READ-ONLY COPY).

The authoritative reference and input builder live on the scoring server;
editing this copy changes nothing except your own understanding.
"""

import jax, jax.numpy as jnp
import numpy as np

W = 4096
H = 4096
B = 4
HOUT = 512
WOUT = 512

def _grid_sample(img, grid):
    # img: [B, C, Hin, Win]; grid: [B, Hout, Wout, 2], values in [-1, 1]
    # bilinear, padding_mode='zeros', align_corners=False (torch defaults)
    Bn, C, Hin, Win = img.shape
    ix = ((grid[..., 0] + 1.0) * Win - 1.0) / 2.0
    iy = ((grid[..., 1] + 1.0) * Hin - 1.0) / 2.0
    ix0f = jnp.floor(ix)
    iy0f = jnp.floor(iy)
    ix0 = ix0f.astype(jnp.int32)
    iy0 = iy0f.astype(jnp.int32)
    ix1 = ix0 + 1
    iy1 = iy0 + 1
    wx1 = ix - ix0f
    wx0 = 1.0 - wx1
    wy1 = iy - iy0f
    wy0 = 1.0 - wy1
    def gather(yy, xx):
        valid = ((xx >= 0) & (xx < Win) & (yy >= 0) & (yy < Hin)).astype(img.dtype)
        xc = jnp.clip(xx, 0, Win - 1)
        yc = jnp.clip(yy, 0, Hin - 1)
        vals = jax.vmap(lambda im, y, x: im[:, y, x])(img, yc, xc)  # [B, C, Hout, Wout]
        return vals * valid[:, None, :, :]
    out = (gather(iy0, ix0) * (wy0 * wx0)[:, None, :, :]
         + gather(iy0, ix1) * (wy0 * wx1)[:, None, :, :]
         + gather(iy1, ix0) * (wy1 * wx0)[:, None, :, :]
         + gather(iy1, ix1) * (wy1 * wx1)[:, None, :, :])
    return out

def setup_inputs(seed: int = 0) -> dict:
    key = jax.random.key(seed)
    k1, k2, k3, k4, k5 = jax.random.split(key, 5)
    uv = jax.random.uniform(k1, (B, HOUT, WOUT, 2), dtype=jnp.float32)
    layer1 = jax.random.normal(k2, (1, 1, W, H), dtype=jnp.float32) * 0.1
    layer2 = jax.random.normal(k3, (1, 1, W // 2, H // 2), dtype=jnp.float32) * 0.1
    layer3 = jax.random.normal(k4, (1, 1, W // 4, H // 4), dtype=jnp.float32) * 0.1
    layer4 = jax.random.normal(k5, (1, 1, W // 8, H // 8), dtype=jnp.float32) * 0.1
    return {"uv": uv, "layer1": layer1, "layer2": layer2, "layer3": layer3, "layer4": layer4}

def reference(uv, layer1, layer2, layer3, layer4):
    g = uv * 2.0 - 1.0
    Bn = uv.shape[0]
    def samp(layer):
        img = jnp.broadcast_to(layer, (Bn,) + layer.shape[1:])
        return _grid_sample(img, g)
    y = samp(layer1) + samp(layer2) + samp(layer3) + samp(layer4)
    return y

if __name__ == "__main__":
    import jax
    _d = setup_inputs()
    print(jax.jit(kernel)(*tuple(_d.values())))

</pallas_src>

<mosaic_0001>
#map = affine_map<(d0, d1) -> (0)>
#map1 = affine_map<(d0, d1) -> (0, 0)>
module attributes {stable_mosaic.version = 14 : i64} {
  func.func @_sc_sample(%arg0: i32, %arg1: i32, %arg2: memref<16777217xi32, #tpu.memory_space<hbm>>, %arg3: memref<4194305xi32, #tpu.memory_space<hbm>>, %arg4: memref<1048577xi32, #tpu.memory_space<hbm>>, %arg5: memref<262145xi32, #tpu.memory_space<hbm>>, %arg6: memref<2x1048576xf32, #tpu.memory_space<hbm>>, %arg7: memref<1048576xf32, #tpu.memory_space<hbm>>, %arg8: memref<2048xf32, #tpu.memory_space<vmem>>, %arg9: memref<2048xf32, #tpu.memory_space<vmem>>, %arg10: memref<2048xf32, #tpu.memory_space<vmem>>, %arg11: memref<2048xf32, #tpu.memory_space<vmem>>, %arg12: memref<2048xi32, #tpu.memory_space<vmem>>, %arg13: memref<2048xi32, #tpu.memory_space<vmem>>, %arg14: memref<2048xi32, #tpu.memory_space<vmem>>, %arg15: memref<2048xi32, #tpu.memory_space<vmem>>, %arg16: memref<2048xi32, #tpu.memory_space<vmem>>, %arg17: memref<2048xi32, #tpu.memory_space<vmem>>, %arg18: memref<2048xi32, #tpu.memory_space<vmem>>, %arg19: memref<2048xi32, #tpu.memory_space<vmem>>, %arg20: memref<2048xi32, #tpu.memory_space<vmem>>, %arg21: memref<2048xi32, #tpu.memory_space<vmem>>, %arg22: memref<2048xi32, #tpu.memory_space<vmem>>, %arg23: memref<2048xi32, #tpu.memory_space<vmem>>, %arg24: memref<2048xi32, #tpu.memory_space<vmem>>, %arg25: memref<2048xi32, #tpu.memory_space<vmem>>, %arg26: memref<2048xi32, #tpu.memory_space<vmem>>, %arg27: memref<2048xi32, #tpu.memory_space<vmem>>, %arg28: memref<8x2048xi32, #tpu.memory_space<vmem>>, %arg29: memref<2048xi32, #tpu.memory_space<vmem>>, %arg30: memref<2048xi32, #tpu.memory_space<vmem>>, %arg31: memref<2048xi32, #tpu.memory_space<vmem>>, %arg32: memref<2048xi32, #tpu.memory_space<vmem>>, %arg33: memref<2048xi32, #tpu.memory_space<vmem>>, %arg34: memref<2048xi32, #tpu.memory_space<vmem>>, %arg35: memref<2048xi32, #tpu.memory_space<vmem>>, %arg36: memref<2048xi32, #tpu.memory_space<vmem>>, %arg37: memref<2048xi32, #tpu.memory_space<vmem>>, %arg38: memref<2048xi32, #tpu.memory_space<vmem>>, %arg39: memref<2048xi32, #tpu.memory_space<vmem>>, %arg40: memref<2048xi32, #tpu.memory_space<vmem>>, %arg41: memref<2048xi32, #tpu.memory_space<vmem>>, %arg42: memref<2048xi32, #tpu.memory_space<vmem>>, %arg43: memref<2048xi32, #tpu.memory_space<vmem>>, %arg44: memref<2048xi32, #tpu.memory_space<vmem>>, %arg45: memref<8x2048xi32, #tpu.memory_space<vmem>>, %arg46: memref<2048xf32, #tpu.memory_space<vmem>>, %arg47: memref<2048xf32, #tpu.memory_space<vmem>>, %arg48: memref<!tpu.dma_semaphore, #tpu.memory_space<semaphore_mem>>, %arg49: memref<!tpu.dma_semaphore, #tpu.memory_space<semaphore_mem>>, %arg50: memref<!tpu.dma_semaphore, #tpu.memory_space<semaphore_mem>>, %arg51: memref<!tpu.dma_semaphore, #tpu.memory_space<semaphore_mem>>, %arg52: memref<!tpu.dma_semaphore, #tpu.memory_space<semaphore_mem>>, %arg53: memref<!tpu.dma_semaphore, #tpu.memory_space<semaphore_mem>>) attributes {dimension_semantics = [#tpu.dimension_semantics<core_parallel>, #tpu.dimension_semantics<subcore_parallel>], iteration_bounds = array<i64: 2, 16>, scalar_prefetch = 0 : i64, scratch_operands = 46 : i64, tpu.core_type = #tpu.core_type<sc_vector_subcore>, window_params = [{transform_indices = #map}, {transform_indices = #map}, {transform_indices = #map}, {transform_indices = #map}, {transform_indices = #map1}, {transform_indices = #map}]} {
    %mul3A = arith.constant 2 : i32
    %mul3A_0 = arith.muli %arg1, %mul3A : i32
    %add3A = arith.addi %mul3A_0, %arg0 : i32
    %mul3A_1 = arith.constant 32768 : i32
    %mul3A_2 = arith.muli %add3A, %mul3A_1 : i32
    %add3A_3 = arith.constant 0 : i32
    %add3A_4 = arith.addi %mul3A_2, %add3A_3 : i32
    %dma_start3A = arith.constant 0 : i32
    %dma_start3A_5 = tpu.memref_slice %arg6[%dma_start3A, %add3A_4] : memref<2x1048576xf32, #tpu.memory_space<hbm>> -> memref<1x2048xf32, #tpu.memory_space<hbm>>
    %dma_start3A_6 = tpu.memref_squeeze %dma_start3A_5 : memref<1x2048xf32, #tpu.memory_space<hbm>> -> memref<2048xf32, #tpu.memory_space<hbm>>
    %dma_start3A_7 = tpu.memref_slice %arg6[%dma_start3A, %add3A_4] : memref<2x1048576xf32, #tpu.memory_space<hbm>> -> memref<1x2048xf32, #tpu.memory_space<hbm>>
    %dma_start3A_8 = tpu.memref_squeeze %dma_start3A_7 : memref<1x2048xf32, #tpu.memory_space<hbm>> -> memref<2048xf32, #tpu.memory_space<hbm>>
    tpu.enqueue_dma source(%dma_start3A_8 : memref<2048xf32, #tpu.memory_space<hbm>>) target(%arg8 : memref<2048xf32, #tpu.memory_space<vmem>>) target_semaphore(%arg50 : memref<!tpu.dma_semaphore, #tpu.memory_space<semaphore_mem>>)
    %dma_start3A_9 = arith.constant 1 : i32
    %dma_start3A_10 = tpu.memref_slice %arg6[%dma_start3A_9, %add3A_4] : memref<2x1048576xf32, #tpu.memory_space<hbm>> -> memref<1x2048xf32, #tpu.memory_space<hbm>>
    %dma_start3A_11 = tpu.memref_squeeze %dma_start3A_10 : memref<1x2048xf32, #tpu.memory_space<hbm>> -> memref<2048xf32, #tpu.memory_space<hbm>>
    %dma_start3A_12 = tpu.memref_slice %arg6[%dma_start3A_9, %add3A_4] : memref<2x1048576xf32, #tpu.memory_space<hbm>> -> memref<1x2048xf32, #tpu.memory_space<hbm>>
    %dma_start3A_13 = tpu.memref_squeeze %dma_start3A_12 : memref<1x2048xf32, #tpu.memory_space<hbm>> -> memref<2048xf32, #tpu.memory_space<hbm>>
    tpu.enqueue_dma source(%dma_start3A_13 : memref<2048xf32, #tpu.memory_space<hbm>>) target(%arg10 : memref<2048xf32, #tpu.memory_space<vmem>>) target_semaphore(%arg50 : memref<!tpu.dma_semaphore, #tpu.memory_space<semaphore_mem>>)
    %add3A_14 = arith.constant 2048 : i32
    %add3A_15 = arith.addi %mul3A_2, %add3A_14 : i32
    %dma_start3A_16 = arith.constant 0 : i32
    %dma_start3A_17 = tpu.memref_slice %arg6[%dma_start3A_16, %add3A_15] : memref<2x1048576xf32, #tpu.memory_space<hbm>> -> memref<1x2048xf32, #tpu.memory_space<hbm>>
    %dma_start3A_18 = tpu.memref_squeeze %dma_start3A_17 : memref<1x2048xf32, #tpu.memory_space<hbm>> -> memref<2048xf32, #tpu.memory_space<hbm>>
    %dma_start3A_19 = tpu.memref_slice %arg6[%dma_start3A_16, %add3A_15] : memref<2x1048576xf32, #tpu.memory_space<hbm>> -> memref<1x2048xf32, #tpu.memory_space<hbm>>
    %dma_start3A_20 = tpu.memref_squeeze %dma_start3A_19 : memref<1x2048xf32, #tpu.memory_space<hbm>> -> memref<2048xf32, #tpu.memory_space<hbm>>
    tpu.enqueue_dma source(%dma_start3A_20 : memref<2048xf32, #tpu.memory_space<hbm>>) target(%arg9 : memref<2048xf32, #tpu.memory_space<vmem>>) target_semaphore(%arg51 : memref<!tpu.dma_semaphore, #tpu.memory_space<semaphore_mem>>)
    %dma_start3A_21 = arith.constant 1 : i32
    %dma_start3A_22 = tpu.memref_slice %arg6[%dma_start3A_21, %add3A_15] : memref<2x1048576xf32, #tpu.memory_space<hbm>> -> memref<1x2048xf32, #tpu.memory_space<hbm>>
    %dma_start3A_23 = tpu.memref_squeeze %dma_start3A_22 : memref<1x2048xf32, #tpu.memory_space<hbm>> -> memref<2048xf32, #tpu.memory_space<hbm>>
    %dma_start3A_24 = tpu.memref_slice %arg6[%dma_start3A_21, %add3A_15] : memref<2x1048576xf32, #tpu.memory_space<hbm>> -> memref<1x2048xf32, #tpu.memory_space<hbm>>
    %dma_start3A_25 = tpu.memref_squeeze %dma_start3A_24 : memref<1x2048xf32, #tpu.memory_space<hbm>> -> memref<2048xf32, #tpu.memory_space<hbm>>
    tpu.enqueue_dma source(%dma_start3A_25 : memref<2048xf32, #tpu.memory_space<hbm>>) target(%arg11 : memref<2048xf32, #tpu.memory_space<vmem>>) target_semaphore(%arg51 : memref<!tpu.dma_semaphore, #tpu.memory_space<semaphore_mem>>)
    %add3A_26 = arith.constant 0 : i32
    %add3A_27 = arith.addi %mul3A_2, %add3A_26 : i32
    %dma_wait3A = arith.constant 0 : i32
    %dma_wait3A_28 = tpu.memref_slice %arg6[%dma_wait3A, %add3A_27] : memref<2x1048576xf32, #tpu.memory_space<hbm>> -> memref<1x2048xf32, #tpu.memory_space<hbm>>
    %dma_wait3A_29 = tpu.memref_squeeze %dma_wait3A_28 : memref<1x2048xf32, #tpu.memory_space<hbm>> -> memref<2048xf32, #tpu.memory_space<hbm>>
    %dma_wait3A_30 = tpu.memref_slice %arg6[%dma_wait3A, %add3A_27] : memref<2x1048576xf32, #tpu.memory_space<hbm>> -> memref<1x2048xf32, #tpu.memory_space<hbm>>
    %dma_wait3A_31 = tpu.memref_squeeze %dma_wait3A_30 : memref<1x2048xf32, #tpu.memory_space<hbm>> -> memref<2048xf32, #tpu.memory_space<hbm>>
    tpu.wait_dma2 semaphore(%arg50 : memref<!tpu.dma_semaphore, #tpu.memory_space<semaphore_mem>>) src(%dma_wait3A_31 : memref<2048xf32, #tpu.memory_space<hbm>>) dst(%arg8 : memref<2048xf32, #tpu.memory_space<vmem>>)
    %dma_wait3A_32 = arith.constant 1 : i32
    %dma_wait3A_33 = tpu.memref_slice %arg6[%dma_wait3A_32, %add3A_27] : memref<2x1048576xf32, #tpu.memory_space<hbm>> -> memref<1x2048xf32, #tpu.memory_space<hbm>>
    %dma_wait3A_34 = tpu.memref_squeeze %dma_wait3A_33 : memref<1x2048xf32, #tpu.memory_space<hbm>> -> memref<2048xf32, #tpu.memory_space<hbm>>
    %dma_wait3A_35 = tpu.memref_slice %arg6[%dma_wait3A_32, %add3A_27] : memref<2x1048576xf32, #tpu.memory_space<hbm>> -> memref<1x2048xf32, #tpu.memory_space<hbm>>
    %dma_wait3A_36 = tpu.memref_squeeze %dma_wait3A_35 : memref<1x2048xf32, #tpu.memory_space<hbm>> -> memref<2048xf32, #tpu.memory_space<hbm>>
    tpu.wait_dma2 semaphore(%arg50 : memref<!tpu.dma_semaphore, #tpu.memory_space<semaphore_mem>>) src(%dma_wait3A_36 : memref<2048xf32, #tpu.memory_space<hbm>>) dst(%arg10 : memref<2048xf32, #tpu.memory_space<vmem>>)
    %scan3A = arith.constant 0 : i32
    %scan3A_37 = arith.constant 128 : i32
    %scan3A_38 = arith.addi %scan3A, %scan3A_37 : i32
    %scan3A_39 = arith.constant 1 : i32
    scf.for %scan3A_99 = %scan3A to %scan3A_38 step %scan3A_39  : i32 {
      %mul3A_100 = arith.constant 1 : i32
      %mul3A_101 = arith.muli %scan3A_99, %mul3A_100 : i32
      %add3A_102 = arith.constant 0 : i32
      %add3A_103 = arith.addi %add3A_102, %mul3A_101 : i32
      %mul3A_104 = arith.constant 16 : i32
      %mul3A_105 = arith.muli %add3A_103, %mul3A_104 : i32
      %get3A = arith.index_cast %mul3A_105 : i32 to index
      %get3A_106 = tpu.vector_load %arg8[%get3A] {strides = array<i32>} : memref<2048xf32, #tpu.memory_space<vmem>>, vector<16xf32>,
      %get3A_107 = vector.shape_cast %get3A_106 : vector<16xf32> to vector<16xf32>
      %get3A_108 = arith.index_cast %mul3A_105 : i32 to index
      %get3A_109 = tpu.vector_load %arg10[%get3A_108] {strides = array<i32>} : memref<2048xf32, #tpu.memory_space<vmem>>, vector<16xf32>,
      %get3A_110 = vector.shape_cast %get3A_109 : vector<16xf32> to vector<16xf32>
      %mul3A_111 = arith.constant 2.000000e+00 : f32
      %mul3A_112 = vector.broadcast %mul3A_111 : f32 to vector<16xf32>
      %mul3A_113 = arith.mulf %get3A_107, %mul3A_112 : vector<16xf32>
      %sub3A = arith.constant 1.000000e+00 : f32
      %sub3A_114 = vector.broadcast %sub3A : f32 to vector<16xf32>
      %sub3A_115 = arith.subf %mul3A_113, %sub3A_114 : vector<16xf32>
      %mul3A_116 = arith.constant 2.000000e+00 : f32
      %mul3A_117 = vector.broadcast %mul3A_116 : f32 to vector<16xf32>
      %mul3A_118 = arith.mulf %get3A_110, %mul3A_117 : vector<16xf32>
      %sub3A_119 = arith.constant 1.000000e+00 : f32
      %sub3A_120 = vector.broadcast %sub3A_119 : f32 to vector<16xf32>
      %sub3A_121 = arith.subf %mul3A_118, %sub3A_120 : vector<16xf32>
      %add3A_122 = arith.constant 1.000000e+00 : f32
      %add3A_123 = vector.broadcast %add3A_122 : f32 to vector<16xf32>
      %add3A_124 = arith.addf %sub3A_115, %add3A_123 : vector<16xf32>
      %mul3A_125 = arith.constant 4.096000e+03 : f32
      %mul3A_126 = vector.broadcast %mul3A_125 : f32 to vector<16xf32>
      %mul3A_127 = arith.mulf %add3A_124, %mul3A_126 : vector<16xf32>
      %sub3A_128 = arith.constant 1.000000e+00 : f32
      %sub3A_129 = vector.broadcast %sub3A_128 : f32 to vector<16xf32>
      %sub3A_130 = arith.subf %mul3A_127, %sub3A_129 : vector<16xf32>
      %div3A = arith.constant 2.000000e+00 : f32
      %div3A_131 = vector.broadcast %div3A : f32 to vector<16xf32>
      %div3A_132 = arith.divf %sub3A_130, %div3A_131 : vector<16xf32>
      %add3A_133 = arith.constant 1.000000e+00 : f32
      %add3A_134 = vector.broadcast %add3A_133 : f32 to vector<16xf32>
      %add3A_135 = arith.addf %sub3A_121, %add3A_134 : vector<16xf32>
      %mul3A_136 = arith.constant 4.096000e+03 : f32
      %mul3A_137 = vector.broadcast %mul3A_136 : f32 to vector<16xf32>
      %mul3A_138 = arith.mulf %add3A_135, %mul3A_137 : vector<16xf32>
      %sub3A_139 = arith.constant 1.000000e+00 : f32
      %sub3A_140 = vector.broadcast %sub3A_139 : f32 to vector<16xf32>
      %sub3A_141 = arith.subf %mul3A_138, %sub3A_140 : vector<16xf32>
      %div3A_142 = arith.constant 2.000000e+00 : f32
      %div3A_143 = vector.broadcast %div3A_142 : f32 to vector<16xf32>
      %div3A_144 = arith.divf %sub3A_141, %div3A_143 : vector<16xf32>
      %add3A_145 = arith.constant 1.000000e+00 : f32
      %add3A_146 = vector.broadcast %add3A_145 : f32 to vector<16xf32>
      %add3A_147 = arith.addf %div3A_132, %add3A_146 : vector<16xf32>
      %convert_element_type3A = arith.fptosi %add3A_147 : vector<16xf32> to vector<16xi32>
      %add3A_148 = arith.constant 1.000000e+00 : f32
      %add3A_149 = vector.broadcast %add3A_148 : f32 to vector<16xf32>
      %add3A_150 = arith.addf %div3A_144, %add3A_149 : vector<16xf32>
      %convert_element_type3A_151 = arith.fptosi %add3A_150 : vector<16xf32> to vector<16xi32>
      %sub3A_152 = arith.constant 1 : i32
      %sub3A_153 = vector.broadcast %sub3A_152 : i32 to vector<16xi32>
      %sub3A_154 = arith.subi %convert_element_type3A, %sub3A_153 : vector<16xi32>
      %sub3A_155 = arith.constant 1 : i32
      %sub3A_156 = vector.broadcast %sub3A_155 : i32 to vector<16xi32>
      %sub3A_157 = arith.subi %convert_element_type3A_151, %sub3A_156 : vector<16xi32>
      %convert_element_type3A_158 = arith.sitofp %sub3A_154 : vector<16xi32> to vector<16xf32>
      %sub3A_159 = arith.subf %div3A_132, %convert_element_type3A_158 : vector<16xf32>
      %convert_element_type3A_160 = arith.sitofp %sub3A_157 : vector<16xi32> to vector<16xf32>
      %sub3A_161 = arith.subf %div3A_144, %convert_element_type3A_160 : vector<16xf32>
      %sub3A_162 = arith.constant 1.000000e+00 : f32
      %sub3A_163 = vector.broadcast %sub3A_162 : f32 to vector<16xf32>
      %sub3A_164 = arith.subf %sub3A_163, %sub3A_159 : vector<16xf32>
      %sub3A_165 = arith.constant 1.000000e+00 : f32
      %sub3A_166 = vector.broadcast %sub3A_165 : f32 to vector<16xf32>
      %sub3A_167 = arith.subf %sub3A_166, %sub3A_161 : vector<16xf32>
      %ge3A = arith.constant 0 : i32
      %ge3A_168 = vector.broadcast %ge3A : i32 to vector<16xi32>
      %ge3A_169 = arith.cmpi sge, %sub3A_154, %ge3A_168 : vector<16xi32>
      %jit3A = arith.constant 0.000000e+00 : f32
      %broadcast_in_dim3A = vector.broadcast %jit3A : f32 to vector<16xf32>
      %select_n3A = arith.select %ge3A_169, %sub3A_164, %broadcast_in_dim3A : vector<16xi1>, vector<16xf32>
      %le3A = arith.constant 4095 : i32
      %le3A_170 = vector.broadcast %le3A : i32 to vector<16xi32>
      %le3A_171 = arith.cmpi sle, %convert_element_type3A, %le3A_170 : vector<16xi32>
      %jit3A_172 = arith.constant 0.000000e+00 : f32
      %broadcast_in_dim3A_173 = vector.broadcast %jit3A_172 : f32 to vector<16xf32>
      %select_n3A_174 = arith.select %le3A_171, %sub3A_159, %broadcast_in_dim3A_173 : vector<16xi1>, vector<16xf32>
      %ge3A_175 = arith.constant 0 : i32
      %ge3A_176 = vector.broadcast %ge3A_175 : i32 to vector<16xi32>
      %ge3A_177 = arith.cmpi sge, %sub3A_157, %ge3A_176 : vector<16xi32>
      %jit3A_178 = arith.constant 0.000000e+00 : f32
      %broadcast_in_dim3A_179 = vector.broadcast %jit3A_178 : f32 to vector<16xf32>
      %select_n3A_180 = arith.select %ge3A_177, %sub3A_167, %broadcast_in_dim3A_179 : vector<16xi1>, vector<16xf32>
      %le3A_181 = arith.constant 4095 : i32
      %le3A_182 = vector.broadcast %le3A_181 : i32 to vector<16xi32>
      %le3A_183 = arith.cmpi sle, %convert_element_type3A_151, %le3A_182 : vector<16xi32>
      %jit3A_184 = arith.constant 0.000000e+00 : f32
      %broadcast_in_dim3A_185 = vector.broadcast %jit3A_184 : f32 to vector<16xf32>
      %select_n3A_186 = arith.select %le3A_183, %sub3A_161, %broadcast_in_dim3A_185 : vector<16xi1>, vector<16xf32>
      %max3A = arith.constant 0 : i32
      %max3A_187 = vector.broadcast %max3A : i32 to vector<16xi32>
      %max3A_188 = arith.maxsi %sub3A_157, %max3A_187 : vector<16xi32>
      %min3A = arith.constant 4095 : i32
      %min3A_189 = vector.broadcast %min3A : i32 to vector<16xi32>
      %min3A_190 = arith.minsi %convert_element_type3A_151, %min3A_189 : vector<16xi32>
      %mul3A_191 = arith.constant 4096 : i32
      %mul3A_192 = vector.broadcast %mul3A_191 : i32 to vector<16xi32>
      %mul3A_193 = arith.muli %max3A_188, %mul3A_192 : vector<16xi32>
      %add3A_194 = arith.addi %mul3A_193, %convert_element_type3A : vector<16xi32>
      %mul3A_195 = arith.constant 4096 : i32
      %mul3A_196 = vector.broadcast %mul3A_195 : i32 to vector<16xi32>
      %mul3A_197 = arith.muli %min3A_190, %mul3A_196 : vector<16xi32>
      %add3A_198 = arith.addi %mul3A_197, %convert_element_type3A : vector<16xi32>
      %swap3A = arith.index_cast %mul3A_105 : i32 to index
      %swap3A_199 = tpu.vector_load %arg12[%swap3A] {strides = array<i32>} : memref<2048xi32, #tpu.memory_space<vmem>>, vector<16xi32>,
      %swap3A_200 = vector.shape_cast %swap3A_199 : vector<16xi32> to vector<16xi32>
      %swap3A_201 = vector.shape_cast %add3A_194 : vector<16xi32> to vector<16xi32>
      tpu.vector_store %arg12[%swap3A], %swap3A_201 {strides = array<i32>} : memref<2048xi32, #tpu.memory_space<vmem>>, vector<16xi32>,
      %swap3A_202 = arith.index_cast %mul3A_105 : i32 to index
      %swap3A_203 = tpu.vector_load %arg13[%swap3A_202] {strides = array<i32>} : memref<2048xi32, #tpu.memory_space<vmem>>, vector<16xi32>,
      %swap3A_204 = vector.shape_cast %swap3A_203 : vector<16xi32> to vector<16xi32>
      %swap3A_205 = vector.shape_cast %add3A_198 : vector<16xi32> to vector<16xi32>
      tpu.vector_store %arg13[%swap3A_202], %swap3A_205 {strides = array<i32>} : memref<2048xi32, #tpu.memory_space<vmem>>, vector<16xi32>,
      %mul3A_206 = arith.mulf %select_n3A_180, %select_n3A : vector<16xf32>
      %mul3A_207 = arith.mulf %select_n3A_180, %select_n3A_174 : vector<16xf32>
      %bitcast_convert_type3A = tpu.bitcast %mul3A_206 : vector<16xf32> -> vector<16xi32>
      %bitcast_convert_type3A_208 = tpu.bitcast %mul3A_207 : vector<16xf32> -> vector<16xi32>
      %shift_right_logical3A = arith.constant 16 : i32
      %shift_right_logical3A_209 = vector.broadcast %shift_right_logical3A : i32 to vector<16xi32>
      %shift_right_logical3A_210 = arith.shrui %bitcast_convert_type3A, %shift_right_logical3A_209 : vector<16xi32>
      %and3A = arith.constant 65535 : i32
      %and3A_211 = vector.broadcast %and3A : i32 to vector<16xi32>
      %and3A_212 = arith.andi %shift_right_logical3A_210, %and3A_211 : vector<16xi32>
      %and3A_213 = arith.constant -65536 : i32
      %and3A_214 = vector.broadcast %and3A_213 : i32 to vector<16xi32>
      %and3A_215 = arith.andi %bitcast_convert_type3A_208, %and3A_214 : vector<16xi32>
      %or3A = arith.ori %and3A_212, %and3A_215 : vector<16xi32>
      %swap3A_216 = arith.constant 0 : i32
      %swap3A_217 = arith.index_cast %swap3A_216 : i32 to index
      %swap3A_218 = arith.index_cast %mul3A_105 : i32 to index
      %swap3A_219 = tpu.vector_load %arg28[%swap3A_217, %swap3A_218] {strides = array<i32>} : memref<8x2048xi32, #tpu.memory_space<vmem>>, vector<1x16xi32>,
      %swap3A_220 = vector.shape_cast %swap3A_219 : vector<1x16xi32> to vector<16xi32>
      %swap3A_221 = vector.shape_cast %or3A : vector<16xi32> to vector<1x16xi32>
      tpu.vector_store %arg28[%swap3A_217, %swap3A_218], %swap3A_221 {strides = array<i32>} : memref<8x2048xi32, #tpu.memory_space<vmem>>, vector<1x16xi32>,
      %mul3A_222 = arith.mulf %select_n3A_186, %select_n3A : vector<16xf32>
      %mul3A_223 = arith.mulf %select_n3A_186, %select_n3A_174 : vector<16xf32>
      %bitcast_convert_type3A_224 = tpu.bitcast %mul3A_222 : vector<16xf32> -> vector<16xi32>
      %bitcast_convert_type3A_225 = tpu.bitcast %mul3A_223 : vector<16xf32> -> vector<16xi32>
      %shift_right_logical3A_226 = arith.constant 16 : i32
      %shift_right_logical3A_227 = vector.broadcast %shift_right_logical3A_226 : i32 to vector<16xi32>
      %shift_right_logical3A_228 = arith.shrui %bitcast_convert_type3A_224, %shift_right_logical3A_227 : vector<16xi32>
      %and3A_229 = arith.constant 65535 : i32
      %and3A_230 = vector.broadcast %and3A_229 : i32 to vector<16xi32>
      %and3A_231 = arith.andi %shift_right_logical3A_228, %and3A_230 : vector<16xi32>
      %and3A_232 = arith.constant -65536 : i32
      %and3A_233 = vector.broadcast %and3A_232 : i32 to vector<16xi32>
      %and3A_234 = arith.andi %bitcast_convert_type3A_225, %and3A_233 : vector<16xi32>
      %or3A_235 = arith.ori %and3A_231, %and3A_234 : vector<16xi32>
      %swap3A_236 = arith.constant 1 : i32
      %swap3A_237 = arith.index_cast %swap3A_236 : i32 to index
      %swap3A_238 = arith.index_cast %mul3A_105 : i32 to index
      %swap3A_239 = tpu.vector_load %arg28[%swap3A_237, %swap3A_238] {strides = array<i32>} : memref<8x2048xi32, #tpu.memory_space<vmem>>, vector<1x16xi32>,
      %swap3A_240 = vector.shape_cast %swap3A_239 : vector<1x16xi32> to vector<16xi32>
      %swap3A_241 = vector.shape_cast %or3A_235 : vector<16xi32> to vector<1x16xi32>
      tpu.vector_store %arg28[%swap3A_237, %swap3A_238], %swap3A_241 {strides = array<i32>} : memref<8x2048xi32, #tpu.memory_space<vmem>>, vector<1x16xi32>,
      %add3A_242 = arith.constant 1.000000e+00 : f32
      %add3A_243 = vector.broadcast %add3A_242 : f32 to vector<16xf32>
      %add3A_244 = arith.addf %sub3A_115, %add3A_243 : vector<16xf32>
      %mul3A_245 = arith.constant 2.048000e+03 : f32
      %mul3A_246 = vector.broadcast %mul3A_245 : f32 to vector<16xf32>
      %mul3A_247 = arith.mulf %add3A_244, %mul3A_246 : vector<16xf32>
      %sub3A_248 = arith.constant 1.000000e+00 : f32
      %sub3A_249 = vector.broadcast %sub3A_248 : f32 to vector<16xf32>
      %sub3A_250 = arith.subf %mul3A_247, %sub3A_249 : vector<16xf32>
      %div3A_251 = arith.constant 2.000000e+00 : f32
      %div3A_252 = vector.broadcast %div3A_251 : f32 to vector<16xf32>
      %div3A_253 = arith.divf %sub3A_250, %div3A_252 : vector<16xf32>
      %add3A_254 = arith.constant 1.000000e+00 : f32
      %add3A_255 = vector.broadcast %add3A_254 : f32 to vector<16xf32>
      %add3A_256 = arith.addf %sub3A_121, %add3A_255 : vector<16xf32>
      %mul3A_257 = arith.constant 2.048000e+03 : f32
      %mul3A_258 = vector.broadcast %mul3A_257 : f32 to vector<16xf32>
      %mul3A_259 = arith.mulf %add3A_256, %mul3A_258 : vector<16xf32>
      %sub3A_260 = arith.constant 1.000000e+00 : f32
      %sub3A_261 = vector.broadcast %sub3A_260 : f32 to vector<16xf32>
      %sub3A_262 = arith.subf %mul3A_259, %sub3A_261 : vector<16xf32>
      %div3A_263 = arith.constant 2.000000e+00 : f32
      %div3A_264 = vector.broadcast %div3A_263 : f32 to vector<16xf32>
      %div3A_265 = arith.divf %sub3A_262, %div3A_264 : vector<16xf32>
      %add3A_266 = arith.constant 1.000000e+00 : f32
      %add3A_267 = vector.broadcast %add3A_266 : f32 to vector<16xf32>
      %add3A_268 = arith.addf %div3A_253, %add3A_267 : vector<16xf32>
      %convert_element_type3A_269 = arith.fptosi %add3A_268 : vector<16xf32> to vector<16xi32>
      %add3A_270 = arith.constant 1.000000e+00 : f32
      %add3A_271 = vector.broadcast %add3A_270 : f32 to vector<16xf32>
      %add3A_272 = arith.addf %div3A_265, %add3A_271 : vector<16xf32>
      %convert_element_type3A_273 = arith.fptosi %add3A_272 : vector<16xf32> to vector<16xi32>
      %sub3A_274 = arith.constant 1 : i32
      %sub3A_275 = vector.broadcast %sub3A_274 : i32 to vector<16xi32>
      %sub3A_276 = arith.subi %convert_element_type3A_269, %sub3A_275 : vector<16xi32>
      %sub3A_277 = arith.constant 1 : i32
      %sub3A_278 = vector.broadcast %sub3A_277 : i32 to vector<16xi32>
      %sub3A_279 = arith.subi %convert_element_type3A_273, %sub3A_278 : vector<16xi32>
      %convert_element_type3A_280 = arith.sitofp %sub3A_276 : vector<16xi32> to vector<16xf32>
      %sub3A_281 = arith.subf %div3A_253, %convert_element_type3A_280 : vector<16xf32>
      %convert_element_type3A_282 = arith.sitofp %sub3A_279 : vector<16xi32> to vector<16xf32>
      %sub3A_283 = arith.subf %div3A_265, %convert_element_type3A_282 : vector<16xf32>
      %sub3A_284 = arith.constant 1.000000e+00 : f32
      %sub3A_285 = vector.broadcast %sub3A_284 : f32 to vector<16xf32>
      %sub3A_286 = arith.subf %sub3A_285, %sub3A_281 : vector<16xf32>
      %sub3A_287 = arith.constant 1.000000e+00 : f32
      %sub3A_288 = vector.broadcast %sub3A_287 : f32 to vector<16xf32>
      %sub3A_289 = arith.subf %sub3A_288, %sub3A_283 : vector<16xf32>
      %ge3A_290 = arith.constant 0 : i32
      %ge3A_291 = vector.broadcast %ge3A_290 : i32 to vector<16xi32>
      %ge3A_292 = arith.cmpi sge, %sub3A_276, %ge3A_291 : vector<16xi32>
      %jit3A_293 = arith.constant 0.000000e+00 : f32
      %broadcast_in_dim3A_294 = vector.broadcast %jit3A_293 : f32 to vector<16xf32>
      %select_n3A_295 = arith.select %ge3A_292, %sub3A_286, %broadcast_in_dim3A_294 : vector<16xi1>, vector<16xf32>
      %le3A_296 = arith.constant 2047 : i32
      %le3A_297 = vector.broadcast %le3A_296 : i32 to vector<16xi32>
      %le3A_298 = arith.cmpi sle, %convert_element_type3A_269, %le3A_297 : vector<16xi32>
      %jit3A_299 = arith.constant 0.000000e+00 : f32
      %broadcast_in_dim3A_300 = vector.broadcast %jit3A_299 : f32 to vector<16xf32>
      %select_n3A_301 = arith.select %le3A_298, %sub3A_281, %broadcast_in_dim3A_300 : vector<16xi1>, vector<16xf32>
      %ge3A_302 = arith.constant 0 : i32
      %ge3A_303 = vector.broadcast %ge3A_302 : i32 to vector<16xi32>
      %ge3A_304 = arith.cmpi sge, %sub3A_279, %ge3A_303 : vector<16xi32>
      %jit3A_305 = arith.constant 0.000000e+00 : f32
      %broadcast_in_dim3A_306 = vector.broadcast %jit3A_305 : f32 to vector<16xf32>
      %select_n3A_307 = arith.select %ge3A_304, %sub3A_289, %broadcast_in_dim3A_306 : vector<16xi1>, vector<16xf32>
      %le3A_308 = arith.constant 2047 : i32
      %le3A_309 = vector.broadcast %le3A_308 : i32 to vector<16xi32>
      %le3A_310 = arith.cmpi sle, %convert_element_type3A_273, %le3A_309 : vector<16xi32>
      %jit3A_311 = arith.constant 0.000000e+00 : f32
      %broadcast_in_dim3A_312 = vector.broadcast %jit3A_311 : f32 to vector<16xf32>
      %select_n3A_313 = arith.select %le3A_310, %sub3A_283, %broadcast_in_dim3A_312 : vector<16xi1>, vector<16xf32>
      %max3A_314 = arith.constant 0 : i32
      %max3A_315 = vector.broadcast %max3A_314 : i32 to vector<16xi32>
      %max3A_316 = arith.maxsi %sub3A_279, %max3A_315 : vector<16xi32>
      %min3A_317 = arith.constant 2047 : i32
      %min3A_318 = vector.broadcast %min3A_317 : i32 to vector<16xi32>
      %min3A_319 = arith.minsi %convert_element_type3A_273, %min3A_318 : vector<16xi32>
      %mul3A_320 = arith.constant 2048 : i32
      %mul3A_321 = vector.broadcast %mul3A_320 : i32 to vector<16xi32>
      %mul3A_322 = arith.muli %max3A_316, %mul3A_321 : vector<16xi32>
      %add3A_323 = arith.addi %mul3A_322, %convert_element_type3A_269 : vector<16xi32>
      %mul3A_324 = arith.constant 2048 : i32
      %mul3A_325 = vector.broadcast %mul3A_324 : i32 to vector<16xi32>
      %mul3A_326 = arith.muli %min3A_319, %mul3A_325 : vector<16xi32>
      %add3A_327 = arith.addi %mul3A_326, %convert_element_type3A_269 : vector<16xi32>
      %swap3A_328 = arith.index_cast %mul3A_105 : i32 to index
      %swap3A_329 = tpu.vector_load %arg14[%swap3A_328] {strides = array<i32>} : memref<2048xi32, #tpu.memory_space<vmem>>, vector<16xi32>,
      %swap3A_330 = vector.shape_cast %swap3A_329 : vector<16xi32> to vector<16xi32>
      %swap3A_331 = vector.shape_cast %add3A_323 : vector<16xi32> to vector<16xi32>
      tpu.vector_store %arg14[%swap3A_328], %swap3A_331 {strides = array<i32>} : memref<2048xi32, #tpu.memory_space<vmem>>, vector<16xi32>,
      %swap3A_332 = arith.index_cast %mul3A_105 : i32 to index
      %swap3A_333 = tpu.vector_load %arg15[%swap3A_332] {strides = array<i32>} : memref<2048xi32, #tpu.memory_space<vmem>>, vector<16xi32>,
      %swap3A_334 = vector.shape_cast %swap3A_333 : vector<16xi32> to vector<16xi32>
      %swap3A_335 = vector.shape_cast %add3A_327 : vector<16xi32> to vector<16xi32>
      tpu.vector_store %arg15[%swap3A_332], %swap3A_335 {strides = array<i32>} : memref<2048xi32, #tpu.memory_space<vmem>>, vector<16xi32>,
      %mul3A_336 = arith.mulf %select_n3A_307, %select_n3A_295 : vector<16xf32>
      %mul3A_337 = arith.mulf %select_n3A_307, %select_n3A_301 : vector<16xf32>
      %bitcast_convert_type3A_338 = tpu.bitcast %mul3A_336 : vector<16xf32> -> vector<16xi32>
      %bitcast_convert_type3A_339 = tpu.bitcast %mul3A_337 : vector<16xf32> -> vector<16xi32>
      %shift_right_logical3A_340 = arith.constant 16 : i32
      %shift_right_logical3A_341 = vector.broadcast %shift_right_logical3A_340 : i32 to vector<16xi32>
      %shift_right_logical3A_342 = arith.shrui %bitcast_convert_type3A_338, %shift_right_logical3A_341 : vector<16xi32>
      %and3A_343 = arith.constant 65535 : i32
      %and3A_344 = vector.broadcast %and3A_343 : i32 to vector<16xi32>
      %and3A_345 = arith.andi %shift_right_logical3A_342, %and3A_344 : vector<16xi32>
      %and3A_346 = arith.constant -65536 : i32
      %and3A_347 = vector.broadcast %and3A_346 : i32 to vector<16xi32>
      %and3A_348 = arith.andi %bitcast_convert_type3A_339, %and3A_347 : vector<16xi32>
      %or3A_349 = arith.ori %and3A_345, %and3A_348 : vector<16xi32>
      %swap3A_350 = arith.constant 2 : i32
      %swap3A_351 = arith.index_cast %swap3A_350 : i32 to index
      %swap3A_352 = arith.index_cast %mul3A_105 : i32 to index
      %swap3A_353 = tpu.vector_load %arg28[%swap3A_351, %swap3A_352] {strides = array<i32>} : memref<8x2048xi32, #tpu.memory_space<vmem>>, vector<1x16xi32>,
      %swap3A_354 = vector.shape_cast %swap3A_353 : vector<1x16xi32> to vector<16xi32>
      %swap3A_355 = vector.shape_cast %or3A_349 : vector<16xi32> to vector<1x16xi32>
      tpu.vector_store %arg28[%swap3A_351, %swap3A_352], %swap3A_355 {strides = array<i32>} : memref<8x2048xi32, #tpu.memory_space<vmem>>, vector<1x16xi32>,
      %mul3A_356 = arith.mulf %select_n3A_313, %select_n3A_295 : vector<16xf32>
      %mul3A_357 = arith.mulf %select_n3A_313, %select_n3A_301 : vector<16xf32>
      %bitcast_convert_type3A_358 = tpu.bitcast %mul3A_356 : vector<16xf32> -> vector<16xi32>
      %bitcast_convert_type3A_359 = tpu.bitcast %mul3A_357 : vector<16xf32> -> vector<16xi32>
      %shift_right_logical3A_360 = arith.constant 16 : i32
      %shift_right_logical3A_361 = vector.broadcast %shift_right_logical3A_360 : i32 to vector<16xi32>
      %shift_right_logical3A_362 = arith.shrui %bitcast_convert_type3A_358, %shift_right_logical3A_361 : vector<16xi32>
      %and3A_363 = arith.constant 65535 : i32
      %and3A_364 = vector.broadcast %and3A_363 : i32 to vector<16xi32>
      %and3A_365 = arith.andi %shift_right_logical3A_362, %and3A_364 : vector<16xi32>
      %and3A_366 = arith.constant -65536 : i32
      %and3A_367 = vector.broadcast %and3A_366 : i32 to vector<16xi32>
      %and3A_368 = arith.andi %bitcast_convert_type3A_359, %and3A_367 : vector<16xi32>
      %or3A_369 = arith.ori %and3A_365, %and3A_368 : vector<16xi32>
      %swap3A_370 = arith.constant 3 : i32
      %swap3A_371 = arith.index_cast %swap3A_370 : i32 to index
      %swap3A_372 = arith.index_cast %mul3A_105 : i32 to index
      %swap3A_373 = tpu.vector_load %arg28[%swap3A_371, %swap3A_372] {strides = array<i32>} : memref<8x2048xi32, #tpu.memory_space<vmem>>, vector<1x16xi32>,
      %swap3A_374 = vector.shape_cast %swap3A_373 : vector<1x16xi32> to vector<16xi32>
      %swap3A_375 = vector.shape_cast %or3A_369 : vector<16xi32> to vector<1x16xi32>
      tpu.vector_store %arg28[%swap3A_371, %swap3A_372], %swap3A_375 {strides = array<i32>} : memref<8x2048xi32, #tpu.memory_space<vmem>>, vector<1x16xi32>,
      %add3A_376 = arith.constant 1.000000e+00 : f32
      %add3A_377 = vector.broadcast %add3A_376 : f32 to vector<16xf32>
      %add3A_378 = arith.addf %sub3A_115, %add3A_377 : vector<16xf32>
      %mul3A_379 = arith.constant 1.024000e+03 : f32
      %mul3A_380 = vector.broadcast %mul3A_379 : f32 to vector<16xf32>
      %mul3A_381 = arith.mulf %add3A_378, %mul3A_380 : vector<16xf32>
      %sub3A_382 = arith.constant 1.000000e+00 : f32
      %sub3A_383 = vector.broadcast %sub3A_382 : f32 to vector<16xf32>
      %sub3A_384 = arith.subf %mul3A_381, %sub3A_383 : vector<16xf32>
      %div3A_385 = arith.constant 2.000000e+00 : f32
      %div3A_386 = vector.broadcast %div3A_385 : f32 to vector<16xf32>
      %div3A_387 = arith.divf %sub3A_384, %div3A_386 : vector<16xf32>
      %add3A_388 = arith.constant 1.000000e+00 : f32
      %add3A_389 = vector.broadcast %add3A_388 : f32 to vector<16xf32>
      %add3A_390 = arith.addf %sub3A_121, %add3A_389 : vector<16xf32>
      %mul3A_391 = arith.constant 1.024000e+03 : f32
      %mul3A_392 = vector.broadcast %mul3A_391 : f32 to vector<16xf32>
      %mul3A_393 = arith.mulf %add3A_390, %mul3A_392 : vector<16xf32>
      %sub3A_394 = arith.constant 1.000000e+00 : f32
      %sub3A_395 = vector.broadcast %sub3A_394 : f32 to vector<16xf32>
      %sub3A_396 = arith.subf %mul3A_393, %sub3A_395 : vector<16xf32>
      %div3A_397 = arith.constant 2.000000e+00 : f32
      %div3A_398 = vector.broadcast %div3A_397 : f32 to vector<16xf32>
      %div3A_399 = arith.divf %sub3A_396, %div3A_398 : vector<16xf32>
      %add3A_400 = arith.constant 1.000000e+00 : f32
      %add3A_401 = vector.broadcast %add3A_400 : f32 to vector<16xf32>
      %add3A_402 = arith.addf %div3A_387, %add3A_401 : vector<16xf32>
      %convert_element_type3A_403 = arith.fptosi %add3A_402 : vector<16xf32> to vector<16xi32>
      %add3A_404 = arith.constant 1.000000e+00 : f32
      %add3A_405 = vector.broadcast %add3A_404 : f32 to vector<16xf32>
      %add3A_406 = arith.addf %div3A_399, %add3A_405 : vector<16xf32>
      %convert_element_type3A_407 = arith.fptosi %add3A_406 : vector<16xf32> to vector<16xi32>
      %sub3A_408 = arith.constant 1 : i32
      %sub3A_409 = vector.broadcast %sub3A_408 : i32 to vector<16xi32>
      %sub3A_410 = arith.subi %convert_element_type3A_403, %sub3A_409 : vector<16xi32>
      %sub3A_411 = arith.constant 1 : i32
      %sub3A_412 = vector.broadcast %sub3A_411 : i32 to vector<16xi32>
      %sub3A_413 = arith.subi %convert_element_type3A_407, %sub3A_412 : vector<16xi32>
      %convert_element_type3A_414 = arith.sitofp %sub3A_410 : vector<16xi32> to vector<16xf32>
      %sub3A_415 = arith.subf %div3A_387, %convert_element_type3A_414 : vector<16xf32>
      %convert_element_type3A_416 = arith.sitofp %sub3A_413 : vector<16xi32> to vector<16xf32>
      %sub3A_417 = arith.subf %div3A_399, %convert_element_type3A_416 : vector<16xf32>
      %sub3A_418 = arith.constant 1.000000e+00 : f32
      %sub3A_419 = vector.broadcast %sub3A_418 : f32 to vector<16xf32>
      %sub3A_420 = arith.subf %sub3A_419, %sub3A_415 : vector<16xf32>
      %sub3A_421 = arith.constant 1.000000e+00 : f32
      %sub3A_422 = vector.broadcast %sub3A_421 : f32 to vector<16xf32>
      %sub3A_423 = arith.subf %sub3A_422, %sub3A_417 : vector<16xf32>
      %ge3A_424 = arith.constant 0 : i32
      %ge3A_425 = vector.broadcast %ge3A_424 : i32 to vector<16xi32>
      %ge3A_426 = arith.cmpi sge, %sub3A_410, %ge3A_425 : vector<16xi32>
      %jit3A_427 = arith.constant 0.000000e+00 : f32
      %broadcast_in_dim3A_428 = vector.broadcast %jit3A_427 : f32 to vector<16xf32>
      %select_n3A_429 = arith.select %ge3A_426, %sub3A_420, %broadcast_in_dim3A_428 : vector<16xi1>, vector<16xf32>
      %le3A_430 = arith.constant 1023 : i32
      %le3A_431 = vector.broadcast %le3A_430 : i32 to vector<16xi32>
      %le3A_432 = arith.cmpi sle, %convert_element_type3A_403, %le3A_431 : vector<16xi32>
      %jit3A_433 = arith.constant 0.000000e+00 : f32
      %broadcast_in_dim3A_434 = vector.broadcast %jit3A_433 : f32 to vector<16xf32>
      %select_n3A_435 = arith.select %le3A_432, %sub3A_415, %broadcast_in_dim3A_434 : vector<16xi1>, vector<16xf32>
      %ge3A_436 = arith.constant 0 : i32
      %ge3A_437 = vector.broadcast %ge3A_436 : i32 to vector<16xi32>
      %ge3A_438 = arith.cmpi sge, %sub3A_413, %ge3A_437 : vector<16xi32>
      %jit3A_439 = arith.constant 0.000000e+00 : f32
      %broadcast_in_dim3A_440 = vector.broadcast %jit3A_439 : f32 to vector<16xf32>
      %select_n3A_441 = arith.select %ge3A_438, %sub3A_423, %broadcast_in_dim3A_440 : vector<16xi1>, vector<16xf32>
      %le3A_442 = arith.constant 1023 : i32
      %le3A_443 = vector.broadcast %le3A_442 : i32 to vector<16xi32>
      %le3A_444 = arith.cmpi sle, %convert_element_type3A_407, %le3A_443 : vector<16xi32>
      %jit3A_445 = arith.constant 0.000000e+00 : f32
      %broadcast_in_dim3A_446 = vector.broadcast %jit3A_445 : f32 to vector<16xf32>
      %select_n3A_447 = arith.select %le3A_444, %sub3A_417, %broadcast_in_dim3A_446 : vector<16xi1>, vector<16xf32>
      %max3A_448 = arith.constant 0 : i32
      %max3A_449 = vector.broadcast %max3A_448 : i32 to vector<16xi32>
      %max3A_450 = arith.maxsi %sub3A_413, %max3A_449 : vector<16xi32>
      %min3A_451 = arith.constant 1023 : i32
      %min3A_452 = vector.broadcast %min3A_451 : i32 to vector<16xi32>
      %min3A_453 = arith.minsi %convert_element_type3A_407, %min3A_452 : vector<16xi32>
      %mul3A_454 = arith.constant 1024 : i32
      %mul3A_455 = vector.broadcast %mul3A_454 : i32 to vector<16xi32>
      %mul3A_456 = arith.muli %max3A_450, %mul3A_455 : vector<16xi32>
      %add3A_457 = arith.addi %mul3A_456, %convert_element_type3A_403 : vector<16xi32>
      %mul3A_458 = arith.constant 1024 : i32
      %mul3A_459 = vector.broadcast %mul3A_458 : i32 to vector<16xi32>
      %mul3A_460 = arith.muli %min3A_453, %mul3A_459 : vector<16xi32>
      %add3A_461 = arith.addi %mul3A_460, %convert_element_type3A_403 : vector<16xi32>
      %swap3A_462 = arith.index_cast %mul3A_105 : i32 to index
      %swap3A_463 = tpu.vector_load %arg16[%swap3A_462] {strides = array<i32>} : memref<2048xi32, #tpu.memory_space<vmem>>, vector<16xi32>,
      %swap3A_464 = vector.shape_cast %swap3A_463 : vector<16xi32> to vector<16xi32>
      %swap3A_465 = vector.shape_cast %add3A_457 : vector<16xi32> to vector<16xi32>
      tpu.vector_store %arg16[%swap3A_462], %swap3A_465 {strides = array<i32>} : memref<2048xi32, #tpu.memory_space<vmem>>, vector<16xi32>,
      %swap3A_466 = arith.index_cast %mul3A_105 : i32 to index
      %swap3A_467 = tpu.vector_load %arg17[%swap3A_466] {strides = array<i32>} : memref<2048xi32, #tpu.memory_space<vmem>>, vector<16xi32>,
      %swap3A_468 = vector.shape_cast %swap3A_467 : vector<16xi32> to vector<16xi32>
      %swap3A_469 = vector.shape_cast %add3A_461 : vector<16xi32> to vector<16xi32>
      tpu.vector_store %arg17[%swap3A_466], %swap3A_469 {strides = array<i32>} : memref<2048xi32, #tpu.memory_space<vmem>>, vector<16xi32>,
      %mul3A_470 = arith.mulf %select_n3A_441, %select_n3A_429 : vector<16xf32>
      %mul3A_471 = arith.mulf %select_n3A_441, %select_n3A_435 : vector<16xf32>
      %bitcast_convert_type3A_472 = tpu.bitcast %mul3A_470 : vector<16xf32> -> vector<16xi32>
      %bitcast_convert_type3A_473 = tpu.bitcast %mul3A_471 : vector<16xf32> -> vector<16xi32>
      %shift_right_logical3A_474 = arith.constant 16 : i32
      %shift_right_logical3A_475 = vector.broadcast %shift_right_logical3A_474 : i32 to vector<16xi32>
      %shift_right_logical3A_476 = arith.shrui %bitcast_convert_type3A_472, %shift_right_logical3A_475 : vector<16xi32>
      %and3A_477 = arith.constant 65535 : i32
      %and3A_478 = vector.broadcast %and3A_477 : i32 to vector<16xi32>
      %and3A_479 = arith.andi %shift_right_logical3A_476, %and3A_478 : vector<16xi32>
      %and3A_480 = arith.constant -65536 : i32
      %and3A_481 = vector.broadcast %and3A_480 : i32 to vector<16xi32>
      %and3A_482 = arith.andi %bitcast_convert_type3A_473, %and3A_481 : vector<16xi32>
      %or3A_483 = arith.ori %and3A_479, %and3A_482 : vector<16xi32>
      %swap3A_484 = arith.constant 4 : i32
      %swap3A_485 = arith.index_cast %swap3A_484 : i32 to index
      %swap3A_486 = arith.index_cast %mul3A_105 : i32 to index
      %swap3A_487 = tpu.vector_load %arg28[%swap3A_485, %swap3A_486] {strides = array<i32>} : memref<8x2048xi32, #tpu.memory_space<vmem>>, vector<1x16xi32>,
      %swap3A_488 = vector.shape_cast %swap3A_487 : vector<1x16xi32> to vector<16xi32>
      %swap3A_489 = vector.shape_cast %or3A_483 : vector<16xi32> to vector<1x16xi32>
      tpu.vector_store %arg28[%swap3A_485, %swap3A_486], %swap3A_489 {strides = array<i32>} : memref<8x2048xi32, #tpu.memory_space<vmem>>, vector<1x16xi32>,
      %mul3A_490 = arith.mulf %select_n3A_447, %select_n3A_429 : vector<16xf32>
      %mul3A_491 = arith.mulf %select_n3A_447, %select_n3A_435 : vector<16xf32>
      %bitcast_convert_type3A_492 = tpu.bitcast %mul3A_490 : vector<16xf32> -> vector<16xi32>
      %bitcast_convert_type3A_493 = tpu.bitcast %mul3A_491 : vector<16xf32> -> vector<16xi32>
      %shift_right_logical3A_494 = arith.constant 16 : i32
      %shift_right_logical3A_495 = vector.broadcast %shift_right_logical3A_494 : i32 to vector<16xi32>
      %shift_right_logical3A_496 = arith.shrui %bitcast_convert_type3A_492, %shift_right_logical3A_495 : vector<16xi32>
      %and3A_497 = arith.constant 65535 : i32
      %and3A_498 = vector.broadcast %and3A_497 : i32 to vector<16xi32>
      %and3A_499 = arith.andi %shift_right_logical3A_496, %and3A_498 : vector<16xi32>
      %and3A_500 = arith.constant -65536 : i32
      %and3A_501 = vector.broadcast %and3A_500 : i32 to vector<16xi32>
      %and3A_502 = arith.andi %bitcast_convert_type3A_493, %and3A_501 : vector<16xi32>
      %or3A_503 = arith.ori %and3A_499, %and3A_502 : vector<16xi32>
      %swap3A_504 = arith.constant 5 : i32
      %swap3A_505 = arith.index_cast %swap3A_504 : i32 to index
      %swap3A_506 = arith.index_cast %mul3A_105 : i32 to index
      %swap3A_507 = tpu.vector_load %arg28[%swap3A_505, %swap3A_506] {strides = array<i32>} : memref<8x2048xi32, #tpu.memory_space<vmem>>, vector<1x16xi32>,
      %swap3A_508 = vector.shape_cast %swap3A_507 : vector<1x16xi32> to vector<16xi32>
      %swap3A_509 = vector.shape_cast %or3A_503 : vector<16xi32> to vector<1x16xi32>
      tpu.vector_store %arg28[%swap3A_505, %swap3A_506], %swap3A_509 {strides = array<i32>} : memref<8x2048xi32, #tpu.memory_space<vmem>>, vector<1x16xi32>,
      %add3A_510 = arith.constant 1.000000e+00 : f32
      %add3A_511 = vector.broadcast %add3A_510 : f32 to vector<16xf32>
      %add3A_512 = arith.addf %sub3A_115, %add3A_511 : vector<16xf32>
      %mul3A_513 = arith.constant 5.120000e+02 : f32
      %mul3A_514 = vector.broadcast %mul3A_513 : f32 to vector<16xf32>
      %mul3A_515 = arith.mulf %add3A_512, %mul3A_514 : vector<16xf32>
      %sub3A_516 = arith.constant 1.000000e+00 : f32
      %sub3A_517 = vector.broadcast %sub3A_516 : f32 to vector<16xf32>
      %sub3A_518 = arith.subf %mul3A_515, %sub3A_517 : vector<16xf32>
      %div3A_519 = arith.constant 2.000000e+00 : f32
      %div3A_520 = vector.broadcast %div3A_519 : f32 to vector<16xf32>
      %div3A_521 = arith.divf %sub3A_518, %div3A_520 : vector<16xf32>
      %add3A_522 = arith.constant 1.000000e+00 : f32
      %add3A_523 = vector.broadcast %add3A_522 : f32 to vector<16xf32>
      %add3A_524 = arith.addf %sub3A_121, %add3A_523 : vector<16xf32>
      %mul3A_525 = arith.constant 5.120000e+02 : f32
      %mul3A_526 = vector.broadcast %mul3A_525 : f32 to vector<16xf32>
      %mul3A_527 = arith.mulf %add3A_524, %mul3A_526 : vector<16xf32>
      %sub3A_528 = arith.constant 1.000000e+00 : f32
      %sub3A_529 = vector.broadcast %sub3A_528 : f32 to vector<16xf32>
      %sub3A_530 = arith.subf %mul3A_527, %sub3A_529 : vector<16xf32>
      %div3A_531 = arith.constant 2.000000e+00 : f32
      %div3A_532 = vector.broadcast %div3A_531 : f32 to vector<16xf32>
      %div3A_533 = arith.divf %sub3A_530, %div3A_532 : vector<16xf32>
      %add3A_534 = arith.constant 1.000000e+00 : f32
      %add3A_535 = vector.broadcast %add3A_534 : f32 to vector<16xf32>
      %add3A_536 = arith.addf %div3A_521, %add3A_535 : vector<16xf32>
      %convert_element_type3A_537 = arith.fptosi %add3A_536 : vector<16xf32> to vector<16xi32>
      %add3A_538 = arith.constant 1.000000e+00 : f32
      %add3A_539 = vector.broadcast %add3A_538 : f32 to vector<16xf32>
      %add3A_540 = arith.addf %div3A_533, %add3A_539 : vector<16xf32>
      %convert_element_type3A_541 = arith.fptosi %add3A_540 : vector<16xf32> to vector<16xi32>
      %sub3A_542 = arith.constant 1 : i32
      %sub3A_543 = vector.broadcast %sub3A_542 : i32 to vector<16xi32>
      %sub3A_544 = arith.subi %convert_element_type3A_537, %sub3A_543 : vector<16xi32>
      %sub3A_545 = arith.constant 1 : i32
      %sub3A_546 = vector.broadcast %sub3A_545 : i32 to vector<16xi32>
      %sub3A_547 = arith.subi %convert_element_type3A_541, %sub3A_546 : vector<16xi32>
      %convert_element_type3A_548 = arith.sitofp %sub3A_544 : vector<16xi32> to vector<16xf32>
      %sub3A_549 = arith.subf %div3A_521, %convert_element_type3A_548 : vector<16xf32>
      %convert_element_type3A_550 = arith.sitofp %sub3A_547 : vector<16xi32> to vector<16xf32>
      %sub3A_551 = arith.subf %div3A_533, %convert_element_type3A_550 : vector<16xf32>
      %sub3A_552 = arith.constant 1.000000e+00 : f32
      %sub3A_553 = vector.broadcast %sub3A_552 : f32 to vector<16xf32>
      %sub3A_554 = arith.subf %sub3A_553, %sub3A_549 : vector<16xf32>
      %sub3A_555 = arith.constant 1.000000e+00 : f32
      %sub3A_556 = vector.broadcast %sub3A_555 : f32 to vector<16xf32>
      %sub3A_557 = arith.subf %sub3A_556, %sub3A_551 : vector<16xf32>
      %ge3A_558 = arith.constant 0 : i32
      %ge3A_559 = vector.broadcast %ge3A_558 : i32 to vector<16xi32>
      %ge3A_560 = arith.cmpi sge, %sub3A_544, %ge3A_559 : vector<16xi32>
      %jit3A_561 = arith.constant 0.000000e+00 : f32
      %broadcast_in_dim3A_562 = vector.broadcast %jit3A_561 : f32 to vector<16xf32>
      %select_n3A_563 = arith.select %ge3A_560, %sub3A_554, %broadcast_in_dim3A_562 : vector<16xi1>, vector<16xf32>
      %le3A_564 = arith.constant 511 : i32
      %le3A_565 = vector.broadcast %le3A_564 : i32 to vector<16xi32>
      %le3A_566 = arith.cmpi sle, %convert_element_type3A_537, %le3A_565 : vector<16xi32>
      %jit3A_567 = arith.constant 0.000000e+00 : f32
      %broadcast_in_dim3A_568 = vector.broadcast %jit3A_567 : f32 to vector<16xf32>
      %select_n3A_569 = arith.select %le3A_566, %sub3A_549, %broadcast_in_dim3A_568 : vector<16xi1>, vector<16xf32>
      %ge3A_570 = arith.constant 0 : i32
      %ge3A_571 = vector.broadcast %ge3A_570 : i32 to vector<16xi32>
      %ge3A_572 = arith.cmpi sge, %sub3A_547, %ge3A_571 : vector<16xi32>
      %jit3A_573 = arith.constant 0.000000e+00 : f32
      %broadcast_in_dim3A_574 = vector.broadcast %jit3A_573 : f32 to vector<16xf32>
      %select_n3A_575 = arith.select %ge3A_572, %sub3A_557, %broadcast_in_dim3A_574 : vector<16xi1>, vector<16xf32>
      %le3A_576 = arith.constant 511 : i32
      %le3A_577 = vector.broadcast %le3A_576 : i32 to vector<16xi32>
      %le3A_578 = arith.cmpi sle, %convert_element_type3A_541, %le3A_577 : vector<16xi32>
      %jit3A_579 = arith.constant 0.000000e+00 : f32
      %broadcast_in_dim3A_580 = vector.broadcast %jit3A_579 : f32 to vector<16xf32>
      %select_n3A_581 = arith.select %le3A_578, %sub3A_551, %broadcast_in_dim3A_580 : vector<16xi1>, vector<16xf32>
      %max3A_582 = arith.constant 0 : i32
      %max3A_583 = vector.broadcast %max3A_582 : i32 to vector<16xi32>
      %max3A_584 = arith.maxsi %sub3A_547, %max3A_583 : vector<16xi32>
      %min3A_585 = arith.constant 511 : i32
      %min3A_586 = vector.broadcast %min3A_585 : i32 to vector<16xi32>
      %min3A_587 = arith.minsi %convert_element_type3A_541, %min3A_586 : vector<16xi32>
      %mul3A_588 = arith.constant 512 : i32
      %mul3A_589 = vector.broadcast %mul3A_588 : i32 to vector<16xi32>
      %mul3A_590 = arith.muli %max3A_584, %mul3A_589 : vector<16xi32>
      %add3A_591 = arith.addi %mul3A_590, %convert_element_type3A_537 : vector<16xi32>
      %mul3A_592 = arith.constant 512 : i32
      %mul3A_593 = vector.broadcast %mul3A_592 : i32 to vector<16xi32>
      %mul3A_594 = arith.muli %min3A_587, %mul3A_593 : vector<16xi32>
      %add3A_595 = arith.addi %mul3A_594, %convert_element_type3A_537 : vector<16xi32>
      %swap3A_596 = arith.index_cast %mul3A_105 : i32 to index
      %swap3A_597 = tpu.vector_load %arg18[%swap3A_596] {strides = array<i32>} : memref<2048xi32, #tpu.memory_space<vmem>>, vector<16xi32>,
      %swap3A_598 = vector.shape_cast %swap3A_597 : vector<16xi32> to vector<16xi32>
      %swap3A_599 = vector.shape_cast %add3A_591 : vector<16xi32> to vector<16xi32>
      tpu.vector_store %arg18[%swap3A_596], %swap3A_599 {strides = array<i32>} : memref<2048xi32, #tpu.memory_space<vmem>>, vector<16xi32>,
      %swap3A_600 = arith.index_cast %mul3A_105 : i32 to index
      %swap3A_601 = tpu.vector_load %arg19[%swap3A_600] {strides = array<i32>} : memref<2048xi32, #tpu.memory_space<vmem>>, vector<16xi32>,
      %swap3A_602 = vector.shape_cast %swap3A_601 : vector<16xi32> to vector<16xi32>
      %swap3A_603 = vector.shape_cast %add3A_595 : vector<16xi32> to vector<16xi32>
      tpu.vector_store %arg19[%swap3A_600], %swap3A_603 {strides = array<i32>} : memref<2048xi32, #tpu.memory_space<vmem>>, vector<16xi32>,
      %mul3A_604 = arith.mulf %select_n3A_575, %select_n3A_563 : vector<16xf32>
      %mul3A_605 = arith.mulf %select_n3A_575, %select_n3A_569 : vector<16xf32>
      %bitcast_convert_type3A_606 = tpu.bitcast %mul3A_604 : vector<16xf32> -> vector<16xi32>
      %bitcast_convert_type3A_607 = tpu.bitcast %mul3A_605 : vector<16xf32> -> vector<16xi32>
      %shift_right_logical3A_608 = arith.constant 16 : i32
      %shift_right_logical3A_609 = vector.broadcast %shift_right_logical3A_608 : i32 to vector<16xi32>
      %shift_right_logical3A_610 = arith.shrui %bitcast_convert_type3A_606, %shift_right_logical3A_609 : vector<16xi32>
      %and3A_611 = arith.constant 65535 : i32
      %and3A_612 = vector.broadcast %and3A_611 : i32 to vector<16xi32>
      %and3A_613 = arith.andi %shift_right_logical3A_610, %and3A_612 : vector<16xi32>
      %and3A_614 = arith.constant -65536 : i32
      %and3A_615 = vector.broadcast %and3A_614 : i32 to vector<16xi32>
      %and3A_616 = arith.andi %bitcast_convert_type3A_607, %and3A_615 : vector<16xi32>
      %or3A_617 = arith.ori %and3A_613, %and3A_616 : vector<16xi32>
      %swap3A_618 = arith.constant 6 : i32
      %swap3A_619 = arith.index_cast %swap3A_618 : i32 to index
      %swap3A_620 = arith.index_cast %mul3A_105 : i32 to index
      %swap3A_621 = tpu.vector_load %arg28[%swap3A_619, %swap3A_620] {strides = array<i32>} : memref<8x2048xi32, #tpu.memory_space<vmem>>, vector<1x16xi32>,
      %swap3A_622 = vector.shape_cast %swap3A_621 : vector<1x16xi32> to vector<16xi32>
      %swap3A_623 = vector.shape_cast %or3A_617 : vector<16xi32> to vector<1x16xi32>
      tpu.vector_store %arg28[%swap3A_619, %swap3A_620], %swap3A_623 {strides = array<i32>} : memref<8x2048xi32, #tpu.memory_space<vmem>>, vector<1x16xi32>,
      %mul3A_624 = arith.mulf %select_n3A_581, %select_n3A_563 : vector<16xf32>
      %mul3A_625 = arith.mulf %select_n3A_581, %select_n3A_569 : vector<16xf32>
      %bitcast_convert_type3A_626 = tpu.bitcast %mul3A_624 : vector<16xf32> -> vector<16xi32>
      %bitcast_convert_type3A_627 = tpu.bitcast %mul3A_625 : vector<16xf32> -> vector<16xi32>
      %shift_right_logical3A_628 = arith.constant 16 : i32
      %shift_right_logical3A_629 = vector.broadcast %shift_right_logical3A_628 : i32 to vector<16xi32>
      %shift_right_logical3A_630 = arith.shrui %bitcast_convert_type3A_626, %shift_right_logical3A_629 : vector<16xi32>
      %and3A_631 = arith.constant 65535 : i32
      %and3A_632 = vector.broadcast %and3A_631 : i32 to vector<16xi32>
      %and3A_633 = arith.andi %shift_right_logical3A_630, %and3A_632 : vector<16xi32>
      %and3A_634 = arith.constant -65536 : i32
      %and3A_635 = vector.broadcast %and3A_634 : i32 to vector<16xi32>
      %and3A_636 = arith.andi %bitcast_convert_type3A_627, %and3A_635 : vector<16xi32>
      %or3A_637 = arith.ori %and3A_633, %and3A_636 : vector<16xi32>
      %swap3A_638 = arith.constant 7 : i32
      %swap3A_639 = arith.index_cast %swap3A_638 : i32 to index
      %swap3A_640 = arith.index_cast %mul3A_105 : i32 to index
      %swap3A_641 = tpu.vector_load %arg28[%swap3A_639, %swap3A_640] {strides = array<i32>} : memref<8x2048xi32, #tpu.memory_space<vmem>>, vector<1x16xi32>,
      %swap3A_642 = vector.shape_cast %swap3A_641 : vector<1x16xi32> to vector<16xi32>
      %swap3A_643 = vector.shape_cast %or3A_637 : vector<16xi32> to vector<1x16xi32>
      tpu.vector_store %arg28[%swap3A_639, %swap3A_640], %swap3A_643 {strides = array<i32>} : memref<8x2048xi32, #tpu.memory_space<vmem>>, vector<1x16xi32>,
    }
    %scan3A_40 = arith.constant 128 : i32
    %dma_start3A_41 = arith.constant 0 : i32
    %dma_start3A_42 = tpu.memref_slice %arg2[%dma_start3A_41] : memref<16777217xi32, #tpu.memory_space<hbm>> -> memref<16777217xi32, #tpu.memory_space<hbm>>
    tpu.enqueue_indirect_dma source(%dma_start3A_42 : memref<16777217xi32, #tpu.memory_space<hbm>>) target(%arg20 : memref<2048xi32, #tpu.memory_space<vmem>>) offsets(%arg12 : memref<2048xi32, #tpu.memory_space<vmem>>) semaphore(%arg48 : memref<!tpu.dma_semaphore, #tpu.memory_space<semaphore_mem>>)
    %dma_start3A_43 = arith.constant 0 : i32
    %dma_start3A_44 = tpu.memref_slice %arg2[%dma_start3A_43] : memref<16777217xi32, #tpu.memory_space<hbm>> -> memref<16777217xi32, #tpu.memory_space<hbm>>
    tpu.enqueue_indirect_dma source(%dma_start3A_44 : memref<16777217xi32, #tpu.memory_space<hbm>>) target(%arg21 : memref<2048xi32, #tpu.memory_space<vmem>>) offsets(%arg13 : memref<2048xi32, #tpu.memory_space<vmem>>) semaphore(%arg48 : memref<!tpu.dma_semaphore, #tpu.memory_space<semaphore_mem>>)
    %dma_start3A_45 = arith.constant 0 : i32
    %dma_start3A_46 = tpu.memref_slice %arg3[%dma_start3A_45] : memref<4194305xi32, #tpu.memory_space<hbm>> -> memref<4194305xi32, #tpu.memory_space<hbm>>
    tpu.enqueue_indirect_dma source(%dma_start3A_46 : memref<4194305xi32, #tpu.memory_space<hbm>>) target(%arg22 : memref<2048xi32, #tpu.memory_space<vmem>>) offsets(%arg14 : memref<2048xi32, #tpu.memory_space<vmem>>) semaphore(%arg48 : memref<!tpu.dma_semaphore, #tpu.memory_space<semaphore_mem>>)
    %dma_start3A_47 = arith.constant 0 : i32
    %dma_start3A_48 = tpu.memref_slice %arg3[%dma_start3A_47] : memref<4194305xi32, #tpu.memory_space<hbm>> -> memref<4194305xi32, #tpu.memory_space<hbm>>
    tpu.enqueue_indirect_dma source(%dma_start3A_48 : memref<4194305xi32, #tpu.memory_space<hbm>>) target(%arg23 : memref<2048xi32, #tpu.memory_space<vmem>>) offsets(%arg15 : memref<2048xi32, #tpu.memory_space<vmem>>) semaphore(%arg48 : memref<!tpu.dma_semaphore, #tpu.memory_space<semaphore_mem>>)
    %dma_start3A_49 = arith.constant 0 : i32
    %dma_start3A_50 = tpu.memref_slice %arg4[%dma_start3A_49] : memref<1048577xi32, #tpu.memory_space<hbm>> -> memref<1048577xi32, #tpu.memory_space<hbm>>
    tpu.enqueue_indirect_dma source(%dma_start3A_50 : memref<1048577xi32, #tpu.memory_space<hbm>>) target(%arg24 : memref<2048xi32, #tpu.memory_space<vmem>>) offsets(%arg16 : memref<2048xi32, #tpu.memory_space<vmem>>) semaphore(%arg48 : memref<!tpu.dma_semaphore, #tpu.memory_space<semaphore_mem>>)
    %dma_start3A_51 = arith.constant 0 : i32
    %dma_start3A_52 = tpu.memref_slice %arg4[%dma_start3A_51] : memref<1048577xi32, #tpu.memory_space<hbm>> -> memref<1048577xi32, #tpu.memory_space<hbm>>
    tpu.enqueue_indirect_dma source(%dma_start3A_52 : memref<1048577xi32, #tpu.memory_space<hbm>>) target(%arg25 : memref<2048xi32, #tpu.memory_space<vmem>>) offsets(%arg17 : memref<2048xi32, #tpu.memory_space<vmem>>) semaphore(%arg48 : memref<!tpu.dma_semaphore, #tpu.memory_space<semaphore_mem>>)
    %dma_start3A_53 = arith.constant 0 : i32
    %dma_start3A_54 = tpu.memref_slice %arg5[%dma_start3A_53] : memref<262145xi32, #tpu.memory_space<hbm>> -> memref<262145xi32, #tpu.memory_space<hbm>>
    tpu.enqueue_indirect_dma source(%dma_start3A_54 : memref<262145xi32, #tpu.memory_space<hbm>>) target(%arg26 : memref<2048xi32, #tpu.memory_space<vmem>>) offsets(%arg18 : memref<2048xi32, #tpu.memory_space<vmem>>) semaphore(%arg48 : memref<!tpu.dma_semaphore, #tpu.memory_space<semaphore_mem>>)
    %dma_start3A_55 = arith.constant 0 : i32
    %dma_start3A_56 = tpu.memref_slice %arg5[%dma_start3A_55] : memref<262145xi32, #tpu.memory_space<hbm>> -> memref<262145xi32, #tpu.memory_space<hbm>>
    tpu.enqueue_indirect_dma source(%dma_start3A_56 : memref<262145xi32, #tpu.memory_space<hbm>>) target(%arg27 : memref<2048xi32, #tpu.memory_space<vmem>>) offsets(%arg19 : memref<2048xi32, #tpu.memory_space<vmem>>) semaphore(%arg48 : memref<!tpu.dma_semaphore, #tpu.memory_space<semaphore_mem>>)
    %scan3A_57 = arith.constant 0 : i32
    %scan3A_58 = arith.constant 8 : i32
    %scan3A_59 = arith.addi %scan3A_57, %scan3A_58 : i32
    %scan3A_60 = arith.constant 1 : i32
    scf.for %scan3A_99 = %scan3A_57 to %scan3A_59 step %scan3A_60  : i32 {
      %mul3A_100 = arith.constant 1 : i32
      %mul3A_101 = arith.muli %scan3A_99, %mul3A_100 : i32
      %add3A_102 = arith.constant 0 : i32
      %add3A_103 = arith.addi %add3A_102, %mul3A_101 : i32
      %mul3A_104 = arith.constant 2 : i32
      %mul3A_105 = arith.muli %add3A_103, %mul3A_104 : i32
      %add3A_106 = arith.constant 1 : i32
      %add3A_107 = arith.addi %mul3A_105, %add3A_106 : i32
      %mul3A_108 = arith.constant 2048 : i32
      %mul3A_109 = arith.muli %add3A_107, %mul3A_108 : i32
      %add3A_110 = arith.addi %mul3A_2, %mul3A_109 : i32
      %dma_wait3A_111 = arith.constant 0 : i32
      %dma_wait3A_112 = tpu.memref_slice %arg6[%dma_wait3A_111, %add3A_110] : memref<2x1048576xf32, #tpu.memory_space<hbm>> -> memref<1x2048xf32, #tpu.memory_space<hbm>>
      %dma_wait3A_113 = tpu.memref_squeeze %dma_wait3A_112 : memref<1x2048xf32, #tpu.memory_space<hbm>> -> memref<2048xf32, #tpu.memory_space<hbm>>
      %dma_wait3A_114 = tpu.memref_slice %arg6[%dma_wait3A_111, %add3A_110] : memref<2x1048576xf32, #tpu.memory_space<hbm>> -> memref<1x2048xf32, #tpu.memory_space<hbm>>
      %dma_wait3A_115 = tpu.memref_squeeze %dma_wait3A_114 : memref<1x2048xf32, #tpu.memory_space<hbm>> -> memref<2048xf32, #tpu.memory_space<hbm>>
      tpu.wait_dma2 semaphore(%arg51 : memref<!tpu.dma_semaphore, #tpu.memory_space<semaphore_mem>>) src(%dma_wait3A_115 : memref<2048xf32, #tpu.memory_space<hbm>>) dst(%arg9 : memref<2048xf32, #tpu.memory_space<vmem>>)
      %dma_wait3A_116 = arith.constant 1 : i32
      %dma_wait3A_117 = tpu.memref_slice %arg6[%dma_wait3A_116, %add3A_110] : memref<2x1048576xf32, #tpu.memory_space<hbm>> -> memref<1x2048xf32, #tpu.memory_space<hbm>>
      %dma_wait3A_118 = tpu.memref_squeeze %dma_wait3A_117 : memref<1x2048xf32, #tpu.memory_space<hbm>> -> memref<2048xf32, #tpu.memory_space<hbm>>
      %dma_wait3A_119 = tpu.memref_slice %arg6[%dma_wait3A_116, %add3A_110] : memref<2x1048576xf32, #tpu.memory_space<hbm>> -> memref<1x2048xf32, #tpu.memory_space<hbm>>
      %dma_wait3A_120 = tpu.memref_squeeze %dma_wait3A_119 : memref<1x2048xf32, #tpu.memory_space<hbm>> -> memref<2048xf32, #tpu.memory_space<hbm>>
      tpu.wait_dma2 semaphore(%arg51 : memref<!tpu.dma_semaphore, #tpu.memory_space<semaphore_mem>>) src(%dma_wait3A_120 : memref<2048xf32, #tpu.memory_space<hbm>>) dst(%arg11 : memref<2048xf32, #tpu.memory_space<vmem>>)
      %scan3A_121 = arith.constant 0 : i32
      %scan3A_122 = arith.constant 128 : i32
      %scan3A_123 = arith.addi %scan3A_121, %scan3A_122 : i32
      %scan3A_124 = arith.constant 1 : i32
      scf.for %scan3A_182 = %scan3A_121 to %scan3A_123 step %scan3A_124  : i32 {
        %mul3A_183 = arith.constant 1 : i32
        %mul3A_184 = arith.muli %scan3A_182, %mul3A_183 : i32
        %add3A_185 = arith.constant 0 : i32
        %add3A_186 = arith.addi %add3A_185, %mul3A_184 : i32
        %mul3A_187 = arith.constant 16 : i32
        %mul3A_188 = arith.muli %add3A_186, %mul3A_187 : i32
        %get3A = arith.index_cast %mul3A_188 : i32 to index
        %get3A_189 = tpu.vector_load %arg9[%get3A] {strides = array<i32>} : memref<2048xf32, #tpu.memory_space<vmem>>, vector<16xf32>,
        %get3A_190 = vector.shape_cast %get3A_189 : vector<16xf32> to vector<16xf32>
        %get3A_191 = arith.index_cast %mul3A_188 : i32 to index
        %get3A_192 = tpu.vector_load %arg11[%get3A_191] {strides = array<i32>} : memref<2048xf32, #tpu.memory_space<vmem>>, vector<16xf32>,
        %get3A_193 = vector.shape_cast %get3A_192 : vector<16xf32> to vector<16xf32>
        %mul3A_194 = arith.constant 2.000000e+00 : f32
        %mul3A_195 = vector.broadcast %mul3A_194 : f32 to vector<16xf32>
        %mul3A_196 = arith.mulf %get3A_190, %mul3A_195 : vector<16xf32>
        %sub3A_197 = arith.constant 1.000000e+00 : f32
        %sub3A_198 = vector.broadcast %sub3A_197 : f32 to vector<16xf32>
        %sub3A_199 = arith.subf %mul3A_196, %sub3A_198 : vector<16xf32>
        %mul3A_200 = arith.constant 2.000000e+00 : f32
        %mul3A_201 = vector.broadcast %mul3A_200 : f32 to vector<16xf32>
        %mul3A_202 = arith.mulf %get3A_193, %mul3A_201 : vector<16xf32>
        %sub3A_203 = arith.constant 1.000000e+00 : f32
        %sub3A_204 = vector.broadcast %sub3A_203 : f32 to vector<16xf32>
        %sub3A_205 = arith.subf %mul3A_202, %sub3A_204 : vector<16xf32>
        %add3A_206 = arith.constant 1.000000e+00 : f32
        %add3A_207 = vector.broadcast %add3A_206 : f32 to vector<16xf32>
        %add3A_208 = arith.addf %sub3A_199, %add3A_207 : vector<16xf32>
        %mul3A_209 = arith.constant 4.096000e+03 : f32
        %mul3A_210 = vector.broadcast %mul3A_209 : f32 to vector<16xf32>
        %mul3A_211 = arith.mulf %add3A_208, %mul3A_210 : vector<16xf32>
        %sub3A_212 = arith.constant 1.000000e+00 : f32
        %sub3A_213 = vector.broadcast %sub3A_212 : f32 to vector<16xf32>
        %sub3A_214 = arith.subf %mul3A_211, %sub3A_213 : vector<16xf32>
        %div3A = arith.constant 2.000000e+00 : f32
        %div3A_215 = vector.broadcast %div3A : f32 to vector<16xf32>
        %div3A_216 = arith.divf %sub3A_214, %div3A_215 : vector<16xf32>
        %add3A_217 = arith.constant 1.000000e+00 : f32
        %add3A_218 = vector.broadcast %add3A_217 : f32 to vector<16xf32>
        %add3A_219 = arith.addf %sub3A_205, %add3A_218 : vector<16xf32>
        %mul3A_220 = arith.constant 4.096000e+03 : f32
        %mul3A_221 = vector.broadcast %mul3A_220 : f32 to vector<16xf32>
        %mul3A_222 = arith.mulf %add3A_219, %mul3A_221 : vector<16xf32>
        %sub3A_223 = arith.constant 1.000000e+00 : f32
        %sub3A_224 = vector.broadcast %sub3A_223 : f32 to vector<16xf32>
        %sub3A_225 = arith.subf %mul3A_222, %sub3A_224 : vector<16xf32>
        %div3A_226 = arith.constant 2.000000e+00 : f32
        %div3A_227 = vector.broadcast %div3A_226 : f32 to vector<16xf32>
        %div3A_228 = arith.divf %sub3A_225, %div3A_227 : vector<16xf32>
        %add3A_229 = arith.constant 1.000000e+00 : f32
        %add3A_230 = vector.broadcast %add3A_229 : f32 to vector<16xf32>
        %add3A_231 = arith.addf %div3A_216, %add3A_230 : vector<16xf32>
        %convert_element_type3A_232 = arith.fptosi %add3A_231 : vector<16xf32> to vector<16xi32>
        %add3A_233 = arith.constant 1.000000e+00 : f32
        %add3A_234 = vector.broadcast %add3A_233 : f32 to vector<16xf32>
        %add3A_235 = arith.addf %div3A_228, %add3A_234 : vector<16xf32>
        %convert_element_type3A_236 = arith.fptosi %add3A_235 : vector<16xf32> to vector<16xi32>
        %sub3A_237 = arith.constant 1 : i32
        %sub3A_238 = vector.broadcast %sub3A_237 : i32 to vector<16xi32>
        %sub3A_239 = arith.subi %convert_element_type3A_232, %sub3A_238 : vector<16xi32>
        %sub3A_240 = arith.constant 1 : i32
        %sub3A_241 = vector.broadcast %sub3A_240 : i32 to vector<16xi32>
        %sub3A_242 = arith.subi %convert_element_type3A_236, %sub3A_241 : vector<16xi32>
        %convert_element_type3A_243 = arith.sitofp %sub3A_239 : vector<16xi32> to vector<16xf32>
        %sub3A_244 = arith.subf %div3A_216, %convert_element_type3A_243 : vector<16xf32>
        %convert_element_type3A_245 = arith.sitofp %sub3A_242 : vector<16xi32> to vector<16xf32>
        %sub3A_246 = arith.subf %div3A_228, %convert_element_type3A_245 : vector<16xf32>
        %sub3A_247 = arith.constant 1.000000e+00 : f32
        %sub3A_248 = vector.broadcast %sub3A_247 : f32 to vector<16xf32>
        %sub3A_249 = arith.subf %sub3A_248, %sub3A_244 : vector<16xf32>
        %sub3A_250 = arith.constant 1.000000e+00 : f32
        %sub3A_251 = vector.broadcast %sub3A_250 : f32 to vector<16xf32>
        %sub3A_252 = arith.subf %sub3A_251, %sub3A_246 : vector<16xf32>
        %ge3A_253 = arith.constant 0 : i32
        %ge3A_254 = vector.broadcast %ge3A_253 : i32 to vector<16xi32>
        %ge3A_255 = arith.cmpi sge, %sub3A_239, %ge3A_254 : vector<16xi32>
        %jit3A = arith.constant 0.000000e+00 : f32
        %broadcast_in_dim3A = vector.broadcast %jit3A : f32 to vector<16xf32>
        %select_n3A = arith.select %ge3A_255, %sub3A_249, %broadcast_in_dim3A : vector<16xi1>, vector<16xf32>
        %le3A = arith.constant 4095 : i32
        %le3A_256 = vector.broadcast %le3A : i32 to vector<16xi32>
        %le3A_257 = arith.cmpi sle, %convert_element_type3A_232, %le3A_256 : vector<16xi32>
        %jit3A_258 = arith.constant 0.000000e+00 : f32
        %broadcast_in_dim3A_259 = vector.broadcast %jit3A_258 : f32 to vector<16xf32>
        %select_n3A_260 = arith.select %le3A_257, %sub3A_244, %broadcast_in_dim3A_259 : vector<16xi1>, vector<16xf32>
        %ge3A_261 = arith.constant 0 : i32
        %ge3A_262 = vector.broadcast %ge3A_261 : i32 to vector<16xi32>
        %ge3A_263 = arith.cmpi sge, %sub3A_242, %ge3A_262 : vector<16xi32>
        %jit3A_264 = arith.constant 0.000000e+00 : f32
        %broadcast_in_dim3A_265 = vector.broadcast %jit3A_264 : f32 to vector<16xf32>
        %select_n3A_266 = arith.select %ge3A_263, %sub3A_252, %broadcast_in_dim3A_265 : vector<16xi1>, vector<16xf32>
        %le3A_267 = arith.constant 4095 : i32
        %le3A_268 = vector.broadcast %le3A_267 : i32 to vector<16xi32>
        %le3A_269 = arith.cmpi sle, %convert_element_type3A_236, %le3A_268 : vector<16xi32>
        %jit3A_270 = arith.constant 0.000000e+00 : f32
        %broadcast_in_dim3A_271 = vector.broadcast %jit3A_270 : f32 to vector<16xf32>
        %select_n3A_272 = arith.select %le3A_269, %sub3A_246, %broadcast_in_dim3A_271 : vector<16xi1>, vector<16xf32>
        %max3A = arith.constant 0 : i32
        %max3A_273 = vector.broadcast %max3A : i32 to vector<16xi32>
        %max3A_274 = arith.maxsi %sub3A_242, %max3A_273 : vector<16xi32>
        %min3A = arith.constant 4095 : i32
        %min3A_275 = vector.broadcast %min3A : i32 to vector<16xi32>
        %min3A_276 = arith.minsi %convert_element_type3A_236, %min3A_275 : vector<16xi32>
        %mul3A_277 = arith.constant 4096 : i32
        %mul3A_278 = vector.broadcast %mul3A_277 : i32 to vector<16xi32>
        %mul3A_279 = arith.muli %max3A_274, %mul3A_278 : vector<16xi32>
        %add3A_280 = arith.addi %mul3A_279, %convert_element_type3A_232 : vector<16xi32>
        %mul3A_281 = arith.constant 4096 : i32
        %mul3A_282 = vector.broadcast %mul3A_281 : i32 to vector<16xi32>
        %mul3A_283 = arith.muli %min3A_276, %mul3A_282 : vector<16xi32>
        %add3A_284 = arith.addi %mul3A_283, %convert_element_type3A_232 : vector<16xi32>
        %swap3A = arith.index_cast %mul3A_188 : i32 to index
        %swap3A_285 = tpu.vector_load %arg29[%swap3A] {strides = array<i32>} : memref<2048xi32, #tpu.memory_space<vmem>>, vector<16xi32>,
        %swap3A_286 = vector.shape_cast %swap3A_285 : vector<16xi32> to vector<16xi32>
        %swap3A_287 = vector.shape_cast %add3A_280 : vector<16xi32> to vector<16xi32>
        tpu.vector_store %arg29[%swap3A], %swap3A_287 {strides = array<i32>} : memref<2048xi32, #tpu.memory_space<vmem>>, vector<16xi32>,
        %swap3A_288 = arith.index_cast %mul3A_188 : i32 to index
        %swap3A_289 = tpu.vector_load %arg30[%swap3A_288] {strides = array<i32>} : memref<2048xi32, #tpu.memory_space<vmem>>, vector<16xi32>,
        %swap3A_290 = vector.shape_cast %swap3A_289 : vector<16xi32> to vector<16xi32>
        %swap3A_291 = vector.shape_cast %add3A_284 : vector<16xi32> to vector<16xi32>
        tpu.vector_store %arg30[%swap3A_288], %swap3A_291 {strides = array<i32>} : memref<2048xi32, #tpu.memory_space<vmem>>, vector<16xi32>,
        %mul3A_292 = arith.mulf %select_n3A_266, %select_n3A : vector<16xf32>
        %mul3A_293 = arith.mulf %select_n3A_266, %select_n3A_260 : vector<16xf32>
        %bitcast_convert_type3A = tpu.bitcast %mul3A_292 : vector<16xf32> -> vector<16xi32>
        %bitcast_convert_type3A_294 = tpu.bitcast %mul3A_293 : vector<16xf32> -> vector<16xi32>
        %shift_right_logical3A = arith.constant 16 : i32
        %shift_right_logical3A_295 = vector.broadcast %shift_right_logical3A : i32 to vector<16xi32>
        %shift_right_logical3A_296 = arith.shrui %bitcast_convert_type3A, %shift_right_logical3A_295 : vector<16xi32>
        %and3A = arith.constant 65535 : i32
        %and3A_297 = vector.broadcast %and3A : i32 to vector<16xi32>
        %and3A_298 = arith.andi %shift_right_logical3A_296, %and3A_297 : vector<16xi32>
        %and3A_299 = arith.constant -65536 : i32
        %and3A_300 = vector.broadcast %and3A_299 : i32 to vector<16xi32>
        %and3A_301 = arith.andi %bitcast_convert_type3A_294, %and3A_300 : vector<16xi32>
        %or3A = arith.ori %and3A_298, %and3A_301 : vector<16xi32>
        %swap3A_302 = arith.constant 0 : i32
        %swap3A_303 = arith.index_cast %swap3A_302 : i32 to index
        %swap3A_304 = arith.index_cast %mul3A_188 : i32 to index
        %swap3A_305 = tpu.vector_load %arg45[%swap3A_303, %swap3A_304] {strides = array<i32>} : memref<8x2048xi32, #tpu.memory_space<vmem>>, vector<1x16xi32>,
        %swap3A_306 = vector.shape_cast %swap3A_305 : vector<1x16xi32> to vector<16xi32>
        %swap3A_307 = vector.shape_cast %or3A : vector<16xi32> to vector<1x16xi32>
        tpu.vector_store %arg45[%swap3A_303, %swap3A_304], %swap3A_307 {strides = array<i32>} : memref<8x2048xi32, #tpu.memory_space<vmem>>, vector<1x16xi32>,
        %mul3A_308 = arith.mulf %select_n3A_272, %select_n3A : vector<16xf32>
        %mul3A_309 = arith.mulf %select_n3A_272, %select_n3A_260 : vector<16xf32>
        %bitcast_convert_type3A_310 = tpu.bitcast %mul3A_308 : vector<16xf32> -> vector<16xi32>
        %bitcast_convert_type3A_311 = tpu.bitcast %mul3A_309 : vector<16xf32> -> vector<16xi32>
        %shift_right_logical3A_312 = arith.constant 16 : i32
        %shift_right_logical3A_313 = vector.broadcast %shift_right_logical3A_312 : i32 to vector<16xi32>
        %shift_right_logical3A_314 = arith.shrui %bitcast_convert_type3A_310, %shift_right_logical3A_313 : vector<16xi32>
        %and3A_315 = arith.constant 65535 : i32
        %and3A_316 = vector.broadcast %and3A_315 : i32 to vector<16xi32>
        %and3A_317 = arith.andi %shift_right_logical3A_314, %and3A_316 : vector<16xi32>
        %and3A_318 = arith.constant -65536 : i32
        %and3A_319 = vector.broadcast %and3A_318 : i32 to vector<16xi32>
        %and3A_320 = arith.andi %bitcast_convert_type3A_311, %and3A_319 : vector<16xi32>
        %or3A_321 = arith.ori %and3A_317, %and3A_320 : vector<16xi32>
        %swap3A_322 = arith.constant 1 : i32
        %swap3A_323 = arith.index_cast %swap3A_322 : i32 to index
        %swap3A_324 = arith.index_cast %mul3A_188 : i32 to index
        %swap3A_325 = tpu.vector_load %arg45[%swap3A_323, %swap3A_324] {strides = array<i32>} : memref<8x2048xi32, #tpu.memory_space<vmem>>, vector<1x16xi32>,
        %swap3A_326 = vector.shape_cast %swap3A_325 : vector<1x16xi32> to vector<16xi32>
        %swap3A_327 = vector.shape_cast %or3A_321 : vector<16xi32> to vector<1x16xi32>
        tpu.vector_store %arg45[%swap3A_323, %swap3A_324], %swap3A_327 {strides = array<i32>} : memref<8x2048xi32, #tpu.memory_space<vmem>>, vector<1x16xi32>,
        %add3A_328 = arith.constant 1.000000e+00 : f32
        %add3A_329 = vector.broadcast %add3A_328 : f32 to vector<16xf32>
        %add3A_330 = arith.addf %sub3A_199, %add3A_329 : vector<16xf32>
        %mul3A_331 = arith.constant 2.048000e+03 : f32
        %mul3A_332 = vector.broadcast %mul3A_331 : f32 to vector<16xf32>
        %mul3A_333 = arith.mulf %add3A_330, %mul3A_332 : vector<16xf32>
        %sub3A_334 = arith.constant 1.000000e+00 : f32
        %sub3A_335 = vector.broadcast %sub3A_334 : f32 to vector<16xf32>
        %sub3A_336 = arith.subf %mul3A_333, %sub3A_335 : vector<16xf32>
        %div3A_337 = arith.constant 2.000000e+00 : f32
        %div3A_338 = vector.broadcast %div3A_337 : f32 to vector<16xf32>
        %div3A_339 = arith.divf %sub3A_336, %div3A_338 : vector<16xf32>
        %add3A_340 = arith.constant 1.000000e+00 : f32
        %add3A_341 = vector.broadcast %add3A_340 : f32 to vector<16xf32>
        %add3A_342 = arith.addf %sub3A_205, %add3A_341 : vector<16xf32>
        %mul3A_343 = arith.constant 2.048000e+03 : f32
        %mul3A_344 = vector.broadcast %mul3A_343 : f32 to vector<16xf32>
        %mul3A_345 = arith.mulf %add3A_342, %mul3A_344 : vector<16xf32>
        %sub3A_346 = arith.constant 1.000000e+00 : f32
        %sub3A_347 = vector.broadcast %sub3A_346 : f32 to vector<16xf32>
        %sub3A_348 = arith.subf %mul3A_345, %sub3A_347 : vector<16xf32>
        %div3A_349 = arith.constant 2.000000e+00 : f32
        %div3A_350 = vector.broadcast %div3A_349 : f32 to vector<16xf32>
        %div3A_351 = arith.divf %sub3A_348, %div3A_350 : vector<16xf32>
        %add3A_352 = arith.constant 1.000000e+00 : f32
        %add3A_353 = vector.broadcast %add3A_352 : f32 to vector<16xf32>
        %add3A_354 = arith.addf %div3A_339, %add3A_353 : vector<16xf32>
        %convert_element_type3A_355 = arith.fptosi %add3A_354 : vector<16xf32> to vector<16xi32>
        %add3A_356 = arith.constant 1.000000e+00 : f32
        %add3A_357 = vector.broadcast %add3A_356 : f32 to vector<16xf32>
        %add3A_358 = arith.addf %div3A_351, %add3A_357 : vector<16xf32>
        %convert_element_type3A_359 = arith.fptosi %add3A_358 : vector<16xf32> to vector<16xi32>
        %sub3A_360 = arith.constant 1 : i32
        %sub3A_361 = vector.broadcast %sub3A_360 : i32 to vector<16xi32>
        %sub3A_362 = arith.subi %convert_element_type3A_355, %sub3A_361 : vector<16xi32>
        %sub3A_363 = arith.constant 1 : i32
        %sub3A_364 = vector.broadcast %sub3A_363 : i32 to vector<16xi32>
        %sub3A_365 = arith.subi %convert_element_type3A_359, %sub3A_364 : vector<16xi32>
        %convert_element_type3A_366 = arith.sitofp %sub3A_362 : vector<16xi32> to vector<16xf32>
        %sub3A_367 = arith.subf %div3A_339, %convert_element_type3A_366 : vector<16xf32>
        %convert_element_type3A_368 = arith.sitofp %sub3A_365 : vector<16xi32> to vector<16xf32>
        %sub3A_369 = arith.subf %div3A_351, %convert_element_type3A_368 : vector<16xf32>
        %sub3A_370 = arith.constant 1.000000e+00 : f32
        %sub3A_371 = vector.broadcast %sub3A_370 : f32 to vector<16xf32>
        %sub3A_372 = arith.subf %sub3A_371, %sub3A_367 : vector<16xf32>
        %sub3A_373 = arith.constant 1.000000e+00 : f32
        %sub3A_374 = vector.broadcast %sub3A_373 : f32 to vector<16xf32>
        %sub3A_375 = arith.subf %sub3A_374, %sub3A_369 : vector<16xf32>
        %ge3A_376 = arith.constant 0 : i32
        %ge3A_377 = vector.broadcast %ge3A_376 : i32 to vector<16xi32>
        %ge3A_378 = arith.cmpi sge, %sub3A_362, %ge3A_377 : vector<16xi32>
        %jit3A_379 = arith.constant 0.000000e+00 : f32
        %broadcast_in_dim3A_380 = vector.broadcast %jit3A_379 : f32 to vector<16xf32>
        %select_n3A_381 = arith.select %ge3A_378, %sub3A_372, %broadcast_in_dim3A_380 : vector<16xi1>, vector<16xf32>
        %le3A_382 = arith.constant 2047 : i32
        %le3A_383 = vector.broadcast %le3A_382 : i32 to vector<16xi32>
        %le3A_384 = arith.cmpi sle, %convert_element_type3A_355, %le3A_383 : vector<16xi32>
        %jit3A_385 = arith.constant 0.000000e+00 : f32
        %broadcast_in_dim3A_386 = vector.broadcast %jit3A_385 : f32 to vector<16xf32>
        %select_n3A_387 = arith.select %le3A_384, %sub3A_367, %broadcast_in_dim3A_386 : vector<16xi1>, vector<16xf32>
        %ge3A_388 = arith.constant 0 : i32
        %ge3A_389 = vector.broadcast %ge3A_388 : i32 to vector<16xi32>
        %ge3A_390 = arith.cmpi sge, %sub3A_365, %ge3A_389 : vector<16xi32>
        %jit3A_391 = arith.constant 0.000000e+00 : f32
        %broadcast_in_dim3A_392 = vector.broadcast %jit3A_391 : f32 to vector<16xf32>
        %select_n3A_393 = arith.select %ge3A_390, %sub3A_375, %broadcast_in_dim3A_392 : vector<16xi1>, vector<16xf32>
        %le3A_394 = arith.constant 2047 : i32
        %le3A_395 = vector.broadcast %le3A_394 : i32 to vector<16xi32>
        %le3A_396 = arith.cmpi sle, %convert_element_type3A_359, %le3A_395 : vector<16xi32>
        %jit3A_397 = arith.constant 0.000000e+00 : f32
        %broadcast_in_dim3A_398 = vector.broadcast %jit3A_397 : f32 to vector<16xf32>
        %select_n3A_399 = arith.select %le3A_396, %sub3A_369, %broadcast_in_dim3A_398 : vector<16xi1>, vector<16xf32>
        %max3A_400 = arith.constant 0 : i32
        %max3A_401 = vector.broadcast %max3A_400 : i32 to vector<16xi32>
        %max3A_402 = arith.maxsi %sub3A_365, %max3A_401 : vector<16xi32>
        %min3A_403 = arith.constant 2047 : i32
        %min3A_404 = vector.broadcast %min3A_403 : i32 to vector<16xi32>
        %min3A_405 = arith.minsi %convert_element_type3A_359, %min3A_404 : vector<16xi32>
        %mul3A_406 = arith.constant 2048 : i32
        %mul3A_407 = vector.broadcast %mul3A_406 : i32 to vector<16xi32>
        %mul3A_408 = arith.muli %max3A_402, %mul3A_407 : vector<16xi32>
        %add3A_409 = arith.addi %mul3A_408, %convert_element_type3A_355 : vector<16xi32>
        %mul3A_410 = arith.constant 2048 : i32
        %mul3A_411 = vector.broadcast %mul3A_410 : i32 to vector<16xi32>
        %mul3A_412 = arith.muli %min3A_405, %mul3A_411 : vector<16xi32>
        %add3A_413 = arith.addi %mul3A_412, %convert_element_type3A_355 : vector<16xi32>
        %swap3A_414 = arith.index_cast %mul3A_188 : i32 to index
        %swap3A_415 = tpu.vector_load %arg31[%swap3A_414] {strides = array<i32>} : memref<2048xi32, #tpu.memory_space<vmem>>, vector<16xi32>,
        %swap3A_416 = vector.shape_cast %swap3A_415 : vector<16xi32> to vector<16xi32>
        %swap3A_417 = vector.shape_cast %add3A_409 : vector<16xi32> to vector<16xi32>
        tpu.vector_store %arg31[%swap3A_414], %swap3A_417 {strides = array<i32>} : memref<2048xi32, #tpu.memory_space<vmem>>, vector<16xi32>,
        %swap3A_418 = arith.index_cast %mul3A_188 : i32 to index
        %swap3A_419 = tpu.vector_load %arg32[%swap3A_418] {strides = array<i32>} : memref<2048xi32, #tpu.memory_space<vmem>>, vector<16xi32>,
        %swap3A_420 = vector.shape_cast %swap3A_419 : vector<16xi32> to vector<16xi32>
        %swap3A_421 = vector.shape_cast %add3A_413 : vector<16xi32> to vector<16xi32>
        tpu.vector_store %arg32[%swap3A_418], %swap3A_421 {strides = array<i32>} : memref<2048xi32, #tpu.memory_space<vmem>>, vector<16xi32>,
        %mul3A_422 = arith.mulf %select_n3A_393, %select_n3A_381 : vector<16xf32>
        %mul3A_423 = arith.mulf %select_n3A_393, %select_n3A_387 : vector<16xf32>
        %bitcast_convert_type3A_424 = tpu.bitcast %mul3A_422 : vector<16xf32> -> vector<16xi32>
        %bitcast_convert_type3A_425 = tpu.bitcast %mul3A_423 : vector<16xf32> -> vector<16xi32>
        %shift_right_logical3A_426 = arith.constant 16 : i32
        %shift_right_logical3A_427 = vector.broadcast %shift_right_logical3A_426 : i32 to vector<16xi32>
        %shift_right_logical3A_428 = arith.shrui %bitcast_convert_type3A_424, %shift_right_logical3A_427 : vector<16xi32>
        %and3A_429 = arith.constant 65535 : i32
        %and3A_430 = vector.broadcast %and3A_429 : i32 to vector<16xi32>
        %and3A_431 = arith.andi %shift_right_logical3A_428, %and3A_430 : vector<16xi32>
        %and3A_432 = arith.constant -65536 : i32
        %and3A_433 = vector.broadcast %and3A_432 : i32 to vector<16xi32>
        %and3A_434 = arith.andi %bitcast_convert_type3A_425, %and3A_433 : vector<16xi32>
        %or3A_435 = arith.ori %and3A_431, %and3A_434 : vector<16xi32>
        %swap3A_436 = arith.constant 2 : i32
        %swap3A_437 = arith.index_cast %swap3A_436 : i32 to index
        %swap3A_438 = arith.index_cast %mul3A_188 : i32 to index
        %swap3A_439 = tpu.vector_load %arg45[%swap3A_437, %swap3A_438] {strides = array<i32>} : memref<8x2048xi32, #tpu.memory_space<vmem>>, vector<1x16xi32>,
        %swap3A_440 = vector.shape_cast %swap3A_439 : vector<1x16xi32> to vector<16xi32>
        %swap3A_441 = vector.shape_cast %or3A_435 : vector<16xi32> to vector<1x16xi32>
        tpu.vector_store %arg45[%swap3A_437, %swap3A_438], %swap3A_441 {strides = array<i32>} : memref<8x2048xi32, #tpu.memory_space<vmem>>, vector<1x16xi32>,
        %mul3A_442 = arith.mulf %select_n3A_399, %select_n3A_381 : vector<16xf32>
        %mul3A_443 = arith.mulf %select_n3A_399, %select_n3A_387 : vector<16xf32>
        %bitcast_convert_type3A_444 = tpu.bitcast %mul3A_442 : vector<16xf32> -> vector<16xi32>
        %bitcast_convert_type3A_445 = tpu.bitcast %mul3A_443 : vector<16xf32> -> vector<16xi32>
        %shift_right_logical3A_446 = arith.constant 16 : i32
        %shift_right_logical3A_447 = vector.broadcast %shift_right_logical3A_446 : i32 to vector<16xi32>
        %shift_right_logical3A_448 = arith.shrui %bitcast_convert_type3A_444, %shift_right_logical3A_447 : vector<16xi32>
        %and3A_449 = arith.constant 65535 : i32
        %and3A_450 = vector.broadcast %and3A_449 : i32 to vector<16xi32>
        %and3A_451 = arith.andi %shift_right_logical3A_448, %and3A_450 : vector<16xi32>
        %and3A_452 = arith.constant -65536 : i32
        %and3A_453 = vector.broadcast %and3A_452 : i32 to vector<16xi32>
        %and3A_454 = arith.andi %bitcast_convert_type3A_445, %and3A_453 : vector<16xi32>
        %or3A_455 = arith.ori %and3A_451, %and3A_454 : vector<16xi32>
        %swap3A_456 = arith.constant 3 : i32
        %swap3A_457 = arith.index_cast %swap3A_456 : i32 to index
        %swap3A_458 = arith.index_cast %mul3A_188 : i32 to index
        %swap3A_459 = tpu.vector_load %arg45[%swap3A_457, %swap3A_458] {strides = array<i32>} : memref<8x2048xi32, #tpu.memory_space<vmem>>, vector<1x16xi32>,
        %swap3A_460 = vector.shape_cast %swap3A_459 : vector<1x16xi32> to vector<16xi32>
        %swap3A_461 = vector.shape_cast %or3A_455 : vector<16xi32> to vector<1x16xi32>
        tpu.vector_store %arg45[%swap3A_457, %swap3A_458], %swap3A_461 {strides = array<i32>} : memref<8x2048xi32, #tpu.memory_space<vmem>>, vector<1x16xi32>,
        %add3A_462 = arith.constant 1.000000e+00 : f32
        %add3A_463 = vector.broadcast %add3A_462 : f32 to vector<16xf32>
        %add3A_464 = arith.addf %sub3A_199, %add3A_463 : vector<16xf32>
        %mul3A_465 = arith.constant 1.024000e+03 : f32
        %mul3A_466 = vector.broadcast %mul3A_465 : f32 to vector<16xf32>
        %mul3A_467 = arith.mulf %add3A_464, %mul3A_466 : vector<16xf32>
        %sub3A_468 = arith.constant 1.000000e+00 : f32
        %sub3A_469 = vector.broadcast %sub3A_468 : f32 to vector<16xf32>
        %sub3A_470 = arith.subf %mul3A_467, %sub3A_469 : vector<16xf32>
        %div3A_471 = arith.constant 2.000000e+00 : f32
        %div3A_472 = vector.broadcast %div3A_471 : f32 to vector<16xf32>
        %div3A_473 = arith.divf %sub3A_470, %div3A_472 : vector<16xf32>
        %add3A_474 = arith.constant 1.000000e+00 : f32
        %add3A_475 = vector.broadcast %add3A_474 : f32 to vector<16xf32>
        %add3A_476 = arith.addf %sub3A_205, %add3A_475 : vector<16xf32>
        %mul3A_477 = arith.constant 1.024000e+03 : f32
        %mul3A_478 = vector.broadcast %mul3A_477 : f32 to vector<16xf32>
        %mul3A_479 = arith.mulf %add3A_476, %mul3A_478 : vector<16xf32>
        %sub3A_480 = arith.constant 1.000000e+00 : f32
        %sub3A_481 = vector.broadcast %sub3A_480 : f32 to vector<16xf32>
        %sub3A_482 = arith.subf %mul3A_479, %sub3A_481 : vector<16xf32>
        %div3A_483 = arith.constant 2.000000e+00 : f32
        %div3A_484 = vector.broadcast %div3A_483 : f32 to vector<16xf32>
        %div3A_485 = arith.divf %sub3A_482, %div3A_484 : vector<16xf32>
        %add3A_486 = arith.constant 1.000000e+00 : f32
        %add3A_487 = vector.broadcast %add3A_486 : f32 to vector<16xf32>
        %add3A_488 = arith.addf %div3A_473, %add3A_487 : vector<16xf32>
        %convert_element_type3A_489 = arith.fptosi %add3A_488 : vector<16xf32> to vector<16xi32>
        %add3A_490 = arith.constant 1.000000e+00 : f32
        %add3A_491 = vector.broadcast %add3A_490 : f32 to vector<16xf32>
        %add3A_492 = arith.addf %div3A_485, %add3A_491 : vector<16xf32>
        %convert_element_type3A_493 = arith.fptosi %add3A_492 : vector<16xf32> to vector<16xi32>
        %sub3A_494 = arith.constant 1 : i32
        %sub3A_495 = vector.broadcast %sub3A_494 : i32 to vector<16xi32>
        %sub3A_496 = arith.subi %convert_element_type3A_489, %sub3A_495 : vector<16xi32>
        %sub3A_497 = arith.constant 1 : i32
        %sub3A_498 = vector.broadcast %sub3A_497 : i32 to vector<16xi32>
        %sub3A_499 = arith.subi %convert_element_type3A_493, %sub3A_498 : vector<16xi32>
        %convert_element_type3A_500 = arith.sitofp %sub3A_496 : vector<16xi32> to vector<16xf32>
        %sub3A_501 = arith.subf %div3A_473, %convert_element_type3A_500 : vector<16xf32>
        %convert_element_type3A_502 = arith.sitofp %sub3A_499 : vector<16xi32> to vector<16xf32>
        %sub3A_503 = arith.subf %div3A_485, %convert_element_type3A_502 : vector<16xf32>
        %sub3A_504 = arith.constant 1.000000e+00 : f32
        %sub3A_505 = vector.broadcast %sub3A_504 : f32 to vector<16xf32>
        %sub3A_506 = arith.subf %sub3A_505, %sub3A_501 : vector<16xf32>
        %sub3A_507 = arith.constant 1.000000e+00 : f32
        %sub3A_508 = vector.broadcast %sub3A_507 : f32 to vector<16xf32>
        %sub3A_509 = arith.subf %sub3A_508, %sub3A_503 : vector<16xf32>
        %ge3A_510 = arith.constant 0 : i32
        %ge3A_511 = vector.broadcast %ge3A_510 : i32 to vector<16xi32>
        %ge3A_512 = arith.cmpi sge, %sub3A_496, %ge3A_511 : vector<16xi32>
        %jit3A_513 = arith.constant 0.000000e+00 : f32
        %broadcast_in_dim3A_514 = vector.broadcast %jit3A_513 : f32 to vector<16xf32>
        %select_n3A_515 = arith.select %ge3A_512, %sub3A_506, %broadcast_in_dim3A_514 : vector<16xi1>, vector<16xf32>
        %le3A_516 = arith.constant 1023 : i32
        %le3A_517 = vector.broadcast %le3A_516 : i32 to vector<16xi32>
        %le3A_518 = arith.cmpi sle, %convert_element_type3A_489, %le3A_517 : vector<16xi32>
        %jit3A_519 = arith.constant 0.000000e+00 : f32
        %broadcast_in_dim3A_520 = vector.broadcast %jit3A_519 : f32 to vector<16xf32>
        %select_n3A_521 = arith.select %le3A_518, %sub3A_501, %broadcast_in_dim3A_520 : vector<16xi1>, vector<16xf32>
        %ge3A_522 = arith.constant 0 : i32
        %ge3A_523 = vector.broadcast %ge3A_522 : i32 to vector<16xi32>
        %ge3A_524 = arith.cmpi sge, %sub3A_499, %ge3A_523 : vector<16xi32>
        %jit3A_525 = arith.constant 0.000000e+00 : f32
        %broadcast_in_dim3A_526 = vector.broadcast %jit3A_525 : f32 to vector<16xf32>
        %select_n3A_527 = arith.select %ge3A_524, %sub3A_509, %broadcast_in_dim3A_526 : vector<16xi1>, vector<16xf32>
        %le3A_528 = arith.constant 1023 : i32
        %le3A_529 = vector.broadcast %le3A_528 : i32 to vector<16xi32>
        %le3A_530 = arith.cmpi sle, %convert_element_type3A_493, %le3A_529 : vector<16xi32>
        %jit3A_531 = arith.constant 0.000000e+00 : f32
        %broadcast_in_dim3A_532 = vector.broadcast %jit3A_531 : f32 to vector<16xf32>
        %select_n3A_533 = arith.select %le3A_530, %sub3A_503, %broadcast_in_dim3A_532 : vector<16xi1>, vector<16xf32>
        %max3A_534 = arith.constant 0 : i32
        %max3A_535 = vector.broadcast %max3A_534 : i32 to vector<16xi32>
        %max3A_536 = arith.maxsi %sub3A_499, %max3A_535 : vector<16xi32>
        %min3A_537 = arith.constant 1023 : i32
        %min3A_538 = vector.broadcast %min3A_537 : i32 to vector<16xi32>
        %min3A_539 = arith.minsi %convert_element_type3A_493, %min3A_538 : vector<16xi32>
        %mul3A_540 = arith.constant 1024 : i32
        %mul3A_541 = vector.broadcast %mul3A_540 : i32 to vector<16xi32>
        %mul3A_542 = arith.muli %max3A_536, %mul3A_541 : vector<16xi32>
        %add3A_543 = arith.addi %mul3A_542, %convert_element_type3A_489 : vector<16xi32>
        %mul3A_544 = arith.constant 1024 : i32
        %mul3A_545 = vector.broadcast %mul3A_544 : i32 to vector<16xi32>
        %mul3A_546 = arith.muli %min3A_539, %mul3A_545 : vector<16xi32>
        %add3A_547 = arith.addi %mul3A_546, %convert_element_type3A_489 : vector<16xi32>
        %swap3A_548 = arith.index_cast %mul3A_188 : i32 to index
        %swap3A_549 = tpu.vector_load %arg33[%swap3A_548] {strides = array<i32>} : memref<2048xi32, #tpu.memory_space<vmem>>, vector<16xi32>,
        %swap3A_550 = vector.shape_cast %swap3A_549 : vector<16xi32> to vector<16xi32>
        %swap3A_551 = vector.shape_cast %add3A_543 : vector<16xi32> to vector<16xi32>
        tpu.vector_store %arg33[%swap3A_548], %swap3A_551 {strides = array<i32>} : memref<2048xi32, #tpu.memory_space<vmem>>, vector<16xi32>,
        %swap3A_552 = arith.index_cast %mul3A_188 : i32 to index
        %swap3A_553 = tpu.vector_load %arg34[%swap3A_552] {strides = array<i32>} : memref<2048xi32, #tpu.memory_space<vmem>>, vector<16xi32>,
        %swap3A_554 = vector.shape_cast %swap3A_553 : vector<16xi32> to vector<16xi32>
        %swap3A_555 = vector.shape_cast %add3A_547 : vector<16xi32> to vector<16xi32>
        tpu.vector_store %arg34[%swap3A_552], %swap3A_555 {strides = array<i32>} : memref<2048xi32, #tpu.memory_space<vmem>>, vector<16xi32>,
        %mul3A_556 = arith.mulf %select_n3A_527, %select_n3A_515 : vector<16xf32>
        %mul3A_557 = arith.mulf %select_n3A_527, %select_n3A_521 : vector<16xf32>
        %bitcast_convert_type3A_558 = tpu.bitcast %mul3A_556 : vector<16xf32> -> vector<16xi32>
        %bitcast_convert_type3A_559 = tpu.bitcast %mul3A_557 : vector<16xf32> -> vector<16xi32>
        %shift_right_logical3A_560 = arith.constant 16 : i32
        %shift_right_logical3A_561 = vector.broadcast %shift_right_logical3A_560 : i32 to vector<16xi32>
        %shift_right_logical3A_562 = arith.shrui %bitcast_convert_type3A_558, %shift_right_logical3A_561 : vector<16xi32>
        %and3A_563 = arith.constant 65535 : i32
        %and3A_564 = vector.broadcast %and3A_563 : i32 to vector<16xi32>
        %and3A_565 = arith.andi %shift_right_logical3A_562, %and3A_564 : vector<16xi32>
        %and3A_566 = arith.constant -65536 : i32
        %and3A_567 = vector.broadcast %and3A_566 : i32 to vector<16xi32>
        %and3A_568 = arith.andi %bitcast_convert_type3A_559, %and3A_567 : vector<16xi32>
        %or3A_569 = arith.ori %and3A_565, %and3A_568 : vector<16xi32>
        %swap3A_570 = arith.constant 4 : i32
        %swap3A_571 = arith.index_cast %swap3A_570 : i32 to index
        %swap3A_572 = arith.index_cast %mul3A_188 : i32 to index
        %swap3A_573 = tpu.vector_load %arg45[%swap3A_571, %swap3A_572] {strides = array<i32>} : memref<8x2048xi32, #tpu.memory_space<vmem>>, vector<1x16xi32>,
        %swap3A_574 = vector.shape_cast %swap3A_573 : vector<1x16xi32> to vector<16xi32>
        %swap3A_575 = vector.shape_cast %or3A_569 : vector<16xi32> to vector<1x16xi32>
        tpu.vector_store %arg45[%swap3A_571, %swap3A_572], %swap3A_575 {strides = array<i32>} : memref<8x2048xi32, #tpu.memory_space<vmem>>, vector<1x16xi32>,
        %mul3A_576 = arith.mulf %select_n3A_533, %select_n3A_515 : vector<16xf32>
        %mul3A_577 = arith.mulf %select_n3A_533, %select_n3A_521 : vector<16xf32>
        %bitcast_convert_type3A_578 = tpu.bitcast %mul3A_576 : vector<16xf32> -> vector<16xi32>
        %bitcast_convert_type3A_579 = tpu.bitcast %mul3A_577 : vector<16xf32> -> vector<16xi32>
        %shift_right_logical3A_580 = arith.constant 16 : i32
        %shift_right_logical3A_581 = vector.broadcast %shift_right_logical3A_580 : i32 to vector<16xi32>
        %shift_right_logical3A_582 = arith.shrui %bitcast_convert_type3A_578, %shift_right_logical3A_581 : vector<16xi32>
        %and3A_583 = arith.constant 65535 : i32
        %and3A_584 = vector.broadcast %and3A_583 : i32 to vector<16xi32>
        %and3A_585 = arith.andi %shift_right_logical3A_582, %and3A_584 : vector<16xi32>
        %and3A_586 = arith.constant -65536 : i32
        %and3A_587 = vector.broadcast %and3A_586 : i32 to vector<16xi32>
        %and3A_588 = arith.andi %bitcast_convert_type3A_579, %and3A_587 : vector<16xi32>
        %or3A_589 = arith.ori %and3A_585, %and3A_588 : vector<16xi32>
        %swap3A_590 = arith.constant 5 : i32
        %swap3A_591 = arith.index_cast %swap3A_590 : i32 to index
        %swap3A_592 = arith.index_cast %mul3A_188 : i32 to index
        %swap3A_593 = tpu.vector_load %arg45[%swap3A_591, %swap3A_592] {strides = array<i32>} : memref<8x2048xi32, #tpu.memory_space<vmem>>, vector<1x16xi32>,
        %swap3A_594 = vector.shape_cast %swap3A_593 : vector<1x16xi32> to vector<16xi32>
        %swap3A_595 = vector.shape_cast %or3A_589 : vector<16xi32> to vector<1x16xi32>
        tpu.vector_store %arg45[%swap3A_591, %swap3A_592], %swap3A_595 {strides = array<i32>} : memref<8x2048xi32, #tpu.memory_space<vmem>>, vector<1x16xi32>,
        %add3A_596 = arith.constant 1.000000e+00 : f32
        %add3A_597 = vector.broadcast %add3A_596 : f32 to vector<16xf32>
        %add3A_598 = arith.addf %sub3A_199, %add3A_597 : vector<16xf32>
        %mul3A_599 = arith.constant 5.120000e+02 : f32
        %mul3A_600 = vector.broadcast %mul3A_599 : f32 to vector<16xf32>
        %mul3A_601 = arith.mulf %add3A_598, %mul3A_600 : vector<16xf32>
        %sub3A_602 = arith.constant 1.000000e+00 : f32
        %sub3A_603 = vector.broadcast %sub3A_602 : f32 to vector<16xf32>
        %sub3A_604 = arith.subf %mul3A_601, %sub3A_603 : vector<16xf32>
        %div3A_605 = arith.constant 2.000000e+00 : f32
        %div3A_606 = vector.broadcast %div3A_605 : f32 to vector<16xf32>
        %div3A_607 = arith.divf %sub3A_604, %div3A_606 : vector<16xf32>
        %add3A_608 = arith.constant 1.000000e+00 : f32
        %add3A_609 = vector.broadcast %add3A_608 : f32 to vector<16xf32>
        %add3A_610 = arith.addf %sub3A_205, %add3A_609 : vector<16xf32>
        %mul3A_611 = arith.constant 5.120000e+02 : f32
        %mul3A_612 = vector.broadcast %mul3A_611 : f32 to vector<16xf32>
        %mul3A_613 = arith.mulf %add3A_610, %mul3A_612 : vector<16xf32>
        %sub3A_614 = arith.constant 1.000000e+00 : f32
        %sub3A_615 = vector.broadcast %sub3A_614 : f32 to vector<16xf32>
        %sub3A_616 = arith.subf %mul3A_613, %sub3A_615 : vector<16xf32>
        %div3A_617 = arith.constant 2.000000e+00 : f32
        %div3A_618 = vector.broadcast %div3A_617 : f32 to vector<16xf32>
        %div3A_619 = arith.divf %sub3A_616, %div3A_618 : vector<16xf32>
        %add3A_620 = arith.constant 1.000000e+00 : f32
        %add3A_621 = vector.broadcast %add3A_620 : f32 to vector<16xf32>
        %add3A_622 = arith.addf %div3A_607, %add3A_621 : vector<16xf32>
        %convert_element_type3A_623 = arith.fptosi %add3A_622 : vector<16xf32> to vector<16xi32>
        %add3A_624 = arith.constant 1.000000e+00 : f32
        %add3A_625 = vector.broadcast %add3A_624 : f32 to vector<16xf32>
        %add3A_626 = arith.addf %div3A_619, %add3A_625 : vector<16xf32>
        %convert_element_type3A_627 = arith.fptosi %add3A_626 : vector<16xf32> to vector<16xi32>
        %sub3A_628 = arith.constant 1 : i32
        %sub3A_629 = vector.broadcast %sub3A_628 : i32 to vector<16xi32>
        %sub3A_630 = arith.subi %convert_element_type3A_623, %sub3A_629 : vector<16xi32>
        %sub3A_631 = arith.constant 1 : i32
        %sub3A_632 = vector.broadcast %sub3A_631 : i32 to vector<16xi32>
        %sub3A_633 = arith.subi %convert_element_type3A_627, %sub3A_632 : vector<16xi32>
        %convert_element_type3A_634 = arith.sitofp %sub3A_630 : vector<16xi32> to vector<16xf32>
        %sub3A_635 = arith.subf %div3A_607, %convert_element_type3A_634 : vector<16xf32>
        %convert_element_type3A_636 = arith.sitofp %sub3A_633 : vector<16xi32> to vector<16xf32>
        %sub3A_637 = arith.subf %div3A_619, %convert_element_type3A_636 : vector<16xf32>
        %sub3A_638 = arith.constant 1.000000e+00 : f32
        %sub3A_639 = vector.broadcast %sub3A_638 : f32 to vector<16xf32>
        %sub3A_640 = arith.subf %sub3A_639, %sub3A_635 : vector<16xf32>
        %sub3A_641 = arith.constant 1.000000e+00 : f32
        %sub3A_642 = vector.broadcast %sub3A_641 : f32 to vector<16xf32>
        %sub3A_643 = arith.subf %sub3A_642, %sub3A_637 : vector<16xf32>
        %ge3A_644 = arith.constant 0 : i32
        %ge3A_645 = vector.broadcast %ge3A_644 : i32 to vector<16xi32>
        %ge3A_646 = arith.cmpi sge, %sub3A_630, %ge3A_645 : vector<16xi32>
        %jit3A_647 = arith.constant 0.000000e+00 : f32
        %broadcast_in_dim3A_648 = vector.broadcast %jit3A_647 : f32 to vector<16xf32>
        %select_n3A_649 = arith.select %ge3A_646, %sub3A_640, %broadcast_in_dim3A_648 : vector<16xi1>, vector<16xf32>
        %le3A_650 = arith.constant 511 : i32
        %le3A_651 = vector.broadcast %le3A_650 : i32 to vector<16xi32>
        %le3A_652 = arith.cmpi sle, %convert_element_type3A_623, %le3A_651 : vector<16xi32>
        %jit3A_653 = arith.constant 0.000000e+00 : f32
        %broadcast_in_dim3A_654 = vector.broadcast %jit3A_653 : f32 to vector<16xf32>
        %select_n3A_655 = arith.select %le3A_652, %sub3A_635, %broadcast_in_dim3A_654 : vector<16xi1>, vector<16xf32>
        %ge3A_656 = arith.constant 0 : i32
        %ge3A_657 = vector.broadcast %ge3A_656 : i32 to vector<16xi32>
        %ge3A_658 = arith.cmpi sge, %sub3A_633, %ge3A_657 : vector<16xi32>
        %jit3A_659 = arith.constant 0.000000e+00 : f32
        %broadcast_in_dim3A_660 = vector.broadcast %jit3A_659 : f32 to vector<16xf32>
        %select_n3A_661 = arith.select %ge3A_658, %sub3A_643, %broadcast_in_dim3A_660 : vector<16xi1>, vector<16xf32>
        %le3A_662 = arith.constant 511 : i32
        %le3A_663 = vector.broadcast %le3A_662 : i32 to vector<16xi32>
        %le3A_664 = arith.cmpi sle, %convert_element_type3A_627, %le3A_663 : vector<16xi32>
        %jit3A_665 = arith.constant 0.000000e+00 : f32
        %broadcast_in_dim3A_666 = vector.broadcast %jit3A_665 : f32 to vector<16xf32>
        %select_n3A_667 = arith.select %le3A_664, %sub3A_637, %broadcast_in_dim3A_666 : vector<16xi1>, vector<16xf32>
        %max3A_668 = arith.constant 0 : i32
        %max3A_669 = vector.broadcast %max3A_668 : i32 to vector<16xi32>
        %max3A_670 = arith.maxsi %sub3A_633, %max3A_669 : vector<16xi32>
        %min3A_671 = arith.constant 511 : i32
        %min3A_672 = vector.broadcast %min3A_671 : i32 to vector<16xi32>
        %min3A_673 = arith.minsi %convert_element_type3A_627, %min3A_672 : vector<16xi32>
        %mul3A_674 = arith.constant 512 : i32
        %mul3A_675 = vector.broadcast %mul3A_674 : i32 to vector<16xi32>
        %mul3A_676 = arith.muli %max3A_670, %mul3A_675 : vector<16xi32>
        %add3A_677 = arith.addi %mul3A_676, %convert_element_type3A_623 : vector<16xi32>
        %mul3A_678 = arith.constant 512 : i32
        %mul3A_679 = vector.broadcast %mul3A_678 : i32 to vector<16xi32>
        %mul3A_680 = arith.muli %min3A_673, %mul3A_679 : vector<16xi32>
        %add3A_681 = arith.addi %mul3A_680, %convert_element_type3A_623 : vector<16xi32>
        %swap3A_682 = arith.index_cast %mul3A_188 : i32 to index
        %swap3A_683 = tpu.vector_load %arg35[%swap3A_682] {strides = array<i32>} : memref<2048xi32, #tpu.memory_space<vmem>>, vector<16xi32>,
        %swap3A_684 = vector.shape_cast %swap3A_683 : vector<16xi32> to vector<16xi32>
        %swap3A_685 = vector.shape_cast %add3A_677 : vector<16xi32> to vector<16xi32>
        tpu.vector_store %arg35[%swap3A_682], %swap3A_685 {strides = array<i32>} : memref<2048xi32, #tpu.memory_space<vmem>>, vector<16xi32>,
        %swap3A_686 = arith.index_cast %mul3A_188 : i32 to index
        %swap3A_687 = tpu.vector_load %arg36[%swap3A_686] {strides = array<i32>} : memref<2048xi32, #tpu.memory_space<vmem>>, vector<16xi32>,
        %swap3A_688 = vector.shape_cast %swap3A_687 : vector<16xi32> to vector<16xi32>
        %swap3A_689 = vector.shape_cast %add3A_681 : vector<16xi32> to vector<16xi32>
        tpu.vector_store %arg36[%swap3A_686], %swap3A_689 {strides = array<i32>} : memref<2048xi32, #tpu.memory_space<vmem>>, vector<16xi32>,
        %mul3A_690 = arith.mulf %select_n3A_661, %select_n3A_649 : vector<16xf32>
        %mul3A_691 = arith.mulf %select_n3A_661, %select_n3A_655 : vector<16xf32>
        %bitcast_convert_type3A_692 = tpu.bitcast %mul3A_690 : vector<16xf32> -> vector<16xi32>
        %bitcast_convert_type3A_693 = tpu.bitcast %mul3A_691 : vector<16xf32> -> vector<16xi32>
        %shift_right_logical3A_694 = arith.constant 16 : i32
        %shift_right_logical3A_695 = vector.broadcast %shift_right_logical3A_694 : i32 to vector<16xi32>
        %shift_right_logical3A_696 = arith.shrui %bitcast_convert_type3A_692, %shift_right_logical3A_695 : vector<16xi32>
        %and3A_697 = arith.constant 65535 : i32
        %and3A_698 = vector.broadcast %and3A_697 : i32 to vector<16xi32>
        %and3A_699 = arith.andi %shift_right_logical3A_696, %and3A_698 : vector<16xi32>
        %and3A_700 = arith.constant -65536 : i32
        %and3A_701 = vector.broadcast %and3A_700 : i32 to vector<16xi32>
        %and3A_702 = arith.andi %bitcast_convert_type3A_693, %and3A_701 : vector<16xi32>
        %or3A_703 = arith.ori %and3A_699, %and3A_702 : vector<16xi32>
        %swap3A_704 = arith.constant 6 : i32
        %swap3A_705 = arith.index_cast %swap3A_704 : i32 to index
        %swap3A_706 = arith.index_cast %mul3A_188 : i32 to index
        %swap3A_707 = tpu.vector_load %arg45[%swap3A_705, %swap3A_706] {strides = array<i32>} : memref<8x2048xi32, #tpu.memory_space<vmem>>, vector<1x16xi32>,
        %swap3A_708 = vector.shape_cast %swap3A_707 : vector<1x16xi32> to vector<16xi32>
        %swap3A_709 = vector.shape_cast %or3A_703 : vector<16xi32> to vector<1x16xi32>
        tpu.vector_store %arg45[%swap3A_705, %swap3A_706], %swap3A_709 {strides = array<i32>} : memref<8x2048xi32, #tpu.memory_space<vmem>>, vector<1x16xi32>,
        %mul3A_710 = arith.mulf %select_n3A_667, %select_n3A_649 : vector<16xf32>
        %mul3A_711 = arith.mulf %select_n3A_667, %select_n3A_655 : vector<16xf32>
        %bitcast_convert_type3A_712 = tpu.bitcast %mul3A_710 : vector<16xf32> -> vector<16xi32>
        %bitcast_convert_type3A_713 = tpu.bitcast %mul3A_711 : vector<16xf32> -> vector<16xi32>
        %shift_right_logical3A_714 = arith.constant 16 : i32
        %shift_right_logical3A_715 = vector.broadcast %shift_right_logical3A_714 : i32 to vector<16xi32>
        %shift_right_logical3A_716 = arith.shrui %bitcast_convert_type3A_712, %shift_right_logical3A_715 : vector<16xi32>
        %and3A_717 = arith.constant 65535 : i32
        %and3A_718 = vector.broadcast %and3A_717 : i32 to vector<16xi32>
        %and3A_719 = arith.andi %shift_right_logical3A_716, %and3A_718 : vector<16xi32>
        %and3A_720 = arith.constant -65536 : i32
        %and3A_721 = vector.broadcast %and3A_720 : i32 to vector<16xi32>
        %and3A_722 = arith.andi %bitcast_convert_type3A_713, %and3A_721 : vector<16xi32>
        %or3A_723 = arith.ori %and3A_719, %and3A_722 : vector<16xi32>
        %swap3A_724 = arith.constant 7 : i32
        %swap3A_725 = arith.index_cast %swap3A_724 : i32 to index
        %swap3A_726 = arith.index_cast %mul3A_188 : i32 to index
        %swap3A_727 = tpu.vector_load %arg45[%swap3A_725, %swap3A_726] {strides = array<i32>} : memref<8x2048xi32, #tpu.memory_space<vmem>>, vector<1x16xi32>,
        %swap3A_728 = vector.shape_cast %swap3A_727 : vector<1x16xi32> to vector<16xi32>
        %swap3A_729 = vector.shape_cast %or3A_723 : vector<16xi32> to vector<1x16xi32>
        tpu.vector_store %arg45[%swap3A_725, %swap3A_726], %swap3A_729 {strides = array<i32>} : memref<8x2048xi32, #tpu.memory_space<vmem>>, vector<1x16xi32>,
      }
      %scan3A_125 = arith.constant 128 : i32
      %dma_start3A_126 = arith.constant 0 : i32
      %dma_start3A_127 = tpu.memref_slice %arg2[%dma_start3A_126] : memref<16777217xi32, #tpu.memory_space<hbm>> -> memref<16777217xi32, #tpu.memory_space<hbm>>
      tpu.enqueue_indirect_dma source(%dma_start3A_127 : memref<16777217xi32, #tpu.memory_space<hbm>>) target(%arg37 : memref<2048xi32, #tpu.memory_space<vmem>>) offsets(%arg29 : memref<2048xi32, #tpu.memory_space<vmem>>) semaphore(%arg49 : memref<!tpu.dma_semaphore, #tpu.memory_space<semaphore_mem>>)
      %dma_start3A_128 = arith.constant 0 : i32
      %dma_start3A_129 = tpu.memref_slice %arg2[%dma_start3A_128] : memref<16777217xi32, #tpu.memory_space<hbm>> -> memref<16777217xi32, #tpu.memory_space<hbm>>
      tpu.enqueue_indirect_dma source(%dma_start3A_129 : memref<16777217xi32, #tpu.memory_space<hbm>>) target(%arg38 : memref<2048xi32, #tpu.memory_space<vmem>>) offsets(%arg30 : memref<2048xi32, #tpu.memory_space<vmem>>) semaphore(%arg49 : memref<!tpu.dma_semaphore, #tpu.memory_space<semaphore_mem>>)
      %dma_start3A_130 = arith.constant 0 : i32
      %dma_start3A_131 = tpu.memref_slice %arg3[%dma_start3A_130] : memref<4194305xi32, #tpu.memory_space<hbm>> -> memref<4194305xi32, #tpu.memory_space<hbm>>
      tpu.enqueue_indirect_dma source(%dma_start3A_131 : memref<4194305xi32, #tpu.memory_space<hbm>>) target(%arg39 : memref<2048xi32, #tpu.memory_space<vmem>>) offsets(%arg31 : memref<2048xi32, #tpu.memory_space<vmem>>) semaphore(%arg49 : memref<!tpu.dma_semaphore, #tpu.memory_space<semaphore_mem>>)
      %dma_start3A_132 = arith.constant 0 : i32
      %dma_start3A_133 = tpu.memref_slice %arg3[%dma_start3A_132] : memref<4194305xi32, #tpu.memory_space<hbm>> -> memref<4194305xi32, #tpu.memory_space<hbm>>
      tpu.enqueue_indirect_dma source(%dma_start3A_133 : memref<4194305xi32, #tpu.memory_space<hbm>>) target(%arg40 : memref<2048xi32, #tpu.memory_space<vmem>>) offsets(%arg32 : memref<2048xi32, #tpu.memory_space<vmem>>) semaphore(%arg49 : memref<!tpu.dma_semaphore, #tpu.memory_space<semaphore_mem>>)
      %dma_start3A_134 = arith.constant 0 : i32
      %dma_start3A_135 = tpu.memref_slice %arg4[%dma_start3A_134] : memref<1048577xi32, #tpu.memory_space<hbm>> -> memref<1048577xi32, #tpu.memory_space<hbm>>
      tpu.enqueue_indirect_dma source(%dma_start3A_135 : memref<1048577xi32, #tpu.memory_space<hbm>>) target(%arg41 : memref<2048xi32, #tpu.memory_space<vmem>>) offsets(%arg33 : memref<2048xi32, #tpu.memory_space<vmem>>) semaphore(%arg49 : memref<!tpu.dma_semaphore, #tpu.memory_space<semaphore_mem>>)
      %dma_start3A_136 = arith.constant 0 : i32
      %dma_start3A_137 = tpu.memref_slice %arg4[%dma_start3A_136] : memref<1048577xi32, #tpu.memory_space<hbm>> -> memref<1048577xi32, #tpu.memory_space<hbm>>
      tpu.enqueue_indirect_dma source(%dma_start3A_137 : memref<1048577xi32, #tpu.memory_space<hbm>>) target(%arg42 : memref<2048xi32, #tpu.memory_space<vmem>>) offsets(%arg34 : memref<2048xi32, #tpu.memory_space<vmem>>) semaphore(%arg49 : memref<!tpu.dma_semaphore, #tpu.memory_space<semaphore_mem>>)
      %dma_start3A_138 = arith.constant 0 : i32
      %dma_start3A_139 = tpu.memref_slice %arg5[%dma_start3A_138] : memref<262145xi32, #tpu.memory_space<hbm>> -> memref<262145xi32, #tpu.memory_space<hbm>>
      tpu.enqueue_indirect_dma source(%dma_start3A_139 : memref<262145xi32, #tpu.memory_space<hbm>>) target(%arg43 : memref<2048xi32, #tpu.memory_space<vmem>>) offsets(%arg35 : memref<2048xi32, #tpu.memory_space<vmem>>) semaphore(%arg49 : memref<!tpu.dma_semaphore, #tpu.memory_space<semaphore_mem>>)
      %dma_start3A_140 = arith.constant 0 : i32
      %dma_start3A_141 = tpu.memref_slice %arg5[%dma_start3A_140] : memref<262145xi32, #tpu.memory_space<hbm>> -> memref<262145xi32, #tpu.memory_space<hbm>>
      tpu.enqueue_indirect_dma source(%dma_start3A_141 : memref<262145xi32, #tpu.memory_space<hbm>>) target(%arg44 : memref<2048xi32, #tpu.memory_space<vmem>>) offsets(%arg36 : memref<2048xi32, #tpu.memory_space<vmem>>) semaphore(%arg49 : memref<!tpu.dma_semaphore, #tpu.memory_space<semaphore_mem>>)
      %add3A_142 = arith.constant 1 : i32
      %add3A_143 = arith.addi %add3A_107, %add3A_142 : i32
      %lt3A = arith.constant 16 : i32
      %lt3A_144 = arith.cmpi slt, %add3A_143, %lt3A : i32
      %convert_element_type3A = arith.extui %lt3A_144 : i1 to i32
      %cond3A = arith.constant 0 : i32
      %cond3A_145 = arith.cmpi ne, %convert_element_type3A, %cond3A : i32
      scf.if %cond3A_145 {
        %add3A_182 = arith.constant 1 : i32
        %add3A_183 = arith.addi %add3A_107, %add3A_182 : i32
        %mul3A_184 = arith.constant 2048 : i32
        %mul3A_185 = arith.muli %add3A_183, %mul3A_184 : i32
        %add3A_186 = arith.addi %mul3A_2, %mul3A_185 : i32
        %dma_start3A_187 = arith.constant 0 : i32
        %dma_start3A_188 = tpu.memref_slice %arg6[%dma_start3A_187, %add3A_186] : memref<2x1048576xf32, #tpu.memory_space<hbm>> -> memref<1x2048xf32, #tpu.memory_space<hbm>>
        %dma_start3A_189 = tpu.memref_squeeze %dma_start3A_188 : memref<1x2048xf32, #tpu.memory_space<hbm>> -> memref<2048xf32, #tpu.memory_space<hbm>>
        %dma_start3A_190 = tpu.memref_slice %arg6[%dma_start3A_187, %add3A_186] : memref<2x1048576xf32, #tpu.memory_space<hbm>> -> memref<1x2048xf32, #tpu.memory_space<hbm>>
        %dma_start3A_191 = tpu.memref_squeeze %dma_start3A_190 : memref<1x2048xf32, #tpu.memory_space<hbm>> -> memref<2048xf32, #tpu.memory_space<hbm>>
        tpu.enqueue_dma source(%dma_start3A_191 : memref<2048xf32, #tpu.memory_space<hbm>>) target(%arg8 : memref<2048xf32, #tpu.memory_space<vmem>>) target_semaphore(%arg50 : memref<!tpu.dma_semaphore, #tpu.memory_space<semaphore_mem>>)
        %dma_start3A_192 = arith.constant 1 : i32
        %dma_start3A_193 = tpu.memref_slice %arg6[%dma_start3A_192, %add3A_186] : memref<2x1048576xf32, #tpu.memory_space<hbm>> -> memref<1x2048xf32, #tpu.memory_space<hbm>>
        %dma_start3A_194 = tpu.memref_squeeze %dma_start3A_193 : memref<1x2048xf32, #tpu.memory_space<hbm>> -> memref<2048xf32, #tpu.memory_space<hbm>>
        %dma_start3A_195 = tpu.memref_slice %arg6[%dma_start3A_192, %add3A_186] : memref<2x1048576xf32, #tpu.memory_space<hbm>> -> memref<1x2048xf32, #tpu.memory_space<hbm>>
        %dma_start3A_196 = tpu.memref_squeeze %dma_start3A_195 : memref<1x2048xf32, #tpu.memory_space<hbm>> -> memref<2048xf32, #tpu.memory_space<hbm>>
        tpu.enqueue_dma source(%dma_start3A_196 : memref<2048xf32, #tpu.memory_space<hbm>>) target(%arg10 : memref<2048xf32, #tpu.memory_space<vmem>>) target_semaphore(%arg50 : memref<!tpu.dma_semaphore, #tpu.memory_space<semaphore_mem>>)
      } else {
      }
      %dma_wait3A_146 = arith.constant 0 : i32
      %dma_wait3A_147 = tpu.memref_slice %arg2[%dma_wait3A_146] : memref<16777217xi32, #tpu.memory_space<hbm>> -> memref<16777217xi32, #tpu.memory_space<hbm>>
      tpu.wait_indirect_dma semaphore(%arg48 : memref<!tpu.dma_semaphore, #tpu.memory_space<semaphore_mem>>) src(%dma_wait3A_147 : memref<16777217xi32, #tpu.memory_space<hbm>>) dst(%arg20 : memref<2048xi32, #tpu.memory_space<vmem>>)
      %dma_wait3A_148 = arith.constant 0 : i32
      %dma_wait3A_149 = tpu.memref_slice %arg2[%dma_wait3A_148] : memref<16777217xi32, #tpu.memory_space<hbm>> -> memref<16777217xi32, #tpu.memory_space<hbm>>
      tpu.wait_indirect_dma semaphore(%arg48 : memref<!tpu.dma_semaphore, #tpu.memory_space<semaphore_mem>>) src(%dma_wait3A_149 : memref<16777217xi32, #tpu.memory_space<hbm>>) dst(%arg21 : memref<2048xi32, #tpu.memory_space<vmem>>)
      %dma_wait3A_150 = arith.constant 0 : i32
      %dma_wait3A_151 = tpu.memref_slice %arg3[%dma_wait3A_150] : memref<4194305xi32, #tpu.memory_space<hbm>> -> memref<4194305xi32, #tpu.memory_space<hbm>>
      tpu.wait_indirect_dma semaphore(%arg48 : memref<!tpu.dma_semaphore, #tpu.memory_space<semaphore_mem>>) src(%dma_wait3A_151 : memref<4194305xi32, #tpu.memory_space<hbm>>) dst(%arg22 : memref<2048xi32, #tpu.memory_space<vmem>>)
      %dma_wait3A_152 = arith.constant 0 : i32
      %dma_wait3A_153 = tpu.memref_slice %arg3[%dma_wait3A_152] : memref<4194305xi32, #tpu.memory_space<hbm>> -> memref<4194305xi32, #tpu.memory_space<hbm>>
      tpu.wait_indirect_dma semaphore(%arg48 : memref<!tpu.dma_semaphore, #tpu.memory_space<semaphore_mem>>) src(%dma_wait3A_153 : memref<4194305xi32, #tpu.memory_space<hbm>>) dst(%arg23 : memref<2048xi32, #tpu.memory_space<vmem>>)
      %dma_wait3A_154 = arith.constant 0 : i32
      %dma_wait3A_155 = tpu.memref_slice %arg4[%dma_wait3A_154] : memref<1048577xi32, #tpu.memory_space<hbm>> -> memref<1048577xi32, #tpu.memory_space<hbm>>
      tpu.wait_indirect_dma semaphore(%arg48 : memref<!tpu.dma_semaphore, #tpu.memory_space<semaphore_mem>>) src(%dma_wait3A_155 : memref<1048577xi32, #tpu.memory_space<hbm>>) dst(%arg24 : memref<2048xi32, #tpu.memory_space<vmem>>)
      %dma_wait3A_156 = arith.constant 0 : i32
      %dma_wait3A_157 = tpu.memref_slice %arg4[%dma_wait3A_156] : memref<1048577xi32, #tpu.memory_space<hbm>> -> memref<1048577xi32, #tpu.memory_space<hbm>>
      tpu.wait_indirect_dma semaphore(%arg48 : memref<!tpu.dma_semaphore, #tpu.memory_space<semaphore_mem>>) src(%dma_wait3A_157 : memref<1048577xi32, #tpu.memory_space<hbm>>) dst(%arg25 : memref<2048xi32, #tpu.memory_space<vmem>>)
      %dma_wait3A_158 = arith.constant 0 : i32
      %dma_wait3A_159 = tpu.memref_slice %arg5[%dma_wait3A_158] : memref<262145xi32, #tpu.memory_space<hbm>> -> memref<262145xi32, #tpu.memory_space<hbm>>
      tpu.wait_indirect_dma semaphore(%arg48 : memref<!tpu.dma_semaphore, #tpu.memory_space<semaphore_mem>>) src(%dma_wait3A_159 : memref<262145xi32, #tpu.memory_space<hbm>>) dst(%arg26 : memref<2048xi32, #tpu.memory_space<vmem>>)
      %dma_wait3A_160 = arith.constant 0 : i32
      %dma_wait3A_161 = tpu.memref_slice %arg5[%dma_wait3A_160] : memref<262145xi32, #tpu.memory_space<hbm>> -> memref<262145xi32, #tpu.memory_space<hbm>>
      tpu.wait_indirect_dma semaphore(%arg48 : memref<!tpu.dma_semaphore, #tpu.memory_space<semaphore_mem>>) src(%dma_wait3A_161 : memref<262145xi32, #tpu.memory_space<hbm>>) dst(%arg27 : memref<2048xi32, #tpu.memory_space<vmem>>)
      %sub3A = arith.constant 1 : i32
      %sub3A_162 = arith.subi %add3A_107, %sub3A : i32
      %ge3A = arith.constant 2 : i32
      %ge3A_163 = arith.cmpi sge, %sub3A_162, %ge3A : i32
      %convert_element_type3A_164 = arith.extui %ge3A_163 : i1 to i32
      %cond3A_165 = arith.constant 0 : i32
      %cond3A_166 = arith.cmpi ne, %convert_element_type3A_164, %cond3A_165 : i32
      scf.if %cond3A_166 {
        %sub3A_182 = arith.constant 2 : i32
        %sub3A_183 = arith.subi %sub3A_162, %sub3A_182 : i32
        %mul3A_184 = arith.constant 2048 : i32
        %mul3A_185 = arith.muli %sub3A_183, %mul3A_184 : i32
        %add3A_186 = arith.addi %mul3A_2, %mul3A_185 : i32
        %dma_wait3A_187 = tpu.memref_slice %arg7[%add3A_186] : memref<1048576xf32, #tpu.memory_space<hbm>> -> memref<2048xf32, #tpu.memory_space<hbm>>
        %dma_wait3A_188 = tpu.memref_slice %arg7[%add3A_186] : memref<1048576xf32, #tpu.memory_space<hbm>> -> memref<2048xf32, #tpu.memory_space<hbm>>
        tpu.wait_dma2 semaphore(%arg52 : memref<!tpu.dma_semaphore, #tpu.memory_space<semaphore_mem>>) src(%arg46 : memref<2048xf32, #tpu.memory_space<vmem>>) dst(%dma_wait3A_188 : memref<2048xf32, #tpu.memory_space<hbm>>)
      } else {
      }
      %scan3A_167 = arith.constant 0 : i32
      %scan3A_168 = arith.constant 128 : i32
      %scan3A_169 = arith.addi %scan3A_167, %scan3A_168 : i32
      %scan3A_170 = arith.constant 1 : i32
      scf.for %scan3A_182 = %scan3A_167 to %scan3A_169 step %scan3A_170  : i32 {
        %mul3A_183 = arith.constant 1 : i32
        %mul3A_184 = arith.muli %scan3A_182, %mul3A_183 : i32
        %add3A_185 = arith.constant 0 : i32
        %add3A_186 = arith.addi %add3A_185, %mul3A_184 : i32
        %mul3A_187 = arith.constant 16 : i32
        %mul3A_188 = arith.muli %add3A_186, %mul3A_187 : i32
        %get3A = arith.index_cast %mul3A_188 : i32 to index
        %get3A_189 = tpu.vector_load %arg20[%get3A] {strides = array<i32>} : memref<2048xi32, #tpu.memory_space<vmem>>, vector<16xi32>,
        %get3A_190 = vector.shape_cast %get3A_189 : vector<16xi32> to vector<16xi32>
        %get3A_191 = arith.index_cast %mul3A_188 : i32 to index
        %get3A_192 = tpu.vector_load %arg21[%get3A_191] {strides = array<i32>} : memref<2048xi32, #tpu.memory_space<vmem>>, vector<16xi32>,
        %get3A_193 = vector.shape_cast %get3A_192 : vector<16xi32> to vector<16xi32>
        %get3A_194 = arith.constant 0 : i32
        %get3A_195 = arith.index_cast %get3A_194 : i32 to index
        %get3A_196 = arith.index_cast %mul3A_188 : i32 to index
        %get3A_197 = tpu.vector_load %arg28[%get3A_195, %get3A_196] {strides = array<i32>} : memref<8x2048xi32, #tpu.memory_space<vmem>>, vector<1x16xi32>,
        %get3A_198 = vector.shape_cast %get3A_197 : vector<1x16xi32> to vector<16xi32>
        %get3A_199 = arith.constant 1 : i32
        %get3A_200 = arith.index_cast %get3A_199 : i32 to index
        %get3A_201 = arith.index_cast %mul3A_188 : i32 to index
        %get3A_202 = tpu.vector_load %arg28[%get3A_200, %get3A_201] {strides = array<i32>} : memref<8x2048xi32, #tpu.memory_space<vmem>>, vector<1x16xi32>,
        %get3A_203 = vector.shape_cast %get3A_202 : vector<1x16xi32> to vector<16xi32>
        %shift_left3A = arith.constant 16 : i32
        %shift_left3A_204 = vector.broadcast %shift_left3A : i32 to vector<16xi32>
        %shift_left3A_205 = arith.shli %get3A_190, %shift_left3A_204 : vector<16xi32>
        %bitcast_convert_type3A = tpu.bitcast %shift_left3A_205 : vector<16xi32> -> vector<16xf32>
        %and3A = arith.constant -65536 : i32
        %and3A_206 = vector.broadcast %and3A : i32 to vector<16xi32>
        %and3A_207 = arith.andi %get3A_190, %and3A_206 : vector<16xi32>
        %bitcast_convert_type3A_208 = tpu.bitcast %and3A_207 : vector<16xi32> -> vector<16xf32>
        %shift_left3A_209 = arith.constant 16 : i32
        %shift_left3A_210 = vector.broadcast %shift_left3A_209 : i32 to vector<16xi32>
        %shift_left3A_211 = arith.shli %get3A_193, %shift_left3A_210 : vector<16xi32>
        %bitcast_convert_type3A_212 = tpu.bitcast %shift_left3A_211 : vector<16xi32> -> vector<16xf32>
        %and3A_213 = arith.constant -65536 : i32
        %and3A_214 = vector.broadcast %and3A_213 : i32 to vector<16xi32>
        %and3A_215 = arith.andi %get3A_193, %and3A_214 : vector<16xi32>
        %bitcast_convert_type3A_216 = tpu.bitcast %and3A_215 : vector<16xi32> -> vector<16xf32>
        %shift_left3A_217 = arith.constant 16 : i32
        %shift_left3A_218 = vector.broadcast %shift_left3A_217 : i32 to vector<16xi32>
        %shift_left3A_219 = arith.shli %get3A_198, %shift_left3A_218 : vector<16xi32>
        %bitcast_convert_type3A_220 = tpu.bitcast %shift_left3A_219 : vector<16xi32> -> vector<16xf32>
        %and3A_221 = arith.constant -65536 : i32
        %and3A_222 = vector.broadcast %and3A_221 : i32 to vector<16xi32>
        %and3A_223 = arith.andi %get3A_198, %and3A_222 : vector<16xi32>
        %bitcast_convert_type3A_224 = tpu.bitcast %and3A_223 : vector<16xi32> -> vector<16xf32>
        %shift_left3A_225 = arith.constant 16 : i32
        %shift_left3A_226 = vector.broadcast %shift_left3A_225 : i32 to vector<16xi32>
        %shift_left3A_227 = arith.shli %get3A_203, %shift_left3A_226 : vector<16xi32>
        %bitcast_convert_type3A_228 = tpu.bitcast %shift_left3A_227 : vector<16xi32> -> vector<16xf32>
        %and3A_229 = arith.constant -65536 : i32
        %and3A_230 = vector.broadcast %and3A_229 : i32 to vector<16xi32>
        %and3A_231 = arith.andi %get3A_203, %and3A_230 : vector<16xi32>
        %bitcast_convert_type3A_232 = tpu.bitcast %and3A_231 : vector<16xi32> -> vector<16xf32>
        %mul3A_233 = arith.mulf %bitcast_convert_type3A, %bitcast_convert_type3A_220 : vector<16xf32>
        %mul3A_234 = arith.mulf %bitcast_convert_type3A_208, %bitcast_convert_type3A_224 : vector<16xf32>
        %add3A_235 = arith.addf %mul3A_233, %mul3A_234 : vector<16xf32>
        %mul3A_236 = arith.mulf %bitcast_convert_type3A_212, %bitcast_convert_type3A_228 : vector<16xf32>
        %add3A_237 = arith.addf %add3A_235, %mul3A_236 : vector<16xf32>
        %mul3A_238 = arith.mulf %bitcast_convert_type3A_216, %bitcast_convert_type3A_232 : vector<16xf32>
        %add3A_239 = arith.addf %add3A_237, %mul3A_238 : vector<16xf32>
        %get3A_240 = arith.index_cast %mul3A_188 : i32 to index
        %get3A_241 = tpu.vector_load %arg22[%get3A_240] {strides = array<i32>} : memref<2048xi32, #tpu.memory_space<vmem>>, vector<16xi32>,
        %get3A_242 = vector.shape_cast %get3A_241 : vector<16xi32> to vector<16xi32>
        %get3A_243 = arith.index_cast %mul3A_188 : i32 to index
        %get3A_244 = tpu.vector_load %arg23[%get3A_243] {strides = array<i32>} : memref<2048xi32, #tpu.memory_space<vmem>>, vector<16xi32>,
        %get3A_245 = vector.shape_cast %get3A_244 : vector<16xi32> to vector<16xi32>
        %get3A_246 = arith.constant 2 : i32
        %get3A_247 = arith.index_cast %get3A_246 : i32 to index
        %get3A_248 = arith.index_cast %mul3A_188 : i32 to index
        %get3A_249 = tpu.vector_load %arg28[%get3A_247, %get3A_248] {strides = array<i32>} : memref<8x2048xi32, #tpu.memory_space<vmem>>, vector<1x16xi32>,
        %get3A_250 = vector.shape_cast %get3A_249 : vector<1x16xi32> to vector<16xi32>
        %get3A_251 = arith.constant 3 : i32
        %get3A_252 = arith.index_cast %get3A_251 : i32 to index
        %get3A_253 = arith.index_cast %mul3A_188 : i32 to index
        %get3A_254 = tpu.vector_load %arg28[%get3A_252, %get3A_253] {strides = array<i32>} : memref<8x2048xi32, #tpu.memory_space<vmem>>, vector<1x16xi32>,
        %get3A_255 = vector.shape_cast %get3A_254 : vector<1x16xi32> to vector<16xi32>
        %shift_left3A_256 = arith.constant 16 : i32
        %shift_left3A_257 = vector.broadcast %shift_left3A_256 : i32 to vector<16xi32>
        %shift_left3A_258 = arith.shli %get3A_242, %shift_left3A_257 : vector<16xi32>
        %bitcast_convert_type3A_259 = tpu.bitcast %shift_left3A_258 : vector<16xi32> -> vector<16xf32>
        %and3A_260 = arith.constant -65536 : i32
        %and3A_261 = vector.broadcast %and3A_260 : i32 to vector<16xi32>
        %and3A_262 = arith.andi %get3A_242, %and3A_261 : vector<16xi32>
        %bitcast_convert_type3A_263 = tpu.bitcast %and3A_262 : vector<16xi32> -> vector<16xf32>
        %shift_left3A_264 = arith.constant 16 : i32
        %shift_left3A_265 = vector.broadcast %shift_left3A_264 : i32 to vector<16xi32>
        %shift_left3A_266 = arith.shli %get3A_245, %shift_left3A_265 : vector<16xi32>
        %bitcast_convert_type3A_267 = tpu.bitcast %shift_left3A_266 : vector<16xi32> -> vector<16xf32>
        %and3A_268 = arith.constant -65536 : i32
        %and3A_269 = vector.broadcast %and3A_268 : i32 to vector<16xi32>
        %and3A_270 = arith.andi %get3A_245, %and3A_269 : vector<16xi32>
        %bitcast_convert_type3A_271 = tpu.bitcast %and3A_270 : vector<16xi32> -> vector<16xf32>
        %shift_left3A_272 = arith.constant 16 : i32
        %shift_left3A_273 = vector.broadcast %shift_left3A_272 : i32 to vector<16xi32>
        %shift_left3A_274 = arith.shli %get3A_250, %shift_left3A_273 : vector<16xi32>
        %bitcast_convert_type3A_275 = tpu.bitcast %shift_left3A_274 : vector<16xi32> -> vector<16xf32>
        %and3A_276 = arith.constant -65536 : i32
        %and3A_277 = vector.broadcast %and3A_276 : i32 to vector<16xi32>
        %and3A_278 = arith.andi %get3A_250, %and3A_277 : vector<16xi32>
        %bitcast_convert_type3A_279 = tpu.bitcast %and3A_278 : vector<16xi32> -> vector<16xf32>
        %shift_left3A_280 = arith.constant 16 : i32
        %shift_left3A_281 = vector.broadcast %shift_left3A_280 : i32 to vector<16xi32>
        %shift_left3A_282 = arith.shli %get3A_255, %shift_left3A_281 : vector<16xi32>
        %bitcast_convert_type3A_283 = tpu.bitcast %shift_left3A_282 : vector<16xi32> -> vector<16xf32>
        %and3A_284 = arith.constant -65536 : i32
        %and3A_285 = vector.broadcast %and3A_284 : i32 to vector<16xi32>
        %and3A_286 = arith.andi %get3A_255, %and3A_285 : vector<16xi32>
        %bitcast_convert_type3A_287 = tpu.bitcast %and3A_286 : vector<16xi32> -> vector<16xf32>
        %mul3A_288 = arith.mulf %bitcast_convert_type3A_259, %bitcast_convert_type3A_275 : vector<16xf32>
        %mul3A_289 = arith.mulf %bitcast_convert_type3A_263, %bitcast_convert_type3A_279 : vector<16xf32>
        %add3A_290 = arith.addf %mul3A_288, %mul3A_289 : vector<16xf32>
        %mul3A_291 = arith.mulf %bitcast_convert_type3A_267, %bitcast_convert_type3A_283 : vector<16xf32>
        %add3A_292 = arith.addf %add3A_290, %mul3A_291 : vector<16xf32>
        %mul3A_293 = arith.mulf %bitcast_convert_type3A_271, %bitcast_convert_type3A_287 : vector<16xf32>
        %add3A_294 = arith.addf %add3A_292, %mul3A_293 : vector<16xf32>
        %add3A_295 = arith.addf %add3A_239, %add3A_294 : vector<16xf32>
        %get3A_296 = arith.index_cast %mul3A_188 : i32 to index
        %get3A_297 = tpu.vector_load %arg24[%get3A_296] {strides = array<i32>} : memref<2048xi32, #tpu.memory_space<vmem>>, vector<16xi32>,
        %get3A_298 = vector.shape_cast %get3A_297 : vector<16xi32> to vector<16xi32>
        %get3A_299 = arith.index_cast %mul3A_188 : i32 to index
        %get3A_300 = tpu.vector_load %arg25[%get3A_299] {strides = array<i32>} : memref<2048xi32, #tpu.memory_space<vmem>>, vector<16xi32>,
        %get3A_301 = vector.shape_cast %get3A_300 : vector<16xi32> to vector<16xi32>
        %get3A_302 = arith.constant 4 : i32
        %get3A_303 = arith.index_cast %get3A_302 : i32 to index
        %get3A_304 = arith.index_cast %mul3A_188 : i32 to index
        %get3A_305 = tpu.vector_load %arg28[%get3A_303, %get3A_304] {strides = array<i32>} : memref<8x2048xi32, #tpu.memory_space<vmem>>, vector<1x16xi32>,
        %get3A_306 = vector.shape_cast %get3A_305 : vector<1x16xi32> to vector<16xi32>
        %get3A_307 = arith.constant 5 : i32
        %get3A_308 = arith.index_cast %get3A_307 : i32 to index
        %get3A_309 = arith.index_cast %mul3A_188 : i32 to index
        %get3A_310 = tpu.vector_load %arg28[%get3A_308, %get3A_309] {strides = array<i32>} : memref<8x2048xi32, #tpu.memory_space<vmem>>, vector<1x16xi32>,
        %get3A_311 = vector.shape_cast %get3A_310 : vector<1x16xi32> to vector<16xi32>
        %shift_left3A_312 = arith.constant 16 : i32
        %shift_left3A_313 = vector.broadcast %shift_left3A_312 : i32 to vector<16xi32>
        %shift_left3A_314 = arith.shli %get3A_298, %shift_left3A_313 : vector<16xi32>
        %bitcast_convert_type3A_315 = tpu.bitcast %shift_left3A_314 : vector<16xi32> -> vector<16xf32>
        %and3A_316 = arith.constant -65536 : i32
        %and3A_317 = vector.broadcast %and3A_316 : i32 to vector<16xi32>
        %and3A_318 = arith.andi %get3A_298, %and3A_317 : vector<16xi32>
        %bitcast_convert_type3A_319 = tpu.bitcast %and3A_318 : vector<16xi32> -> vector<16xf32>
        %shift_left3A_320 = arith.constant 16 : i32
        %shift_left3A_321 = vector.broadcast %shift_left3A_320 : i32 to vector<16xi32>
        %shift_left3A_322 = arith.shli %get3A_301, %shift_left3A_321 : vector<16xi32>
        %bitcast_convert_type3A_323 = tpu.bitcast %shift_left3A_322 : vector<16xi32> -> vector<16xf32>
        %and3A_324 = arith.constant -65536 : i32
        %and3A_325 = vector.broadcast %and3A_324 : i32 to vector<16xi32>
        %and3A_326 = arith.andi %get3A_301, %and3A_325 : vector<16xi32>
        %bitcast_convert_type3A_327 = tpu.bitcast %and3A_326 : vector<16xi32> -> vector<16xf32>
        %shift_left3A_328 = arith.constant 16 : i32
        %shift_left3A_329 = vector.broadcast %shift_left3A_328 : i32 to vector<16xi32>
        %shift_left3A_330 = arith.shli %get3A_306, %shift_left3A_329 : vector<16xi32>
        %bitcast_convert_type3A_331 = tpu.bitcast %shift_left3A_330 : vector<16xi32> -> vector<16xf32>
        %and3A_332 = arith.constant -65536 : i32
        %and3A_333 = vector.broadcast %and3A_332 : i32 to vector<16xi32>
        %and3A_334 = arith.andi %get3A_306, %and3A_333 : vector<16xi32>
        %bitcast_convert_type3A_335 = tpu.bitcast %and3A_334 : vector<16xi32> -> vector<16xf32>
        %shift_left3A_336 = arith.constant 16 : i32
        %shift_left3A_337 = vector.broadcast %shift_left3A_336 : i32 to vector<16xi32>
        %shift_left3A_338 = arith.shli %get3A_311, %shift_left3A_337 : vector<16xi32>
        %bitcast_convert_type3A_339 = tpu.bitcast %shift_left3A_338 : vector<16xi32> -> vector<16xf32>
        %and3A_340 = arith.constant -65536 : i32
        %and3A_341 = vector.broadcast %and3A_340 : i32 to vector<16xi32>
        %and3A_342 = arith.andi %get3A_311, %and3A_341 : vector<16xi32>
        %bitcast_convert_type3A_343 = tpu.bitcast %and3A_342 : vector<16xi32> -> vector<16xf32>
        %mul3A_344 = arith.mulf %bitcast_convert_type3A_315, %bitcast_convert_type3A_331 : vector<16xf32>
        %mul3A_345 = arith.mulf %bitcast_convert_type3A_319, %bitcast_convert_type3A_335 : vector<16xf32>
        %add3A_346 = arith.addf %mul3A_344, %mul3A_345 : vector<16xf32>
        %mul3A_347 = arith.mulf %bitcast_convert_type3A_323, %bitcast_convert_type3A_339 : vector<16xf32>
        %add3A_348 = arith.addf %add3A_346, %mul3A_347 : vector<16xf32>
        %mul3A_349 = arith.mulf %bitcast_convert_type3A_327, %bitcast_convert_type3A_343 : vector<16xf32>
        %add3A_350 = arith.addf %add3A_348, %mul3A_349 : vector<16xf32>
        %add3A_351 = arith.addf %add3A_295, %add3A_350 : vector<16xf32>
        %get3A_352 = arith.index_cast %mul3A_188 : i32 to index
        %get3A_353 = tpu.vector_load %arg26[%get3A_352] {strides = array<i32>} : memref<2048xi32, #tpu.memory_space<vmem>>, vector<16xi32>,
        %get3A_354 = vector.shape_cast %get3A_353 : vector<16xi32> to vector<16xi32>
        %get3A_355 = arith.index_cast %mul3A_188 : i32 to index
        %get3A_356 = tpu.vector_load %arg27[%get3A_355] {strides = array<i32>} : memref<2048xi32, #tpu.memory_space<vmem>>, vector<16xi32>,
        %get3A_357 = vector.shape_cast %get3A_356 : vector<16xi32> to vector<16xi32>
        %get3A_358 = arith.constant 6 : i32
        %get3A_359 = arith.index_cast %get3A_358 : i32 to index
        %get3A_360 = arith.index_cast %mul3A_188 : i32 to index
        %get3A_361 = tpu.vector_load %arg28[%get3A_359, %get3A_360] {strides = array<i32>} : memref<8x2048xi32, #tpu.memory_space<vmem>>, vector<1x16xi32>,
        %get3A_362 = vector.shape_cast %get3A_361 : vector<1x16xi32> to vector<16xi32>
        %get3A_363 = arith.constant 7 : i32
        %get3A_364 = arith.index_cast %get3A_363 : i32 to index
        %get3A_365 = arith.index_cast %mul3A_188 : i32 to index
        %get3A_366 = tpu.vector_load %arg28[%get3A_364, %get3A_365] {strides = array<i32>} : memref<8x2048xi32, #tpu.memory_space<vmem>>, vector<1x16xi32>,
        %get3A_367 = vector.shape_cast %get3A_366 : vector<1x16xi32> to vector<16xi32>
        %shift_left3A_368 = arith.constant 16 : i32
        %shift_left3A_369 = vector.broadcast %shift_left3A_368 : i32 to vector<16xi32>
        %shift_left3A_370 = arith.shli %get3A_354, %shift_left3A_369 : vector<16xi32>
        %bitcast_convert_type3A_371 = tpu.bitcast %shift_left3A_370 : vector<16xi32> -> vector<16xf32>
        %and3A_372 = arith.constant -65536 : i32
        %and3A_373 = vector.broadcast %and3A_372 : i32 to vector<16xi32>
        %and3A_374 = arith.andi %get3A_354, %and3A_373 : vector<16xi32>
        %bitcast_convert_type3A_375 = tpu.bitcast %and3A_374 : vector<16xi32> -> vector<16xf32>
        %shift_left3A_376 = arith.constant 16 : i32
        %shift_left3A_377 = vector.broadcast %shift_left3A_376 : i32 to vector<16xi32>
        %shift_left3A_378 = arith.shli %get3A_357, %shift_left3A_377 : vector<16xi32>
        %bitcast_convert_type3A_379 = tpu.bitcast %shift_left3A_378 : vector<16xi32> -> vector<16xf32>
        %and3A_380 = arith.constant -65536 : i32
        %and3A_381 = vector.broadcast %and3A_380 : i32 to vector<16xi32>
        %and3A_382 = arith.andi %get3A_357, %and3A_381 : vector<16xi32>
        %bitcast_convert_type3A_383 = tpu.bitcast %and3A_382 : vector<16xi32> -> vector<16xf32>
        %shift_left3A_384 = arith.constant 16 : i32
        %shift_left3A_385 = vector.broadcast %shift_left3A_384 : i32 to vector<16xi32>
        %shift_left3A_386 = arith.shli %get3A_362, %shift_left3A_385 : vector<16xi32>
        %bitcast_convert_type3A_387 = tpu.bitcast %shift_left3A_386 : vector<16xi32> -> vector<16xf32>
        %and3A_388 = arith.constant -65536 : i32
        %and3A_389 = vector.broadcast %and3A_388 : i32 to vector<16xi32>
        %and3A_390 = arith.andi %get3A_362, %and3A_389 : vector<16xi32>
        %bitcast_convert_type3A_391 = tpu.bitcast %and3A_390 : vector<16xi32> -> vector<16xf32>
        %shift_left3A_392 = arith.constant 16 : i32
        %shift_left3A_393 = vector.broadcast %shift_left3A_392 : i32 to vector<16xi32>
        %shift_left3A_394 = arith.shli %get3A_367, %shift_left3A_393 : vector<16xi32>
        %bitcast_convert_type3A_395 = tpu.bitcast %shift_left3A_394 : vector<16xi32> -> vector<16xf32>
        %and3A_396 = arith.constant -65536 : i32
        %and3A_397 = vector.broadcast %and3A_396 : i32 to vector<16xi32>
        %and3A_398 = arith.andi %get3A_367, %and3A_397 : vector<16xi32>
        %bitcast_convert_type3A_399 = tpu.bitcast %and3A_398 : vector<16xi32> -> vector<16xf32>
        %mul3A_400 = arith.mulf %bitcast_convert_type3A_371, %bitcast_convert_type3A_387 : vector<16xf32>
        %mul3A_401 = arith.mulf %bitcast_convert_type3A_375, %bitcast_convert_type3A_391 : vector<16xf32>
        %add3A_402 = arith.addf %mul3A_400, %mul3A_401 : vector<16xf32>
        %mul3A_403 = arith.mulf %bitcast_convert_type3A_379, %bitcast_convert_type3A_395 : vector<16xf32>
        %add3A_404 = arith.addf %add3A_402, %mul3A_403 : vector<16xf32>
        %mul3A_405 = arith.mulf %bitcast_convert_type3A_383, %bitcast_convert_type3A_399 : vector<16xf32>
        %add3A_406 = arith.addf %add3A_404, %mul3A_405 : vector<16xf32>
        %add3A_407 = arith.addf %add3A_351, %add3A_406 : vector<16xf32>
        %swap3A = arith.index_cast %mul3A_188 : i32 to index
        %swap3A_408 = tpu.vector_load %arg46[%swap3A] {strides = array<i32>} : memref<2048xf32, #tpu.memory_space<vmem>>, vector<16xf32>,
        %swap3A_409 = vector.shape_cast %swap3A_408 : vector<16xf32> to vector<16xf32>
        %swap3A_410 = vector.shape_cast %add3A_407 : vector<16xf32> to vector<16xf32>
        tpu.vector_store %arg46[%swap3A], %swap3A_410 {strides = array<i32>} : memref<2048xf32, #tpu.memory_space<vmem>>, vector<16xf32>,
      }
      %scan3A_171 = arith.constant 128 : i32
      %mul3A_172 = arith.constant 2048 : i32
      %mul3A_173 = arith.muli %sub3A_162, %mul3A_172 : i32
      %add3A_174 = arith.addi %mul3A_2, %mul3A_173 : i32
      %dma_start3A_175 = tpu.memref_slice %arg7[%add3A_174] : memref<1048576xf32, #tpu.memory_space<hbm>> -> memref<2048xf32, #tpu.memory_space<hbm>>
      %dma_start3A_176 = tpu.memref_slice %arg7[%add3A_174] : memref<1048576xf32, #tpu.memory_space<hbm>> -> memref<2048xf32, #tpu.memory_space<hbm>>
      tpu.enqueue_dma source(%arg46 : memref<2048xf32, #tpu.memory_space<vmem>>) target(%dma_start3A_176 : memref<2048xf32, #tpu.memory_space<hbm>>) target_semaphore(%arg52 : memref<!tpu.dma_semaphore, #tpu.memory_space<semaphore_mem>>)
      %lt3A_177 = arith.constant 7 : i32
      %lt3A_178 = arith.cmpi slt, %add3A_103, %lt3A_177 : i32
      %convert_element_type3A_179 = arith.extui %lt3A_178 : i1 to i32
      %cond3A_180 = arith.constant 0 : i32
      %cond3A_181 = arith.cmpi ne, %convert_element_type3A_179, %cond3A_180 : i32
      scf.if %cond3A_181 {
        %add3A_182 = arith.constant 1 : i32
        %add3A_183 = arith.addi %add3A_107, %add3A_182 : i32
        %mul3A_184 = arith.constant 2048 : i32
        %mul3A_185 = arith.muli %add3A_183, %mul3A_184 : i32
        %add3A_186 = arith.addi %mul3A_2, %mul3A_185 : i32
        %dma_wait3A_187 = arith.constant 0 : i32
        %dma_wait3A_188 = tpu.memref_slice %arg6[%dma_wait3A_187, %add3A_186] : memref<2x1048576xf32, #tpu.memory_space<hbm>> -> memref<1x2048xf32, #tpu.memory_space<hbm>>
        %dma_wait3A_189 = tpu.memref_squeeze %dma_wait3A_188 : memref<1x2048xf32, #tpu.memory_space<hbm>> -> memref<2048xf32, #tpu.memory_space<hbm>>
        %dma_wait3A_190 = tpu.memref_slice %arg6[%dma_wait3A_187, %add3A_186] : memref<2x1048576xf32, #tpu.memory_space<hbm>> -> memref<1x2048xf32, #tpu.memory_space<hbm>>
        %dma_wait3A_191 = tpu.memref_squeeze %dma_wait3A_190 : memref<1x2048xf32, #tpu.memory_space<hbm>> -> memref<2048xf32, #tpu.memory_space<hbm>>
        tpu.wait_dma2 semaphore(%arg50 : memref<!tpu.dma_semaphore, #tpu.memory_space<semaphore_mem>>) src(%dma_wait3A_191 : memref<2048xf32, #tpu.memory_space<hbm>>) dst(%arg8 : memref<2048xf32, #tpu.memory_space<vmem>>)
        %dma_wait3A_192 = arith.constant 1 : i32
        %dma_wait3A_193 = tpu.memref_slice %arg6[%dma_wait3A_192, %add3A_186] : memref<2x1048576xf32, #tpu.memory_space<hbm>> -> memref<1x2048xf32, #tpu.memory_space<hbm>>
        %dma_wait3A_194 = tpu.memref_squeeze %dma_wait3A_193 : memref<1x2048xf32, #tpu.memory_space<hbm>> -> memref<2048xf32, #tpu.memory_space<hbm>>
        %dma_wait3A_195 = tpu.memref_slice %arg6[%dma_wait3A_192, %add3A_186] : memref<2x1048576xf32, #tpu.memory_space<hbm>> -> memref<1x2048xf32, #tpu.memory_space<hbm>>
        %dma_wait3A_196 = tpu.memref_squeeze %dma_wait3A_195 : memref<1x2048xf32, #tpu.memory_space<hbm>> -> memref<2048xf32, #tpu.memory_space<hbm>>
        tpu.wait_dma2 semaphore(%arg50 : memref<!tpu.dma_semaphore, #tpu.memory_space<semaphore_mem>>) src(%dma_wait3A_196 : memref<2048xf32, #tpu.memory_space<hbm>>) dst(%arg10 : memref<2048xf32, #tpu.memory_space<vmem>>)
        %scan3A_197 = arith.constant 0 : i32
        %scan3A_198 = arith.constant 128 : i32
        %scan3A_199 = arith.addi %scan3A_197, %scan3A_198 : i32
        %scan3A_200 = arith.constant 1 : i32
        scf.for %scan3A_266 = %scan3A_197 to %scan3A_199 step %scan3A_200  : i32 {
          %mul3A_267 = arith.constant 1 : i32
          %mul3A_268 = arith.muli %scan3A_266, %mul3A_267 : i32
          %add3A_269 = arith.constant 0 : i32
          %add3A_270 = arith.addi %add3A_269, %mul3A_268 : i32
          %mul3A_271 = arith.constant 16 : i32
          %mul3A_272 = arith.muli %add3A_270, %mul3A_271 : i32
          %get3A = arith.index_cast %mul3A_272 : i32 to index
          %get3A_273 = tpu.vector_load %arg8[%get3A] {strides = array<i32>} : memref<2048xf32, #tpu.memory_space<vmem>>, vector<16xf32>,
          %get3A_274 = vector.shape_cast %get3A_273 : vector<16xf32> to vector<16xf32>
          %get3A_275 = arith.index_cast %mul3A_272 : i32 to index
          %get3A_276 = tpu.vector_load %arg10[%get3A_275] {strides = array<i32>} : memref<2048xf32, #tpu.memory_space<vmem>>, vector<16xf32>,
          %get3A_277 = vector.shape_cast %get3A_276 : vector<16xf32> to vector<16xf32>
          %mul3A_278 = arith.constant 2.000000e+00 : f32
          %mul3A_279 = vector.broadcast %mul3A_278 : f32 to vector<16xf32>
          %mul3A_280 = arith.mulf %get3A_274, %mul3A_279 : vector<16xf32>
          %sub3A_281 = arith.constant 1.000000e+00 : f32
          %sub3A_282 = vector.broadcast %sub3A_281 : f32 to vector<16xf32>
          %sub3A_283 = arith.subf %mul3A_280, %sub3A_282 : vector<16xf32>
          %mul3A_284 = arith.constant 2.000000e+00 : f32
          %mul3A_285 = vector.broadcast %mul3A_284 : f32 to vector<16xf32>
          %mul3A_286 = arith.mulf %get3A_277, %mul3A_285 : vector<16xf32>
          %sub3A_287 = arith.constant 1.000000e+00 : f32
          %sub3A_288 = vector.broadcast %sub3A_287 : f32 to vector<16xf32>
          %sub3A_289 = arith.subf %mul3A_286, %sub3A_288 : vector<16xf32>
          %add3A_290 = arith.constant 1.000000e+00 : f32
          %add3A_291 = vector.broadcast %add3A_290 : f32 to vector<16xf32>
          %add3A_292 = arith.addf %sub3A_283, %add3A_291 : vector<16xf32>
          %mul3A_293 = arith.constant 4.096000e+03 : f32
          %mul3A_294 = vector.broadcast %mul3A_293 : f32 to vector<16xf32>
          %mul3A_295 = arith.mulf %add3A_292, %mul3A_294 : vector<16xf32>
          %sub3A_296 = arith.constant 1.000000e+00 : f32
          %sub3A_297 = vector.broadcast %sub3A_296 : f32 to vector<16xf32>
          %sub3A_298 = arith.subf %mul3A_295, %sub3A_297 : vector<16xf32>
          %div3A = arith.constant 2.000000e+00 : f32
          %div3A_299 = vector.broadcast %div3A : f32 to vector<16xf32>
          %div3A_300 = arith.divf %sub3A_298, %div3A_299 : vector<16xf32>
          %add3A_301 = arith.constant 1.000000e+00 : f32
          %add3A_302 = vector.broadcast %add3A_301 : f32 to vector<16xf32>
          %add3A_303 = arith.addf %sub3A_289, %add3A_302 : vector<16xf32>
          %mul3A_304 = arith.constant 4.096000e+03 : f32
          %mul3A_305 = vector.broadcast %mul3A_304 : f32 to vector<16xf32>
          %mul3A_306 = arith.mulf %add3A_303, %mul3A_305 : vector<16xf32>
          %sub3A_307 = arith.constant 1.000000e+00 : f32
          %sub3A_308 = vector.broadcast %sub3A_307 : f32 to vector<16xf32>
          %sub3A_309 = arith.subf %mul3A_306, %sub3A_308 : vector<16xf32>
          %div3A_310 = arith.constant 2.000000e+00 : f32
          %div3A_311 = vector.broadcast %div3A_310 : f32 to vector<16xf32>
          %div3A_312 = arith.divf %sub3A_309, %div3A_311 : vector<16xf32>
          %add3A_313 = arith.constant 1.000000e+00 : f32
          %add3A_314 = vector.broadcast %add3A_313 : f32 to vector<16xf32>
          %add3A_315 = arith.addf %div3A_300, %add3A_314 : vector<16xf32>
          %convert_element_type3A_316 = arith.fptosi %add3A_315 : vector<16xf32> to vector<16xi32>
          %add3A_317 = arith.constant 1.000000e+00 : f32
          %add3A_318 = vector.broadcast %add3A_317 : f32 to vector<16xf32>
          %add3A_319 = arith.addf %div3A_312, %add3A_318 : vector<16xf32>
          %convert_element_type3A_320 = arith.fptosi %add3A_319 : vector<16xf32> to vector<16xi32>
          %sub3A_321 = arith.constant 1 : i32
          %sub3A_322 = vector.broadcast %sub3A_321 : i32 to vector<16xi32>
          %sub3A_323 = arith.subi %convert_element_type3A_316, %sub3A_322 : vector<16xi32>
          %sub3A_324 = arith.constant 1 : i32
          %sub3A_325 = vector.broadcast %sub3A_324 : i32 to vector<16xi32>
          %sub3A_326 = arith.subi %convert_element_type3A_320, %sub3A_325 : vector<16xi32>
          %convert_element_type3A_327 = arith.sitofp %sub3A_323 : vector<16xi32> to vector<16xf32>
          %sub3A_328 = arith.subf %div3A_300, %convert_element_type3A_327 : vector<16xf32>
          %convert_element_type3A_329 = arith.sitofp %sub3A_326 : vector<16xi32> to vector<16xf32>
          %sub3A_330 = arith.subf %div3A_312, %convert_element_type3A_329 : vector<16xf32>
          %sub3A_331 = arith.constant 1.000000e+00 : f32
          %sub3A_332 = vector.broadcast %sub3A_331 : f32 to vector<16xf32>
          %sub3A_333 = arith.subf %sub3A_332, %sub3A_328 : vector<16xf32>
          %sub3A_334 = arith.constant 1.000000e+00 : f32
          %sub3A_335 = vector.broadcast %sub3A_334 : f32 to vector<16xf32>
          %sub3A_336 = arith.subf %sub3A_335, %sub3A_330 : vector<16xf32>
          %ge3A_337 = arith.constant 0 : i32
          %ge3A_338 = vector.broadcast %ge3A_337 : i32 to vector<16xi32>
          %ge3A_339 = arith.cmpi sge, %sub3A_323, %ge3A_338 : vector<16xi32>
          %jit3A = arith.constant 0.000000e+00 : f32
          %broadcast_in_dim3A = vector.broadcast %jit3A : f32 to vector<16xf32>
          %select_n3A = arith.select %ge3A_339, %sub3A_333, %broadcast_in_dim3A : vector<16xi1>, vector<16xf32>
          %le3A = arith.constant 4095 : i32
          %le3A_340 = vector.broadcast %le3A : i32 to vector<16xi32>
          %le3A_341 = arith.cmpi sle, %convert_element_type3A_316, %le3A_340 : vector<16xi32>
          %jit3A_342 = arith.constant 0.000000e+00 : f32
          %broadcast_in_dim3A_343 = vector.broadcast %jit3A_342 : f32 to vector<16xf32>
          %select_n3A_344 = arith.select %le3A_341, %sub3A_328, %broadcast_in_dim3A_343 : vector<16xi1>, vector<16xf32>
          %ge3A_345 = arith.constant 0 : i32
          %ge3A_346 = vector.broadcast %ge3A_345 : i32 to vector<16xi32>
          %ge3A_347 = arith.cmpi sge, %sub3A_326, %ge3A_346 : vector<16xi32>
          %jit3A_348 = arith.constant 0.000000e+00 : f32
          %broadcast_in_dim3A_349 = vector.broadcast %jit3A_348 : f32 to vector<16xf32>
          %select_n3A_350 = arith.select %ge3A_347, %sub3A_336, %broadcast_in_dim3A_349 : vector<16xi1>, vector<16xf32>
          %le3A_351 = arith.constant 4095 : i32
          %le3A_352 = vector.broadcast %le3A_351 : i32 to vector<16xi32>
          %le3A_353 = arith.cmpi sle, %convert_element_type3A_320, %le3A_352 : vector<16xi32>
          %jit3A_354 = arith.constant 0.000000e+00 : f32
          %broadcast_in_dim3A_355 = vector.broadcast %jit3A_354 : f32 to vector<16xf32>
          %select_n3A_356 = arith.select %le3A_353, %sub3A_330, %broadcast_in_dim3A_355 : vector<16xi1>, vector<16xf32>
          %max3A = arith.constant 0 : i32
          %max3A_357 = vector.broadcast %max3A : i32 to vector<16xi32>
          %max3A_358 = arith.maxsi %sub3A_326, %max3A_357 : vector<16xi32>
          %min3A = arith.constant 4095 : i32
          %min3A_359 = vector.broadcast %min3A : i32 to vector<16xi32>
          %min3A_360 = arith.minsi %convert_element_type3A_320, %min3A_359 : vector<16xi32>
          %mul3A_361 = arith.constant 4096 : i32
          %mul3A_362 = vector.broadcast %mul3A_361 : i32 to vector<16xi32>
          %mul3A_363 = arith.muli %max3A_358, %mul3A_362 : vector<16xi32>
          %add3A_364 = arith.addi %mul3A_363, %convert_element_type3A_316 : vector<16xi32>
          %mul3A_365 = arith.constant 4096 : i32
          %mul3A_366 = vector.broadcast %mul3A_365 : i32 to vector<16xi32>
          %mul3A_367 = arith.muli %min3A_360, %mul3A_366 : vector<16xi32>
          %add3A_368 = arith.addi %mul3A_367, %convert_element_type3A_316 : vector<16xi32>
          %swap3A = arith.index_cast %mul3A_272 : i32 to index
          %swap3A_369 = tpu.vector_load %arg12[%swap3A] {strides = array<i32>} : memref<2048xi32, #tpu.memory_space<vmem>>, vector<16xi32>,
          %swap3A_370 = vector.shape_cast %swap3A_369 : vector<16xi32> to vector<16xi32>
          %swap3A_371 = vector.shape_cast %add3A_364 : vector<16xi32> to vector<16xi32>
          tpu.vector_store %arg12[%swap3A], %swap3A_371 {strides = array<i32>} : memref<2048xi32, #tpu.memory_space<vmem>>, vector<16xi32>,
          %swap3A_372 = arith.index_cast %mul3A_272 : i32 to index
          %swap3A_373 = tpu.vector_load %arg13[%swap3A_372] {strides = array<i32>} : memref<2048xi32, #tpu.memory_space<vmem>>, vector<16xi32>,
          %swap3A_374 = vector.shape_cast %swap3A_373 : vector<16xi32> to vector<16xi32>
          %swap3A_375 = vector.shape_cast %add3A_368 : vector<16xi32> to vector<16xi32>
          tpu.vector_store %arg13[%swap3A_372], %swap3A_375 {strides = array<i32>} : memref<2048xi32, #tpu.memory_space<vmem>>, vector<16xi32>,
          %mul3A_376 = arith.mulf %select_n3A_350, %select_n3A : vector<16xf32>
          %mul3A_377 = arith.mulf %select_n3A_350, %select_n3A_344 : vector<16xf32>
          %bitcast_convert_type3A = tpu.bitcast %mul3A_376 : vector<16xf32> -> vector<16xi32>
          %bitcast_convert_type3A_378 = tpu.bitcast %mul3A_377 : vector<16xf32> -> vector<16xi32>
          %shift_right_logical3A = arith.constant 16 : i32
          %shift_right_logical3A_379 = vector.broadcast %shift_right_logical3A : i32 to vector<16xi32>
          %shift_right_logical3A_380 = arith.shrui %bitcast_convert_type3A, %shift_right_logical3A_379 : vector<16xi32>
          %and3A = arith.constant 65535 : i32
          %and3A_381 = vector.broadcast %and3A : i32 to vector<16xi32>
          %and3A_382 = arith.andi %shift_right_logical3A_380, %and3A_381 : vector<16xi32>
          %and3A_383 = arith.constant -65536 : i32
          %and3A_384 = vector.broadcast %and3A_383 : i32 to vector<16xi32>
          %and3A_385 = arith.andi %bitcast_convert_type3A_378, %and3A_384 : vector<16xi32>
          %or3A = arith.ori %and3A_382, %and3A_385 : vector<16xi32>
          %swap3A_386 = arith.constant 0 : i32
          %swap3A_387 = arith.index_cast %swap3A_386 : i32 to index
          %swap3A_388 = arith.index_cast %mul3A_272 : i32 to index
          %swap3A_389 = tpu.vector_load %arg28[%swap3A_387, %swap3A_388] {strides = array<i32>} : memref<8x2048xi32, #tpu.memory_space<vmem>>, vector<1x16xi32>,
          %swap3A_390 = vector.shape_cast %swap3A_389 : vector<1x16xi32> to vector<16xi32>
          %swap3A_391 = vector.shape_cast %or3A : vector<16xi32> to vector<1x16xi32>
          tpu.vector_store %arg28[%swap3A_387, %swap3A_388], %swap3A_391 {strides = array<i32>} : memref<8x2048xi32, #tpu.memory_space<vmem>>, vector<1x16xi32>,
          %mul3A_392 = arith.mulf %select_n3A_356, %select_n3A : vector<16xf32>
          %mul3A_393 = arith.mulf %select_n3A_356, %select_n3A_344 : vector<16xf32>
          %bitcast_convert_type3A_394 = tpu.bitcast %mul3A_392 : vector<16xf32> -> vector<16xi32>
          %bitcast_convert_type3A_395 = tpu.bitcast %mul3A_393 : vector<16xf32> -> vector<16xi32>
          %shift_right_logical3A_396 = arith.constant 16 : i32
          %shift_right_logical3A_397 = vector.broadcast %shift_right_logical3A_396 : i32 to vector<16xi32>
          %shift_right_logical3A_398 = arith.shrui %bitcast_convert_type3A_394, %shift_right_logical3A_397 : vector<16xi32>
          %and3A_399 = arith.constant 65535 : i32
          %and3A_400 = vector.broadcast %and3A_399 : i32 to vector<16xi32>
          %and3A_401 = arith.andi %shift_right_logical3A_398, %and3A_400 : vector<16xi32>
          %and3A_402 = arith.constant -65536 : i32
          %and3A_403 = vector.broadcast %and3A_402 : i32 to vector<16xi32>
          %and3A_404 = arith.andi %bitcast_convert_type3A_395, %and3A_403 : vector<16xi32>
          %or3A_405 = arith.ori %and3A_401, %and3A_404 : vector<16xi32>
          %swap3A_406 = arith.constant 1 : i32
          %swap3A_407 = arith.index_cast %swap3A_406 : i32 to index
          %swap3A_408 = arith.index_cast %mul3A_272 : i32 to index
          %swap3A_409 = tpu.vector_load %arg28[%swap3A_407, %swap3A_408] {strides = array<i32>} : memref<8x2048xi32, #tpu.memory_space<vmem>>, vector<1x16xi32>,
          %swap3A_410 = vector.shape_cast %swap3A_409 : vector<1x16xi32> to vector<16xi32>
          %swap3A_411 = vector.shape_cast %or3A_405 : vector<16xi32> to vector<1x16xi32>
          tpu.vector_store %arg28[%swap3A_407, %swap3A_408], %swap3A_411 {strides = array<i32>} : memref<8x2048xi32, #tpu.memory_space<vmem>>, vector<1x16xi32>,
          %add3A_412 = arith.constant 1.000000e+00 : f32
          %add3A_413 = vector.broadcast %add3A_412 : f32 to vector<16xf32>
          %add3A_414 = arith.addf %sub3A_283, %add3A_413 : vector<16xf32>
          %mul3A_415 = arith.constant 2.048000e+03 : f32
          %mul3A_416 = vector.broadcast %mul3A_415 : f32 to vector<16xf32>
          %mul3A_417 = arith.mulf %add3A_414, %mul3A_416 : vector<16xf32>
          %sub3A_418 = arith.constant 1.000000e+00 : f32
          %sub3A_419 = vector.broadcast %sub3A_418 : f32 to vector<16xf32>
          %sub3A_420 = arith.subf %mul3A_417, %sub3A_419 : vector<16xf32>
          %div3A_421 = arith.constant 2.000000e+00 : f32
          %div3A_422 = vector.broadcast %div3A_421 : f32 to vector<16xf32>
          %div3A_423 = arith.divf %sub3A_420, %div3A_422 : vector<16xf32>
          %add3A_424 = arith.constant 1.000000e+00 : f32
          %add3A_425 = vector.broadcast %add3A_424 : f32 to vector<16xf32>
          %add3A_426 = arith.addf %sub3A_289, %add3A_425 : vector<16xf32>
          %mul3A_427 = arith.constant 2.048000e+03 : f32
          %mul3A_428 = vector.broadcast %mul3A_427 : f32 to vector<16xf32>
          %mul3A_429 = arith.mulf %add3A_426, %mul3A_428 : vector<16xf32>
          %sub3A_430 = arith.constant 1.000000e+00 : f32
          %sub3A_431 = vector.broadcast %sub3A_430 : f32 to vector<16xf32>
          %sub3A_432 = arith.subf %mul3A_429, %sub3A_431 : vector<16xf32>
          %div3A_433 = arith.constant 2.000000e+00 : f32
          %div3A_434 = vector.broadcast %div3A_433 : f32 to vector<16xf32>
          %div3A_435 = arith.divf %sub3A_432, %div3A_434 : vector<16xf32>
          %add3A_436 = arith.constant 1.000000e+00 : f32
          %add3A_437 = vector.broadcast %add3A_436 : f32 to vector<16xf32>
          %add3A_438 = arith.addf %div3A_423, %add3A_437 : vector<16xf32>
          %convert_element_type3A_439 = arith.fptosi %add3A_438 : vector<16xf32> to vector<16xi32>
          %add3A_440 = arith.constant 1.000000e+00 : f32
          %add3A_441 = vector.broadcast %add3A_440 : f32 to vector<16xf32>
          %add3A_442 = arith.addf %div3A_435, %add3A_441 : vector<16xf32>
          %convert_element_type3A_443 = arith.fptosi %add3A_442 : vector<16xf32> to vector<16xi32>
          %sub3A_444 = arith.constant 1 : i32
          %sub3A_445 = vector.broadcast %sub3A_444 : i32 to vector<16xi32>
          %sub3A_446 = arith.subi %convert_element_type3A_439, %sub3A_445 : vector<16xi32>
          %sub3A_447 = arith.constant 1 : i32
          %sub3A_448 = vector.broadcast %sub3A_447 : i32 to vector<16xi32>
          %sub3A_449 = arith.subi %convert_element_type3A_443, %sub3A_448 : vector<16xi32>
          %convert_element_type3A_450 = arith.sitofp %sub3A_446 : vector<16xi32> to vector<16xf32>
          %sub3A_451 = arith.subf %div3A_423, %convert_element_type3A_450 : vector<16xf32>
          %convert_element_type3A_452 = arith.sitofp %sub3A_449 : vector<16xi32> to vector<16xf32>
          %sub3A_453 = arith.subf %div3A_435, %convert_element_type3A_452 : vector<16xf32>
          %sub3A_454 = arith.constant 1.000000e+00 : f32
          %sub3A_455 = vector.broadcast %sub3A_454 : f32 to vector<16xf32>
          %sub3A_456 = arith.subf %sub3A_455, %sub3A_451 : vector<16xf32>
          %sub3A_457 = arith.constant 1.000000e+00 : f32
          %sub3A_458 = vector.broadcast %sub3A_457 : f32 to vector<16xf32>
          %sub3A_459 = arith.subf %sub3A_458, %sub3A_453 : vector<16xf32>
          %ge3A_460 = arith.constant 0 : i32
          %ge3A_461 = vector.broadcast %ge3A_460 : i32 to vector<16xi32>
          %ge3A_462 = arith.cmpi sge, %sub3A_446, %ge3A_461 : vector<16xi32>
          %jit3A_463 = arith.constant 0.000000e+00 : f32
          %broadcast_in_dim3A_464 = vector.broadcast %jit3A_463 : f32 to vector<16xf32>
          %select_n3A_465 = arith.select %ge3A_462, %sub3A_456, %broadcast_in_dim3A_464 : vector<16xi1>, vector<16xf32>
          %le3A_466 = arith.constant 2047 : i32
          %le3A_467 = vector.broadcast %le3A_466 : i32 to vector<16xi32>
          %le3A_468 = arith.cmpi sle, %convert_element_type3A_439, %le3A_467 : vector<16xi32>
          %jit3A_469 = arith.constant 0.000000e+00 : f32
          %broadcast_in_dim3A_470 = vector.broadcast %jit3A_469 : f32 to vector<16xf32>
          %select_n3A_471 = arith.select %le3A_468, %sub3A_451, %broadcast_in_dim3A_470 : vector<16xi1>, vector<16xf32>
          %ge3A_472 = arith.constant 0 : i32
          %ge3A_473 = vector.broadcast %ge3A_472 : i32 to vector<16xi32>
          %ge3A_474 = arith.cmpi sge, %sub3A_449, %ge3A_473 : vector<16xi32>
          %jit3A_475 = arith.constant 0.000000e+00 : f32
          %broadcast_in_dim3A_476 = vector.broadcast %jit3A_475 : f32 to vector<16xf32>
          %select_n3A_477 = arith.select %ge3A_474, %sub3A_459, %broadcast_in_dim3A_476 : vector<16xi1>, vector<16xf32>
          %le3A_478 = arith.constant 2047 : i32
          %le3A_479 = vector.broadcast %le3A_478 : i32 to vector<16xi32>
          %le3A_480 = arith.cmpi sle, %convert_element_type3A_443, %le3A_479 : vector<16xi32>
          %jit3A_481 = arith.constant 0.000000e+00 : f32
          %broadcast_in_dim3A_482 = vector.broadcast %jit3A_481 : f32 to vector<16xf32>
          %select_n3A_483 = arith.select %le3A_480, %sub3A_453, %broadcast_in_dim3A_482 : vector<16xi1>, vector<16xf32>
          %max3A_484 = arith.constant 0 : i32
          %max3A_485 = vector.broadcast %max3A_484 : i32 to vector<16xi32>
          %max3A_486 = arith.maxsi %sub3A_449, %max3A_485 : vector<16xi32>
          %min3A_487 = arith.constant 2047 : i32
          %min3A_488 = vector.broadcast %min3A_487 : i32 to vector<16xi32>
          %min3A_489 = arith.minsi %convert_element_type3A_443, %min3A_488 : vector<16xi32>
          %mul3A_490 = arith.constant 2048 : i32
          %mul3A_491 = vector.broadcast %mul3A_490 : i32 to vector<16xi32>
          %mul3A_492 = arith.muli %max3A_486, %mul3A_491 : vector<16xi32>
          %add3A_493 = arith.addi %mul3A_492, %convert_element_type3A_439 : vector<16xi32>
          %mul3A_494 = arith.constant 2048 : i32
          %mul3A_495 = vector.broadcast %mul3A_494 : i32 to vector<16xi32>
          %mul3A_496 = arith.muli %min3A_489, %mul3A_495 : vector<16xi32>
          %add3A_497 = arith.addi %mul3A_496, %convert_element_type3A_439 : vector<16xi32>
          %swap3A_498 = arith.index_cast %mul3A_272 : i32 to index
          %swap3A_499 = tpu.vector_load %arg14[%swap3A_498] {strides = array<i32>} : memref<2048xi32, #tpu.memory_space<vmem>>, vector<16xi32>,
          %swap3A_500 = vector.shape_cast %swap3A_499 : vector<16xi32> to vector<16xi32>
          %swap3A_501 = vector.shape_cast %add3A_493 : vector<16xi32> to vector<16xi32>
          tpu.vector_store %arg14[%swap3A_498], %swap3A_501 {strides = array<i32>} : memref<2048xi32, #tpu.memory_space<vmem>>, vector<16xi32>,
          %swap3A_502 = arith.index_cast %mul3A_272 : i32 to index
          %swap3A_503 = tpu.vector_load %arg15[%swap3A_502] {strides = array<i32>} : memref<2048xi32, #tpu.memory_space<vmem>>, vector<16xi32>,
          %swap3A_504 = vector.shape_cast %swap3A_503 : vector<16xi32> to vector<16xi32>
          %swap3A_505 = vector.shape_cast %add3A_497 : vector<16xi32> to vector<16xi32>
          tpu.vector_store %arg15[%swap3A_502], %swap3A_505 {strides = array<i32>} : memref<2048xi32, #tpu.memory_space<vmem>>, vector<16xi32>,
          %mul3A_506 = arith.mulf %select_n3A_477, %select_n3A_465 : vector<16xf32>
          %mul3A_507 = arith.mulf %select_n3A_477, %select_n3A_471 : vector<16xf32>
          %bitcast_convert_type3A_508 = tpu.bitcast %mul3A_506 : vector<16xf32> -> vector<16xi32>
          %bitcast_convert_type3A_509 = tpu.bitcast %mul3A_507 : vector<16xf32> -> vector<16xi32>
          %shift_right_logical3A_510 = arith.constant 16 : i32
          %shift_right_logical3A_511 = vector.broadcast %shift_right_logical3A_510 : i32 to vector<16xi32>
          %shift_right_logical3A_512 = arith.shrui %bitcast_convert_type3A_508, %shift_right_logical3A_511 : vector<16xi32>
          %and3A_513 = arith.constant 65535 : i32
          %and3A_514 = vector.broadcast %and3A_513 : i32 to vector<16xi32>
          %and3A_515 = arith.andi %shift_right_logical3A_512, %and3A_514 : vector<16xi32>
          %and3A_516 = arith.constant -65536 : i32
          %and3A_517 = vector.broadcast %and3A_516 : i32 to vector<16xi32>
          %and3A_518 = arith.andi %bitcast_convert_type3A_509, %and3A_517 : vector<16xi32>
          %or3A_519 = arith.ori %and3A_515, %and3A_518 : vector<16xi32>
          %swap3A_520 = arith.constant 2 : i32
          %swap3A_521 = arith.index_cast %swap3A_520 : i32 to index
          %swap3A_522 = arith.index_cast %mul3A_272 : i32 to index
          %swap3A_523 = tpu.vector_load %arg28[%swap3A_521, %swap3A_522] {strides = array<i32>} : memref<8x2048xi32, #tpu.memory_space<vmem>>, vector<1x16xi32>,
          %swap3A_524 = vector.shape_cast %swap3A_523 : vector<1x16xi32> to vector<16xi32>
          %swap3A_525 = vector.shape_cast %or3A_519 : vector<16xi32> to vector<1x16xi32>
          tpu.vector_store %arg28[%swap3A_521, %swap3A_522], %swap3A_525 {strides = array<i32>} : memref<8x2048xi32, #tpu.memory_space<vmem>>, vector<1x16xi32>,
          %mul3A_526 = arith.mulf %select_n3A_483, %select_n3A_465 : vector<16xf32>
          %mul3A_527 = arith.mulf %select_n3A_483, %select_n3A_471 : vector<16xf32>
          %bitcast_convert_type3A_528 = tpu.bitcast %mul3A_526 : vector<16xf32> -> vector<16xi32>
          %bitcast_convert_type3A_529 = tpu.bitcast %mul3A_527 : vector<16xf32> -> vector<16xi32>
          %shift_right_logical3A_530 = arith.constant 16 : i32
          %shift_right_logical3A_531 = vector.broadcast %shift_right_logical3A_530 : i32 to vector<16xi32>
          %shift_right_logical3A_532 = arith.shrui %bitcast_convert_type3A_528, %shift_right_logical3A_531 : vector<16xi32>
          %and3A_533 = arith.constant 65535 : i32
          %and3A_534 = vector.broadcast %and3A_533 : i32 to vector<16xi32>
          %and3A_535 = arith.andi %shift_right_logical3A_532, %and3A_534 : vector<16xi32>
          %and3A_536 = arith.constant -65536 : i32
          %and3A_537 = vector.broadcast %and3A_536 : i32 to vector<16xi32>
          %and3A_538 = arith.andi %bitcast_convert_type3A_529, %and3A_537 : vector<16xi32>
          %or3A_539 = arith.ori %and3A_535, %and3A_538 : vector<16xi32>
          %swap3A_540 = arith.constant 3 : i32
          %swap3A_541 = arith.index_cast %swap3A_540 : i32 to index
          %swap3A_542 = arith.index_cast %mul3A_272 : i32 to index
          %swap3A_543 = tpu.vector_load %arg28[%swap3A_541, %swap3A_542] {strides = array<i32>} : memref<8x2048xi32, #tpu.memory_space<vmem>>, vector<1x16xi32>,
          %swap3A_544 = vector.shape_cast %swap3A_543 : vector<1x16xi32> to vector<16xi32>
          %swap3A_545 = vector.shape_cast %or3A_539 : vector<16xi32> to vector<1x16xi32>
          tpu.vector_store %arg28[%swap3A_541, %swap3A_542], %swap3A_545 {strides = array<i32>} : memref<8x2048xi32, #tpu.memory_space<vmem>>, vector<1x16xi32>,
          %add3A_546 = arith.constant 1.000000e+00 : f32
          %add3A_547 = vector.broadcast %add3A_546 : f32 to vector<16xf32>
          %add3A_548 = arith.addf %sub3A_283, %add3A_547 : vector<16xf32>
          %mul3A_549 = arith.constant 1.024000e+03 : f32
          %mul3A_550 = vector.broadcast %mul3A_549 : f32 to vector<16xf32>
          %mul3A_551 = arith.mulf %add3A_548, %mul3A_550 : vector<16xf32>
          %sub3A_552 = arith.constant 1.000000e+00 : f32
          %sub3A_553 = vector.broadcast %sub3A_552 : f32 to vector<16xf32>
          %sub3A_554 = arith.subf %mul3A_551, %sub3A_553 : vector<16xf32>
          %div3A_555 = arith.constant 2.000000e+00 : f32
          %div3A_556 = vector.broadcast %div3A_555 : f32 to vector<16xf32>
          %div3A_557 = arith.divf %sub3A_554, %div3A_556 : vector<16xf32>
          %add3A_558 = arith.constant 1.000000e+00 : f32
          %add3A_559 = vector.broadcast %add3A_558 : f32 to vector<16xf32>
          %add3A_560 = arith.addf %sub3A_289, %add3A_559 : vector<16xf32>
          %mul3A_561 = arith.constant 1.024000e+03 : f32
          %mul3A_562 = vector.broadcast %mul3A_561 : f32 to vector<16xf32>
          %mul3A_563 = arith.mulf %add3A_560, %mul3A_562 : vector<16xf32>
          %sub3A_564 = arith.constant 1.000000e+00 : f32
          %sub3A_565 = vector.broadcast %sub3A_564 : f32 to vector<16xf32>
          %sub3A_566 = arith.subf %mul3A_563, %sub3A_565 : vector<16xf32>
          %div3A_567 = arith.constant 2.000000e+00 : f32
          %div3A_568 = vector.broadcast %div3A_567 : f32 to vector<16xf32>
          %div3A_569 = arith.divf %sub3A_566, %div3A_568 : vector<16xf32>
          %add3A_570 = arith.constant 1.000000e+00 : f32
          %add3A_571 = vector.broadcast %add3A_570 : f32 to vector<16xf32>
          %add3A_572 = arith.addf %div3A_557, %add3A_571 : vector<16xf32>
          %convert_element_type3A_573 = arith.fptosi %add3A_572 : vector<16xf32> to vector<16xi32>
          %add3A_574 = arith.constant 1.000000e+00 : f32
          %add3A_575 = vector.broadcast %add3A_574 : f32 to vector<16xf32>
          %add3A_576 = arith.addf %div3A_569, %add3A_575 : vector<16xf32>
          %convert_element_type3A_577 = arith.fptosi %add3A_576 : vector<16xf32> to vector<16xi32>
          %sub3A_578 = arith.constant 1 : i32
          %sub3A_579 = vector.broadcast %sub3A_578 : i32 to vector<16xi32>
          %sub3A_580 = arith.subi %convert_element_type3A_573, %sub3A_579 : vector<16xi32>
          %sub3A_581 = arith.constant 1 : i32
          %sub3A_582 = vector.broadcast %sub3A_581 : i32 to vector<16xi32>
          %sub3A_583 = arith.subi %convert_element_type3A_577, %sub3A_582 : vector<16xi32>
          %convert_element_type3A_584 = arith.sitofp %sub3A_580 : vector<16xi32> to vector<16xf32>
          %sub3A_585 = arith.subf %div3A_557, %convert_element_type3A_584 : vector<16xf32>
          %convert_element_type3A_586 = arith.sitofp %sub3A_583 : vector<16xi32> to vector<16xf32>
          %sub3A_587 = arith.subf %div3A_569, %convert_element_type3A_586 : vector<16xf32>
          %sub3A_588 = arith.constant 1.000000e+00 : f32
          %sub3A_589 = vector.broadcast %sub3A_588 : f32 to vector<16xf32>
          %sub3A_590 = arith.subf %sub3A_589, %sub3A_585 : vector<16xf32>
          %sub3A_591 = arith.constant 1.000000e+00 : f32
          %sub3A_592 = vector.broadcast %sub3A_591 : f32 to vector<16xf32>
          %sub3A_593 = arith.subf %sub3A_592, %sub3A_587 : vector<16xf32>
          %ge3A_594 = arith.constant 0 : i32
          %ge3A_595 = vector.broadcast %ge3A_594 : i32 to vector<16xi32>
          %ge3A_596 = arith.cmpi sge, %sub3A_580, %ge3A_595 : vector<16xi32>
          %jit3A_597 = arith.constant 0.000000e+00 : f32
          %broadcast_in_dim3A_598 = vector.broadcast %jit3A_597 : f32 to vector<16xf32>
          %select_n3A_599 = arith.select %ge3A_596, %sub3A_590, %broadcast_in_dim3A_598 : vector<16xi1>, vector<16xf32>
          %le3A_600 = arith.constant 1023 : i32
          %le3A_601 = vector.broadcast %le3A_600 : i32 to vector<16xi32>
          %le3A_602 = arith.cmpi sle, %convert_element_type3A_573, %le3A_601 : vector<16xi32>
          %jit3A_603 = arith.constant 0.000000e+00 : f32
          %broadcast_in_dim3A_604 = vector.broadcast %jit3A_603 : f32 to vector<16xf32>
          %select_n3A_605 = arith.select %le3A_602, %sub3A_585, %broadcast_in_dim3A_604 : vector<16xi1>, vector<16xf32>
          %ge3A_606 = arith.constant 0 : i32
          %ge3A_607 = vector.broadcast %ge3A_606 : i32 to vector<16xi32>
          %ge3A_608 = arith.cmpi sge, %sub3A_583, %ge3A_607 : vector<16xi32>
          %jit3A_609 = arith.constant 0.000000e+00 : f32
          %broadcast_in_dim3A_610 = vector.broadcast %jit3A_609 : f32 to vector<16xf32>
          %select_n3A_611 = arith.select %ge3A_608, %sub3A_593, %broadcast_in_dim3A_610 : vector<16xi1>, vector<16xf32>
          %le3A_612 = arith.constant 1023 : i32
          %le3A_613 = vector.broadcast %le3A_612 : i32 to vector<16xi32>
          %le3A_614 = arith.cmpi sle, %convert_element_type3A_577, %le3A_613 : vector<16xi32>
          %jit3A_615 = arith.constant 0.000000e+00 : f32
          %broadcast_in_dim3A_616 = vector.broadcast %jit3A_615 : f32 to vector<16xf32>
          %select_n3A_617 = arith.select %le3A_614, %sub3A_587, %broadcast_in_dim3A_616 : vector<16xi1>, vector<16xf32>
          %max3A_618 = arith.constant 0 : i32
          %max3A_619 = vector.broadcast %max3A_618 : i32 to vector<16xi32>
          %max3A_620 = arith.maxsi %sub3A_583, %max3A_619 : vector<16xi32>
          %min3A_621 = arith.constant 1023 : i32
          %min3A_622 = vector.broadcast %min3A_621 : i32 to vector<16xi32>
          %min3A_623 = arith.minsi %convert_element_type3A_577, %min3A_622 : vector<16xi32>
          %mul3A_624 = arith.constant 1024 : i32
          %mul3A_625 = vector.broadcast %mul3A_624 : i32 to vector<16xi32>
          %mul3A_626 = arith.muli %max3A_620, %mul3A_625 : vector<16xi32>
          %add3A_627 = arith.addi %mul3A_626, %convert_element_type3A_573 : vector<16xi32>
          %mul3A_628 = arith.constant 1024 : i32
          %mul3A_629 = vector.broadcast %mul3A_628 : i32 to vector<16xi32>
          %mul3A_630 = arith.muli %min3A_623, %mul3A_629 : vector<16xi32>
          %add3A_631 = arith.addi %mul3A_630, %convert_element_type3A_573 : vector<16xi32>
          %swap3A_632 = arith.index_cast %mul3A_272 : i32 to index
          %swap3A_633 = tpu.vector_load %arg16[%swap3A_632] {strides = array<i32>} : memref<2048xi32, #tpu.memory_space<vmem>>, vector<16xi32>,
          %swap3A_634 = vector.shape_cast %swap3A_633 : vector<16xi32> to vector<16xi32>
          %swap3A_635 = vector.shape_cast %add3A_627 : vector<16xi32> to vector<16xi32>
          tpu.vector_store %arg16[%swap3A_632], %swap3A_635 {strides = array<i32>} : memref<2048xi32, #tpu.memory_space<vmem>>, vector<16xi32>,
          %swap3A_636 = arith.index_cast %mul3A_272 : i32 to index
          %swap3A_637 = tpu.vector_load %arg17[%swap3A_636] {strides = array<i32>} : memref<2048xi32, #tpu.memory_space<vmem>>, vector<16xi32>,
          %swap3A_638 = vector.shape_cast %swap3A_637 : vector<16xi32> to vector<16xi32>
          %swap3A_639 = vector.shape_cast %add3A_631 : vector<16xi32> to vector<16xi32>
          tpu.vector_store %arg17[%swap3A_636], %swap3A_639 {strides = array<i32>} : memref<2048xi32, #tpu.memory_space<vmem>>, vector<16xi32>,
          %mul3A_640 = arith.mulf %select_n3A_611, %select_n3A_599 : vector<16xf32>
          %mul3A_641 = arith.mulf %select_n3A_611, %select_n3A_605 : vector<16xf32>
          %bitcast_convert_type3A_642 = tpu.bitcast %mul3A_640 : vector<16xf32> -> vector<16xi32>
          %bitcast_convert_type3A_643 = tpu.bitcast %mul3A_641 : vector<16xf32> -> vector<16xi32>
          %shift_right_logical3A_644 = arith.constant 16 : i32
          %shift_right_logical3A_645 = vector.broadcast %shift_right_logical3A_644 : i32 to vector<16xi32>
          %shift_right_logical3A_646 = arith.shrui %bitcast_convert_type3A_642, %shift_right_logical3A_645 : vector<16xi32>
          %and3A_647 = arith.constant 65535 : i32
          %and3A_648 = vector.broadcast %and3A_647 : i32 to vector<16xi32>
          %and3A_649 = arith.andi %shift_right_logical3A_646, %and3A_648 : vector<16xi32>
          %and3A_650 = arith.constant -65536 : i32
          %and3A_651 = vector.broadcast %and3A_650 : i32 to vector<16xi32>
          %and3A_652 = arith.andi %bitcast_convert_type3A_643, %and3A_651 : vector<16xi32>
          %or3A_653 = arith.ori %and3A_649, %and3A_652 : vector<16xi32>
          %swap3A_654 = arith.constant 4 : i32
          %swap3A_655 = arith.index_cast %swap3A_654 : i32 to index
          %swap3A_656 = arith.index_cast %mul3A_272 : i32 to index
          %swap3A_657 = tpu.vector_load %arg28[%swap3A_655, %swap3A_656] {strides = array<i32>} : memref<8x2048xi32, #tpu.memory_space<vmem>>, vector<1x16xi32>,
          %swap3A_658 = vector.shape_cast %swap3A_657 : vector<1x16xi32> to vector<16xi32>
          %swap3A_659 = vector.shape_cast %or3A_653 : vector<16xi32> to vector<1x16xi32>
          tpu.vector_store %arg28[%swap3A_655, %swap3A_656], %swap3A_659 {strides = array<i32>} : memref<8x2048xi32, #tpu.memory_space<vmem>>, vector<1x16xi32>,
          %mul3A_660 = arith.mulf %select_n3A_617, %select_n3A_599 : vector<16xf32>
          %mul3A_661 = arith.mulf %select_n3A_617, %select_n3A_605 : vector<16xf32>
          %bitcast_convert_type3A_662 = tpu.bitcast %mul3A_660 : vector<16xf32> -> vector<16xi32>
          %bitcast_convert_type3A_663 = tpu.bitcast %mul3A_661 : vector<16xf32> -> vector<16xi32>
          %shift_right_logical3A_664 = arith.constant 16 : i32
          %shift_right_logical3A_665 = vector.broadcast %shift_right_logical3A_664 : i32 to vector<16xi32>
          %shift_right_logical3A_666 = arith.shrui %bitcast_convert_type3A_662, %shift_right_logical3A_665 : vector<16xi32>
          %and3A_667 = arith.constant 65535 : i32
          %and3A_668 = vector.broadcast %and3A_667 : i32 to vector<16xi32>
          %and3A_669 = arith.andi %shift_right_logical3A_666, %and3A_668 : vector<16xi32>
          %and3A_670 = arith.constant -65536 : i32
          %and3A_671 = vector.broadcast %and3A_670 : i32 to vector<16xi32>
          %and3A_672 = arith.andi %bitcast_convert_type3A_663, %and3A_671 : vector<16xi32>
          %or3A_673 = arith.ori %and3A_669, %and3A_672 : vector<16xi32>
          %swap3A_674 = arith.constant 5 : i32
          %swap3A_675 = arith.index_cast %swap3A_674 : i32 to index
          %swap3A_676 = arith.index_cast %mul3A_272 : i32 to index
          %swap3A_677 = tpu.vector_load %arg28[%swap3A_675, %swap3A_676] {strides = array<i32>} : memref<8x2048xi32, #tpu.memory_space<vmem>>, vector<1x16xi32>,
          %swap3A_678 = vector.shape_cast %swap3A_677 : vector<1x16xi32> to vector<16xi32>
          %swap3A_679 = vector.shape_cast %or3A_673 : vector<16xi32> to vector<1x16xi32>
          tpu.vector_store %arg28[%swap3A_675, %swap3A_676], %swap3A_679 {strides = array<i32>} : memref<8x2048xi32, #tpu.memory_space<vmem>>, vector<1x16xi32>,
          %add3A_680 = arith.constant 1.000000e+00 : f32
          %add3A_681 = vector.broadcast %add3A_680 : f32 to vector<16xf32>
          %add3A_682 = arith.addf %sub3A_283, %add3A_681 : vector<16xf32>
          %mul3A_683 = arith.constant 5.120000e+02 : f32
          %mul3A_684 = vector.broadcast %mul3A_683 : f32 to vector<16xf32>
          %mul3A_685 = arith.mulf %add3A_682, %mul3A_684 : vector<16xf32>
          %sub3A_686 = arith.constant 1.000000e+00 : f32
          %sub3A_687 = vector.broadcast %sub3A_686 : f32 to vector<16xf32>
          %sub3A_688 = arith.subf %mul3A_685, %sub3A_687 : vector<16xf32>
          %div3A_689 = arith.constant 2.000000e+00 : f32
          %div3A_690 = vector.broadcast %div3A_689 : f32 to vector<16xf32>
          %div3A_691 = arith.divf %sub3A_688, %div3A_690 : vector<16xf32>
          %add3A_692 = arith.constant 1.000000e+00 : f32
          %add3A_693 = vector.broadcast %add3A_692 : f32 to vector<16xf32>
          %add3A_694 = arith.addf %sub3A_289, %add3A_693 : vector<16xf32>
          %mul3A_695 = arith.constant 5.120000e+02 : f32
          %mul3A_696 = vector.broadcast %mul3A_695 : f32 to vector<16xf32>
          %mul3A_697 = arith.mulf %add3A_694, %mul3A_696 : vector<16xf32>
          %sub3A_698 = arith.constant 1.000000e+00 : f32
          %sub3A_699 = vector.broadcast %sub3A_698 : f32 to vector<16xf32>
          %sub3A_700 = arith.subf %mul3A_697, %sub3A_699 : vector<16xf32>
          %div3A_701 = arith.constant 2.000000e+00 : f32
          %div3A_702 = vector.broadcast %div3A_701 : f32 to vector<16xf32>
          %div3A_703 = arith.divf %sub3A_700, %div3A_702 : vector<16xf32>
          %add3A_704 = arith.constant 1.000000e+00 : f32
          %add3A_705 = vector.broadcast %add3A_704 : f32 to vector<16xf32>
          %add3A_706 = arith.addf %div3A_691, %add3A_705 : vector<16xf32>
          %convert_element_type3A_707 = arith.fptosi %add3A_706 : vector<16xf32> to vector<16xi32>
          %add3A_708 = arith.constant 1.000000e+00 : f32
          %add3A_709 = vector.broadcast %add3A_708 : f32 to vector<16xf32>
          %add3A_710 = arith.addf %div3A_703, %add3A_709 : vector<16xf32>
          %convert_element_type3A_711 = arith.fptosi %add3A_710 : vector<16xf32> to vector<16xi32>
          %sub3A_712 = arith.constant 1 : i32
          %sub3A_713 = vector.broadcast %sub3A_712 : i32 to vector<16xi32>
          %sub3A_714 = arith.subi %convert_element_type3A_707, %sub3A_713 : vector<16xi32>
          %sub3A_715 = arith.constant 1 : i32
          %sub3A_716 = vector.broadcast %sub3A_715 : i32 to vector<16xi32>
          %sub3A_717 = arith.subi %convert_element_type3A_711, %sub3A_716 : vector<16xi32>
          %convert_element_type3A_718 = arith.sitofp %sub3A_714 : vector<16xi32> to vector<16xf32>
          %sub3A_719 = arith.subf %div3A_691, %convert_element_type3A_718 : vector<16xf32>
          %convert_element_type3A_720 = arith.sitofp %sub3A_717 : vector<16xi32> to vector<16xf32>
          %sub3A_721 = arith.subf %div3A_703, %convert_element_type3A_720 : vector<16xf32>
          %sub3A_722 = arith.constant 1.000000e+00 : f32
          %sub3A_723 = vector.broadcast %sub3A_722 : f32 to vector<16xf32>
          %sub3A_724 = arith.subf %sub3A_723, %sub3A_719 : vector<16xf32>
          %sub3A_725 = arith.constant 1.000000e+00 : f32
          %sub3A_726 = vector.broadcast %sub3A_725 : f32 to vector<16xf32>
          %sub3A_727 = arith.subf %sub3A_726, %sub3A_721 : vector<16xf32>
          %ge3A_728 = arith.constant 0 : i32
          %ge3A_729 = vector.broadcast %ge3A_728 : i32 to vector<16xi32>
          %ge3A_730 = arith.cmpi sge, %sub3A_714, %ge3A_729 : vector<16xi32>
          %jit3A_731 = arith.constant 0.000000e+00 : f32
          %broadcast_in_dim3A_732 = vector.broadcast %jit3A_731 : f32 to vector<16xf32>
          %select_n3A_733 = arith.select %ge3A_730, %sub3A_724, %broadcast_in_dim3A_732 : vector<16xi1>, vector<16xf32>
          %le3A_734 = arith.constant 511 : i32
          %le3A_735 = vector.broadcast %le3A_734 : i32 to vector<16xi32>
          %le3A_736 = arith.cmpi sle, %convert_element_type3A_707, %le3A_735 : vector<16xi32>
          %jit3A_737 = arith.constant 0.000000e+00 : f32
          %broadcast_in_dim3A_738 = vector.broadcast %jit3A_737 : f32 to vector<16xf32>
          %select_n3A_739 = arith.select %le3A_736, %sub3A_719, %broadcast_in_dim3A_738 : vector<16xi1>, vector<16xf32>
          %ge3A_740 = arith.constant 0 : i32
          %ge3A_741 = vector.broadcast %ge3A_740 : i32 to vector<16xi32>
          %ge3A_742 = arith.cmpi sge, %sub3A_717, %ge3A_741 : vector<16xi32>
          %jit3A_743 = arith.constant 0.000000e+00 : f32
          %broadcast_in_dim3A_744 = vector.broadcast %jit3A_743 : f32 to vector<16xf32>
          %select_n3A_745 = arith.select %ge3A_742, %sub3A_727, %broadcast_in_dim3A_744 : vector<16xi1>, vector<16xf32>
          %le3A_746 = arith.constant 511 : i32
          %le3A_747 = vector.broadcast %le3A_746 : i32 to vector<16xi32>
          %le3A_748 = arith.cmpi sle, %convert_element_type3A_711, %le3A_747 : vector<16xi32>
          %jit3A_749 = arith.constant 0.000000e+00 : f32
          %broadcast_in_dim3A_750 = vector.broadcast %jit3A_749 : f32 to vector<16xf32>
          %select_n3A_751 = arith.select %le3A_748, %sub3A_721, %broadcast_in_dim3A_750 : vector<16xi1>, vector<16xf32>
          %max3A_752 = arith.constant 0 : i32
          %max3A_753 = vector.broadcast %max3A_752 : i32 to vector<16xi32>
          %max3A_754 = arith.maxsi %sub3A_717, %max3A_753 : vector<16xi32>
          %min3A_755 = arith.constant 511 : i32
          %min3A_756 = vector.broadcast %min3A_755 : i32 to vector<16xi32>
          %min3A_757 = arith.minsi %convert_element_type3A_711, %min3A_756 : vector<16xi32>
          %mul3A_758 = arith.constant 512 : i32
          %mul3A_759 = vector.broadcast %mul3A_758 : i32 to vector<16xi32>
          %mul3A_760 = arith.muli %max3A_754, %mul3A_759 : vector<16xi32>
          %add3A_761 = arith.addi %mul3A_760, %convert_element_type3A_707 : vector<16xi32>
          %mul3A_762 = arith.constant 512 : i32
          %mul3A_763 = vector.broadcast %mul3A_762 : i32 to vector<16xi32>
          %mul3A_764 = arith.muli %min3A_757, %mul3A_763 : vector<16xi32>
          %add3A_765 = arith.addi %mul3A_764, %convert_element_type3A_707 : vector<16xi32>
          %swap3A_766 = arith.index_cast %mul3A_272 : i32 to index
          %swap3A_767 = tpu.vector_load %arg18[%swap3A_766] {strides = array<i32>} : memref<2048xi32, #tpu.memory_space<vmem>>, vector<16xi32>,
          %swap3A_768 = vector.shape_cast %swap3A_767 : vector<16xi32> to vector<16xi32>
          %swap3A_769 = vector.shape_cast %add3A_761 : vector<16xi32> to vector<16xi32>
          tpu.vector_store %arg18[%swap3A_766], %swap3A_769 {strides = array<i32>} : memref<2048xi32, #tpu.memory_space<vmem>>, vector<16xi32>,
          %swap3A_770 = arith.index_cast %mul3A_272 : i32 to index
          %swap3A_771 = tpu.vector_load %arg19[%swap3A_770] {strides = array<i32>} : memref<2048xi32, #tpu.memory_space<vmem>>, vector<16xi32>,
          %swap3A_772 = vector.shape_cast %swap3A_771 : vector<16xi32> to vector<16xi32>
          %swap3A_773 = vector.shape_cast %add3A_765 : vector<16xi32> to vector<16xi32>
          tpu.vector_store %arg19[%swap3A_770], %swap3A_773 {strides = array<i32>} : memref<2048xi32, #tpu.memory_space<vmem>>, vector<16xi32>,
          %mul3A_774 = arith.mulf %select_n3A_745, %select_n3A_733 : vector<16xf32>
          %mul3A_775 = arith.mulf %select_n3A_745, %select_n3A_739 : vector<16xf32>
          %bitcast_convert_type3A_776 = tpu.bitcast %mul3A_774 : vector<16xf32> -> vector<16xi32>
          %bitcast_convert_type3A_777 = tpu.bitcast %mul3A_775 : vector<16xf32> -> vector<16xi32>
          %shift_right_logical3A_778 = arith.constant 16 : i32
          %shift_right_logical3A_779 = vector.broadcast %shift_right_logical3A_778 : i32 to vector<16xi32>
          %shift_right_logical3A_780 = arith.shrui %bitcast_convert_type3A_776, %shift_right_logical3A_779 : vector<16xi32>
          %and3A_781 = arith.constant 65535 : i32
          %and3A_782 = vector.broadcast %and3A_781 : i32 to vector<16xi32>
          %and3A_783 = arith.andi %shift_right_logical3A_780, %and3A_782 : vector<16xi32>
          %and3A_784 = arith.constant -65536 : i32
          %and3A_785 = vector.broadcast %and3A_784 : i32 to vector<16xi32>
          %and3A_786 = arith.andi %bitcast_convert_type3A_777, %and3A_785 : vector<16xi32>
          %or3A_787 = arith.ori %and3A_783, %and3A_786 : vector<16xi32>
          %swap3A_788 = arith.constant 6 : i32
          %swap3A_789 = arith.index_cast %swap3A_788 : i32 to index
          %swap3A_790 = arith.index_cast %mul3A_272 : i32 to index
          %swap3A_791 = tpu.vector_load %arg28[%swap3A_789, %swap3A_790] {strides = array<i32>} : memref<8x2048xi32, #tpu.memory_space<vmem>>, vector<1x16xi32>,
          %swap3A_792 = vector.shape_cast %swap3A_791 : vector<1x16xi32> to vector<16xi32>
          %swap3A_793 = vector.shape_cast %or3A_787 : vector<16xi32> to vector<1x16xi32>
          tpu.vector_store %arg28[%swap3A_789, %swap3A_790], %swap3A_793 {strides = array<i32>} : memref<8x2048xi32, #tpu.memory_space<vmem>>, vector<1x16xi32>,
          %mul3A_794 = arith.mulf %select_n3A_751, %select_n3A_733 : vector<16xf32>
          %mul3A_795 = arith.mulf %select_n3A_751, %select_n3A_739 : vector<16xf32>
          %bitcast_convert_type3A_796 = tpu.bitcast %mul3A_794 : vector<16xf32> -> vector<16xi32>
          %bitcast_convert_type3A_797 = tpu.bitcast %mul3A_795 : vector<16xf32> -> vector<16xi32>
          %shift_right_logical3A_798 = arith.constant 16 : i32
          %shift_right_logical3A_799 = vector.broadcast %shift_right_logical3A_798 : i32 to vector<16xi32>
          %shift_right_logical3A_800 = arith.shrui %bitcast_convert_type3A_796, %shift_right_logical3A_799 : vector<16xi32>
          %and3A_801 = arith.constant 65535 : i32
          %and3A_802 = vector.broadcast %and3A_801 : i32 to vector<16xi32>
          %and3A_803 = arith.andi %shift_right_logical3A_800, %and3A_802 : vector<16xi32>
          %and3A_804 = arith.constant -65536 : i32
          %and3A_805 = vector.broadcast %and3A_804 : i32 to vector<16xi32>
          %and3A_806 = arith.andi %bitcast_convert_type3A_797, %and3A_805 : vector<16xi32>
          %or3A_807 = arith.ori %and3A_803, %and3A_806 : vector<16xi32>
          %swap3A_808 = arith.constant 7 : i32
          %swap3A_809 = arith.index_cast %swap3A_808 : i32 to index
          %swap3A_810 = arith.index_cast %mul3A_272 : i32 to index
          %swap3A_811 = tpu.vector_load %arg28[%swap3A_809, %swap3A_810] {strides = array<i32>} : memref<8x2048xi32, #tpu.memory_space<vmem>>, vector<1x16xi32>,
          %swap3A_812 = vector.shape_cast %swap3A_811 : vector<1x16xi32> to vector<16xi32>
          %swap3A_813 = vector.shape_cast %or3A_807 : vector<16xi32> to vector<1x16xi32>
          tpu.vector_store %arg28[%swap3A_809, %swap3A_810], %swap3A_813 {strides = array<i32>} : memref<8x2048xi32, #tpu.memory_space<vmem>>, vector<1x16xi32>,
        }
        %scan3A_201 = arith.constant 128 : i32
        %dma_start3A_202 = arith.constant 0 : i32
        %dma_start3A_203 = tpu.memref_slice %arg2[%dma_start3A_202] : memref<16777217xi32, #tpu.memory_space<hbm>> -> memref<16777217xi32, #tpu.memory_space<hbm>>
        tpu.enqueue_indirect_dma source(%dma_start3A_203 : memref<16777217xi32, #tpu.memory_space<hbm>>) target(%arg20 : memref<2048xi32, #tpu.memory_space<vmem>>) offsets(%arg12 : memref<2048xi32, #tpu.memory_space<vmem>>) semaphore(%arg48 : memref<!tpu.dma_semaphore, #tpu.memory_space<semaphore_mem>>)
        %dma_start3A_204 = arith.constant 0 : i32
        %dma_start3A_205 = tpu.memref_slice %arg2[%dma_start3A_204] : memref<16777217xi32, #tpu.memory_space<hbm>> -> memref<16777217xi32, #tpu.memory_space<hbm>>
        tpu.enqueue_indirect_dma source(%dma_start3A_205 : memref<16777217xi32, #tpu.memory_space<hbm>>) target(%arg21 : memref<2048xi32, #tpu.memory_space<vmem>>) offsets(%arg13 : memref<2048xi32, #tpu.memory_space<vmem>>) semaphore(%arg48 : memref<!tpu.dma_semaphore, #tpu.memory_space<semaphore_mem>>)
        %dma_start3A_206 = arith.constant 0 : i32
        %dma_start3A_207 = tpu.memref_slice %arg3[%dma_start3A_206] : memref<4194305xi32, #tpu.memory_space<hbm>> -> memref<4194305xi32, #tpu.memory_space<hbm>>
        tpu.enqueue_indirect_dma source(%dma_start3A_207 : memref<4194305xi32, #tpu.memory_space<hbm>>) target(%arg22 : memref<2048xi32, #tpu.memory_space<vmem>>) offsets(%arg14 : memref<2048xi32, #tpu.memory_space<vmem>>) semaphore(%arg48 : memref<!tpu.dma_semaphore, #tpu.memory_space<semaphore_mem>>)
        %dma_start3A_208 = arith.constant 0 : i32
        %dma_start3A_209 = tpu.memref_slice %arg3[%dma_start3A_208] : memref<4194305xi32, #tpu.memory_space<hbm>> -> memref<4194305xi32, #tpu.memory_space<hbm>>
        tpu.enqueue_indirect_dma source(%dma_start3A_209 : memref<4194305xi32, #tpu.memory_space<hbm>>) target(%arg23 : memref<2048xi32, #tpu.memory_space<vmem>>) offsets(%arg15 : memref<2048xi32, #tpu.memory_space<vmem>>) semaphore(%arg48 : memref<!tpu.dma_semaphore, #tpu.memory_space<semaphore_mem>>)
        %dma_start3A_210 = arith.constant 0 : i32
        %dma_start3A_211 = tpu.memref_slice %arg4[%dma_start3A_210] : memref<1048577xi32, #tpu.memory_space<hbm>> -> memref<1048577xi32, #tpu.memory_space<hbm>>
        tpu.enqueue_indirect_dma source(%dma_start3A_211 : memref<1048577xi32, #tpu.memory_space<hbm>>) target(%arg24 : memref<2048xi32, #tpu.memory_space<vmem>>) offsets(%arg16 : memref<2048xi32, #tpu.memory_space<vmem>>) semaphore(%arg48 : memref<!tpu.dma_semaphore, #tpu.memory_space<semaphore_mem>>)
        %dma_start3A_212 = arith.constant 0 : i32
        %dma_start3A_213 = tpu.memref_slice %arg4[%dma_start3A_212] : memref<1048577xi32, #tpu.memory_space<hbm>> -> memref<1048577xi32, #tpu.memory_space<hbm>>
        tpu.enqueue_indirect_dma source(%dma_start3A_213 : memref<1048577xi32, #tpu.memory_space<hbm>>) target(%arg25 : memref<2048xi32, #tpu.memory_space<vmem>>) offsets(%arg17 : memref<2048xi32, #tpu.memory_space<vmem>>) semaphore(%arg48 : memref<!tpu.dma_semaphore, #tpu.memory_space<semaphore_mem>>)
        %dma_start3A_214 = arith.constant 0 : i32
        %dma_start3A_215 = tpu.memref_slice %arg5[%dma_start3A_214] : memref<262145xi32, #tpu.memory_space<hbm>> -> memref<262145xi32, #tpu.memory_space<hbm>>
        tpu.enqueue_indirect_dma source(%dma_start3A_215 : memref<262145xi32, #tpu.memory_space<hbm>>) target(%arg26 : memref<2048xi32, #tpu.memory_space<vmem>>) offsets(%arg18 : memref<2048xi32, #tpu.memory_space<vmem>>) semaphore(%arg48 : memref<!tpu.dma_semaphore, #tpu.memory_space<semaphore_mem>>)
        %dma_start3A_216 = arith.constant 0 : i32
        %dma_start3A_217 = tpu.memref_slice %arg5[%dma_start3A_216] : memref<262145xi32, #tpu.memory_space<hbm>> -> memref<262145xi32, #tpu.memory_space<hbm>>
        tpu.enqueue_indirect_dma source(%dma_start3A_217 : memref<262145xi32, #tpu.memory_space<hbm>>) target(%arg27 : memref<2048xi32, #tpu.memory_space<vmem>>) offsets(%arg19 : memref<2048xi32, #tpu.memory_space<vmem>>) semaphore(%arg48 : memref<!tpu.dma_semaphore, #tpu.memory_space<semaphore_mem>>)
        %add3A_218 = arith.constant 1 : i32
        %add3A_219 = arith.addi %add3A_183, %add3A_218 : i32
        %mul3A_220 = arith.constant 2048 : i32
        %mul3A_221 = arith.muli %add3A_219, %mul3A_220 : i32
        %add3A_222 = arith.addi %mul3A_2, %mul3A_221 : i32
        %dma_start3A_223 = arith.constant 0 : i32
        %dma_start3A_224 = tpu.memref_slice %arg6[%dma_start3A_223, %add3A_222] : memref<2x1048576xf32, #tpu.memory_space<hbm>> -> memref<1x2048xf32, #tpu.memory_space<hbm>>
        %dma_start3A_225 = tpu.memref_squeeze %dma_start3A_224 : memref<1x2048xf32, #tpu.memory_space<hbm>> -> memref<2048xf32, #tpu.memory_space<hbm>>
        %dma_start3A_226 = tpu.memref_slice %arg6[%dma_start3A_223, %add3A_222] : memref<2x1048576xf32, #tpu.memory_space<hbm>> -> memref<1x2048xf32, #tpu.memory_space<hbm>>
        %dma_start3A_227 = tpu.memref_squeeze %dma_start3A_226 : memref<1x2048xf32, #tpu.memory_space<hbm>> -> memref<2048xf32, #tpu.memory_space<hbm>>
        tpu.enqueue_dma source(%dma_start3A_227 : memref<2048xf32, #tpu.memory_space<hbm>>) target(%arg9 : memref<2048xf32, #tpu.memory_space<vmem>>) target_semaphore(%arg51 : memref<!tpu.dma_semaphore, #tpu.memory_space<semaphore_mem>>)
        %dma_start3A_228 = arith.constant 1 : i32
        %dma_start3A_229 = tpu.memref_slice %arg6[%dma_start3A_228, %add3A_222] : memref<2x1048576xf32, #tpu.memory_space<hbm>> -> memref<1x2048xf32, #tpu.memory_space<hbm>>
        %dma_start3A_230 = tpu.memref_squeeze %dma_start3A_229 : memref<1x2048xf32, #tpu.memory_space<hbm>> -> memref<2048xf32, #tpu.memory_space<hbm>>
        %dma_start3A_231 = tpu.memref_slice %arg6[%dma_start3A_228, %add3A_222] : memref<2x1048576xf32, #tpu.memory_space<hbm>> -> memref<1x2048xf32, #tpu.memory_space<hbm>>
        %dma_start3A_232 = tpu.memref_squeeze %dma_start3A_231 : memref<1x2048xf32, #tpu.memory_space<hbm>> -> memref<2048xf32, #tpu.memory_space<hbm>>
        tpu.enqueue_dma source(%dma_start3A_232 : memref<2048xf32, #tpu.memory_space<hbm>>) target(%arg11 : memref<2048xf32, #tpu.memory_space<vmem>>) target_semaphore(%arg51 : memref<!tpu.dma_semaphore, #tpu.memory_space<semaphore_mem>>)
        %dma_wait3A_233 = arith.constant 0 : i32
        %dma_wait3A_234 = tpu.memref_slice %arg2[%dma_wait3A_233] : memref<16777217xi32, #tpu.memory_space<hbm>> -> memref<16777217xi32, #tpu.memory_space<hbm>>
        tpu.wait_indirect_dma semaphore(%arg49 : memref<!tpu.dma_semaphore, #tpu.memory_space<semaphore_mem>>) src(%dma_wait3A_234 : memref<16777217xi32, #tpu.memory_space<hbm>>) dst(%arg37 : memref<2048xi32, #tpu.memory_space<vmem>>)
        %dma_wait3A_235 = arith.constant 0 : i32
        %dma_wait3A_236 = tpu.memref_slice %arg2[%dma_wait3A_235] : memref<16777217xi32, #tpu.memory_space<hbm>> -> memref<16777217xi32, #tpu.memory_space<hbm>>
        tpu.wait_indirect_dma semaphore(%arg49 : memref<!tpu.dma_semaphore, #tpu.memory_space<semaphore_mem>>) src(%dma_wait3A_236 : memref<16777217xi32, #tpu.memory_space<hbm>>) dst(%arg38 : memref<2048xi32, #tpu.memory_space<vmem>>)
        %dma_wait3A_237 = arith.constant 0 : i32
        %dma_wait3A_238 = tpu.memref_slice %arg3[%dma_wait3A_237] : memref<4194305xi32, #tpu.memory_space<hbm>> -> memref<4194305xi32, #tpu.memory_space<hbm>>
        tpu.wait_indirect_dma semaphore(%arg49 : memref<!tpu.dma_semaphore, #tpu.memory_space<semaphore_mem>>) src(%dma_wait3A_238 : memref<4194305xi32, #tpu.memory_space<hbm>>) dst(%arg39 : memref<2048xi32, #tpu.memory_space<vmem>>)
        %dma_wait3A_239 = arith.constant 0 : i32
        %dma_wait3A_240 = tpu.memref_slice %arg3[%dma_wait3A_239] : memref<4194305xi32, #tpu.memory_space<hbm>> -> memref<4194305xi32, #tpu.memory_space<hbm>>
        tpu.wait_indirect_dma semaphore(%arg49 : memref<!tpu.dma_semaphore, #tpu.memory_space<semaphore_mem>>) src(%dma_wait3A_240 : memref<4194305xi32, #tpu.memory_space<hbm>>) dst(%arg40 : memref<2048xi32, #tpu.memory_space<vmem>>)
        %dma_wait3A_241 = arith.constant 0 : i32
        %dma_wait3A_242 = tpu.memref_slice %arg4[%dma_wait3A_241] : memref<1048577xi32, #tpu.memory_space<hbm>> -> memref<1048577xi32, #tpu.memory_space<hbm>>
        tpu.wait_indirect_dma semaphore(%arg49 : memref<!tpu.dma_semaphore, #tpu.memory_space<semaphore_mem>>) src(%dma_wait3A_242 : memref<1048577xi32, #tpu.memory_space<hbm>>) dst(%arg41 : memref<2048xi32, #tpu.memory_space<vmem>>)
        %dma_wait3A_243 = arith.constant 0 : i32
        %dma_wait3A_244 = tpu.memref_slice %arg4[%dma_wait3A_243] : memref<1048577xi32, #tpu.memory_space<hbm>> -> memref<1048577xi32, #tpu.memory_space<hbm>>
        tpu.wait_indirect_dma semaphore(%arg49 : memref<!tpu.dma_semaphore, #tpu.memory_space<semaphore_mem>>) src(%dma_wait3A_244 : memref<1048577xi32, #tpu.memory_space<hbm>>) dst(%arg42 : memref<2048xi32, #tpu.memory_space<vmem>>)
        %dma_wait3A_245 = arith.constant 0 : i32
        %dma_wait3A_246 = tpu.memref_slice %arg5[%dma_wait3A_245] : memref<262145xi32, #tpu.memory_space<hbm>> -> memref<262145xi32, #tpu.memory_space<hbm>>
        tpu.wait_indirect_dma semaphore(%arg49 : memref<!tpu.dma_semaphore, #tpu.memory_space<semaphore_mem>>) src(%dma_wait3A_246 : memref<262145xi32, #tpu.memory_space<hbm>>) dst(%arg43 : memref<2048xi32, #tpu.memory_space<vmem>>)
        %dma_wait3A_247 = arith.constant 0 : i32
        %dma_wait3A_248 = tpu.memref_slice %arg5[%dma_wait3A_247] : memref<262145xi32, #tpu.memory_space<hbm>> -> memref<262145xi32, #tpu.memory_space<hbm>>
        tpu.wait_indirect_dma semaphore(%arg49 : memref<!tpu.dma_semaphore, #tpu.memory_space<semaphore_mem>>) src(%dma_wait3A_248 : memref<262145xi32, #tpu.memory_space<hbm>>) dst(%arg44 : memref<2048xi32, #tpu.memory_space<vmem>>)
        %sub3A_249 = arith.constant 1 : i32
        %sub3A_250 = arith.subi %add3A_183, %sub3A_249 : i32
        %ge3A_251 = arith.constant 2 : i32
        %ge3A_252 = arith.cmpi sge, %sub3A_250, %ge3A_251 : i32
        %convert_element_type3A_253 = arith.extui %ge3A_252 : i1 to i32
        %cond3A_254 = arith.constant 0 : i32
        %cond3A_255 = arith.cmpi ne, %convert_element_type3A_253, %cond3A_254 : i32
        scf.if %cond3A_255 {
          %sub3A_266 = arith.constant 2 : i32
          %sub3A_267 = arith.subi %sub3A_250, %sub3A_266 : i32
          %mul3A_268 = arith.constant 2048 : i32
          %mul3A_269 = arith.muli %sub3A_267, %mul3A_268 : i32
          %add3A_270 = arith.addi %mul3A_2, %mul3A_269 : i32
          %dma_wait3A_271 = tpu.memref_slice %arg7[%add3A_270] : memref<1048576xf32, #tpu.memory_space<hbm>> -> memref<2048xf32, #tpu.memory_space<hbm>>
          %dma_wait3A_272 = tpu.memref_slice %arg7[%add3A_270] : memref<1048576xf32, #tpu.memory_space<hbm>> -> memref<2048xf32, #tpu.memory_space<hbm>>
          tpu.wait_dma2 semaphore(%arg53 : memref<!tpu.dma_semaphore, #tpu.memory_space<semaphore_mem>>) src(%arg47 : memref<2048xf32, #tpu.memory_space<vmem>>) dst(%dma_wait3A_272 : memref<2048xf32, #tpu.memory_space<hbm>>)
        } else {
        }
        %scan3A_256 = arith.constant 0 : i32
        %scan3A_257 = arith.constant 128 : i32
        %scan3A_258 = arith.addi %scan3A_256, %scan3A_257 : i32
        %scan3A_259 = arith.constant 1 : i32
        scf.for %scan3A_266 = %scan3A_256 to %scan3A_258 step %scan3A_259  : i32 {
          %mul3A_267 = arith.constant 1 : i32
          %mul3A_268 = arith.muli %scan3A_266, %mul3A_267 : i32
          %add3A_269 = arith.constant 0 : i32
          %add3A_270 = arith.addi %add3A_269, %mul3A_268 : i32
          %mul3A_271 = arith.constant 16 : i32
          %mul3A_272 = arith.muli %add3A_270, %mul3A_271 : i32
          %get3A = arith.index_cast %mul3A_272 : i32 to index
          %get3A_273 = tpu.vector_load %arg37[%get3A] {strides = array<i32>} : memref<2048xi32, #tpu.memory_space<vmem>>, vector<16xi32>,
          %get3A_274 = vector.shape_cast %get3A_273 : vector<16xi32> to vector<16xi32>
          %get3A_275 = arith.index_cast %mul3A_272 : i32 to index
          %get3A_276 = tpu.vector_load %arg38[%get3A_275] {strides = array<i32>} : memref<2048xi32, #tpu.memory_space<vmem>>, vector<16xi32>,
          %get3A_277 = vector.shape_cast %get3A_276 : vector<16xi32> to vector<16xi32>
          %get3A_278 = arith.constant 0 : i32
          %get3A_279 = arith.index_cast %get3A_278 : i32 to index
          %get3A_280 = arith.index_cast %mul3A_272 : i32 to index
          %get3A_281 = tpu.vector_load %arg45[%get3A_279, %get3A_280] {strides = array<i32>} : memref<8x2048xi32, #tpu.memory_space<vmem>>, vector<1x16xi32>,
          %get3A_282 = vector.shape_cast %get3A_281 : vector<1x16xi32> to vector<16xi32>
          %get3A_283 = arith.constant 1 : i32
          %get3A_284 = arith.index_cast %get3A_283 : i32 to index
          %get3A_285 = arith.index_cast %mul3A_272 : i32 to index
          %get3A_286 = tpu.vector_load %arg45[%get3A_284, %get3A_285] {strides = array<i32>} : memref<8x2048xi32, #tpu.memory_space<vmem>>, vector<1x16xi32>,
          %get3A_287 = vector.shape_cast %get3A_286 : vector<1x16xi32> to vector<16xi32>
          %shift_left3A = arith.constant 16 : i32
          %shift_left3A_288 = vector.broadcast %shift_left3A : i32 to vector<16xi32>
          %shift_left3A_289 = arith.shli %get3A_274, %shift_left3A_288 : vector<16xi32>
          %bitcast_convert_type3A = tpu.bitcast %shift_left3A_289 : vector<16xi32> -> vector<16xf32>
          %and3A = arith.constant -65536 : i32
          %and3A_290 = vector.broadcast %and3A : i32 to vector<16xi32>
          %and3A_291 = arith.andi %get3A_274, %and3A_290 : vector<16xi32>
          %bitcast_convert_type3A_292 = tpu.bitcast %and3A_291 : vector<16xi32> -> vector<16xf32>
          %shift_left3A_293 = arith.constant 16 : i32
          %shift_left3A_294 = vector.broadcast %shift_left3A_293 : i32 to vector<16xi32>
          %shift_left3A_295 = arith.shli %get3A_277, %shift_left3A_294 : vector<16xi32>
          %bitcast_convert_type3A_296 = tpu.bitcast %shift_left3A_295 : vector<16xi32> -> vector<16xf32>
          %and3A_297 = arith.constant -65536 : i32
          %and3A_298 = vector.broadcast %and3A_297 : i32 to vector<16xi32>
          %and3A_299 = arith.andi %get3A_277, %and3A_298 : vector<16xi32>
          %bitcast_convert_type3A_300 = tpu.bitcast %and3A_299 : vector<16xi32> -> vector<16xf32>
          %shift_left3A_301 = arith.constant 16 : i32
          %shift_left3A_302 = vector.broadcast %shift_left3A_301 : i32 to vector<16xi32>
          %shift_left3A_303 = arith.shli %get3A_282, %shift_left3A_302 : vector<16xi32>
          %bitcast_convert_type3A_304 = tpu.bitcast %shift_left3A_303 : vector<16xi32> -> vector<16xf32>
          %and3A_305 = arith.constant -65536 : i32
          %and3A_306 = vector.broadcast %and3A_305 : i32 to vector<16xi32>
          %and3A_307 = arith.andi %get3A_282, %and3A_306 : vector<16xi32>
          %bitcast_convert_type3A_308 = tpu.bitcast %and3A_307 : vector<16xi32> -> vector<16xf32>
          %shift_left3A_309 = arith.constant 16 : i32
          %shift_left3A_310 = vector.broadcast %shift_left3A_309 : i32 to vector<16xi32>
          %shift_left3A_311 = arith.shli %get3A_287, %shift_left3A_310 : vector<16xi32>
          %bitcast_convert_type3A_312 = tpu.bitcast %shift_left3A_311 : vector<16xi32> -> vector<16xf32>
          %and3A_313 = arith.constant -65536 : i32
          %and3A_314 = vector.broadcast %and3A_313 : i32 to vector<16xi32>
          %and3A_315 = arith.andi %get3A_287, %and3A_314 : vector<16xi32>
          %bitcast_convert_type3A_316 = tpu.bitcast %and3A_315 : vector<16xi32> -> vector<16xf32>
          %mul3A_317 = arith.mulf %bitcast_convert_type3A, %bitcast_convert_type3A_304 : vector<16xf32>
          %mul3A_318 = arith.mulf %bitcast_convert_type3A_292, %bitcast_convert_type3A_308 : vector<16xf32>
          %add3A_319 = arith.addf %mul3A_317, %mul3A_318 : vector<16xf32>
          %mul3A_320 = arith.mulf %bitcast_convert_type3A_296, %bitcast_convert_type3A_312 : vector<16xf32>
          %add3A_321 = arith.addf %add3A_319, %mul3A_320 : vector<16xf32>
          %mul3A_322 = arith.mulf %bitcast_convert_type3A_300, %bitcast_convert_type3A_316 : vector<16xf32>
          %add3A_323 = arith.addf %add3A_321, %mul3A_322 : vector<16xf32>
          %get3A_324 = arith.index_cast %mul3A_272 : i32 to index
          %get3A_325 = tpu.vector_load %arg39[%get3A_324] {strides = array<i32>} : memref<2048xi32, #tpu.memory_space<vmem>>, vector<16xi32>,
          %get3A_326 = vector.shape_cast %get3A_325 : vector<16xi32> to vector<16xi32>
          %get3A_327 = arith.index_cast %mul3A_272 : i32 to index
          %get3A_328 = tpu.vector_load %arg40[%get3A_327] {strides = array<i32>} : memref<2048xi32, #tpu.memory_space<vmem>>, vector<16xi32>,
          %get3A_329 = vector.shape_cast %get3A_328 : vector<16xi32> to vector<16xi32>
          %get3A_330 = arith.constant 2 : i32
          %get3A_331 = arith.index_cast %get3A_330 : i32 to index
          %get3A_332 = arith.index_cast %mul3A_272 : i32 to index
          %get3A_333 = tpu.vector_load %arg45[%get3A_331, %get3A_332] {strides = array<i32>} : memref<8x2048xi32, #tpu.memory_space<vmem>>, vector<1x16xi32>,
          %get3A_334 = vector.shape_cast %get3A_333 : vector<1x16xi32> to vector<16xi32>
          %get3A_335 = arith.constant 3 : i32
          %get3A_336 = arith.index_cast %get3A_335 : i32 to index
          %get3A_337 = arith.index_cast %mul3A_272 : i32 to index
          %get3A_338 = tpu.vector_load %arg45[%get3A_336, %get3A_337] {strides = array<i32>} : memref<8x2048xi32, #tpu.memory_space<vmem>>, vector<1x16xi32>,
          %get3A_339 = vector.shape_cast %get3A_338 : vector<1x16xi32> to vector<16xi32>
          %shift_left3A_340 = arith.constant 16 : i32
          %shift_left3A_341 = vector.broadcast %shift_left3A_340 : i32 to vector<16xi32>
          %shift_left3A_342 = arith.shli %get3A_326, %shift_left3A_341 : vector<16xi32>
          %bitcast_convert_type3A_343 = tpu.bitcast %shift_left3A_342 : vector<16xi32> -> vector<16xf32>
          %and3A_344 = arith.constant -65536 : i32
          %and3A_345 = vector.broadcast %and3A_344 : i32 to vector<16xi32>
          %and3A_346 = arith.andi %get3A_326, %and3A_345 : vector<16xi32>
          %bitcast_convert_type3A_347 = tpu.bitcast %and3A_346 : vector<16xi32> -> vector<16xf32>
          %shift_left3A_348 = arith.constant 16 : i32
          %shift_left3A_349 = vector.broadcast %shift_left3A_348 : i32 to vector<16xi32>
          %shift_left3A_350 = arith.shli %get3A_329, %shift_left3A_349 : vector<16xi32>
          %bitcast_convert_type3A_351 = tpu.bitcast %shift_left3A_350 : vector<16xi32> -> vector<16xf32>
          %and3A_352 = arith.constant -65536 : i32
          %and3A_353 = vector.broadcast %and3A_352 : i32 to vector<16xi32>
          %and3A_354 = arith.andi %get3A_329, %and3A_353 : vector<16xi32>
          %bitcast_convert_type3A_355 = tpu.bitcast %and3A_354 : vector<16xi32> -> vector<16xf32>
          %shift_left3A_356 = arith.constant 16 : i32
          %shift_left3A_357 = vector.broadcast %shift_left3A_356 : i32 to vector<16xi32>
          %shift_left3A_358 = arith.shli %get3A_334, %shift_left3A_357 : vector<16xi32>
          %bitcast_convert_type3A_359 = tpu.bitcast %shift_left3A_358 : vector<16xi32> -> vector<16xf32>
          %and3A_360 = arith.constant -65536 : i32
          %and3A_361 = vector.broadcast %and3A_360 : i32 to vector<16xi32>
          %and3A_362 = arith.andi %get3A_334, %and3A_361 : vector<16xi32>
          %bitcast_convert_type3A_363 = tpu.bitcast %and3A_362 : vector<16xi32> -> vector<16xf32>
          %shift_left3A_364 = arith.constant 16 : i32
          %shift_left3A_365 = vector.broadcast %shift_left3A_364 : i32 to vector<16xi32>
          %shift_left3A_366 = arith.shli %get3A_339, %shift_left3A_365 : vector<16xi32>
          %bitcast_convert_type3A_367 = tpu.bitcast %shift_left3A_366 : vector<16xi32> -> vector<16xf32>
          %and3A_368 = arith.constant -65536 : i32
          %and3A_369 = vector.broadcast %and3A_368 : i32 to vector<16xi32>
          %and3A_370 = arith.andi %get3A_339, %and3A_369 : vector<16xi32>
          %bitcast_convert_type3A_371 = tpu.bitcast %and3A_370 : vector<16xi32> -> vector<16xf32>
          %mul3A_372 = arith.mulf %bitcast_convert_type3A_343, %bitcast_convert_type3A_359 : vector<16xf32>
          %mul3A_373 = arith.mulf %bitcast_convert_type3A_347, %bitcast_convert_type3A_363 : vector<16xf32>
          %add3A_374 = arith.addf %mul3A_372, %mul3A_373 : vector<16xf32>
          %mul3A_375 = arith.mulf %bitcast_convert_type3A_351, %bitcast_convert_type3A_367 : vector<16xf32>
          %add3A_376 = arith.addf %add3A_374, %mul3A_375 : vector<16xf32>
          %mul3A_377 = arith.mulf %bitcast_convert_type3A_355, %bitcast_convert_type3A_371 : vector<16xf32>
          %add3A_378 = arith.addf %add3A_376, %mul3A_377 : vector<16xf32>
          %add3A_379 = arith.addf %add3A_323, %add3A_378 : vector<16xf32>
          %get3A_380 = arith.index_cast %mul3A_272 : i32 to index
          %get3A_381 = tpu.vector_load %arg41[%get3A_380] {strides = array<i32>} : memref<2048xi32, #tpu.memory_space<vmem>>, vector<16xi32>,
          %get3A_382 = vector.shape_cast %get3A_381 : vector<16xi32> to vector<16xi32>
          %get3A_383 = arith.index_cast %mul3A_272 : i32 to index
          %get3A_384 = tpu.vector_load %arg42[%get3A_383] {strides = array<i32>} : memref<2048xi32, #tpu.memory_space<vmem>>, vector<16xi32>,
          %get3A_385 = vector.shape_cast %get3A_384 : vector<16xi32> to vector<16xi32>
          %get3A_386 = arith.constant 4 : i32
          %get3A_387 = arith.index_cast %get3A_386 : i32 to index
          %get3A_388 = arith.index_cast %mul3A_272 : i32 to index
          %get3A_389 = tpu.vector_load %arg45[%get3A_387, %get3A_388] {strides = array<i32>} : memref<8x2048xi32, #tpu.memory_space<vmem>>, vector<1x16xi32>,
          %get3A_390 = vector.shape_cast %get3A_389 : vector<1x16xi32> to vector<16xi32>
          %get3A_391 = arith.constant 5 : i32
          %get3A_392 = arith.index_cast %get3A_391 : i32 to index
          %get3A_393 = arith.index_cast %mul3A_272 : i32 to index
          %get3A_394 = tpu.vector_load %arg45[%get3A_392, %get3A_393] {strides = array<i32>} : memref<8x2048xi32, #tpu.memory_space<vmem>>, vector<1x16xi32>,
          %get3A_395 = vector.shape_cast %get3A_394 : vector<1x16xi32> to vector<16xi32>
          %shift_left3A_396 = arith.constant 16 : i32
          %shift_left3A_397 = vector.broadcast %shift_left3A_396 : i32 to vector<16xi32>
          %shift_left3A_398 = arith.shli %get3A_382, %shift_left3A_397 : vector<16xi32>
          %bitcast_convert_type3A_399 = tpu.bitcast %shift_left3A_398 : vector<16xi32> -> vector<16xf32>
          %and3A_400 = arith.constant -65536 : i32
          %and3A_401 = vector.broadcast %and3A_400 : i32 to vector<16xi32>
          %and3A_402 = arith.andi %get3A_382, %and3A_401 : vector<16xi32>
          %bitcast_convert_type3A_403 = tpu.bitcast %and3A_402 : vector<16xi32> -> vector<16xf32>
          %shift_left3A_404 = arith.constant 16 : i32
          %shift_left3A_405 = vector.broadcast %shift_left3A_404 : i32 to vector<16xi32>
          %shift_left3A_406 = arith.shli %get3A_385, %shift_left3A_405 : vector<16xi32>
          %bitcast_convert_type3A_407 = tpu.bitcast %shift_left3A_406 : vector<16xi32> -> vector<16xf32>
          %and3A_408 = arith.constant -65536 : i32
          %and3A_409 = vector.broadcast %and3A_408 : i32 to vector<16xi32>
          %and3A_410 = arith.andi %get3A_385, %and3A_409 : vector<16xi32>
          %bitcast_convert_type3A_411 = tpu.bitcast %and3A_410 : vector<16xi32> -> vector<16xf32>
          %shift_left3A_412 = arith.constant 16 : i32
          %shift_left3A_413 = vector.broadcast %shift_left3A_412 : i32 to vector<16xi32>
          %shift_left3A_414 = arith.shli %get3A_390, %shift_left3A_413 : vector<16xi32>
          %bitcast_convert_type3A_415 = tpu.bitcast %shift_left3A_414 : vector<16xi32> -> vector<16xf32>
          %and3A_416 = arith.constant -65536 : i32
          %and3A_417 = vector.broadcast %and3A_416 : i32 to vector<16xi32>
          %and3A_418 = arith.andi %get3A_390, %and3A_417 : vector<16xi32>
          %bitcast_convert_type3A_419 = tpu.bitcast %and3A_418 : vector<16xi32> -> vector<16xf32>
          %shift_left3A_420 = arith.constant 16 : i32
          %shift_left3A_421 = vector.broadcast %shift_left3A_420 : i32 to vector<16xi32>
          %shift_left3A_422 = arith.shli %get3A_395, %shift_left3A_421 : vector<16xi32>
          %bitcast_convert_type3A_423 = tpu.bitcast %shift_left3A_422 : vector<16xi32> -> vector<16xf32>
          %and3A_424 = arith.constant -65536 : i32
          %and3A_425 = vector.broadcast %and3A_424 : i32 to vector<16xi32>
          %and3A_426 = arith.andi %get3A_395, %and3A_425 : vector<16xi32>
          %bitcast_convert_type3A_427 = tpu.bitcast %and3A_426 : vector<16xi32> -> vector<16xf32>
          %mul3A_428 = arith.mulf %bitcast_convert_type3A_399, %bitcast_convert_type3A_415 : vector<16xf32>
          %mul3A_429 = arith.mulf %bitcast_convert_type3A_403, %bitcast_convert_type3A_419 : vector<16xf32>
          %add3A_430 = arith.addf %mul3A_428, %mul3A_429 : vector<16xf32>
          %mul3A_431 = arith.mulf %bitcast_convert_type3A_407, %bitcast_convert_type3A_423 : vector<16xf32>
          %add3A_432 = arith.addf %add3A_430, %mul3A_431 : vector<16xf32>
          %mul3A_433 = arith.mulf %bitcast_convert_type3A_411, %bitcast_convert_type3A_427 : vector<16xf32>
          %add3A_434 = arith.addf %add3A_432, %mul3A_433 : vector<16xf32>
          %add3A_435 = arith.addf %add3A_379, %add3A_434 : vector<16xf32>
          %get3A_436 = arith.index_cast %mul3A_272 : i32 to index
          %get3A_437 = tpu.vector_load %arg43[%get3A_436] {strides = array<i32>} : memref<2048xi32, #tpu.memory_space<vmem>>, vector<16xi32>,
          %get3A_438 = vector.shape_cast %get3A_437 : vector<16xi32> to vector<16xi32>
          %get3A_439 = arith.index_cast %mul3A_272 : i32 to index
          %get3A_440 = tpu.vector_load %arg44[%get3A_439] {strides = array<i32>} : memref<2048xi32, #tpu.memory_space<vmem>>, vector<16xi32>,
          %get3A_441 = vector.shape_cast %get3A_440 : vector<16xi32> to vector<16xi32>
          %get3A_442 = arith.constant 6 : i32
          %get3A_443 = arith.index_cast %get3A_442 : i32 to index
          %get3A_444 = arith.index_cast %mul3A_272 : i32 to index
          %get3A_445 = tpu.vector_load %arg45[%get3A_443, %get3A_444] {strides = array<i32>} : memref<8x2048xi32, #tpu.memory_space<vmem>>, vector<1x16xi32>,
          %get3A_446 = vector.shape_cast %get3A_445 : vector<1x16xi32> to vector<16xi32>
          %get3A_447 = arith.constant 7 : i32
          %get3A_448 = arith.index_cast %get3A_447 : i32 to index
          %get3A_449 = arith.index_cast %mul3A_272 : i32 to index
          %get3A_450 = tpu.vector_load %arg45[%get3A_448, %get3A_449] {strides = array<i32>} : memref<8x2048xi32, #tpu.memory_space<vmem>>, vector<1x16xi32>,
          %get3A_451 = vector.shape_cast %get3A_450 : vector<1x16xi32> to vector<16xi32>
          %shift_left3A_452 = arith.constant 16 : i32
          %shift_left3A_453 = vector.broadcast %shift_left3A_452 : i32 to vector<16xi32>
          %shift_left3A_454 = arith.shli %get3A_438, %shift_left3A_453 : vector<16xi32>
          %bitcast_convert_type3A_455 = tpu.bitcast %shift_left3A_454 : vector<16xi32> -> vector<16xf32>
          %and3A_456 = arith.constant -65536 : i32
          %and3A_457 = vector.broadcast %and3A_456 : i32 to vector<16xi32>
          %and3A_458 = arith.andi %get3A_438, %and3A_457 : vector<16xi32>
          %bitcast_convert_type3A_459 = tpu.bitcast %and3A_458 : vector<16xi32> -> vector<16xf32>
          %shift_left3A_460 = arith.constant 16 : i32
          %shift_left3A_461 = vector.broadcast %shift_left3A_460 : i32 to vector<16xi32>
          %shift_left3A_462 = arith.shli %get3A_441, %shift_left3A_461 : vector<16xi32>
          %bitcast_convert_type3A_463 = tpu.bitcast %shift_left3A_462 : vector<16xi32> -> vector<16xf32>
          %and3A_464 = arith.constant -65536 : i32
          %and3A_465 = vector.broadcast %and3A_464 : i32 to vector<16xi32>
          %and3A_466 = arith.andi %get3A_441, %and3A_465 : vector<16xi32>
          %bitcast_convert_type3A_467 = tpu.bitcast %and3A_466 : vector<16xi32> -> vector<16xf32>
          %shift_left3A_468 = arith.constant 16 : i32
          %shift_left3A_469 = vector.broadcast %shift_left3A_468 : i32 to vector<16xi32>
          %shift_left3A_470 = arith.shli %get3A_446, %shift_left3A_469 : vector<16xi32>
          %bitcast_convert_type3A_471 = tpu.bitcast %shift_left3A_470 : vector<16xi32> -> vector<16xf32>
          %and3A_472 = arith.constant -65536 : i32
          %and3A_473 = vector.broadcast %and3A_472 : i32 to vector<16xi32>
          %and3A_474 = arith.andi %get3A_446, %and3A_473 : vector<16xi32>
          %bitcast_convert_type3A_475 = tpu.bitcast %and3A_474 : vector<16xi32> -> vector<16xf32>
          %shift_left3A_476 = arith.constant 16 : i32
          %shift_left3A_477 = vector.broadcast %shift_left3A_476 : i32 to vector<16xi32>
          %shift_left3A_478 = arith.shli %get3A_451, %shift_left3A_477 : vector<16xi32>
          %bitcast_convert_type3A_479 = tpu.bitcast %shift_left3A_478 : vector<16xi32> -> vector<16xf32>
          %and3A_480 = arith.constant -65536 : i32
          %and3A_481 = vector.broadcast %and3A_480 : i32 to vector<16xi32>
          %and3A_482 = arith.andi %get3A_451, %and3A_481 : vector<16xi32>
          %bitcast_convert_type3A_483 = tpu.bitcast %and3A_482 : vector<16xi32> -> vector<16xf32>
          %mul3A_484 = arith.mulf %bitcast_convert_type3A_455, %bitcast_convert_type3A_471 : vector<16xf32>
          %mul3A_485 = arith.mulf %bitcast_convert_type3A_459, %bitcast_convert_type3A_475 : vector<16xf32>
          %add3A_486 = arith.addf %mul3A_484, %mul3A_485 : vector<16xf32>
          %mul3A_487 = arith.mulf %bitcast_convert_type3A_463, %bitcast_convert_type3A_479 : vector<16xf32>
          %add3A_488 = arith.addf %add3A_486, %mul3A_487 : vector<16xf32>
          %mul3A_489 = arith.mulf %bitcast_convert_type3A_467, %bitcast_convert_type3A_483 : vector<16xf32>
          %add3A_490 = arith.addf %add3A_488, %mul3A_489 : vector<16xf32>
          %add3A_491 = arith.addf %add3A_435, %add3A_490 : vector<16xf32>
          %swap3A = arith.index_cast %mul3A_272 : i32 to index
          %swap3A_492 = tpu.vector_load %arg47[%swap3A] {strides = array<i32>} : memref<2048xf32, #tpu.memory_space<vmem>>, vector<16xf32>,
          %swap3A_493 = vector.shape_cast %swap3A_492 : vector<16xf32> to vector<16xf32>
          %swap3A_494 = vector.shape_cast %add3A_491 : vector<16xf32> to vector<16xf32>
          tpu.vector_store %arg47[%swap3A], %swap3A_494 {strides = array<i32>} : memref<2048xf32, #tpu.memory_space<vmem>>, vector<16xf32>,
        }
        %scan3A_260 = arith.constant 128 : i32
        %mul3A_261 = arith.constant 2048 : i32
        %mul3A_262 = arith.muli %sub3A_250, %mul3A_261 : i32
        %add3A_263 = arith.addi %mul3A_2, %mul3A_262 : i32
        %dma_start3A_264 = tpu.memref_slice %arg7[%add3A_263] : memref<1048576xf32, #tpu.memory_space<hbm>> -> memref<2048xf32, #tpu.memory_space<hbm>>
        %dma_start3A_265 = tpu.memref_slice %arg7[%add3A_263] : memref<1048576xf32, #tpu.memory_space<hbm>> -> memref<2048xf32, #tpu.memory_space<hbm>>
        tpu.enqueue_dma source(%arg47 : memref<2048xf32, #tpu.memory_space<vmem>>) target(%dma_start3A_265 : memref<2048xf32, #tpu.memory_space<hbm>>) target_semaphore(%arg53 : memref<!tpu.dma_semaphore, #tpu.memory_space<semaphore_mem>>)
      } else {
      }
    }
    %scan3A_61 = arith.constant 8 : i32
    %dma_wait3A_62 = arith.constant 0 : i32
    %dma_wait3A_63 = tpu.memref_slice %arg2[%dma_wait3A_62] : memref<16777217xi32, #tpu.memory_space<hbm>> -> memref<16777217xi32, #tpu.memory_space<hbm>>
    tpu.wait_indirect_dma semaphore(%arg49 : memref<!tpu.dma_semaphore, #tpu.memory_space<semaphore_mem>>) src(%dma_wait3A_63 : memref<16777217xi32, #tpu.memory_space<hbm>>) dst(%arg37 : memref<2048xi32, #tpu.memory_space<vmem>>)
    %dma_wait3A_64 = arith.constant 0 : i32
    %dma_wait3A_65 = tpu.memref_slice %arg2[%dma_wait3A_64] : memref<16777217xi32, #tpu.memory_space<hbm>> -> memref<16777217xi32, #tpu.memory_space<hbm>>
    tpu.wait_indirect_dma semaphore(%arg49 : memref<!tpu.dma_semaphore, #tpu.memory_space<semaphore_mem>>) src(%dma_wait3A_65 : memref<16777217xi32, #tpu.memory_space<hbm>>) dst(%arg38 : memref<2048xi32, #tpu.memory_space<vmem>>)
    %dma_wait3A_66 = arith.constant 0 : i32
    %dma_wait3A_67 = tpu.memref_slice %arg3[%dma_wait3A_66] : memref<4194305xi32, #tpu.memory_space<hbm>> -> memref<4194305xi32, #tpu.memory_space<hbm>>
    tpu.wait_indirect_dma semaphore(%arg49 : memref<!tpu.dma_semaphore, #tpu.memory_space<semaphore_mem>>) src(%dma_wait3A_67 : memref<4194305xi32, #tpu.memory_space<hbm>>) dst(%arg39 : memref<2048xi32, #tpu.memory_space<vmem>>)
    %dma_wait3A_68 = arith.constant 0 : i32
    %dma_wait3A_69 = tpu.memref_slice %arg3[%dma_wait3A_68] : memref<4194305xi32, #tpu.memory_space<hbm>> -> memref<4194305xi32, #tpu.memory_space<hbm>>
    tpu.wait_indirect_dma semaphore(%arg49 : memref<!tpu.dma_semaphore, #tpu.memory_space<semaphore_mem>>) src(%dma_wait3A_69 : memref<4194305xi32, #tpu.memory_space<hbm>>) dst(%arg40 : memref<2048xi32, #tpu.memory_space<vmem>>)
    %dma_wait3A_70 = arith.constant 0 : i32
    %dma_wait3A_71 = tpu.memref_slice %arg4[%dma_wait3A_70] : memref<1048577xi32, #tpu.memory_space<hbm>> -> memref<1048577xi32, #tpu.memory_space<hbm>>
    tpu.wait_indirect_dma semaphore(%arg49 : memref<!tpu.dma_semaphore, #tpu.memory_space<semaphore_mem>>) src(%dma_wait3A_71 : memref<1048577xi32, #tpu.memory_space<hbm>>) dst(%arg41 : memref<2048xi32, #tpu.memory_space<vmem>>)
    %dma_wait3A_72 = arith.constant 0 : i32
    %dma_wait3A_73 = tpu.memref_slice %arg4[%dma_wait3A_72] : memref<1048577xi32, #tpu.memory_space<hbm>> -> memref<1048577xi32, #tpu.memory_space<hbm>>
    tpu.wait_indirect_dma semaphore(%arg49 : memref<!tpu.dma_semaphore, #tpu.memory_space<semaphore_mem>>) src(%dma_wait3A_73 : memref<1048577xi32, #tpu.memory_space<hbm>>) dst(%arg42 : memref<2048xi32, #tpu.memory_space<vmem>>)
    %dma_wait3A_74 = arith.constant 0 : i32
    %dma_wait3A_75 = tpu.memref_slice %arg5[%dma_wait3A_74] : memref<262145xi32, #tpu.memory_space<hbm>> -> memref<262145xi32, #tpu.memory_space<hbm>>
    tpu.wait_indirect_dma semaphore(%arg49 : memref<!tpu.dma_semaphore, #tpu.memory_space<semaphore_mem>>) src(%dma_wait3A_75 : memref<262145xi32, #tpu.memory_space<hbm>>) dst(%arg43 : memref<2048xi32, #tpu.memory_space<vmem>>)
    %dma_wait3A_76 = arith.constant 0 : i32
    %dma_wait3A_77 = tpu.memref_slice %arg5[%dma_wait3A_76] : memref<262145xi32, #tpu.memory_space<hbm>> -> memref<262145xi32, #tpu.memory_space<hbm>>
    tpu.wait_indirect_dma semaphore(%arg49 : memref<!tpu.dma_semaphore, #tpu.memory_space<semaphore_mem>>) src(%dma_wait3A_77 : memref<262145xi32, #tpu.memory_space<hbm>>) dst(%arg44 : memref<2048xi32, #tpu.memory_space<vmem>>)
    %add3A_78 = arith.constant 26624 : i32
    %add3A_79 = arith.addi %mul3A_2, %add3A_78 : i32
    %dma_wait3A_80 = tpu.memref_slice %arg7[%add3A_79] : memref<1048576xf32, #tpu.memory_space<hbm>> -> memref<2048xf32, #tpu.memory_space<hbm>>
    %dma_wait3A_81 = tpu.memref_slice %arg7[%add3A_79] : memref<1048576xf32, #tpu.memory_space<hbm>> -> memref<2048xf32, #tpu.memory_space<hbm>>
    tpu.wait_dma2 semaphore(%arg53 : memref<!tpu.dma_semaphore, #tpu.memory_space<semaphore_mem>>) src(%arg47 : memref<2048xf32, #tpu.memory_space<vmem>>) dst(%dma_wait3A_81 : memref<2048xf32, #tpu.memory_space<hbm>>)
    %scan3A_82 = arith.constant 0 : i32
    %scan3A_83 = arith.constant 128 : i32
    %scan3A_84 = arith.addi %scan3A_82, %scan3A_83 : i32
    %scan3A_85 = arith.constant 1 : i32
    scf.for %scan3A_99 = %scan3A_82 to %scan3A_84 step %scan3A_85  : i32 {
      %mul3A_100 = arith.constant 1 : i32
      %mul3A_101 = arith.muli %scan3A_99, %mul3A_100 : i32
      %add3A_102 = arith.constant 0 : i32
      %add3A_103 = arith.addi %add3A_102, %mul3A_101 : i32
      %mul3A_104 = arith.constant 16 : i32
      %mul3A_105 = arith.muli %add3A_103, %mul3A_104 : i32
      %get3A = arith.index_cast %mul3A_105 : i32 to index
      %get3A_106 = tpu.vector_load %arg37[%get3A] {strides = array<i32>} : memref<2048xi32, #tpu.memory_space<vmem>>, vector<16xi32>,
      %get3A_107 = vector.shape_cast %get3A_106 : vector<16xi32> to vector<16xi32>
      %get3A_108 = arith.index_cast %mul3A_105 : i32 to index
      %get3A_109 = tpu.vector_load %arg38[%get3A_108] {strides = array<i32>} : memref<2048xi32, #tpu.memory_space<vmem>>, vector<16xi32>,
      %get3A_110 = vector.shape_cast %get3A_109 : vector<16xi32> to vector<16xi32>
      %get3A_111 = arith.constant 0 : i32
      %get3A_112 = arith.index_cast %get3A_111 : i32 to index
      %get3A_113 = arith.index_cast %mul3A_105 : i32 to index
      %get3A_114 = tpu.vector_load %arg45[%get3A_112, %get3A_113] {strides = array<i32>} : memref<8x2048xi32, #tpu.memory_space<vmem>>, vector<1x16xi32>,
      %get3A_115 = vector.shape_cast %get3A_114 : vector<1x16xi32> to vector<16xi32>
      %get3A_116 = arith.constant 1 : i32
      %get3A_117 = arith.index_cast %get3A_116 : i32 to index
      %get3A_118 = arith.index_cast %mul3A_105 : i32 to index
      %get3A_119 = tpu.vector_load %arg45[%get3A_117, %get3A_118] {strides = array<i32>} : memref<8x2048xi32, #tpu.memory_space<vmem>>, vector<1x16xi32>,
      %get3A_120 = vector.shape_cast %get3A_119 : vector<1x16xi32> to vector<16xi32>
      %shift_left3A = arith.constant 16 : i32
      %shift_left3A_121 = vector.broadcast %shift_left3A : i32 to vector<16xi32>
      %shift_left3A_122 = arith.shli %get3A_107, %shift_left3A_121 : vector<16xi32>
      %bitcast_convert_type3A = tpu.bitcast %shift_left3A_122 : vector<16xi32> -> vector<16xf32>
      %and3A = arith.constant -65536 : i32
      %and3A_123 = vector.broadcast %and3A : i32 to vector<16xi32>
      %and3A_124 = arith.andi %get3A_107, %and3A_123 : vector<16xi32>
      %bitcast_convert_type3A_125 = tpu.bitcast %and3A_124 : vector<16xi32> -> vector<16xf32>
      %shift_left3A_126 = arith.constant 16 : i32
      %shift_left3A_127 = vector.broadcast %shift_left3A_126 : i32 to vector<16xi32>
      %shift_left3A_128 = arith.shli %get3A_110, %shift_left3A_127 : vector<16xi32>
      %bitcast_convert_type3A_129 = tpu.bitcast %shift_left3A_128 : vector<16xi32> -> vector<16xf32>
      %and3A_130 = arith.constant -65536 : i32
      %and3A_131 = vector.broadcast %and3A_130 : i32 to vector<16xi32>
      %and3A_132 = arith.andi %get3A_110, %and3A_131 : vector<16xi32>
      %bitcast_convert_type3A_133 = tpu.bitcast %and3A_132 : vector<16xi32> -> vector<16xf32>
      %shift_left3A_134 = arith.constant 16 : i32
      %shift_left3A_135 = vector.broadcast %shift_left3A_134 : i32 to vector<16xi32>
      %shift_left3A_136 = arith.shli %get3A_115, %shift_left3A_135 : vector<16xi32>
      %bitcast_convert_type3A_137 = tpu.bitcast %shift_left3A_136 : vector<16xi32> -> vector<16xf32>
      %and3A_138 = arith.constant -65536 : i32
      %and3A_139 = vector.broadcast %and3A_138 : i32 to vector<16xi32>
      %and3A_140 = arith.andi %get3A_115, %and3A_139 : vector<16xi32>
      %bitcast_convert_type3A_141 = tpu.bitcast %and3A_140 : vector<16xi32> -> vector<16xf32>
      %shift_left3A_142 = arith.constant 16 : i32
      %shift_left3A_143 = vector.broadcast %shift_left3A_142 : i32 to vector<16xi32>
      %shift_left3A_144 = arith.shli %get3A_120, %shift_left3A_143 : vector<16xi32>
      %bitcast_convert_type3A_145 = tpu.bitcast %shift_left3A_144 : vector<16xi32> -> vector<16xf32>
      %and3A_146 = arith.constant -65536 : i32
      %and3A_147 = vector.broadcast %and3A_146 : i32 to vector<16xi32>
      %and3A_148 = arith.andi %get3A_120, %and3A_147 : vector<16xi32>
      %bitcast_convert_type3A_149 = tpu.bitcast %and3A_148 : vector<16xi32> -> vector<16xf32>
      %mul3A_150 = arith.mulf %bitcast_convert_type3A, %bitcast_convert_type3A_137 : vector<16xf32>
      %mul3A_151 = arith.mulf %bitcast_convert_type3A_125, %bitcast_convert_type3A_141 : vector<16xf32>
      %add3A_152 = arith.addf %mul3A_150, %mul3A_151 : vector<16xf32>
      %mul3A_153 = arith.mulf %bitcast_convert_type3A_129, %bitcast_convert_type3A_145 : vector<16xf32>
      %add3A_154 = arith.addf %add3A_152, %mul3A_153 : vector<16xf32>
      %mul3A_155 = arith.mulf %bitcast_convert_type3A_133, %bitcast_convert_type3A_149 : vector<16xf32>
      %add3A_156 = arith.addf %add3A_154, %mul3A_155 : vector<16xf32>
      %get3A_157 = arith.index_cast %mul3A_105 : i32 to index
      %get3A_158 = tpu.vector_load %arg39[%get3A_157] {strides = array<i32>} : memref<2048xi32, #tpu.memory_space<vmem>>, vector<16xi32>,
      %get3A_159 = vector.shape_cast %get3A_158 : vector<16xi32> to vector<16xi32>
      %get3A_160 = arith.index_cast %mul3A_105 : i32 to index
      %get3A_161 = tpu.vector_load %arg40[%get3A_160] {strides = array<i32>} : memref<2048xi32, #tpu.memory_space<vmem>>, vector<16xi32>,
      %get3A_162 = vector.shape_cast %get3A_161 : vector<16xi32> to vector<16xi32>
      %get3A_163 = arith.constant 2 : i32
      %get3A_164 = arith.index_cast %get3A_163 : i32 to index
      %get3A_165 = arith.index_cast %mul3A_105 : i32 to index
      %get3A_166 = tpu.vector_load %arg45[%get3A_164, %get3A_165] {strides = array<i32>} : memref<8x2048xi32, #tpu.memory_space<vmem>>, vector<1x16xi32>,
      %get3A_167 = vector.shape_cast %get3A_166 : vector<1x16xi32> to vector<16xi32>
      %get3A_168 = arith.constant 3 : i32
      %get3A_169 = arith.index_cast %get3A_168 : i32 to index
      %get3A_170 = arith.index_cast %mul3A_105 : i32 to index
      %get3A_171 = tpu.vector_load %arg45[%get3A_169, %get3A_170] {strides = array<i32>} : memref<8x2048xi32, #tpu.memory_space<vmem>>, vector<1x16xi32>,
      %get3A_172 = vector.shape_cast %get3A_171 : vector<1x16xi32> to vector<16xi32>
      %shift_left3A_173 = arith.constant 16 : i32
      %shift_left3A_174 = vector.broadcast %shift_left3A_173 : i32 to vector<16xi32>
      %shift_left3A_175 = arith.shli %get3A_159, %shift_left3A_174 : vector<16xi32>
      %bitcast_convert_type3A_176 = tpu.bitcast %shift_left3A_175 : vector<16xi32> -> vector<16xf32>
      %and3A_177 = arith.constant -65536 : i32
      %and3A_178 = vector.broadcast %and3A_177 : i32 to vector<16xi32>
      %and3A_179 = arith.andi %get3A_159, %and3A_178 : vector<16xi32>
      %bitcast_convert_type3A_180 = tpu.bitcast %and3A_179 : vector<16xi32> -> vector<16xf32>
      %shift_left3A_181 = arith.constant 16 : i32
      %shift_left3A_182 = vector.broadcast %shift_left3A_181 : i32 to vector<16xi32>
      %shift_left3A_183 = arith.shli %get3A_162, %shift_left3A_182 : vector<16xi32>
      %bitcast_convert_type3A_184 = tpu.bitcast %shift_left3A_183 : vector<16xi32> -> vector<16xf32>
      %and3A_185 = arith.constant -65536 : i32
      %and3A_186 = vector.broadcast %and3A_185 : i32 to vector<16xi32>
      %and3A_187 = arith.andi %get3A_162, %and3A_186 : vector<16xi32>
      %bitcast_convert_type3A_188 = tpu.bitcast %and3A_187 : vector<16xi32> -> vector<16xf32>
      %shift_left3A_189 = arith.constant 16 : i32
      %shift_left3A_190 = vector.broadcast %shift_left3A_189 : i32 to vector<16xi32>
      %shift_left3A_191 = arith.shli %get3A_167, %shift_left3A_190 : vector<16xi32>
      %bitcast_convert_type3A_192 = tpu.bitcast %shift_left3A_191 : vector<16xi32> -> vector<16xf32>
      %and3A_193 = arith.constant -65536 : i32
      %and3A_194 = vector.broadcast %and3A_193 : i32 to vector<16xi32>
      %and3A_195 = arith.andi %get3A_167, %and3A_194 : vector<16xi32>
      %bitcast_convert_type3A_196 = tpu.bitcast %and3A_195 : vector<16xi32> -> vector<16xf32>
      %shift_left3A_197 = arith.constant 16 : i32
      %shift_left3A_198 = vector.broadcast %shift_left3A_197 : i32 to vector<16xi32>
      %shift_left3A_199 = arith.shli %get3A_172, %shift_left3A_198 : vector<16xi32>
      %bitcast_convert_type3A_200 = tpu.bitcast %shift_left3A_199 : vector<16xi32> -> vector<16xf32>
      %and3A_201 = arith.constant -65536 : i32
      %and3A_202 = vector.broadcast %and3A_201 : i32 to vector<16xi32>
      %and3A_203 = arith.andi %get3A_172, %and3A_202 : vector<16xi32>
      %bitcast_convert_type3A_204 = tpu.bitcast %and3A_203 : vector<16xi32> -> vector<16xf32>
      %mul3A_205 = arith.mulf %bitcast_convert_type3A_176, %bitcast_convert_type3A_192 : vector<16xf32>
      %mul3A_206 = arith.mulf %bitcast_convert_type3A_180, %bitcast_convert_type3A_196 : vector<16xf32>
      %add3A_207 = arith.addf %mul3A_205, %mul3A_206 : vector<16xf32>
      %mul3A_208 = arith.mulf %bitcast_convert_type3A_184, %bitcast_convert_type3A_200 : vector<16xf32>
      %add3A_209 = arith.addf %add3A_207, %mul3A_208 : vector<16xf32>
      %mul3A_210 = arith.mulf %bitcast_convert_type3A_188, %bitcast_convert_type3A_204 : vector<16xf32>
      %add3A_211 = arith.addf %add3A_209, %mul3A_210 : vector<16xf32>
      %add3A_212 = arith.addf %add3A_156, %add3A_211 : vector<16xf32>
      %get3A_213 = arith.index_cast %mul3A_105 : i32 to index
      %get3A_214 = tpu.vector_load %arg41[%get3A_213] {strides = array<i32>} : memref<2048xi32, #tpu.memory_space<vmem>>, vector<16xi32>,
      %get3A_215 = vector.shape_cast %get3A_214 : vector<16xi32> to vector<16xi32>
      %get3A_216 = arith.index_cast %mul3A_105 : i32 to index
      %get3A_217 = tpu.vector_load %arg42[%get3A_216] {strides = array<i32>} : memref<2048xi32, #tpu.memory_space<vmem>>, vector<16xi32>,
      %get3A_218 = vector.shape_cast %get3A_217 : vector<16xi32> to vector<16xi32>
      %get3A_219 = arith.constant 4 : i32
      %get3A_220 = arith.index_cast %get3A_219 : i32 to index
      %get3A_221 = arith.index_cast %mul3A_105 : i32 to index
      %get3A_222 = tpu.vector_load %arg45[%get3A_220, %get3A_221] {strides = array<i32>} : memref<8x2048xi32, #tpu.memory_space<vmem>>, vector<1x16xi32>,
      %get3A_223 = vector.shape_cast %get3A_222 : vector<1x16xi32> to vector<16xi32>
      %get3A_224 = arith.constant 5 : i32
      %get3A_225 = arith.index_cast %get3A_224 : i32 to index
      %get3A_226 = arith.index_cast %mul3A_105 : i32 to index
      %get3A_227 = tpu.vector_load %arg45[%get3A_225, %get3A_226] {strides = array<i32>} : memref<8x2048xi32, #tpu.memory_space<vmem>>, vector<1x16xi32>,
      %get3A_228 = vector.shape_cast %get3A_227 : vector<1x16xi32> to vector<16xi32>
      %shift_left3A_229 = arith.constant 16 : i32
      %shift_left3A_230 = vector.broadcast %shift_left3A_229 : i32 to vector<16xi32>
      %shift_left3A_231 = arith.shli %get3A_215, %shift_left3A_230 : vector<16xi32>
      %bitcast_convert_type3A_232 = tpu.bitcast %shift_left3A_231 : vector<16xi32> -> vector<16xf32>
      %and3A_233 = arith.constant -65536 : i32
      %and3A_234 = vector.broadcast %and3A_233 : i32 to vector<16xi32>
      %and3A_235 = arith.andi %get3A_215, %and3A_234 : vector<16xi32>
      %bitcast_convert_type3A_236 = tpu.bitcast %and3A_235 : vector<16xi32> -> vector<16xf32>
      %shift_left3A_237 = arith.constant 16 : i32
      %shift_left3A_238 = vector.broadcast %shift_left3A_237 : i32 to vector<16xi32>
      %shift_left3A_239 = arith.shli %get3A_218, %shift_left3A_238 : vector<16xi32>
      %bitcast_convert_type3A_240 = tpu.bitcast %shift_left3A_239 : vector<16xi32> -> vector<16xf32>
      %and3A_241 = arith.constant -65536 : i32
      %and3A_242 = vector.broadcast %and3A_241 : i32 to vector<16xi32>
      %and3A_243 = arith.andi %get3A_218, %and3A_242 : vector<16xi32>
      %bitcast_convert_type3A_244 = tpu.bitcast %and3A_243 : vector<16xi32> -> vector<16xf32>
      %shift_left3A_245 = arith.constant 16 : i32
      %shift_left3A_246 = vector.broadcast %shift_left3A_245 : i32 to vector<16xi32>
      %shift_left3A_247 = arith.shli %get3A_223, %shift_left3A_246 : vector<16xi32>
      %bitcast_convert_type3A_248 = tpu.bitcast %shift_left3A_247 : vector<16xi32> -> vector<16xf32>
      %and3A_249 = arith.constant -65536 : i32
      %and3A_250 = vector.broadcast %and3A_249 : i32 to vector<16xi32>
      %and3A_251 = arith.andi %get3A_223, %and3A_250 : vector<16xi32>
      %bitcast_convert_type3A_252 = tpu.bitcast %and3A_251 : vector<16xi32> -> vector<16xf32>
      %shift_left3A_253 = arith.constant 16 : i32
      %shift_left3A_254 = vector.broadcast %shift_left3A_253 : i32 to vector<16xi32>
      %shift_left3A_255 = arith.shli %get3A_228, %shift_left3A_254 : vector<16xi32>
      %bitcast_convert_type3A_256 = tpu.bitcast %shift_left3A_255 : vector<16xi32> -> vector<16xf32>
      %and3A_257 = arith.constant -65536 : i32
      %and3A_258 = vector.broadcast %and3A_257 : i32 to vector<16xi32>
      %and3A_259 = arith.andi %get3A_228, %and3A_258 : vector<16xi32>
      %bitcast_convert_type3A_260 = tpu.bitcast %and3A_259 : vector<16xi32> -> vector<16xf32>
      %mul3A_261 = arith.mulf %bitcast_convert_type3A_232, %bitcast_convert_type3A_248 : vector<16xf32>
      %mul3A_262 = arith.mulf %bitcast_convert_type3A_236, %bitcast_convert_type3A_252 : vector<16xf32>
      %add3A_263 = arith.addf %mul3A_261, %mul3A_262 : vector<16xf32>
      %mul3A_264 = arith.mulf %bitcast_convert_type3A_240, %bitcast_convert_type3A_256 : vector<16xf32>
      %add3A_265 = arith.addf %add3A_263, %mul3A_264 : vector<16xf32>
      %mul3A_266 = arith.mulf %bitcast_convert_type3A_244, %bitcast_convert_type3A_260 : vector<16xf32>
      %add3A_267 = arith.addf %add3A_265, %mul3A_266 : vector<16xf32>
      %add3A_268 = arith.addf %add3A_212, %add3A_267 : vector<16xf32>
      %get3A_269 = arith.index_cast %mul3A_105 : i32 to index
      %get3A_270 = tpu.vector_load %arg43[%get3A_269] {strides = array<i32>} : memref<2048xi32, #tpu.memory_space<vmem>>, vector<16xi32>,
      %get3A_271 = vector.shape_cast %get3A_270 : vector<16xi32> to vector<16xi32>
      %get3A_272 = arith.index_cast %mul3A_105 : i32 to index
      %get3A_273 = tpu.vector_load %arg44[%get3A_272] {strides = array<i32>} : memref<2048xi32, #tpu.memory_space<vmem>>, vector<16xi32>,
      %get3A_274 = vector.shape_cast %get3A_273 : vector<16xi32> to vector<16xi32>
      %get3A_275 = arith.constant 6 : i32
      %get3A_276 = arith.index_cast %get3A_275 : i32 to index
      %get3A_277 = arith.index_cast %mul3A_105 : i32 to index
      %get3A_278 = tpu.vector_load %arg45[%get3A_276, %get3A_277] {strides = array<i32>} : memref<8x2048xi32, #tpu.memory_space<vmem>>, vector<1x16xi32>,
      %get3A_279 = vector.shape_cast %get3A_278 : vector<1x16xi32> to vector<16xi32>
      %get3A_280 = arith.constant 7 : i32
      %get3A_281 = arith.index_cast %get3A_280 : i32 to index
      %get3A_282 = arith.index_cast %mul3A_105 : i32 to index
      %get3A_283 = tpu.vector_load %arg45[%get3A_281, %get3A_282] {strides = array<i32>} : memref<8x2048xi32, #tpu.memory_space<vmem>>, vector<1x16xi32>,
      %get3A_284 = vector.shape_cast %get3A_283 : vector<1x16xi32> to vector<16xi32>
      %shift_left3A_285 = arith.constant 16 : i32
      %shift_left3A_286 = vector.broadcast %shift_left3A_285 : i32 to vector<16xi32>
      %shift_left3A_287 = arith.shli %get3A_271, %shift_left3A_286 : vector<16xi32>
      %bitcast_convert_type3A_288 = tpu.bitcast %shift_left3A_287 : vector<16xi32> -> vector<16xf32>
      %and3A_289 = arith.constant -65536 : i32
      %and3A_290 = vector.broadcast %and3A_289 : i32 to vector<16xi32>
      %and3A_291 = arith.andi %get3A_271, %and3A_290 : vector<16xi32>
      %bitcast_convert_type3A_292 = tpu.bitcast %and3A_291 : vector<16xi32> -> vector<16xf32>
      %shift_left3A_293 = arith.constant 16 : i32
      %shift_left3A_294 = vector.broadcast %shift_left3A_293 : i32 to vector<16xi32>
      %shift_left3A_295 = arith.shli %get3A_274, %shift_left3A_294 : vector<16xi32>
      %bitcast_convert_type3A_296 = tpu.bitcast %shift_left3A_295 : vector<16xi32> -> vector<16xf32>
      %and3A_297 = arith.constant -65536 : i32
      %and3A_298 = vector.broadcast %and3A_297 : i32 to vector<16xi32>
      %and3A_299 = arith.andi %get3A_274, %and3A_298 : vector<16xi32>
      %bitcast_convert_type3A_300 = tpu.bitcast %and3A_299 : vector<16xi32> -> vector<16xf32>
      %shift_left3A_301 = arith.constant 16 : i32
      %shift_left3A_302 = vector.broadcast %shift_left3A_301 : i32 to vector<16xi32>
      %shift_left3A_303 = arith.shli %get3A_279, %shift_left3A_302 : vector<16xi32>
      %bitcast_convert_type3A_304 = tpu.bitcast %shift_left3A_303 : vector<16xi32> -> vector<16xf32>
      %and3A_305 = arith.constant -65536 : i32
      %and3A_306 = vector.broadcast %and3A_305 : i32 to vector<16xi32>
      %and3A_307 = arith.andi %get3A_279, %and3A_306 : vector<16xi32>
      %bitcast_convert_type3A_308 = tpu.bitcast %and3A_307 : vector<16xi32> -> vector<16xf32>
      %shift_left3A_309 = arith.constant 16 : i32
      %shift_left3A_310 = vector.broadcast %shift_left3A_309 : i32 to vector<16xi32>
      %shift_left3A_311 = arith.shli %get3A_284, %shift_left3A_310 : vector<16xi32>
      %bitcast_convert_type3A_312 = tpu.bitcast %shift_left3A_311 : vector<16xi32> -> vector<16xf32>
      %and3A_313 = arith.constant -65536 : i32
      %and3A_314 = vector.broadcast %and3A_313 : i32 to vector<16xi32>
      %and3A_315 = arith.andi %get3A_284, %and3A_314 : vector<16xi32>
      %bitcast_convert_type3A_316 = tpu.bitcast %and3A_315 : vector<16xi32> -> vector<16xf32>
      %mul3A_317 = arith.mulf %bitcast_convert_type3A_288, %bitcast_convert_type3A_304 : vector<16xf32>
      %mul3A_318 = arith.mulf %bitcast_convert_type3A_292, %bitcast_convert_type3A_308 : vector<16xf32>
      %add3A_319 = arith.addf %mul3A_317, %mul3A_318 : vector<16xf32>
      %mul3A_320 = arith.mulf %bitcast_convert_type3A_296, %bitcast_convert_type3A_312 : vector<16xf32>
      %add3A_321 = arith.addf %add3A_319, %mul3A_320 : vector<16xf32>
      %mul3A_322 = arith.mulf %bitcast_convert_type3A_300, %bitcast_convert_type3A_316 : vector<16xf32>
      %add3A_323 = arith.addf %add3A_321, %mul3A_322 : vector<16xf32>
      %add3A_324 = arith.addf %add3A_268, %add3A_323 : vector<16xf32>
      %swap3A = arith.index_cast %mul3A_105 : i32 to index
      %swap3A_325 = tpu.vector_load %arg47[%swap3A] {strides = array<i32>} : memref<2048xf32, #tpu.memory_space<vmem>>, vector<16xf32>,
      %swap3A_326 = vector.shape_cast %swap3A_325 : vector<16xf32> to vector<16xf32>
      %swap3A_327 = vector.shape_cast %add3A_324 : vector<16xf32> to vector<16xf32>
      tpu.vector_store %arg47[%swap3A], %swap3A_327 {strides = array<i32>} : memref<2048xf32, #tpu.memory_space<vmem>>, vector<16xf32>,
    }
    %scan3A_86 = arith.constant 128 : i32
    %add3A_87 = arith.constant 30720 : i32
    %add3A_88 = arith.addi %mul3A_2, %add3A_87 : i32
    %dma_start3A_89 = tpu.memref_slice %arg7[%add3A_88] : memref<1048576xf32, #tpu.memory_space<hbm>> -> memref<2048xf32, #tpu.memory_space<hbm>>
    %dma_start3A_90 = tpu.memref_slice %arg7[%add3A_88] : memref<1048576xf32, #tpu.memory_space<hbm>> -> memref<2048xf32, #tpu.memory_space<hbm>>
    tpu.enqueue_dma source(%arg47 : memref<2048xf32, #tpu.memory_space<vmem>>) target(%dma_start3A_90 : memref<2048xf32, #tpu.memory_space<hbm>>) target_semaphore(%arg53 : memref<!tpu.dma_semaphore, #tpu.memory_space<semaphore_mem>>)
    %add3A_91 = arith.constant 28672 : i32
    %add3A_92 = arith.addi %mul3A_2, %add3A_91 : i32
    %dma_wait3A_93 = tpu.memref_slice %arg7[%add3A_92] : memref<1048576xf32, #tpu.memory_space<hbm>> -> memref<2048xf32, #tpu.memory_space<hbm>>
    %dma_wait3A_94 = tpu.memref_slice %arg7[%add3A_92] : memref<1048576xf32, #tpu.memory_space<hbm>> -> memref<2048xf32, #tpu.memory_space<hbm>>
    tpu.wait_dma2 semaphore(%arg52 : memref<!tpu.dma_semaphore, #tpu.memory_space<semaphore_mem>>) src(%arg46 : memref<2048xf32, #tpu.memory_space<vmem>>) dst(%dma_wait3A_94 : memref<2048xf32, #tpu.memory_space<hbm>>)
    %add3A_95 = arith.constant 30720 : i32
    %add3A_96 = arith.addi %mul3A_2, %add3A_95 : i32
    %dma_wait3A_97 = tpu.memref_slice %arg7[%add3A_96] : memref<1048576xf32, #tpu.memory_space<hbm>> -> memref<2048xf32, #tpu.memory_space<hbm>>
    %dma_wait3A_98 = tpu.memref_slice %arg7[%add3A_96] : memref<1048576xf32, #tpu.memory_space<hbm>> -> memref<2048xf32, #tpu.memory_space<hbm>>
    tpu.wait_dma2 semaphore(%arg53 : memref<!tpu.dma_semaphore, #tpu.memory_space<semaphore_mem>>) src(%arg47 : memref<2048xf32, #tpu.memory_space<vmem>>) dst(%dma_wait3A_98 : memref<2048xf32, #tpu.memory_space<hbm>>)
    return
  }
}

</mosaic_0001>

<sc_bundles>
// kernel: kernel.3.cloned.1.call-start
scs
__scs_entry_jumppad:
0x0: {  	(pc) =	sbr.rel $0x88, $3  }
0x1: {  	(tag) =	ssettag $0x0;
	lr =	simm.s32 $0x1  }
0x2: {  	[smem:$0x3F9C] =	sst lr;
	_ =	strace $0xD0000000  }
0x3: {  	_ = 	snop  }
0x4: {  	_ = 	snop  }
0x5: {  	_ = 	snop  }
0x6: {  	_ = 	snop  }
0x7: {  	_ = 	snop  }
__scs_overlays_trampoline_lowered:
0x8: {  	[smem:$0x3FAB] =	sst s0  }
0x9: {  	[smem:$0x3FAC] =	sst s1  }
0xa: {  	[smem:$0x3FAD] =	sst s2  }
0xb: {  	[smem:$0x3FAE] =	sst s3  }
0xc: {  	[smem:$0x3FAF] =	sst s4  }
0xd: {  	[smem:$0x3FB0] =	sst s5  }
0xe: {  	[smem:$0x3FB1] =	sst s6  }
0xf: {  	[smem:$0x3FB2] =	sst s7  }
0x10: {  	[smem:$0x3FB3] =	sst s8  }
0x11: {  	[smem:$0x3FB4] =	sst s9;
	s0 =	simm.s32 @!p0 $0x0  }
0x12: {  	s1 =	sld [smem:$0x3F9A];
	s0 =	simm.s32 @p0 $0x1  }
0x13: {  	[smem:$0x3FB5] =	sst s0;
	s0 =	simm.s32 @!p1 $0x0  }
0x14: {  	s2 =	sld [smem:$0x3F99];
	s0 =	simm.s32 @p1 $0x1  }
0x15: {  	[smem:$0x3FB6] =	sst s0;
	s0 =	simm.s32 @!p2 $0x0  }
0x16: {  	s3 =	sld [smem:$0x3FDB];
	s0 =	simm.s32 @p2 $0x1  }
0x17: {  	s4 =	simm.s32 $0x1BF5;
	[smem:$0x3FB8] =	sst s0  }
0x18: {  	s0 =	sld [smem:$0x3F9B];
	_ =	swait.ge [sflag:s4], $0x0  }
0x19: {  	s7 =	sld [smem:$0x3F9C]  }
0x1a: {  	s8 =	sadd.s32 $0xFFFFE003, lr  }
0x1b: {  	s9 =	sadd.s32 $0xFFFFFEF7, lr;
	s5 =	simm.s32 $0xFFFFFFFF;
	p2 =	slt.u32 s8, $0xFFFFF086  }
0x1c: {  	p1 =	slt.u32 s9, $0xF7A;
	s5 =	simm.s32 @!p2 $0x0  }
0x1d: {  	s5 =	simm.s32 @p1 $0x1;
	p0 =	seq.s32 s7, s2  }
0x1e: {  	s7 =	smul.u32 @!p0 $0xF7A, s2;
	p2 =	seq.s32 @!p0 s5, $0x0  }
0x1f: {  	s9 =	smul.u32 $0xF7A, s1;
	s8 =	simm.s32 @!p0 $0x1BF5;
	p2 =	por !p2, p0  }
0x20: {  	[sflag:s8] =	ssyncset.s32 @!p0 $0xFFFFF086;
	s6 =	sadd.s32 @!p0 s3, s7;
	s7 =	simm.s32 @!p0 $0x108  }
0x21: {  	s3 =	sadd.s32 s3, s9;
	s6 =	sadd.s32 @!p0 $0x88, s6;
	s7 =	simm.s32 @p2 $0x1082  }
0x22: {  	[simem:s7], [sflag:s8] =	dma.local @!p0 [hbm:s6], $0xF7A  }
0x23: {  	s9 =	sor.u32 $0xD0000000, s2;
	s6 =	simm.s32 $0x108;
	_ =	swait.ge @!p0 [sflag:s8], $0x0  }
0x24: {  	s3 =	sadd.s32 $0x88, s3;
	s6 =	simm.s32 @!p1 $0x1082;
	[sflag:s4] =	ssyncset.s32 $0xFFFFF086  }
0x25: {  	[simem:s6], [sflag:s4] =	dma.local [hbm:s3], $0xF7A  }
0x26: {  	[smem:$0x3F9C] =	sst s1;
	(tag) =	ssettag s2;
	_ =	strace s9  }
0x27: {  	s1 =	sld [smem:$0x3FAC]  }
0x28: {  	s2 =	sld [smem:$0x3FAD]  }
0x29: {  	s4 =	sld [smem:$0x3FAF]  }
0x2a: {  	p0 =	seq.s32 s5, $0x0;
	s5 =	sld [smem:$0x3FB0]  }
0x2b: {  	s6 =	sld [smem:$0x3FB1]  }
0x2c: {  	s7 =	sld [smem:$0x3FB2]  }
0x2d: {  	s3 =	simm.s32 $0x108;
	s8 =	sld [smem:$0x3FB3]  }
0x2e: {  	s3 =	simm.s32 @!p0 $0x1082;
	s9 =	sld [smem:$0x3FB4]  }
0x2f: {  	lr =	sadd.s32 s0, s3;
	s0 =	sld [smem:$0x3FAB]  }
0x30: {  	s3 =	sld [smem:$0x3FAE]  }
0x31: {  	[smem:$0x3FB7] =	sst s10  }
0x32: {  	s10 =	sld [smem:$0x3FB5];
	_ =	sdelay $0x3  }
0x33: {  	p0 =	seq.s32 s10, $0x1;
	s10 =	sld [smem:$0x3FB7];
	_ =	sdelay $0x3  }
0x34: {  	[smem:$0x3FB7] =	sst s10  }
0x35: {  	s10 =	sld [smem:$0x3FB6];
	_ =	sdelay $0x3  }
0x36: {  	p1 =	seq.s32 s10, $0x1;
	s10 =	sld [smem:$0x3FB7];
	_ =	sdelay $0x3  }
0x37: {  	[smem:$0x3FB7] =	sst s10  }
0x38: {  	s10 =	sld [smem:$0x3FB8]  }
0x39: {  	_ = 	snop;
	(pc) =	sbr.ind lr, $3  }
0x3a: {  	_ = 	snop  }
0x3b: {  	_ = 	snop  }
0x3c: {  	p2 =	seq.s32 s10, $0x1;
	s10 =	sld [smem:$0x3FB7]  }
0x3d: {  	_ =	shalt  }
0x3e: {  	_ =	shalt  }
0x3f: {  	_ =	shalt  }
0x40: {  	_ =	shalt  }
0x41: {  	_ =	shalt  }
0x42: {  	_ =	shalt  }
0x43: {  	_ =	shalt  }
0x44: {  	_ =	shalt  }
0x45: {  	_ =	shalt  }
0x46: {  	_ =	shalt  }
0x47: {  	_ =	shalt  }
0x48: {  	_ =	shalt  }
0x49: {  	_ =	shalt  }
0x4a: {  	_ =	shalt  }
0x4b: {  	_ =	shalt  }
0x4c: {  	_ =	shalt  }
0x4d: {  	_ =	shalt  }
0x4e: {  	_ =	shalt  }
0x4f: {  	_ =	shalt  }
0x50: {  	_ =	shalt  }
0x51: {  	_ =	shalt  }
0x52: {  	_ =	shalt  }
0x53: {  	_ =	shalt  }
0x54: {  	_ =	shalt  }
0x55: {  	_ =	shalt  }
0x56: {  	_ =	shalt  }
0x57: {  	_ =	shalt  }
0x58: {  	_ =	shalt  }
0x59: {  	_ =	shalt  }
0x5a: {  	_ =	shalt  }
0x5b: {  	_ =	shalt  }
0x5c: {  	_ =	shalt  }
0x5d: {  	_ =	shalt  }
0x5e: {  	_ =	shalt  }
0x5f: {  	_ =	shalt  }
0x60: {  	_ =	shalt  }
0x61: {  	_ =	shalt  }
0x62: {  	_ =	shalt  }
0x63: {  	_ =	shalt  }
0x64: {  	_ =	shalt  }
0x65: {  	_ =	shalt  }
0x66: {  	_ =	shalt  }
0x67: {  	_ =	shalt  }
0x68: {  	_ =	shalt  }
0x69: {  	_ =	shalt  }
0x6a: {  	_ =	shalt  }
0x6b: {  	_ =	shalt  }
0x6c: {  	_ =	shalt  }
0x6d: {  	_ =	shalt  }
0x6e: {  	_ =	shalt  }
0x6f: {  	_ =	shalt  }
0x70: {  	_ =	shalt  }
0x71: {  	_ =	shalt  }
0x72: {  	_ =	shalt  }
0x73: {  	_ =	shalt  }
0x74: {  	_ =	shalt  }
0x75: {  	_ =	shalt  }
0x76: {  	_ =	shalt  }
0x77: {  	_ =	shalt  }
0x78: {  	_ =	shalt  }
0x79: {  	_ =	shalt  }
0x7a: {  	_ =	shalt  }
0x7b: {  	_ =	shalt  }
0x7c: {  	_ =	shalt  }
0x7d: {  	_ =	shalt  }
0x7e: {  	_ =	shalt  }
0x7f: {  	_ =	shalt  }
0x80: {  	_ =	shalt  }
0x81: {  	_ =	shalt  }
0x82: {  	_ =	shalt  }
0x83: {  	_ =	shalt  }
0x84: {  	_ =	shalt  }
0x85: {  	_ =	shalt  }
0x86: {  	_ =	shalt  }
0x87: {  	_ =	shalt  }
.Lfunc_end0:
.L_simem_size_0:
called_computation.1_lowered:
.L_overlay_start_0:
0x88: {  	s2 =	sld [smem:$0x3FD9]  }
0x89: {  	s3 =	sld [smem:$0x3FFE];
	_ =	sdelay $0x1  }
0x8a: {  	s1 =	srdreg.scid  }
0x8b: {  	s0 =	sand.u32 $0x1, s1  }
0x8c: {  	s17 =	sshll.u32 s0, $0xA;
	s2 =	sadd.s32 s3, s2  }
0x8d: {  	s2 =	sadd.s32 s2, s17  }
0x8e: {  	[smem:$0x3FC3] =	sst s2  }
0x8f: {  	_ = 	snop  }
0x90: {  	s2 =	sld [smem:$0x3FC9]  }
0x91: {  	s18 =	sld [smem:$0x3FD0];
	(tm) =	ssettm $0x1  }
0x92: {  	s4 =	sld [smem:$0x3FFB];
	_ =	sdelay $0x3  }
0x93: {  	_ =	strace s4  }
0x94: {  	s4 =	sld [smem:$0x3FFC];
	_ =	sdelay $0x3  }
0x95: {  	_ =	strace s4  }
0x96: {  	s4 =	sld [smem:$0x3FFD];
	_ =	sdelay $0x3  }
0x97: {  	_ =	strace s4  }
0x98: {  	_ =	strace $0x8FFFFFFF  }
0x99: {  	s19 =	sld [smem:$0x3FDB];
	_ =	sdelay $0x1  }
0x9a: {  	s5 =	simm.s32 $_scs_section_size  }
0x9b: {  	s6 =	simm.s32 $_size__tile_overlayer_lowered;
	s7 =	simm.s32 $_tile_overlayer_lowered  }
0x9c: {  	s22 =	simm.s32 $0x1BFF;
	s21 =	sshll.u32 s7, $0x1;
	s4 =	sadd.s32 s5, s19  }
0x9d: {  	s8 =	simm.s32 $0x0;
	s20 =	sshll.u32 s6, $0x1;
	s6 =	sadd.s32 s21, s4  }
0x9e: {  	[timem:s8], [sflag:s22] =	dma.local [hbm:s6], s20  }
0x9f: {  	_ =	swait.ge [sflag:s22], s20  }
0xa0: {  	s5 =	ssub.s32 $0x0, s20;
	[sflag:s22] =	ssyncset.done $0x0  }
0xa1: {  	[sflag:s22] =	ssyncadd.s32 s5;
	_ =	sdelay $0x1  }
0xa2: {  	s23 =	simm.s32 $0x1B8B  }
0xa3: {  	_ =	swait.ge [sflag:s23], $0x1  }
0xa4: {  	[sflag:s23] =	ssyncset.done $0x0  }
0xa5: {  	s25 =	simm.s32 $0x1B8E;
	s24 =	sld [smem:$0x3FFE];
	[sflag:s23] =	ssyncadd.s32 $0xFFFFFFFF  }
0xa6: {  	s26 =	simm.s32 $execute0_lowered;
	[smem:$0x3FD2] =	sst s25  }
0xa7: {  	s6 =	sshll.u32 s26, $0x1;
	_ =	strace $0x80000049;
	[dreg:$0x1] =	wrdreg $0xFFFFFFFF  }
0xa8: {  	s28 =	simm.s32 $_size_execute0_lowered;
	s4 =	sadd.s32 s4, s6;
	[dreg:$0x0] =	wrdreg $0x0  }
0xa9: {  	s6 =	sshll.u32 s28, $0x1;
	[dreg:$0x2] =	wrdreg s4  }
0xaa: {  	[dreg:$0x3] =	wrdreg s6  }
0xab: {  	[dreg:$0x4] =	wrdreg $0xC0  }
0xac: {  	_ =	task [dreg:s8], $0x5FFFF  }
0xad: {  	[dreg:$0x1] =	wrdreg $0xFFFFFFFF  }
0xae: {  	[dreg:$0x0] =	wrdreg $0x60  }
0xaf: {  	[dreg:$0x2] =	wrdreg s24  }
0xb0: {  	[dreg:$0x3] =	wrdreg s18  }
0xb1: {  	[dreg:$0x4] =	wrdreg s2  }
0xb2: {  	[dreg:$0x5] =	wrdreg $0x9  }
0xb3: {  	_ =	task.clear_ibuf [dreg:s8], $0x6FFFF;
	_ =	strace $0x90000049  }
0xb4: {  	s29 =	simm.s32 $0x9;
	_ =	strace $0x8000004B  }
0xb5: {  	_ =	swait.ge [sflag:s29], $0x1  }
0xb6: {  	[sflag:s29] =	ssyncadd.s32 $0xFFFFFFFF  }
0xb7: {  	_ =	strace $0x9000004B  }
0xb8: {  	_ =	sfence  }
0xb9: {  	s30 =	sld [smem:$0x0];
	_ =	sdelay $0x2  }
0xba: {  	s31 =	sshll.u32 s1, $0xD;
	s1 =	sshrl.u32 s1, $0x2  }
0xbb: {  	s3 =	sand.u32 $0x4000, s31;
	s1 =	sadd.s32 s1, s30  }
0xbc: {  	s0 =	sor.u32 s3, s0;
	s1 =	sshll.u32 s1, $0x11  }
0xbd: {  	s0 =	sor.u32 s1, s0  }
0xbe: {  	s0 =	sadd.s32 $0x8F2B, s0  }
0xbf: {  	[sflag:s0] =	ssyncadd.remote.s32 $0x1  }
0xc0: {  	_ =	sfence.sel $0xFFFF  }
0xc1: {  	[dreg:$0x0] =	wrdreg $0xFFFFFFFF;
	(pc) =	sbr.abs _section_cstart, $3  }
0xc2: {  	[dreg:$0x1] =	wrdreg $0xFFFFFFFF  }
0xc3: {  	_ =	task.clear_ibuf [dreg:s8], $0x2FFFF;
	_ =	strace $0x9FFFFFFF  }
0xc4: {  	(tm) =	ssettm $0x7FFFFFFF  }
0xc5: {  	_ =	shalt  }
tec
execute0_lowered:
.L_overlay_start_1:
0x0: {  	(tag) =	ssettag $0x1  }
0x1: {  	s0 =	rddreg [dreg:$0x0]  }
0x2: {  	s1 =	rddreg [dreg:$0x1]  }
0x3: {  	s2 =	rddreg [dreg:$0x2];
	s4 =	simm.s32 $0x0;
	s3 =	srdreg.scid  }
0x4: {  	s6 =	stileid.u32;
	s19 =	simm.s32 $0x80;
	s20 =	simm.s32 $0x100  }
0x5: {  	s28 =	simm.s32 $0x1;
	s30 =	simm.s32 $0x2;
	[smem:$0x7FF] =	sst s4  }
0x6: {  	s5 =	sadd.s32 $0x4A1000, s0;
	s8 =	sshll.u32 s6, $0x10;
	s6 =	sadd.s32 $0x400C00, s0  }
0x7: {  	v0 =	vimm.f32 $2.000000000e+00;
	s3 =	sand.u32 $0x1, s3;
	s7 =	sadd.s32 $0x480E00, s0;
	_ =	strace $0x8000004A  }
0x8: {  	s11 =	sadd.s32 $0x10, s2;
	s9 =	sshll.u32 s3, $0xF;
	s21 =	ssub.s32 $0x2, s3;
	(erf) = vrcp.f32 v0  }
0x9: {  	s8 =	sor.u32 s9, s8;
	s9 =	sadd.s32 $0xC00, s0;
	s10 =	sshrl.u32 s21, $0x1  }
0xa: {  	s22 =	sshrl.u32 s8, $0x2;
	s0 =	ssub.s32 s21, s10;
	s29 =	sor.u32 $0x1800, s8  }
0xb: {  	s25 =	sshll.u32 s8, $0x1;
	s3 =	sadd.s32 s22, s11;
	[dreg:$0x8] =	wrdreg s29  }
0xc: {  	s26 =	sshrl.u32 s8, $0x3;
	s12 =	sadd.s32 s2, s22;
	[dreg:$0x5] =	wrdreg s3  }
0xd: {  	s15 =	sor.u32 $0x2000, s25;
	s0 =	smax.u32 s0, $0x1;
	[dreg:$0x4] =	wrdreg s12  }
0xe: {  	s31 =	sadd.s32 s26, s9;
	s23 =	sadd.s32 $0x200, s12;
	[dreg:$0xa] =	wrdreg s0  }
0xf: {  	s22 =	simm.s32 $0x800;
	s24 =	sadd.s32 $0x210, s12;
	[dreg:$0x6] =	wrdreg s23  }
0x10: {  	s25 =	simm.s32 $0x4;
	s3 =	sadd.s32 $0xF00, s31;
	[dreg:$0x7] =	wrdreg s24  }
0x11: {  	[dreg:$0x9] =	wrdreg s3;
	s24 =	simm.s32 $0x3;
	s3 =	simm.s32 $0x0;
	v0 =	vpop (erf)  }
.LBB2_1:
0x12: {  	[dreg:$0xb] =	wrdreg s3  }
0x13: {  	s0 =	rddreg [dreg:$0x4]  }
0x14: {  	[tilespmem:s4], [sflag:$0x3] =	stream.strided.gather [hbm4b:s0+s19], $0x800, s20, s19, $0x38;
	[tilespmem:$0x1B000] =	vst v63  }
0x15: {  	s18 =	rddreg [dreg:$0x5];
	s21 =	simm.s32 $0x1000  }
0x16: {  	[tilespmem:s21], [sflag:$0x3] =	stream.strided.gather [hbm4b:s18+s19], $0x800, s20, s19, $0x38;
	[tilespmem:$0x1B000] =	vst v63  }
0x17: {  	s23 =	rddreg [dreg:$0x6]  }
0x18: {  	[tilespmem:s22], [sflag:$0x4] =	stream.strided.gather [hbm4b:s23+s19], $0x800, s20, s19, $0x38;
	[tilespmem:$0x1B000] =	vst v63  }
0x19: {  	s26 =	rddreg [dreg:$0x7];
	s29 =	simm.s32 $0x1800  }
0x1a: {  	[tilespmem:s29], [sflag:$0x4] =	stream.strided.gather [hbm4b:s26+s19], $0x800, s20, s19, $0x38;
	[tilespmem:$0x1B000] =	vst v63  }
0x1b: {  	_ =	swait.ge [sflag:s24], $0x800  }
0x1c: {  	[sflag:s24] =	ssyncset.done $0x0  }
0x1d: {  	[sflag:s24] =	ssyncadd.s32 $0xFFFFF800  }
0x1e: {  	_ =	swait.ge [sflag:s24], $0x800  }
0x1f: {  	[sflag:s24] =	ssyncset.done $0x0  }
0x20: {  	s0 =	simm.s32 $0x0;
	[sflag:s24] =	ssyncadd.s32 $0xFFFFF800  }
0x21: {  	v1 =	vld [tilespmem:s0+$0x0]  }
0x22: {  	v2 =	vld [tilespmem:s0+$0x1000];
	_ =	sdelay $0x3  }
0x23: {  	v1 =	vadd.f32 v1, v1  }
0x24: {  	v2 =	vadd.f32 v2, v2  }
0x25: {  	v1 =	vadd.f32 $-1.000000000e+00, v1  }
0x26: {  	v2 =	vadd.f32 $-1.000000000e+00, v2  }
0x27: {  	v1 =	vadd.f32 $1.000000000e+00, v1  }
0x28: {  	v2 =	vadd.f32 $1.000000000e+00, v2  }
0x29: {  	v3 =	vmul.f32 $4.096000000e+03, v1  }
0x2a: {  	v6 =	vmul.f32 $4.096000000e+03, v2  }
0x2b: {  	v5 =	vmul.f32 $2.048000000e+03, v1;
	v4 =	vmul.f32 $5.120000000e+02, v1;
	v3 =	vadd.f32 $-1.000000000e+00, v3  }
0x2c: {  	v7 =	vmul.f32 $1.024000000e+03, v2;
	v1 =	vmul.f32 $1.024000000e+03, v1;
	v6 =	vadd.f32 $-1.000000000e+00, v6  }
0x2d: {  	v8 =	vmul.f32 $2.048000000e+03, v2;
	v5 =	vadd.f32 $-1.000000000e+00, v5;
	v9 =	vmul.f32 v3, v0  }
0x2e: {  	v2 =	vmul.f32 $5.120000000e+02, v2;
	v1 =	vadd.f32 $-1.000000000e+00, v1;
	v6 =	vmul.f32 v6, v0  }
0x2f: {  	v10 =	vmul.f32 v5, v0;
	v3 =	vadd.f32 $-1.000000000e+00, v8;
	v5 =	vadd.f32 $1.000000000e+00, v9  }
0x30: {  	v13 =	vadd.f32 $-1.000000000e+00, v7;
	v1 =	vmul.f32 v1, v0;
	v11 =	vadd.f32 $1.000000000e+00, v6  }
0x31: {  	v8 =	vadd.f32 $1.000000000e+00, v10;
	v12 =	vmul.f32 v3, v0;
	v3 =	vtrunc.f32 v5  }
0x32: {  	v7 =	vadd.f32 $1.000000000e+00, v1;
	v14 =	vcvt.f32.s32 v3;
	v3 =	vtrunc.f32 v11  }
0x33: {  	v8 =	vtrunc.f32 v8;
	v15 =	vadd.f32 $1.000000000e+00, v12;
	v11 =	vcvt.f32.s32 v3  }
0x34: {  	v5 =	vadd.f32 $-1.000000000e+00, v2;
	v2 =	vmul.f32 v13, v0;
	v3 =	vcvt.f32.s32 v8  }
0x35: {  	v15 =	vtrunc.f32 v15;
	v16 =	vadd.s32 $0xFFFFFFFF, v14;
	v8 =	vadd.s32 $0xFFFFFFFF, v11  }
0x36: {  	v13 =	vcvt.s32.f32 v16;
	vm0 =	vlt.s32 v11, $0xFFF;
	vm1 =	vlt.s32 v11, $0x1000  }
0x37: {  	vm3 =	vgt.s32 v16, $0xFFFFFFFF;
	v17 =	vcvt.s32.f32 v8;
	v18 =	vnsel vm0, $0xFFF, v11  }
0x38: {  	vm0 =	vlt.s32 v14, $0x1000;
	v13 =	vsub.f32 v9, v13;
	v9 =	vcvt.f32.s32 v15  }
0x39: {  	vm2 =	vgt.s32 v8, $0xFFFFFFFF;
	v15 =	vadd.f32 $1.000000000e+00, v2;
	v17 =	vsub.f32 v6, v17  }
0x3a: {  	v19 =	vsub.f32 $1.000000000e+00, v13;
	v6 =	vadd.s32 $0xFFFFFFFF, v9;
	v13 =	vnsel vm0, $0x0, v13  }
0x3b: {  	v15 =	vtrunc.f32 v15;
	v11 =	vsub.f32 $1.000000000e+00, v17;
	v20 =	vcvt.s32.f32 v6  }
0x3c: {  	v16 =	vnsel vm1, $0x0, v17;
	vm1 =	vgt.s32 v8, $0x0;
	v17 =	vadd.s32 $0xFFFFFFFF, v3  }
0x3d: {  	vm0 =	vgt.s32 v17, $0xFFFFFFFF;
	v22 =	vnsel vm1, $0x0, v8;
	v17 =	vcvt.s32.f32 v17  }
0x3e: {  	vm1 =	vlt.s32 v9, $0x800;
	v11 =	vnsel vm2, $0x0, v11;
	vm2 =	vlt.s32 v3, $0x800  }
0x3f: {  	v8 =	vsub.f32 v12, v20;
	v12 =	vnsel vm3, $0x0, v19;
	v62 =	vshll.u32 v22, $0xC  }
0x40: {  	v21 =	vmul.f32 v11, v13;
	v13 =	vmul.f32 v16, v13;
	v17 =	vsub.f32 v10, v17  }
0x41: {  	v20 =	vadd.s32 v14, v62;
	v10 =	vshll.u32 v18, $0xC;
	v11 =	vmul.f32 v11, v12  }
0x42: {  	v18 =	vmul.f32 v12, v16;
	v14 =	vadd.s32 v14, v10;
	v12 =	vnsel vm1, $0x0, v8  }
0x43: {  	s31 =	sand.u32 $0x7, s4;
	v19 =	vand.u32 $0xFFFF0000, v21;
	v16 =	vand.u32 $0xFFFF0000, v13;
	v10 =	vnsel vm2, $0x0, v17  }
0x44: {  	s10 =	sand.u32 $0x70, s4;
	s13 =	sand.u32 $0x3C00, s4;
	s12 =	simm.s32 $0x40;
	[tilespmem:s0+$0x2000] =	vst v20;
	v63 =	vshrl.u32 v11, $0x10;
	v11 =	vcvt.f32.s32 v15;
	v15 =	vsub.f32 $1.000000000e+00, v17  }
0x45: {  	s14 =	simm.s32 $0x0;
	s3 =	sshll.u32 s31, $0x4;
	s17 =	sor.u32 s10, s13;
	[tilespmem:s0+$0x2800] =	vst v14;
	vm2 =	vlt.s32 v9, $0x7FF;
	v17 =	vshrl.u32 v18, $0x10;
	v14 =	vor.u32 v19, v63  }
0x46: {  	s10 =	simm.s32 $0x0;
	s13 =	simm.s32 $0x0;
	s3 =	sadd.s32 $0x0, s3;
	v13 =	vmul.f32 v12, v10;
	[tilespmem:s17+$0xA000] =	vst v14;
	v14 =	vadd.s32 $0xFFFFFFFF, v11;
	vm1 =	vlt.s32 v11, $0x3FF  }
.LBB2_2:
0x47: {  	s10 =	sadd.s32 $0x80, s10  }
0x48: {  	v9 =	vnsel vm2, $0x7FF, v9;
	v7 =	vtrunc.f32 v7;
	v4 =	vadd.f32 $-1.000000000e+00, v4;
	s13 =	sadd.s32 $0x1, s13;
	s14 =	sadd.s32 $0x10, s14;
	s18 =	smov.u32 s12  }
0x49: {  	p0 =	sne.s32 s12, $0x1FC0;
	s12 =	sadd.s32 $0x40, s12;
	vm2 =	vgt.s32 v6, $0x0;
	s21 =	sand.u32 $0x7, s13;
	v9 =	vshll.u32 v9, $0xB;
	v7 =	vcvt.f32.s32 v7  }
0x4a: {  	v16 =	vor.u32 v16, v17;
	v5 =	vmul.f32 v5, v0;
	s21 =	sshll.u32 s21, $0x4;
	v9 =	vadd.s32 v3, v9  }
0x4b: {  	vm6 =	vgt.s32 v14, $0x0;
	v4 =	vmul.f32 v4, v0;
	s21 =	sadd.s32 s21, s10;
	v17 =	vadd.s32 $0xFFFFFFFF, v7  }
0x4c: {  	v18 =	vnsel vm2, $0x0, v6;
	v20 =	vadd.f32 $1.000000000e+00, v5;
	v19 =	vcvt.s32.f32 v17  }
0x4d: {  	vm2 =	vgt.s32 v14, $0xFFFFFFFF;
	vm3 =	vlt.s32 v7, $0x400;
	v21 =	vadd.f32 $1.000000000e+00, v4  }
0x4e: {  	v8 =	vsub.f32 $1.000000000e+00, v8;
	vm4 =	vlt.s32 v11, $0x400;
	v18 =	vshll.u32 v18, $0xB  }
0x4f: {  	vm7 =	vgt.s32 v6, $0xFFFFFFFF;
	vm5 =	vgt.s32 v17, $0xFFFFFFFF;
	v6 =	vtrunc.f32 v21  }
0x50: {  	v15 =	vnsel vm0, $0x0, v15;
	v8 =	vnsel vm7, $0x0, v8;
	v17 =	vtrunc.f32 v20  }
0x51: {  	v12 =	vmul.f32 v15, v12;
	v3 =	vadd.s32 v3, v18;
	v18 =	vmul.f32 v8, v15  }
0x52: {  	v8 =	vmul.f32 v8, v10;
	v10 =	vcvt.s32.f32 v14  }
0x53: {  	v13 =	vand.u32 $0xFFFF0000, v13;
	v12 =	vshrl.u32 v12, $0x10;
	v15 =	vshrl.u32 v18, $0x10  }
0x54: {  	v12 =	vor.u32 v13, v12;
	v2 =	vsub.f32 v2, v10;
	v10 =	vnsel vm1, $0x3FF, v11  }
0x55: {  	v11 =	vcvt.f32.s32 v17;
	v1 =	vsub.f32 v1, v19;
	v10 =	vshll.u32 v10, $0xA  }
0x56: {  	v13 =	vnsel vm6, $0x0, v14;
	v10 =	vadd.s32 v7, v10;
	v6 =	vcvt.f32.s32 v6  }
0x57: {  	v8 =	vand.u32 $0xFFFF0000, v8;
	v13 =	vshll.u32 v13, $0xA;
	v14 =	vadd.s32 $0xFFFFFFFF, v11  }
0x58: {  	v17 =	vsub.f32 $1.000000000e+00, v1;
	vm0 =	vgt.s32 v14, $0x0;
	v18 =	vadd.s32 $0xFFFFFFFF, v6  }
0x59: {  	v1 =	vnsel vm3, $0x0, v1;
	vm1 =	vgt.s32 v18, $0xFFFFFFFF;
	[tilespmem:s17+$0xA080] =	vst v16;
	v16 =	vcvt.s32.f32 v14  }
0x5a: {  	v19 =	vnsel vm4, $0x0, v2;
	vm3 =	vgt.s32 v14, $0xFFFFFFFF;
	v17 =	vnsel vm5, $0x0, v17  }
0x5b: {  	vm4 =	vlt.s32 v11, $0x1FF;
	v18 =	vcvt.s32.f32 v18;
	[tilespmem:s0+$0x3800] =	vst v9;
	v9 =	vmul.f32 v17, v19  }
0x5c: {  	v5 =	vsub.f32 v5, v16;
	[tilespmem:s0+$0x3000] =	vst v3;
	v3 =	vadd.s32 v7, v13;
	v7 =	vnsel vm4, $0x1FF, v11  }
0x5d: {  	v4 =	vsub.f32 v4, v18;
	v9 =	vshrl.u32 v9, $0x10;
	v7 =	vshll.u32 v7, $0x9  }
0x5e: {  	v8 =	vor.u32 v8, v15;
	v13 =	vsub.f32 $1.000000000e+00, v5;
	[tilespmem:s17+$0xA180] =	vst v12;
	v12 =	vmul.f32 v19, v1  }
0x5f: {  	v2 =	vsub.f32 $1.000000000e+00, v2;
	vm5 =	vlt.s32 v11, $0x200;
	vm4 =	vlt.s32 v6, $0x200;
	[tilespmem:s17+$0xA100] =	vst v8  }
0x60: {  	v8 =	vnsel vm3, $0x0, v13;
	[tilespmem:s0+$0x4000] =	vst v3;
	v3 =	vsub.f32 $1.000000000e+00, v4;
	v4 =	vnsel vm4, $0x0, v4  }
0x61: {  	v2 =	vnsel vm2, $0x0, v2;
	v5 =	vnsel vm5, $0x0, v5;
	v7 =	vadd.s32 v6, v7;
	[tilespmem:s0+$0x4800] =	vst v10  }
0x62: {  	v11 =	vnsel vm0, $0x0, v14;
	v10 =	vmul.f32 v2, v17;
	v3 =	vnsel vm1, $0x0, v3  }
0x63: {  	v11 =	vshll.u32 v11, $0x9;
	v1 =	vmul.f32 v2, v1;
	v2 =	vand.u32 $0xFFFF0000, v12  }
0x64: {  	v12 =	vmul.f32 v8, v4;
	v4 =	vmul.f32 v5, v4;
	v10 =	vshrl.u32 v10, $0x10  }
0x65: {  	v1 =	vand.u32 $0xFFFF0000, v1;
	v2 =	vor.u32 v2, v9;
	v5 =	vmul.f32 v3, v5  }
0x66: {  	v6 =	vadd.s32 v6, v11;
	v3 =	vmul.f32 v8, v3;
	v1 =	vor.u32 v1, v10  }
0x67: {  	v5 =	vshrl.u32 v5, $0x10;
	[tilespmem:s17+$0xA280] =	vst v2;
	v2 =	vand.u32 $0xFFFF0000, v12  }
0x68: {  	[tilespmem:s17+$0xA200] =	vst v1;
	v1 =	vshrl.u32 v3, $0x10;
	v3 =	vand.u32 $0xFFFF0000, v4  }
0x69: {  	[tilespmem:s0+$0x5000] =	vst v6;
	v1 =	vor.u32 v2, v1;
	v2 =	vor.u32 v3, v5  }
0x6a: {  	s23 =	sor.u32 $0x380, s3;
	s3 =	smov.u32 s21;
	[tilespmem:s0+$0x5800] =	vst v7  }
0x6b: {  	[tilespmem:s17+$0xA300] =	vst v1  }
0x6c: {  	s0 =	sshra.s32 s18, $0x2;
	[tilespmem:s23+$0xA000] =	vst v2  }
0x6d: {  	v1 =	vld [tilespmem:s0+$0x0]  }
0x6e: {  	v2 =	vld [tilespmem:s0+$0x1000];
	_ =	sdelay $0x3  }
0x6f: {  	v1 =	vadd.f32 v1, v1  }
0x70: {  	v2 =	vadd.f32 v2, v2  }
0x71: {  	v1 =	vadd.f32 $-1.000000000e+00, v1  }
0x72: {  	v2 =	vadd.f32 $-1.000000000e+00, v2  }
0x73: {  	v1 =	vadd.f32 $1.000000000e+00, v1  }
0x74: {  	v2 =	vadd.f32 $1.000000000e+00, v2  }
0x75: {  	v3 =	vmul.f32 $4.096000000e+03, v1;
	v5 =	vmul.f32 $2.048000000e+03, v1  }
0x76: {  	v4 =	vmul.f32 $5.120000000e+02, v1;
	v6 =	vmul.f32 $4.096000000e+03, v2  }
0x77: {  	v7 =	vmul.f32 $1.024000000e+03, v2;
	v3 =	vadd.f32 $-1.000000000e+00, v3;
	v5 =	vadd.f32 $-1.000000000e+00, v5  }
0x78: {  	v1 =	vmul.f32 $1.024000000e+03, v1;
	v8 =	vmul.f32 $2.048000000e+03, v2;
	v6 =	vadd.f32 $-1.000000000e+00, v6  }
0x79: {  	v11 =	vadd.f32 $-1.000000000e+00, v7;
	v9 =	vmul.f32 v3, v0;
	v10 =	vmul.f32 v5, v0  }
0x7a: {  	v1 =	vadd.f32 $-1.000000000e+00, v1;
	v3 =	vadd.f32 $-1.000000000e+00, v8;
	v6 =	vmul.f32 v6, v0  }
0x7b: {  	v2 =	vmul.f32 $5.120000000e+02, v2;
	v5 =	vadd.f32 $1.000000000e+00, v9;
	v7 =	vadd.f32 $1.000000000e+00, v10  }
0x7c: {  	v1 =	vmul.f32 v1, v0;
	v12 =	vmul.f32 v3, v0;
	v8 =	vadd.f32 $1.000000000e+00, v6  }
0x7d: {  	v3 =	vtrunc.f32 v5;
	v13 =	vtrunc.f32 v7  }
0x7e: {  	v7 =	vadd.f32 $1.000000000e+00, v1;
	v14 =	vcvt.f32.s32 v3;
	v3 =	vtrunc.f32 v8  }
0x7f: {  	v15 =	vadd.f32 $1.000000000e+00, v12;
	v5 =	vadd.f32 $-1.000000000e+00, v2;
	v8 =	vcvt.f32.s32 v3  }
0x80: {  	v2 =	vmul.f32 v11, v0;
	v3 =	vcvt.f32.s32 v13;
	v16 =	vadd.s32 $0xFFFFFFFF, v14  }
0x81: {  	v11 =	vadd.s32 $0xFFFFFFFF, v8;
	v13 =	vcvt.s32.f32 v16;
	vm0 =	vlt.s32 v8, $0xFFF  }
0x82: {  	v15 =	vtrunc.f32 v15;
	v17 =	vcvt.s32.f32 v11;
	v18 =	vnsel vm0, $0xFFF, v8  }
0x83: {  	v13 =	vsub.f32 v9, v13;
	v9 =	vcvt.f32.s32 v15;
	v15 =	vadd.f32 $1.000000000e+00, v2  }
0x84: {  	vm0 =	vlt.s32 v14, $0x1000;
	v17 =	vsub.f32 v6, v17  }
0x85: {  	vm1 =	vlt.s32 v8, $0x1000;
	v19 =	vsub.f32 $1.000000000e+00, v13;
	v6 =	vadd.s32 $0xFFFFFFFF, v9  }
0x86: {  	vm2 =	vgt.s32 v11, $0xFFFFFFFF;
	v8 =	vsub.f32 $1.000000000e+00, v17;
	v20 =	vcvt.s32.f32 v6  }
0x87: {  	vm3 =	vgt.s32 v16, $0xFFFFFFFF;
	v16 =	vnsel vm1, $0x0, v17;
	vm1 =	vgt.s32 v11, $0x0  }
0x88: {  	v13 =	vnsel vm0, $0x0, v13;
	v17 =	vnsel vm2, $0x0, v8;
	v8 =	vadd.s32 $0xFFFFFFFF, v3  }
0x89: {  	vm2 =	vlt.s32 v3, $0x800;
	v21 =	vmul.f32 v17, v13;
	vm0 =	vgt.s32 v8, $0xFFFFFFFF  }
0x8a: {  	v11 =	vnsel vm1, $0x0, v11;
	v22 =	vcvt.s32.f32 v8;
	v8 =	vsub.f32 v12, v20  }
0x8b: {  	vm1 =	vlt.s32 v9, $0x800;
	v12 =	vnsel vm3, $0x0, v19;
	v19 =	vand.u32 $0xFFFF0000, v21  }
0x8c: {  	v11 =	vshll.u32 v11, $0xC;
	v13 =	vmul.f32 v16, v13;
	v20 =	vsub.f32 v10, v22  }
0x8d: {  	v17 =	vmul.f32 v17, v12;
	v10 =	vadd.s32 v14, v11;
	v11 =	vshll.u32 v18, $0xC  }
.Ltmp0:
0x8e: {  	v11 =	vadd.s32 v14, v11;
	v14 =	vmul.f32 v12, v16;
	v16 =	vand.u32 $0xFFFF0000, v13;
	[tilespmem:s0+$0x2000] =	vst v10;
	(pc) =	sbr.rel @p0 .LBB2_2-.Ltmp0, $4  }
0x8f: {  	v12 =	vnsel vm1, $0x0, v8;
	v10 =	vnsel vm2, $0x0, v20;
	[tilespmem:s0+$0x2800] =	vst v11;
	v11 =	vtrunc.f32 v15  }
0x90: {  	s18 =	sand.u32 $0x3C00, s10;
	s17 =	sand.u32 $0x70, s14;
	v15 =	vshrl.u32 v17, $0x10;
	v13 =	vmul.f32 v12, v10;
	v11 =	vcvt.f32.s32 v11  }
0x91: {  	s17 =	sor.u32 s17, s18;
	vm2 =	vlt.s32 v9, $0x7FF;
	v17 =	vor.u32 v19, v15;
	v15 =	vsub.f32 $1.000000000e+00, v20  }
0x92: {  	[tilespmem:s17+$0xA000] =	vst v17;
	v17 =	vshrl.u32 v14, $0x10;
	v14 =	vadd.s32 $0xFFFFFFFF, v11;
	vm1 =	vlt.s32 v11, $0x3FF  }
0x93: {  	v7 =	vtrunc.f32 v7  }
0x94: {  	v9 =	vnsel vm2, $0x7FF, v9;
	v4 =	vadd.f32 $-1.000000000e+00, v4;
	vm8 =	vgt.s32 v6, $0x0  }
0x95: {  	v16 =	vor.u32 v16, v17;
	v5 =	vmul.f32 v5, v0;
	vm5 =	vgt.s32 v14, $0x0  }
0x96: {  	vm9 =	vgt.s32 v14, $0xFFFFFFFF;
	v8 =	vsub.f32 $1.000000000e+00, v8;
	vm4 =	vlt.s32 v11, $0x400  }
0x97: {  	vm6 =	vgt.s32 v6, $0xFFFFFFFF;
	v15 =	vnsel vm0, $0x0, v15;
	v40 =	vcvt.s32.f32 v14  }
0x98: {  	v13 =	vand.u32 $0xFFFF0000, v13;
	v41 =	vnsel vm1, $0x3FF, v11;
	v7 =	vcvt.f32.s32 v7  }
0x99: {  	v9 =	vshll.u32 v9, $0xB;
	v18 =	vnsel vm8, $0x0, v6;
	v12 =	vmul.f32 v15, v12  }
0x9a: {  	v42 =	vshll.u32 v41, $0xA;
	v44 =	vnsel vm5, $0x0, v14;
	v9 =	vadd.s32 v3, v9  }
0x9b: {  	v4 =	vmul.f32 v4, v0;
	v20 =	vadd.f32 $1.000000000e+00, v5;
	v18 =	vshll.u32 v18, $0xB  }
0x9c: {  	v8 =	vnsel vm6, $0x0, v8;
	v2 =	vsub.f32 v2, v40;
	v37 =	vadd.s32 $0xFFFFFFFF, v7  }
0x9d: {  	vm3 =	vlt.s32 v7, $0x400;
	v3 =	vadd.s32 v3, v18;
	v15 =	vmul.f32 v8, v15  }
0x9e: {  	v8 =	vmul.f32 v8, v10;
	v12 =	vshrl.u32 v12, $0x10;
	v10 =	vadd.s32 v7, v42  }
0x9f: {  	v19 =	vcvt.s32.f32 v37;
	v21 =	vadd.f32 $1.000000000e+00, v4;
	vm7 =	vgt.s32 v37, $0xFFFFFFFF  }
0xa0: {  	v39 =	vtrunc.f32 v20;
	v12 =	vor.u32 v13, v12;
	v13 =	vshll.u32 v44, $0xA  }
0xa1: {  	v49 =	vnsel vm4, $0x0, v2;
	v2 =	vsub.f32 $1.000000000e+00, v2;
	v15 =	vshrl.u32 v15, $0x10  }
0xa2: {  	v43 =	vcvt.f32.s32 v39;
	v8 =	vand.u32 $0xFFFF0000, v8;
	v7 =	vadd.s32 v7, v13  }
0xa3: {  	v38 =	vtrunc.f32 v21;
	v1 =	vsub.f32 v1, v19;
	v8 =	vor.u32 v8, v15  }
0xa4: {  	v2 =	vnsel vm9, $0x0, v2;
	v6 =	vcvt.f32.s32 v38;
	v45 =	vadd.s32 $0xFFFFFFFF, v43  }
0xa5: {  	vm13 =	vlt.s32 v43, $0x1FF;
	vm15 =	vlt.s32 v43, $0x200;
	v46 =	vsub.f32 $1.000000000e+00, v1  }
0xa6: {  	vm10 =	vgt.s32 v45, $0x0;
	v1 =	vnsel vm3, $0x0, v1;
	v48 =	vcvt.s32.f32 v45  }
0xa7: {  	vm12 =	vgt.s32 v45, $0xFFFFFFFF;
	v51 =	vnsel vm13, $0x1FF, v43;
	v47 =	vadd.s32 $0xFFFFFFFF, v6  }
0xa8: {  	v13 =	vshll.u32 v51, $0x9;
	v53 =	vmul.f32 v49, v1;
	vm14 =	vlt.s32 v6, $0x200  }
0xa9: {  	[tilespmem:s17+$0xA080] =	vst v16;
	v56 =	vnsel vm10, $0x0, v45;
	v1 =	vmul.f32 v2, v1;
	v18 =	vcvt.s32.f32 v47  }
0xaa: {  	[tilespmem:s0+$0x3800] =	vst v9;
	vm11 =	vgt.s32 v47, $0xFFFFFFFF;
	v17 =	vnsel vm7, $0x0, v46;
	v5 =	vsub.f32 v5, v48  }
0xab: {  	[tilespmem:s0+$0x3000] =	vst v3;
	v57 =	vshll.u32 v56, $0x9;
	v50 =	vmul.f32 v17, v49;
	v4 =	vsub.f32 v4, v18  }
0xac: {  	[tilespmem:s17+$0xA180] =	vst v12;
	v55 =	vmul.f32 v2, v17;
	v1 =	vand.u32 $0xFFFF0000, v1;
	v54 =	vsub.f32 $1.000000000e+00, v5  }
0xad: {  	[tilespmem:s17+$0xA100] =	vst v8;
	v5 =	vnsel vm15, $0x0, v5;
	v52 =	vshrl.u32 v50, $0x10;
	v3 =	vsub.f32 $1.000000000e+00, v4  }
0xae: {  	[tilespmem:s0+$0x4000] =	vst v7;
	v8 =	vshrl.u32 v55, $0x10;
	v4 =	vnsel vm14, $0x0, v4;
	v9 =	vnsel vm12, $0x0, v54  }
0xaf: {  	[tilespmem:s0+$0x4800] =	vst v10;
	v1 =	vor.u32 v1, v8;
	v2 =	vnsel vm11, $0x0, v3;
	v3 =	vand.u32 $0xFFFF0000, v53  }
0xb0: {  	v58 =	vmul.f32 v9, v4;
	[tilespmem:s17+$0xA200] =	vst v1;
	v3 =	vor.u32 v3, v52;
	v59 =	vmul.f32 v9, v2  }
0xb1: {  	v60 =	vadd.s32 v6, v57;
	v2 =	vmul.f32 v2, v5;
	[tilespmem:s17+$0xA280] =	vst v3;
	v3 =	vmul.f32 v5, v4  }
0xb2: {  	v1 =	vadd.s32 v6, v13;
	v61 =	vand.u32 $0xFFFF0000, v58;
	v62 =	vshrl.u32 v59, $0x10;
	[tilespmem:s0+$0x5000] =	vst v60  }
0xb3: {  	v2 =	vshrl.u32 v2, $0x10;
	[tilespmem:s0+$0x5800] =	vst v1;
	v3 =	vand.u32 $0xFFFF0000, v3;
	v63 =	vor.u32 v61, v62  }
0xb4: {  	s21 =	sor.u32 $0x380, s3;
	v1 =	vor.u32 v3, v2;
	[tilespmem:s17+$0xA300] =	vst v63  }
0xb5: {  	s23 =	simm.s32 $0x2000;
	s26 =	simm.s32 $0x6000;
	[tilespmem:s21+$0xA000] =	vst v1  }
0xb6: {  	[tilespmem:s26], [sflag:$0x1] =	stream.indirect.gather [hbm4b:s5+s22], $0x1, s23, s22, $0xb8;
	[tilespmem:$0x1B000] =	vst v63  }
0xb7: {  	s29 =	simm.s32 $0x2800;
	s31 =	simm.s32 $0x6800  }
0xb8: {  	[tilespmem:s31], [sflag:$0x1] =	stream.indirect.gather [hbm4b:s5+s22], $0x1, s29, s22, $0xb8;
	[tilespmem:$0x1B000] =	vst v63  }
0xb9: {  	s10 =	simm.s32 $0x3000;
	s12 =	simm.s32 $0x7000  }
0xba: {  	[tilespmem:s12], [sflag:$0x1] =	stream.indirect.gather [hbm4b:s6+s22], $0x1, s10, s22, $0xb8;
	[tilespmem:$0x1B000] =	vst v63  }
0xbb: {  	s13 =	simm.s32 $0x3800;
	s14 =	simm.s32 $0x7800  }
0xbc: {  	[tilespmem:s14], [sflag:$0x1] =	stream.indirect.gather [hbm4b:s6+s22], $0x1, s13, s22, $0xb8;
	[tilespmem:$0x1B000] =	vst v63  }
0xbd: {  	s16 =	simm.s32 $0x4000;
	s17 =	simm.s32 $0x8000  }
0xbe: {  	[tilespmem:s17], [sflag:$0x1] =	stream.indirect.gather [hbm4b:s7+s22], $0x1, s16, s22, $0xb8;
	[tilespmem:$0x1B000] =	vst v63  }
0xbf: {  	s18 =	simm.s32 $0x4800;
	s21 =	simm.s32 $0x8800  }
0xc0: {  	[tilespmem:s21], [sflag:$0x1] =	stream.indirect.gather [hbm4b:s7+s22], $0x1, s18, s22, $0xb8;
	[tilespmem:$0x1B000] =	vst v63  }
0xc1: {  	s3 =	simm.s32 $0x0;
	s23 =	simm.s32 $0x5000;
	s26 =	simm.s32 $0x9000  }
0xc2: {  	[tilespmem:s26], [sflag:$0x1] =	stream.indirect.gather [hbm4b:s1+s22], $0x1, s23, s22, $0xb8;
	[tilespmem:$0x1B000] =	vst v63  }
0xc3: {  	s0 =	simm.s32 $0x0;
	s29 =	simm.s32 $0x5800;
	s31 =	simm.s32 $0x9800  }
0xc4: {  	[tilespmem:s31], [sflag:$0x1] =	stream.indirect.gather [hbm4b:s1+s22], $0x1, s29, s22, $0xb8;
	[tilespmem:$0x1B000] =	vst v63  }
.LBB2_4:
0xc5: {  	_ =	swait.ge [sflag:s25], $0x800  }
0xc6: {  	[sflag:s25] =	ssyncset.done $0x0  }
0xc7: {  	[sflag:s25] =	ssyncadd.s32 $0xFFFFF800  }
0xc8: {  	_ =	swait.ge [sflag:s25], $0x800  }
0xc9: {  	[sflag:s25] =	ssyncset.done $0x0  }
0xca: {  	s12 =	simm.s32 $0x0;
	[sflag:s25] =	ssyncadd.s32 $0xFFFFF800  }
0xcb: {  	v1 =	vld [tilespmem:s12+$0x800]  }
0xcc: {  	v2 =	vld [tilespmem:s12+$0x1800];
	_ =	sdelay $0x3  }
0xcd: {  	v1 =	vadd.f32 v1, v1  }
0xce: {  	v2 =	vadd.f32 v2, v2  }
0xcf: {  	v1 =	vadd.f32 $-1.000000000e+00, v1  }
0xd0: {  	v2 =	vadd.f32 $-1.000000000e+00, v2  }
0xd1: {  	v1 =	vadd.f32 $1.000000000e+00, v1  }
0xd2: {  	v3 =	vadd.f32 $1.000000000e+00, v2  }
0xd3: {  	v2 =	vmul.f32 $4.096000000e+03, v1;
	v4 =	vmul.f32 $2.048000000e+03, v1  }
0xd4: {  	v5 =	vmul.f32 $4.096000000e+03, v3;
	v6 =	vmul.f32 $5.120000000e+02, v1  }
0xd5: {  	v7 =	vmul.f32 $1.024000000e+03, v3;
	v1 =	vmul.f32 $1.024000000e+03, v1;
	v2 =	vadd.f32 $-1.000000000e+00, v2  }
0xd6: {  	v8 =	vmul.f32 $2.048000000e+03, v3;
	v4 =	vadd.f32 $-1.000000000e+00, v4;
	v5 =	vadd.f32 $-1.000000000e+00, v5  }
0xd7: {  	v3 =	vmul.f32 $5.120000000e+02, v3;
	v1 =	vadd.f32 $-1.000000000e+00, v1;
	v6 =	vadd.f32 $-1.000000000e+00, v6  }
0xd8: {  	v9 =	vmul.f32 v2, v0;
	v11 =	vmul.f32 v4, v0;
	v2 =	vadd.f32 $-1.000000000e+00, v7  }
0xd9: {  	v5 =	vmul.f32 v5, v0;
	v4 =	vadd.f32 $-1.000000000e+00, v8;
	v6 =	vmul.f32 v6, v0  }
0xda: {  	v7 =	vadd.f32 $1.000000000e+00, v9;
	v10 =	vadd.f32 $1.000000000e+00, v11;
	v8 =	vmul.f32 v2, v0  }
0xdb: {  	v15 =	vmul.f32 v4, v0;
	v4 =	vmul.f32 v1, v0;
	v1 =	vadd.f32 $1.000000000e+00, v5  }
0xdc: {  	v2 =	vtrunc.f32 v7;
	v7 =	vtrunc.f32 v10  }
0xdd: {  	v10 =	vadd.f32 $1.000000000e+00, v15;
	v12 =	vadd.f32 $1.000000000e+00, v4;
	v1 =	vtrunc.f32 v1  }
0xde: {  	v24 =	vadd.f32 $1.000000000e+00, v8;
	v2 =	vcvt.f32.s32 v2;
	v17 =	vcvt.f32.s32 v1  }
0xdf: {  	v1 =	vadd.f32 $-1.000000000e+00, v3;
	v3 =	vcvt.f32.s32 v7;
	v10 =	vtrunc.f32 v10  }
0xe0: {  	v12 =	vtrunc.f32 v12;
	v24 =	vtrunc.f32 v24;
	v13 =	vadd.s32 $0xFFFFFFFF, v2  }
0xe1: {  	v14 =	vcvt.f32.s32 v10;
	vm2 =	vlt.s32 v2, $0x1000;
	vm3 =	vlt.s32 v17, $0xFFF  }
0xe2: {  	v7 =	vmul.f32 v1, v0;
	v18 =	vadd.s32 $0xFFFFFFFF, v17;
	v19 =	vadd.s32 $0xFFFFFFFF, v3  }
0xe3: {  	vm5 =	vlt.s32 v3, $0x800;
	v16 =	vcvt.s32.f32 v13;
	vm0 =	vgt.s32 v13, $0xFFFFFFFF  }
0xe4: {  	v13 =	vnsel vm3, $0xFFF, v17;
	v23 =	vcvt.s32.f32 v18;
	vm1 =	vlt.s32 v14, $0x7FF  }
0xe5: {  	vm4 =	vlt.s32 v14, $0x800;
	v20 =	vadd.s32 $0xFFFFFFFF, v14;
	v21 =	vshll.u32 v13, $0xC  }
0xe6: {  	v13 =	vcvt.f32.s32 v12;
	v9 =	vsub.f32 v9, v16;
	v16 =	vadd.f32 $1.000000000e+00, v6  }
0xe7: {  	v25 =	vadd.f32 $1.000000000e+00, v7;
	v22 =	vcvt.s32.f32 v20;
	vm3 =	vgt.s32 v20, $0x0  }
0xe8: {  	vm15 =	vgt.s32 v20, $0xFFFFFFFF;
	v10 =	vsub.f32 $1.000000000e+00, v9;
	v1 =	vtrunc.f32 v16  }
0xe9: {  	v16 =	vcvt.s32.f32 v19;
	v12 =	vnsel vm2, $0x0, v9;
	vm2 =	vlt.s32 v17, $0x1000  }
0xea: {  	v9 =	vsub.f32 v15, v22;
	v15 =	vadd.s32 v2, v21;
	v21 =	vsub.f32 v5, v23  }
0xeb: {  	v5 =	vtrunc.f32 v25;
	v1 =	vcvt.f32.s32 v1;
	v16 =	vsub.f32 v11, v16  }
0xec: {  	v5 =	vcvt.f32.s32 v5;
	v10 =	vnsel vm0, $0x0, v10;
	vm0 =	vlt.s32 v13, $0x400  }
0xed: {  	v22 =	vsub.f32 $1.000000000e+00, v9;
	v11 =	vnsel vm3, $0x0, v20;
	v26 =	vsub.f32 $1.000000000e+00, v16  }
0xee: {  	s10 =	sand.u32 $0x7, s0;
	s14 =	sand.u32 $0x3C00, s0;
	s17 =	simm.s32 $0x40;
	vm3 =	vgt.s32 v19, $0xFFFFFFFF;
	v17 =	vnsel vm5, $0x0, v16;
	v16 =	vnsel vm4, $0x0, v9  }
0xef: {  	s18 =	simm.s32 $0x0;
	s23 =	simm.s32 $0x0;
	s10 =	sshll.u32 s10, $0x4;
	v23 =	vnsel vm15, $0x0, v22;
	v20 =	vnsel vm3, $0x0, v26;
	vm3 =	vgt.s32 v18, $0x0  }
0xf0: {  	s21 =	simm.s32 $0x0;
	s13 =	sadd.s32 $0x0, s10;
	s10 =	simm.s32 $0x0;
	v22 =	vadd.s32 $0xFFFFFFFF, v1;
	v9 =	vmul.f32 v23, v20;
	v19 =	vnsel vm3, $0x0, v18  }
.LBB2_5:
0xf1: {  	s18 =	sadd.s32 $0x80, s18  }
0xf2: {  	v25 =	vsub.f32 $1.000000000e+00, v21;
	v24 =	vcvt.f32.s32 v24;
	vm3 =	vlt.s32 v1, $0x200;
	s10 =	sadd.s32 $0x1, s10;
	s23 =	sadd.s32 $0x10, s23;
	s26 =	smov.u32 s17  }
0xf3: {  	p0 =	sne.s32 s17, $0x1FC0;
	s17 =	sadd.s32 $0x40, s17;
	vm5 =	vgt.s32 v18, $0xFFFFFFFF;
	v18 =	vadd.s32 $0xFFFFFFFF, v13;
	s31 =	sand.u32 $0x3C00, s18;
	v26 =	vadd.s32 $0xFFFFFFFF, v5  }
0xf4: {  	v23 =	vmul.f32 v23, v17;
	s29 =	sand.u32 $0x7, s10;
	v27 =	vadd.s32 $0xFFFFFFFF, v24;
	vm6 =	vlt.s32 v24, $0x3FF  }
0xf5: {  	vm4 =	vlt.s32 v5, $0x200;
	s29 =	sshll.u32 s29, $0x4;
	v28 =	vcvt.s32.f32 v27;
	vm7 =	vgt.s32 v27, $0x0  }
0xf6: {  	v14 =	vnsel vm1, $0x7FF, v14;
	vm8 =	vlt.s32 v24, $0x400;
	s29 =	sadd.s32 s29, s18;
	v29 =	vnsel vm7, $0x0, v27  }
0xf7: {  	v14 =	vshll.u32 v14, $0xB;
	[tilespmem:s12+$0xE800] =	vst v15;
	v8 =	vsub.f32 v8, v28;
	v15 =	vnsel vm6, $0x3FF, v24  }
0xf8: {  	v21 =	vnsel vm2, $0x0, v21;
	v24 =	vnsel vm5, $0x0, v25;
	v25 =	vcvt.s32.f32 v18  }
0xf9: {  	vm2 =	vgt.s32 v22, $0xFFFFFFFF;
	vm1 =	vgt.s32 v26, $0xFFFFFFFF;
	v28 =	vcvt.s32.f32 v22  }
0xfa: {  	v30 =	vcvt.s32.f32 v26;
	v15 =	vshll.u32 v15, $0xA;
	v22 =	vnsel vm8, $0x0, v8  }
0xfb: {  	v17 =	vmul.f32 v16, v17;
	vm5 =	vgt.s32 v18, $0xFFFFFFFF;
	v8 =	vsub.f32 $1.000000000e+00, v8  }
0xfc: {  	v16 =	vmul.f32 v20, v16;
	vm6 =	vgt.s32 v27, $0xFFFFFFFF;
	v18 =	vshll.u32 v29, $0xA  }
0xfd: {  	v14 =	vadd.s32 v3, v14;
	v18 =	vadd.s32 v13, v18;
	v4 =	vsub.f32 v4, v25  }
0xfe: {  	v20 =	vmul.f32 v24, v10;
	v13 =	vadd.s32 v13, v15;
	v8 =	vnsel vm6, $0x0, v8  }
0xff: {  	v15 =	vshll.u32 v19, $0xC;
	v19 =	vmul.f32 v24, v12;
	v12 =	vmul.f32 v21, v12  }
0x100: {  	v10 =	vmul.f32 v10, v21;
	v6 =	vsub.f32 v6, v28;
	v21 =	vnsel vm0, $0x0, v4  }
0x101: {  	v7 =	vsub.f32 v7, v30;
	v2 =	vadd.s32 v2, v15;
	v4 =	vsub.f32 $1.000000000e+00, v4  }
0x102: {  	v15 =	vand.u32 $0xFFFF0000, v19;
	v12 =	vand.u32 $0xFFFF0000, v12;
	[tilespmem:s12+$0xE000] =	vst v2;
	v2 =	vshrl.u32 v20, $0x10  }
0x103: {  	v11 =	vshll.u32 v11, $0xB;
	v2 =	vor.u32 v15, v2;
	v15 =	vsub.f32 $1.000000000e+00, v6  }
0x104: {  	v3 =	vadd.s32 v3, v11;
	v10 =	vshrl.u32 v10, $0x10  }
0x105: {  	v11 =	vshrl.u32 v16, $0x10;
	v16 =	vand.u32 $0xFFFF0000, v17;
	v15 =	vnsel vm2, $0x0, v15  }
0x106: {  	s16 =	sand.u32 $0x70, s21;
	s21 =	smov.u32 s23;
	v17 =	vand.u32 $0xFFFF0000, v23;
	v19 =	vnsel vm4, $0x0, v7;
	v4 =	vnsel vm5, $0x0, v4  }
0x107: {  	s16 =	sor.u32 s16, s14;
	s14 =	smov.u32 s31;
	vm0 =	vgt.s32 v26, $0x0;
	v20 =	vmul.f32 v8, v21;
	v6 =	vnsel vm3, $0x0, v6  }
0x108: {  	s31 =	sadd.s32 $0x16000, s16;
	[tilespmem:s16+$0x16000] =	vst v2;
	v2 =	vor.u32 v12, v10;
	v10 =	vmul.f32 v4, v22;
	v12 =	vmul.f32 v22, v21  }
0x109: {  	[tilespmem:s31+$0x80] =	vst v2;
	v2 =	vmul.f32 v8, v4;
	v4 =	vsub.f32 $1.000000000e+00, v7;
	v7 =	vnsel vm0, $0x0, v26  }
0x10a: {  	v8 =	vshrl.u32 v9, $0x10;
	v9 =	vmul.f32 v15, v19;
	[tilespmem:s12+$0xF800] =	vst v14;
	v7 =	vshll.u32 v7, $0x9  }
0x10b: {  	[tilespmem:s12+$0xF000] =	vst v3;
	v3 =	vor.u32 v17, v8;
	v8 =	vor.u32 v16, v11;
	v11 =	vmul.f32 v19, v6  }
0x10c: {  	v2 =	vshrl.u32 v2, $0x10;
	v7 =	vadd.s32 v1, v7;
	[tilespmem:s31+$0x100] =	vst v3;
	v3 =	vand.u32 $0xFFFF0000, v20  }
0x10d: {  	v2 =	vor.u32 v3, v2;
	v3 =	vshrl.u32 v10, $0x10;
	v10 =	vand.u32 $0xFFFF0000, v12  }
0x10e: {  	v4 =	vnsel vm1, $0x0, v4;
	[tilespmem:s31+$0x180] =	vst v8;
	v3 =	vor.u32 v10, v3;
	v8 =	vand.u32 $0xFFFF0000, v11  }
0x10f: {  	vm0 =	vlt.s32 v5, $0x1FF;
	v10 =	vmul.f32 v4, v15;
	v4 =	vmul.f32 v4, v6;
	[tilespmem:s12+$0x10000] =	vst v18  }
0x110: {  	v5 =	vnsel vm0, $0x1FF, v5;
	[tilespmem:s12+$0x10800] =	vst v13  }
0x111: {  	v4 =	vand.u32 $0xFFFF0000, v4;
	[tilespmem:s31+$0x200] =	vst v2;
	v2 =	vshll.u32 v5, $0x9;
	v5 =	vshrl.u32 v10, $0x10  }
0x112: {  	[tilespmem:s31+$0x280] =	vst v3;
	v1 =	vadd.s32 v1, v2;
	v2 =	vor.u32 v4, v5  }
0x113: {  	[tilespmem:s12+$0x11000] =	vst v7;
	_ =	sdelay $0x2  }
0x114: {  	[tilespmem:s12+$0x11800] =	vst v1;
	v1 =	vshrl.u32 v9, $0x10  }
0x115: {  	s16 =	sor.u32 $0x380, s13;
	s13 =	smov.u32 s29;
	[tilespmem:s31+$0x300] =	vst v2;
	v1 =	vor.u32 v8, v1  }
0x116: {  	s12 =	sshra.s32 s26, $0x2;
	[tilespmem:s16+$0x16000] =	vst v1  }
0x117: {  	v1 =	vld [tilespmem:s12+$0x800]  }
0x118: {  	v2 =	vld [tilespmem:s12+$0x1800];
	_ =	sdelay $0x3  }
0x119: {  	v1 =	vadd.f32 v1, v1  }
0x11a: {  	v2 =	vadd.f32 v2, v2  }
0x11b: {  	v1 =	vadd.f32 $-1.000000000e+00, v1  }
0x11c: {  	v2 =	vadd.f32 $-1.000000000e+00, v2  }
0x11d: {  	v1 =	vadd.f32 $1.000000000e+00, v1  }
0x11e: {  	v3 =	vadd.f32 $1.000000000e+00, v2  }
0x11f: {  	v2 =	vmul.f32 $4.096000000e+03, v1;
	v4 =	vmul.f32 $2.048000000e+03, v1  }
0x120: {  	v6 =	vmul.f32 $5.120000000e+02, v1;
	v5 =	vmul.f32 $4.096000000e+03, v3  }
0x121: {  	v7 =	vmul.f32 $1.024000000e+03, v3;
	v2 =	vadd.f32 $-1.000000000e+00, v2;
	v4 =	vadd.f32 $-1.000000000e+00, v4  }
0x122: {  	v1 =	vmul.f32 $1.024000000e+03, v1;
	v8 =	vmul.f32 $2.048000000e+03, v3;
	v5 =	vadd.f32 $-1.000000000e+00, v5  }
0x123: {  	v9 =	vmul.f32 v2, v0;
	v11 =	vmul.f32 v4, v0;
	v2 =	vadd.f32 $-1.000000000e+00, v7  }
0x124: {  	v1 =	vadd.f32 $-1.000000000e+00, v1;
	v4 =	vadd.f32 $-1.000000000e+00, v8;
	v5 =	vmul.f32 v5, v0  }
0x125: {  	v7 =	vadd.f32 $1.000000000e+00, v9;
	v10 =	vadd.f32 $1.000000000e+00, v11;
	v8 =	vmul.f32 v2, v0  }
0x126: {  	v15 =	vmul.f32 v4, v0;
	v4 =	vmul.f32 v1, v0;
	v12 =	vadd.f32 $1.000000000e+00, v5  }
0x127: {  	v1 =	vtrunc.f32 v7;
	v7 =	vtrunc.f32 v10;
	v24 =	vadd.f32 $1.000000000e+00, v8  }
0x128: {  	v10 =	vadd.f32 $1.000000000e+00, v4;
	v2 =	vcvt.f32.s32 v1;
	v1 =	vadd.f32 $1.000000000e+00, v15  }
0x129: {  	v3 =	vmul.f32 $5.120000000e+02, v3;
	v6 =	vadd.f32 $-1.000000000e+00, v6;
	v12 =	vtrunc.f32 v12  }
0x12a: {  	v16 =	vtrunc.f32 v10;
	v13 =	vadd.s32 $0xFFFFFFFF, v2;
	v1 =	vtrunc.f32 v1  }
0x12b: {  	v6 =	vmul.f32 v6, v0;
	v10 =	vcvt.s32.f32 v13  }
0x12c: {  	v17 =	vcvt.f32.s32 v12;
	v14 =	vcvt.f32.s32 v1;
	v1 =	vadd.f32 $-1.000000000e+00, v3  }
0x12d: {  	v12 =	vadd.f32 $1.000000000e+00, v6;
	v3 =	vcvt.f32.s32 v7;
	v9 =	vsub.f32 v9, v10  }
0x12e: {  	vm2 =	vlt.s32 v2, $0x1000;
	vm0 =	vgt.s32 v13, $0xFFFFFFFF;
	vm1 =	vlt.s32 v14, $0x7FF  }
0x12f: {  	vm3 =	vlt.s32 v17, $0xFFF;
	v7 =	vmul.f32 v1, v0;
	v10 =	vsub.f32 $1.000000000e+00, v9  }
0x130: {  	v18 =	vadd.s32 $0xFFFFFFFF, v17;
	v19 =	vadd.s32 $0xFFFFFFFF, v3;
	vm4 =	vlt.s32 v14, $0x800  }
0x131: {  	v20 =	vadd.s32 $0xFFFFFFFF, v14;
	v1 =	vtrunc.f32 v12;
	v10 =	vnsel vm0, $0x0, v10  }
0x132: {  	v12 =	vnsel vm3, $0xFFF, v17;
	v21 =	vcvt.s32.f32 v19;
	v1 =	vcvt.f32.s32 v1  }
0x133: {  	v13 =	vcvt.f32.s32 v16;
	v22 =	vshll.u32 v12, $0xC;
	v23 =	vcvt.s32.f32 v20  }
0x134: {  	v25 =	vcvt.s32.f32 v18;
	vm3 =	vgt.s32 v20, $0x0;
	v12 =	vnsel vm2, $0x0, v9  }
0x135: {  	vm2 =	vlt.s32 v17, $0x1000;
	v9 =	vsub.f32 v15, v23;
	vm0 =	vlt.s32 v13, $0x400  }
0x136: {  	v26 =	vadd.f32 $1.000000000e+00, v7;
	v15 =	vadd.s32 v2, v22;
	v16 =	vsub.f32 v11, v21  }
0x137: {  	vm5 =	vlt.s32 v3, $0x800;
	v11 =	vnsel vm3, $0x0, v20;
	v22 =	vsub.f32 $1.000000000e+00, v9  }
.Ltmp1:
0x138: {  	v23 =	vsub.f32 $1.000000000e+00, v16;
	v17 =	vnsel vm5, $0x0, v16;
	v16 =	vnsel vm4, $0x0, v9;
	(pc) =	sbr.rel @p0 .LBB2_5-.Ltmp1, $4  }
0x139: {  	v21 =	vsub.f32 v5, v25;
	vm3 =	vgt.s32 v19, $0xFFFFFFFF;
	vm4 =	vgt.s32 v20, $0xFFFFFFFF  }
0x13a: {  	v20 =	vnsel vm3, $0x0, v23;
	v23 =	vnsel vm4, $0x0, v22;
	v22 =	vadd.s32 $0xFFFFFFFF, v1  }
0x13b: {  	v5 =	vtrunc.f32 v26;
	vm3 =	vgt.s32 v18, $0x0;
	v9 =	vmul.f32 v23, v20  }
0x13c: {  	v24 =	vtrunc.f32 v24;
	v5 =	vcvt.f32.s32 v5;
	v19 =	vnsel vm3, $0x0, v18  }
0x13d: {  	v25 =	vsub.f32 $1.000000000e+00, v21;
	v24 =	vcvt.f32.s32 v24;
	vm3 =	vlt.s32 v1, $0x200  }
0x13e: {  	vm5 =	vgt.s32 v18, $0xFFFFFFFF;
	v18 =	vadd.s32 $0xFFFFFFFF, v13;
	v23 =	vmul.f32 v23, v17  }
0x13f: {  	v14 =	vnsel vm1, $0x7FF, v14;
	v21 =	vnsel vm2, $0x0, v21;
	v30 =	vcvt.s32.f32 v22  }
0x140: {  	vm10 =	vgt.s32 v22, $0xFFFFFFFF;
	v17 =	vmul.f32 v16, v17;
	v16 =	vmul.f32 v20, v16  }
0x141: {  	v19 =	vshll.u32 v19, $0xC;
	v11 =	vshll.u32 v11, $0xB;
	v9 =	vshrl.u32 v9, $0x10  }
0x142: {  	v26 =	vadd.s32 $0xFFFFFFFF, v5;
	vm4 =	vlt.s32 v5, $0x200;
	v14 =	vshll.u32 v14, $0xB  }
0x143: {  	v61 =	vcvt.s32.f32 v18;
	vm12 =	vgt.s32 v18, $0xFFFFFFFF;
	v2 =	vadd.s32 v2, v19  }
0x144: {  	vm15 =	vlt.s32 v5, $0x1FF;
	v27 =	vadd.s32 $0xFFFFFFFF, v24;
	vm6 =	vlt.s32 v24, $0x3FF  }
0x145: {  	vm8 =	vlt.s32 v24, $0x400;
	v25 =	vnsel vm5, $0x0, v25;
	vm11 =	vgt.s32 v26, $0xFFFFFFFF  }
0x146: {  	v18 =	vcvt.s32.f32 v26;
	v14 =	vadd.s32 v3, v14;
	v6 =	vsub.f32 v6, v30  }
0x147: {  	v3 =	vadd.s32 v3, v11;
	v11 =	vshrl.u32 v16, $0x10;
	[tilespmem:s12+$0xE000] =	vst v2;
	v2 =	vand.u32 $0xFFFF0000, v17  }
0x148: {  	v16 =	vand.u32 $0xFFFF0000, v23;
	vm14 =	vgt.s32 v26, $0x0;
	v5 =	vnsel vm15, $0x1FF, v5  }
0x149: {  	v28 =	vcvt.s32.f32 v27;
	vm7 =	vgt.s32 v27, $0x0;
	v24 =	vnsel vm6, $0x3FF, v24  }
0x14a: {  	vm13 =	vgt.s32 v27, $0xFFFFFFFF;
	v62 =	vmul.f32 v25, v10;
	v63 =	vmul.f32 v25, v12  }
0x14b: {  	v4 =	vsub.f32 v4, v61;
	v12 =	vmul.f32 v21, v12;
	v10 =	vmul.f32 v10, v21  }
0x14c: {  	v2 =	vor.u32 v2, v11;
	v5 =	vshll.u32 v5, $0x9;
	v29 =	vnsel vm7, $0x0, v27  }
0x14d: {  	v24 =	vshll.u32 v24, $0xA;
	v7 =	vsub.f32 v7, v18;
	v8 =	vsub.f32 v8, v28  }
0x14e: {  	v20 =	vshll.u32 v29, $0xA;
	v21 =	vnsel vm0, $0x0, v4;
	v4 =	vsub.f32 $1.000000000e+00, v4  }
0x14f: {  	s10 =	sand.u32 $0x70, s21;
	v18 =	vshrl.u32 v62, $0x10;
	v19 =	vand.u32 $0xFFFF0000, v63;
	v12 =	vand.u32 $0xFFFF0000, v12  }
0x150: {  	[tilespmem:s12+$0xE800] =	vst v15;
	s10 =	sor.u32 s10, s14;
	v10 =	vshrl.u32 v10, $0x10;
	v20 =	vadd.s32 v13, v20;
	v18 =	vor.u32 v19, v18  }
0x151: {  	s14 =	sadd.s32 $0x16000, s10;
	v13 =	vadd.s32 v13, v24;
	v19 =	vsub.f32 $1.000000000e+00, v6;
	v10 =	vor.u32 v12, v10;
	[tilespmem:s10+$0x16000] =	vst v18  }
0x152: {  	v17 =	vnsel vm4, $0x0, v7;
	v22 =	vnsel vm8, $0x0, v8;
	v8 =	vsub.f32 $1.000000000e+00, v8;
	[tilespmem:s14+$0x80] =	vst v10  }
0x153: {  	v6 =	vnsel vm3, $0x0, v6;
	v7 =	vsub.f32 $1.000000000e+00, v7;
	v4 =	vnsel vm12, $0x0, v4;
	[tilespmem:s12+$0xF800] =	vst v14  }
0x154: {  	v10 =	vmul.f32 v4, v22;
	[tilespmem:s12+$0xF000] =	vst v3;
	v3 =	vor.u32 v16, v9;
	v8 =	vnsel vm13, $0x0, v8  }
0x155: {  	v15 =	vnsel vm10, $0x0, v19;
	[tilespmem:s14+$0x100] =	vst v3;
	v12 =	vmul.f32 v8, v21;
	v4 =	vmul.f32 v8, v4  }
0x156: {  	v18 =	vmul.f32 v22, v21;
	v7 =	vnsel vm11, $0x0, v7;
	[tilespmem:s14+$0x180] =	vst v2;
	v8 =	vnsel vm14, $0x0, v26  }
0x157: {  	[tilespmem:s12+$0x10000] =	vst v20;
	v8 =	vshll.u32 v8, $0x9;
	v4 =	vshrl.u32 v4, $0x10;
	v9 =	vand.u32 $0xFFFF0000, v12  }
0x158: {  	[tilespmem:s12+$0x10800] =	vst v13;
	v2 =	vor.u32 v9, v4;
	v4 =	vshrl.u32 v10, $0x10;
	v9 =	vand.u32 $0xFFFF0000, v18  }
0x159: {  	v4 =	vor.u32 v9, v4;
	v9 =	vmul.f32 v7, v15;
	v7 =	vmul.f32 v7, v6;
	[tilespmem:s14+$0x200] =	vst v2  }
0x15a: {  	v3 =	vmul.f32 v15, v17;
	v2 =	vmul.f32 v17, v6;
	v6 =	vadd.s32 v1, v8;
	[tilespmem:s14+$0x280] =	vst v4  }
0x15b: {  	v1 =	vadd.s32 v1, v5;
	v4 =	vshrl.u32 v9, $0x10;
	v7 =	vand.u32 $0xFFFF0000, v7;
	[tilespmem:s12+$0x11000] =	vst v6  }
0x15c: {  	v2 =	vand.u32 $0xFFFF0000, v2;
	[tilespmem:s12+$0x11800] =	vst v1;
	v1 =	vshrl.u32 v3, $0x10;
	v4 =	vor.u32 v7, v4  }
0x15d: {  	v1 =	vor.u32 v2, v1;
	[tilespmem:s14+$0x300] =	vst v4;
	s14 =	sor.u32 $0x380, s13  }
0x15e: {  	s16 =	simm.s32 $0xE000;
	s17 =	simm.s32 $0x12000;
	[tilespmem:s14+$0x16000] =	vst v1  }
0x15f: {  	[tilespmem:s17], [sflag:$0x2] =	stream.indirect.gather [hbm4b:s5+s22], $0x1, s16, s22, $0xb8;
	[tilespmem:$0x1B000] =	vst v63  }
0x160: {  	s18 =	simm.s32 $0xE800;
	s21 =	simm.s32 $0x12800  }
0x161: {  	[tilespmem:s21], [sflag:$0x2] =	stream.indirect.gather [hbm4b:s5+s22], $0x1, s18, s22, $0xb8;
	[tilespmem:$0x1B000] =	vst v63  }
0x162: {  	s23 =	simm.s32 $0xF000;
	s26 =	simm.s32 $0x13000  }
0x163: {  	[tilespmem:s26], [sflag:$0x2] =	stream.indirect.gather [hbm4b:s6+s22], $0x1, s23, s22, $0xb8;
	[tilespmem:$0x1B000] =	vst v63  }
0x164: {  	s29 =	simm.s32 $0xF800;
	s31 =	simm.s32 $0x13800;
	p1 =	seq.s32 s3, $0x7  }
0x165: {  	[tilespmem:s31], [sflag:$0x2] =	stream.indirect.gather [hbm4b:s6+s22], $0x1, s29, s22, $0xb8;
	[tilespmem:$0x1B000] =	vst v63  }
0x166: {  	s10 =	sshll.u32 @!p1 s3, $0xD;
	s12 =	simm.s32 $0x10000;
	s13 =	simm.s32 $0x14000  }
0x167: {  	[tilespmem:s13], [sflag:$0x2] =	stream.indirect.gather [hbm4b:s7+s22], $0x1, s12, s22, $0xb8;
	[tilespmem:$0x1B000] =	vst v63  }
0x168: {  	s10 =	sadd.s32 @!p1 s10, s15;
	s14 =	simm.s32 $0x10800;
	s16 =	simm.s32 $0x14800  }
0x169: {  	[tilespmem:s16], [sflag:$0x2] =	stream.indirect.gather [hbm4b:s7+s22], $0x1, s14, s22, $0xb8;
	[tilespmem:$0x1B000] =	vst v63  }
0x16a: {  	s10 =	sshrl.u32 @!p1 s10, $0x3;
	s17 =	simm.s32 $0x11000;
	s18 =	simm.s32 $0x15000  }
0x16b: {  	[tilespmem:s18], [sflag:$0x2] =	stream.indirect.gather [hbm4b:s1+s22], $0x1, s17, s22, $0xb8;
	[tilespmem:$0x1B000] =	vst v63  }
0x16c: {  	s21 =	simm.s32 $0x11800;
	s23 =	simm.s32 $0x15800;
	s12 =	sadd.s32 @!p1 s2, s10  }
0x16d: {  	[tilespmem:s23], [sflag:$0x2] =	stream.indirect.gather [hbm4b:s1+s22], $0x1, s21, s22, $0xb8;
	[tilespmem:$0x1B000] =	vst v63  }
0x16e: {  	s13 =	simm.s32 @!p1 $0x80;
	s14 =	simm.s32 @!p1 $0x100;
	s16 =	simm.s32 @!p1 $0x0  }
0x16f: {  	[tilespmem:s16], [sflag:$0x3] =	stream.strided.gather @!p1 [hbm4b:s12+s13], $0x800, s14, s13, $0x38;
	[tilespmem:$0x1B000] =	vst v63  }
0x170: {  	s10 =	sadd.s32 @!p1 s10, s11;
	s12 =	simm.s32 @!p1 $0x1000  }
0x171: {  	[tilespmem:s12], [sflag:$0x3] =	stream.strided.gather @!p1 [hbm4b:s10+s13], $0x800, s14, s13, $0x38;
	[tilespmem:$0x1B000] =	vst v63  }
0x172: {  	_ =	swait.ge [sflag:s28], $0x800  }
0x173: {  	[sflag:s28] =	ssyncset.done $0x0  }
0x174: {  	[sflag:s28] =	ssyncadd.s32 $0xFFFFF800  }
0x175: {  	_ =	swait.ge [sflag:s28], $0x800  }
0x176: {  	[sflag:s28] =	ssyncset.done $0x0  }
0x177: {  	[sflag:s28] =	ssyncadd.s32 $0xFFFFF800  }
0x178: {  	_ =	swait.ge [sflag:s28], $0x800  }
0x179: {  	[sflag:s28] =	ssyncset.done $0x0  }
0x17a: {  	[sflag:s28] =	ssyncadd.s32 $0xFFFFF800  }
0x17b: {  	_ =	swait.ge [sflag:s28], $0x800  }
0x17c: {  	[sflag:s28] =	ssyncset.done $0x0  }
0x17d: {  	[sflag:s28] =	ssyncadd.s32 $0xFFFFF800  }
0x17e: {  	_ =	swait.ge [sflag:s28], $0x800  }
0x17f: {  	[sflag:s28] =	ssyncset.done $0x0  }
0x180: {  	[sflag:s28] =	ssyncadd.s32 $0xFFFFF800  }
0x181: {  	_ =	swait.ge [sflag:s28], $0x800  }
0x182: {  	[sflag:s28] =	ssyncset.done $0x0  }
0x183: {  	[sflag:s28] =	ssyncadd.s32 $0xFFFFF800  }
0x184: {  	_ =	swait.ge [sflag:s28], $0x800  }
0x185: {  	[sflag:s28] =	ssyncset.done $0x0  }
0x186: {  	[sflag:s28] =	ssyncadd.s32 $0xFFFFF800  }
0x187: {  	_ =	swait.ge [sflag:s28], $0x800  }
0x188: {  	p0 =	seq.s32 s3, $0x0;
	[sflag:s28] =	ssyncset.done $0x0  }
0x189: {  	s10 =	simm.s32 @!p0 $0x5;
	[sflag:s28] =	ssyncadd.s32 $0xFFFFF800  }
0x18a: {  	_ =	swait.ge @!p0 [sflag:s10], $0x800  }
0x18b: {  	[sflag:s10] =	ssyncset.done @!p0 $0x0  }
0x18c: {  	[sflag:s10] =	ssyncadd.s32 @!p0 $0xFFFFF800;
	s10 =	simm.s32 $0x0  }
0x18d: {  	v1 =	vld [tilespmem:s10+$0x9800]  }
0x18e: {  	v7 =	vld [tilespmem:s10+$0x8800]  }
0x18f: {  	v8 =	vld [tilespmem:s10+$0x9000]  }
0x190: {  	s14 =	simm.s32 $0x0;
	v9 =	vld [tilespmem:s10+$0x6800]  }
0x191: {  	s26 =	sand.u32 $0x7, s14;
	v15 =	vld [tilespmem:s10+$0x7800]  }
0x192: {  	s12 =	sshll.u32 s26, $0x4;
	v21 =	vld [tilespmem:s10+$0x8000]  }
0x193: {  	s12 =	sadd.s32 $0x0, s12;
	v11 =	vld [tilespmem:s10+$0x6000]  }
0x194: {  	s29 =	sand.u32 $0x70, s14;
	s31 =	sand.u32 $0x3C00, s14;
	s12 =	sor.u32 $0x380, s12;
	v10 =	vld [tilespmem:s10+$0x7000]  }
0x195: {  	s23 =	sor.u32 s29, s31;
	v2 =	vld [tilespmem:s12+$0xA000]  }
0x196: {  	v4 =	vld [tilespmem:s23+$0xA280];
	v6 =	vand.u32 $0xFFFF0000, v9;
	v3 =	vand.u32 $0xFFFF0000, v7;
	v17 =	vshll.u32 v1, $0x10  }
0x197: {  	v18 =	vld [tilespmem:s23+$0xA300];
	v5 =	vand.u32 $0xFFFF0000, v15;
	v19 =	vshll.u32 v7, $0x10;
	v14 =	vshll.u32 v8, $0x10  }
0x198: {  	s17 =	simm.s32 $0x40;
	s12 =	sshll.u32 s3, $0xC;
	v12 =	vld [tilespmem:s23+$0xA080];
	v13 =	vshll.u32 v9, $0x10;
	v7 =	vshll.u32 v15, $0x10;
	v20 =	vand.u32 $0xFFFF0000, v8  }
0x199: {  	s18 =	simm.s32 $0x0;
	s21 =	simm.s32 $0x0;
	s13 =	sor.u32 s12, s8;
	v15 =	vld [tilespmem:s23+$0xA000];
	v16 =	vshll.u32 v11, $0x10;
	v8 =	vshll.u32 v21, $0x10;
	v9 =	vand.u32 $0xFFFF0000, v21  }
.LBB2_7:
0x19a: {  	p2 =	sne.s32 s17, $0x1FC0;
	v11 =	vand.u32 $0xFFFF0000, v11;
	v21 =	vshll.u32 v10, $0x10;
	v22 =	vld [tilespmem:s23+$0xA200];
	v23 =	vshll.u32 v2, $0x10  }
0x19b: {  	v10 =	vand.u32 $0xFFFF0000, v10;
	v24 =	vld [tilespmem:s23+$0xA100];
	v25 =	vshll.u32 v4, $0x10;
	v17 =	vmul.f32 v23, v17  }
0x19c: {  	v19 =	vmul.f32 v25, v19;
	v23 =	vshll.u32 v18, $0x10;
	v18 =	vand.u32 $0xFFFF0000, v18  }
0x19d: {  	v25 =	vshll.u32 v12, $0x10;
	v26 =	vld [tilespmem:s23+$0xA180];
	v14 =	vmul.f32 v23, v14;
	v18 =	vmul.f32 v18, v20  }
0x19e: {  	v12 =	vand.u32 $0xFFFF0000, v12;
	v20 =	vshll.u32 v15, $0x10;
	v13 =	vmul.f32 v25, v13  }
0x19f: {  	v15 =	vand.u32 $0xFFFF0000, v15;
	v16 =	vmul.f32 v20, v16;
	v20 =	vshll.u32 v22, $0x10  }
0x1a0: {  	v11 =	vmul.f32 v15, v11;
	v15 =	vshll.u32 v24, $0x10;
	v23 =	vand.u32 $0xFFFF0000, v24  }
0x1a1: {  	v15 =	vmul.f32 v15, v21;
	v10 =	vmul.f32 v23, v10;
	v21 =	vand.u32 $0xFFFF0000, v22  }
0x1a2: {  	v8 =	vmul.f32 v20, v8;
	v22 =	vshll.u32 v26, $0x10;
	v9 =	vmul.f32 v21, v9  }
0x1a3: {  	v11 =	vadd.f32 v11, v16;
	v10 =	vadd.f32 v10, v15;
	v7 =	vmul.f32 v22, v7  }
0x1a4: {  	v6 =	vmul.f32 v12, v6;
	v12 =	vand.u32 $0xFFFF0000, v26;
	v8 =	vadd.f32 v9, v8  }
0x1a5: {  	v5 =	vmul.f32 v12, v5;
	v9 =	vadd.f32 v13, v11;
	v7 =	vadd.f32 v7, v10  }
0x1a6: {  	v4 =	vand.u32 $0xFFFF0000, v4;
	v10 =	vadd.f32 v18, v14;
	v8 =	vadd.f32 v19, v8  }
0x1a7: {  	s16 =	sshra.s32 s17, $0x2;
	v3 =	vmul.f32 v4, v3;
	v6 =	vadd.f32 v9, v6;
	v5 =	vadd.f32 v7, v5  }
0x1a8: {  	v2 =	vand.u32 $0xFFFF0000, v2;
	v4 =	vand.u32 $0xFFFF0000, v1;
	v7 =	vadd.f32 v17, v10;
	v1 =	vld [tilespmem:s16+$0x9800]  }
0x1a9: {  	v2 =	vmul.f32 v2, v4;
	v3 =	vadd.f32 v8, v3;
	v9 =	vld [tilespmem:s16+$0x8800];
	v5 =	vadd.f32 v5, v6  }
0x1aa: {  	v8 =	vld [tilespmem:s16+$0x9000]  }
0x1ab: {  	s14 =	sadd.s32 $0x1, s14;
	v2 =	vadd.f32 v7, v2;
	v13 =	vld [tilespmem:s16+$0x6800];
	v3 =	vadd.f32 v3, v5  }
0x1ac: {  	s23 =	sand.u32 $0x7, s14;
	v7 =	vld [tilespmem:s16+$0x7800]  }
0x1ad: {  	s18 =	sadd.s32 $0x80, s18;
	s23 =	sshll.u32 s23, $0x4;
	v21 =	vld [tilespmem:s16+$0x8000];
	v2 =	vadd.f32 v2, v3  }
0x1ae: {  	s21 =	sadd.s32 $0x10, s21;
	s23 =	sadd.s32 s23, s18;
	v11 =	vld [tilespmem:s16+$0x6000]  }
0x1af: {  	s26 =	sand.u32 $0x70, s21;
	s29 =	sand.u32 $0x3C00, s18;
	s31 =	sor.u32 $0x380, s23;
	v10 =	vld [tilespmem:s16+$0x7000];
	[tilespmem:s10+$0x1A000] =	vst v2  }
.Ltmp2:
0x1b0: {  	s23 =	sor.u32 s26, s29;
	s10 =	smov.u32 s16;
	v2 =	vld [tilespmem:s31+$0xA000];
	(pc) =	sbr.rel @p2 .LBB2_7-.Ltmp2, $4  }
0x1b1: {  	v17 =	vshll.u32 v1, $0x10;
	v3 =	vand.u32 $0xFFFF0000, v9;
	v6 =	vand.u32 $0xFFFF0000, v13;
	v4 =	vld [tilespmem:s23+$0xA280]  }
0x1b2: {  	v19 =	vshll.u32 v9, $0x10;
	v14 =	vshll.u32 v8, $0x10;
	v5 =	vand.u32 $0xFFFF0000, v7;
	v18 =	vld [tilespmem:s23+$0xA300]  }
0x1b3: {  	v20 =	vand.u32 $0xFFFF0000, v8;
	v13 =	vshll.u32 v13, $0x10;
	v7 =	vshll.u32 v7, $0x10;
	v12 =	vld [tilespmem:s23+$0xA080]  }
0x1b4: {  	s17 =	sadd.s32 $0x40, s17;
	v8 =	vshll.u32 v21, $0x10;
	v9 =	vand.u32 $0xFFFF0000, v21;
	v16 =	vshll.u32 v11, $0x10;
	v15 =	vld [tilespmem:s23+$0xA000]  }
0x1b5: {  	v11 =	vand.u32 $0xFFFF0000, v11;
	v21 =	vshll.u32 v10, $0x10;
	v22 =	vld [tilespmem:s23+$0xA200];
	v23 =	vshll.u32 v2, $0x10  }
0x1b6: {  	v24 =	vld [tilespmem:s23+$0xA100];
	v47 =	vand.u32 $0xFFFF0000, v10;
	v25 =	vshll.u32 v4, $0x10;
	v17 =	vmul.f32 v23, v17  }
0x1b7: {  	v19 =	vmul.f32 v25, v19;
	v48 =	vshll.u32 v18, $0x10;
	v49 =	vand.u32 $0xFFFF0000, v18  }
0x1b8: {  	v26 =	vld [tilespmem:s23+$0xA180];
	v50 =	vshll.u32 v12, $0x10;
	v14 =	vmul.f32 v48, v14;
	v18 =	vmul.f32 v49, v20  }
0x1b9: {  	v52 =	vand.u32 $0xFFFF0000, v12;
	v51 =	vshll.u32 v15, $0x10;
	v13 =	vmul.f32 v50, v13  }
0x1ba: {  	v53 =	vand.u32 $0xFFFF0000, v15;
	v16 =	vmul.f32 v51, v16;
	v54 =	vshll.u32 v22, $0x10  }
0x1bb: {  	v11 =	vmul.f32 v53, v11;
	v55 =	vshll.u32 v24, $0x10;
	v56 =	vand.u32 $0xFFFF0000, v24  }
0x1bc: {  	v57 =	vand.u32 $0xFFFF0000, v22;
	v15 =	vmul.f32 v55, v21;
	v10 =	vmul.f32 v56, v47  }
0x1bd: {  	v58 =	vshll.u32 v26, $0x10;
	v8 =	vmul.f32 v54, v8;
	v9 =	vmul.f32 v57, v9  }
0x1be: {  	v7 =	vmul.f32 v58, v7;
	v11 =	vadd.f32 v11, v16;
	v10 =	vadd.f32 v10, v15  }
0x1bf: {  	v6 =	vmul.f32 v52, v6;
	v59 =	vand.u32 $0xFFFF0000, v26;
	v8 =	vadd.f32 v9, v8  }
0x1c0: {  	v5 =	vmul.f32 v59, v5;
	v60 =	vadd.f32 v13, v11;
	v7 =	vadd.f32 v7, v10  }
0x1c1: {  	v61 =	vand.u32 $0xFFFF0000, v4;
	v62 =	vadd.f32 v18, v14;
	v8 =	vadd.f32 v19, v8  }
0x1c2: {  	v3 =	vmul.f32 v61, v3;
	v6 =	vadd.f32 v60, v6;
	v5 =	vadd.f32 v7, v5  }
0x1c3: {  	v1 =	vand.u32 $0xFFFF0000, v1;
	v2 =	vand.u32 $0xFFFF0000, v2;
	v63 =	vadd.f32 v17, v62  }
0x1c4: {  	v1 =	vmul.f32 v2, v1;
	v3 =	vadd.f32 v8, v3;
	v5 =	vadd.f32 v5, v6;
	_ =	sdelay $0x1  }
0x1c5: {  	v1 =	vadd.f32 v63, v1;
	v2 =	vadd.f32 v3, v5  }
.Ltmp3:
0x1c6: {  	_ = 	snop;
	(pc) =	sbr.rel @p1 .LBB2_14-.Ltmp3, $4  }
0x1c7: {  	v1 =	vadd.f32 v1, v2  }
0x1c8: {  	s21 =	sshrl.u32 s13, $0x3  }
0x1c9: {  	s31 =	simm.s32 $0x1A000;
	s29 =	sadd.s32 s9, s21;
	[tilespmem:s10+$0x1A000] =	vst v1  }
0x1ca: {  	[hbm4b:s29+s4] =	stream.linear.scatter [tilespmem:s31], [sflag:$0x5], $0x800, $0x38;
	[tilespmem:$0x1B000] =	vst v63  }
0x1cb: {  	_ =	swait.ge [sflag:s24], $0x800  }
0x1cc: {  	[sflag:s24] =	ssyncset.done $0x0  }
0x1cd: {  	[sflag:s24] =	ssyncadd.s32 $0xFFFFF800  }
0x1ce: {  	_ =	swait.ge [sflag:s24], $0x800  }
0x1cf: {  	[sflag:s24] =	ssyncset.done $0x0  }
0x1d0: {  	s13 =	simm.s32 $0x0;
	[sflag:s24] =	ssyncadd.s32 $0xFFFFF800  }
0x1d1: {  	v1 =	vld [tilespmem:s13+$0x0]  }
0x1d2: {  	v2 =	vld [tilespmem:s13+$0x1000];
	_ =	sdelay $0x3  }
0x1d3: {  	v1 =	vadd.f32 v1, v1  }
0x1d4: {  	v2 =	vadd.f32 v2, v2  }
0x1d5: {  	v1 =	vadd.f32 $-1.000000000e+00, v1  }
0x1d6: {  	v2 =	vadd.f32 $-1.000000000e+00, v2  }
0x1d7: {  	v1 =	vadd.f32 $1.000000000e+00, v1  }
0x1d8: {  	v2 =	vadd.f32 $1.000000000e+00, v2  }
0x1d9: {  	v3 =	vmul.f32 $4.096000000e+03, v1  }
0x1da: {  	v6 =	vmul.f32 $4.096000000e+03, v2  }
0x1db: {  	v5 =	vmul.f32 $2.048000000e+03, v1;
	v4 =	vmul.f32 $5.120000000e+02, v1;
	v3 =	vadd.f32 $-1.000000000e+00, v3  }
0x1dc: {  	v7 =	vmul.f32 $1.024000000e+03, v2;
	v1 =	vmul.f32 $1.024000000e+03, v1;
	v6 =	vadd.f32 $-1.000000000e+00, v6  }
0x1dd: {  	v8 =	vmul.f32 $2.048000000e+03, v2;
	v5 =	vadd.f32 $-1.000000000e+00, v5;
	v9 =	vmul.f32 v3, v0  }
0x1de: {  	v2 =	vmul.f32 $5.120000000e+02, v2;
	v1 =	vadd.f32 $-1.000000000e+00, v1;
	v6 =	vmul.f32 v6, v0  }
0x1df: {  	v10 =	vmul.f32 v5, v0;
	v3 =	vadd.f32 $-1.000000000e+00, v8;
	v5 =	vadd.f32 $1.000000000e+00, v9  }
0x1e0: {  	v13 =	vadd.f32 $-1.000000000e+00, v7;
	v1 =	vmul.f32 v1, v0;
	v11 =	vadd.f32 $1.000000000e+00, v6  }
0x1e1: {  	v8 =	vadd.f32 $1.000000000e+00, v10;
	v12 =	vmul.f32 v3, v0;
	v3 =	vtrunc.f32 v5  }
0x1e2: {  	v7 =	vadd.f32 $1.000000000e+00, v1;
	v14 =	vcvt.f32.s32 v3;
	v3 =	vtrunc.f32 v11  }
0x1e3: {  	v8 =	vtrunc.f32 v8;
	v15 =	vadd.f32 $1.000000000e+00, v12;
	v11 =	vcvt.f32.s32 v3  }
0x1e4: {  	v5 =	vadd.f32 $-1.000000000e+00, v2;
	v2 =	vmul.f32 v13, v0;
	v3 =	vcvt.f32.s32 v8  }
0x1e5: {  	v15 =	vtrunc.f32 v15;
	v16 =	vadd.s32 $0xFFFFFFFF, v14;
	v8 =	vadd.s32 $0xFFFFFFFF, v11  }
0x1e6: {  	v13 =	vcvt.s32.f32 v16;
	vm0 =	vlt.s32 v11, $0xFFF;
	vm1 =	vlt.s32 v11, $0x1000  }
0x1e7: {  	vm3 =	vgt.s32 v16, $0xFFFFFFFF;
	v17 =	vcvt.s32.f32 v8;
	v18 =	vnsel vm0, $0xFFF, v11  }
0x1e8: {  	vm0 =	vlt.s32 v14, $0x1000;
	v13 =	vsub.f32 v9, v13;
	v9 =	vcvt.f32.s32 v15  }
0x1e9: {  	vm2 =	vgt.s32 v8, $0xFFFFFFFF;
	v15 =	vadd.f32 $1.000000000e+00, v2;
	v17 =	vsub.f32 v6, v17  }
0x1ea: {  	v19 =	vsub.f32 $1.000000000e+00, v13;
	v6 =	vadd.s32 $0xFFFFFFFF, v9;
	v13 =	vnsel vm0, $0x0, v13  }
0x1eb: {  	v15 =	vtrunc.f32 v15;
	v11 =	vsub.f32 $1.000000000e+00, v17;
	v20 =	vcvt.s32.f32 v6  }
0x1ec: {  	v16 =	vnsel vm1, $0x0, v17;
	vm1 =	vgt.s32 v8, $0x0;
	v17 =	vadd.s32 $0xFFFFFFFF, v3  }
0x1ed: {  	vm0 =	vgt.s32 v17, $0xFFFFFFFF;
	v22 =	vnsel vm1, $0x0, v8;
	v17 =	vcvt.s32.f32 v17  }
0x1ee: {  	vm1 =	vlt.s32 v9, $0x800;
	v11 =	vnsel vm2, $0x0, v11;
	vm2 =	vlt.s32 v3, $0x800  }
0x1ef: {  	v8 =	vsub.f32 v12, v20;
	v12 =	vnsel vm3, $0x0, v19;
	v62 =	vshll.u32 v22, $0xC  }
0x1f0: {  	v21 =	vmul.f32 v11, v13;
	v13 =	vmul.f32 v16, v13;
	v17 =	vsub.f32 v10, v17  }
0x1f1: {  	v20 =	vadd.s32 v14, v62;
	v10 =	vshll.u32 v18, $0xC;
	v11 =	vmul.f32 v11, v12  }
0x1f2: {  	v18 =	vmul.f32 v12, v16;
	v14 =	vadd.s32 v14, v10;
	v12 =	vnsel vm1, $0x0, v8  }
0x1f3: {  	s17 =	simm.s32 $0x0;
	v19 =	vand.u32 $0xFFFF0000, v21;
	v16 =	vand.u32 $0xFFFF0000, v13;
	v10 =	vnsel vm2, $0x0, v17  }
0x1f4: {  	s10 =	sand.u32 $0x7, s17;
	s14 =	sand.u32 $0x70, s17;
	s16 =	sand.u32 $0x3C00, s17;
	[tilespmem:s13+$0x2000] =	vst v20;
	v63 =	vshrl.u32 v11, $0x10;
	v11 =	vcvt.f32.s32 v15;
	v15 =	vsub.f32 $1.000000000e+00, v17  }
0x1f5: {  	s18 =	simm.s32 $0x40;
	s10 =	sshll.u32 s10, $0x4;
	s26 =	sor.u32 s14, s16;
	[tilespmem:s13+$0x2800] =	vst v14;
	vm2 =	vlt.s32 v9, $0x7FF;
	v17 =	vshrl.u32 v18, $0x10;
	v14 =	vor.u32 v19, v63  }
0x1f6: {  	s23 =	simm.s32 $0x0;
	s14 =	sadd.s32 $0x0, s10;
	s10 =	simm.s32 $0x0;
	v13 =	vmul.f32 v12, v10;
	[tilespmem:s26+$0xA000] =	vst v14;
	v14 =	vadd.s32 $0xFFFFFFFF, v11;
	vm1 =	vlt.s32 v11, $0x3FF  }
.LBB2_10:
0x1f7: {  	s17 =	sadd.s32 $0x80, s17  }
0x1f8: {  	v9 =	vnsel vm2, $0x7FF, v9;
	v7 =	vtrunc.f32 v7;
	v4 =	vadd.f32 $-1.000000000e+00, v4;
	s10 =	sadd.s32 $0x1, s10;
	s23 =	sadd.s32 $0x10, s23;
	s29 =	smov.u32 s18  }
0x1f9: {  	p1 =	sne.s32 s18, $0x1FC0;
	s18 =	sadd.s32 $0x40, s18;
	vm2 =	vgt.s32 v6, $0x0;
	s16 =	sand.u32 $0x7, s10;
	v9 =	vshll.u32 v9, $0xB;
	v7 =	vcvt.f32.s32 v7  }
0x1fa: {  	v16 =	vor.u32 v16, v17;
	v5 =	vmul.f32 v5, v0;
	s16 =	sshll.u32 s16, $0x4;
	v9 =	vadd.s32 v3, v9  }
0x1fb: {  	vm6 =	vgt.s32 v14, $0x0;
	v4 =	vmul.f32 v4, v0;
	s31 =	sadd.s32 s16, s17;
	v17 =	vadd.s32 $0xFFFFFFFF, v7  }
0x1fc: {  	v18 =	vnsel vm2, $0x0, v6;
	v20 =	vadd.f32 $1.000000000e+00, v5;
	v19 =	vcvt.s32.f32 v17  }
0x1fd: {  	vm2 =	vgt.s32 v14, $0xFFFFFFFF;
	vm3 =	vlt.s32 v7, $0x400;
	v21 =	vadd.f32 $1.000000000e+00, v4  }
0x1fe: {  	v8 =	vsub.f32 $1.000000000e+00, v8;
	vm4 =	vlt.s32 v11, $0x400;
	v18 =	vshll.u32 v18, $0xB  }
0x1ff: {  	vm7 =	vgt.s32 v6, $0xFFFFFFFF;
	vm5 =	vgt.s32 v17, $0xFFFFFFFF;
	v6 =	vtrunc.f32 v21  }
0x200: {  	v15 =	vnsel vm0, $0x0, v15;
	v8 =	vnsel vm7, $0x0, v8;
	v17 =	vtrunc.f32 v20  }
0x201: {  	v12 =	vmul.f32 v15, v12;
	v3 =	vadd.s32 v3, v18;
	v18 =	vmul.f32 v8, v15  }
0x202: {  	v8 =	vmul.f32 v8, v10;
	v10 =	vcvt.s32.f32 v14  }
0x203: {  	v13 =	vand.u32 $0xFFFF0000, v13;
	v12 =	vshrl.u32 v12, $0x10;
	v15 =	vshrl.u32 v18, $0x10  }
0x204: {  	v12 =	vor.u32 v13, v12;
	v2 =	vsub.f32 v2, v10;
	v10 =	vnsel vm1, $0x3FF, v11  }
0x205: {  	v11 =	vcvt.f32.s32 v17;
	v1 =	vsub.f32 v1, v19;
	v10 =	vshll.u32 v10, $0xA  }
0x206: {  	v13 =	vnsel vm6, $0x0, v14;
	v10 =	vadd.s32 v7, v10;
	v6 =	vcvt.f32.s32 v6  }
0x207: {  	v8 =	vand.u32 $0xFFFF0000, v8;
	v13 =	vshll.u32 v13, $0xA;
	v14 =	vadd.s32 $0xFFFFFFFF, v11  }
0x208: {  	v17 =	vsub.f32 $1.000000000e+00, v1;
	vm0 =	vgt.s32 v14, $0x0;
	v18 =	vadd.s32 $0xFFFFFFFF, v6  }
0x209: {  	v1 =	vnsel vm3, $0x0, v1;
	vm1 =	vgt.s32 v18, $0xFFFFFFFF;
	[tilespmem:s26+$0xA080] =	vst v16;
	v16 =	vcvt.s32.f32 v14  }
0x20a: {  	v19 =	vnsel vm4, $0x0, v2;
	vm3 =	vgt.s32 v14, $0xFFFFFFFF;
	v17 =	vnsel vm5, $0x0, v17  }
0x20b: {  	vm4 =	vlt.s32 v11, $0x1FF;
	v18 =	vcvt.s32.f32 v18;
	[tilespmem:s13+$0x3800] =	vst v9;
	v9 =	vmul.f32 v17, v19  }
0x20c: {  	v5 =	vsub.f32 v5, v16;
	[tilespmem:s13+$0x3000] =	vst v3;
	v3 =	vadd.s32 v7, v13;
	v7 =	vnsel vm4, $0x1FF, v11  }
0x20d: {  	v4 =	vsub.f32 v4, v18;
	v9 =	vshrl.u32 v9, $0x10;
	v7 =	vshll.u32 v7, $0x9  }
0x20e: {  	v8 =	vor.u32 v8, v15;
	v13 =	vsub.f32 $1.000000000e+00, v5;
	[tilespmem:s26+$0xA180] =	vst v12;
	v12 =	vmul.f32 v19, v1  }
0x20f: {  	v2 =	vsub.f32 $1.000000000e+00, v2;
	vm5 =	vlt.s32 v11, $0x200;
	vm4 =	vlt.s32 v6, $0x200;
	[tilespmem:s26+$0xA100] =	vst v8  }
0x210: {  	v8 =	vnsel vm3, $0x0, v13;
	[tilespmem:s13+$0x4000] =	vst v3;
	v3 =	vsub.f32 $1.000000000e+00, v4;
	v4 =	vnsel vm4, $0x0, v4  }
0x211: {  	v2 =	vnsel vm2, $0x0, v2;
	v5 =	vnsel vm5, $0x0, v5;
	v7 =	vadd.s32 v6, v7;
	[tilespmem:s13+$0x4800] =	vst v10  }
0x212: {  	v11 =	vnsel vm0, $0x0, v14;
	v10 =	vmul.f32 v2, v17;
	v3 =	vnsel vm1, $0x0, v3  }
0x213: {  	v11 =	vshll.u32 v11, $0x9;
	v1 =	vmul.f32 v2, v1;
	v2 =	vand.u32 $0xFFFF0000, v12  }
0x214: {  	v12 =	vmul.f32 v8, v4;
	v4 =	vmul.f32 v5, v4;
	v10 =	vshrl.u32 v10, $0x10  }
0x215: {  	v1 =	vand.u32 $0xFFFF0000, v1;
	v2 =	vor.u32 v2, v9;
	v5 =	vmul.f32 v3, v5  }
0x216: {  	v6 =	vadd.s32 v6, v11;
	v3 =	vmul.f32 v8, v3;
	v1 =	vor.u32 v1, v10  }
0x217: {  	v5 =	vshrl.u32 v5, $0x10;
	[tilespmem:s26+$0xA280] =	vst v2;
	v2 =	vand.u32 $0xFFFF0000, v12  }
0x218: {  	[tilespmem:s26+$0xA200] =	vst v1;
	v1 =	vshrl.u32 v3, $0x10;
	v3 =	vand.u32 $0xFFFF0000, v4  }
0x219: {  	[tilespmem:s13+$0x5000] =	vst v6;
	v1 =	vor.u32 v2, v1;
	v2 =	vor.u32 v3, v5  }
0x21a: {  	s16 =	sor.u32 $0x380, s14;
	s14 =	smov.u32 s31;
	[tilespmem:s13+$0x5800] =	vst v7  }
0x21b: {  	[tilespmem:s26+$0xA300] =	vst v1  }
0x21c: {  	s13 =	sshra.s32 s29, $0x2;
	[tilespmem:s16+$0xA000] =	vst v2  }
0x21d: {  	v1 =	vld [tilespmem:s13+$0x0]  }
0x21e: {  	v2 =	vld [tilespmem:s13+$0x1000];
	_ =	sdelay $0x3  }
0x21f: {  	v1 =	vadd.f32 v1, v1  }
0x220: {  	v2 =	vadd.f32 v2, v2  }
0x221: {  	v1 =	vadd.f32 $-1.000000000e+00, v1  }
0x222: {  	v2 =	vadd.f32 $-1.000000000e+00, v2  }
0x223: {  	v1 =	vadd.f32 $1.000000000e+00, v1  }
0x224: {  	v2 =	vadd.f32 $1.000000000e+00, v2  }
0x225: {  	v3 =	vmul.f32 $4.096000000e+03, v1;
	v5 =	vmul.f32 $2.048000000e+03, v1  }
0x226: {  	v4 =	vmul.f32 $5.120000000e+02, v1;
	v6 =	vmul.f32 $4.096000000e+03, v2  }
0x227: {  	v7 =	vmul.f32 $1.024000000e+03, v2;
	v3 =	vadd.f32 $-1.000000000e+00, v3;
	v5 =	vadd.f32 $-1.000000000e+00, v5  }
0x228: {  	v1 =	vmul.f32 $1.024000000e+03, v1;
	v8 =	vmul.f32 $2.048000000e+03, v2;
	v6 =	vadd.f32 $-1.000000000e+00, v6  }
0x229: {  	v11 =	vadd.f32 $-1.000000000e+00, v7;
	v9 =	vmul.f32 v3, v0;
	v10 =	vmul.f32 v5, v0  }
0x22a: {  	v1 =	vadd.f32 $-1.000000000e+00, v1;
	v3 =	vadd.f32 $-1.000000000e+00, v8;
	v6 =	vmul.f32 v6, v0  }
0x22b: {  	v2 =	vmul.f32 $5.120000000e+02, v2;
	v5 =	vadd.f32 $1.000000000e+00, v9;
	v7 =	vadd.f32 $1.000000000e+00, v10  }
0x22c: {  	v1 =	vmul.f32 v1, v0;
	v12 =	vmul.f32 v3, v0;
	v8 =	vadd.f32 $1.000000000e+00, v6  }
0x22d: {  	v3 =	vtrunc.f32 v5;
	v13 =	vtrunc.f32 v7  }
0x22e: {  	v7 =	vadd.f32 $1.000000000e+00, v1;
	v14 =	vcvt.f32.s32 v3;
	v3 =	vtrunc.f32 v8  }
0x22f: {  	v15 =	vadd.f32 $1.000000000e+00, v12;
	v5 =	vadd.f32 $-1.000000000e+00, v2;
	v8 =	vcvt.f32.s32 v3  }
0x230: {  	v2 =	vmul.f32 v11, v0;
	v3 =	vcvt.f32.s32 v13;
	v16 =	vadd.s32 $0xFFFFFFFF, v14  }
0x231: {  	v11 =	vadd.s32 $0xFFFFFFFF, v8;
	v13 =	vcvt.s32.f32 v16;
	vm0 =	vlt.s32 v8, $0xFFF  }
0x232: {  	v15 =	vtrunc.f32 v15;
	v17 =	vcvt.s32.f32 v11;
	v18 =	vnsel vm0, $0xFFF, v8  }
0x233: {  	v13 =	vsub.f32 v9, v13;
	v9 =	vcvt.f32.s32 v15;
	v15 =	vadd.f32 $1.000000000e+00, v2  }
0x234: {  	vm0 =	vlt.s32 v14, $0x1000;
	v17 =	vsub.f32 v6, v17  }
0x235: {  	vm1 =	vlt.s32 v8, $0x1000;
	v19 =	vsub.f32 $1.000000000e+00, v13;
	v6 =	vadd.s32 $0xFFFFFFFF, v9  }
0x236: {  	vm2 =	vgt.s32 v11, $0xFFFFFFFF;
	v8 =	vsub.f32 $1.000000000e+00, v17;
	v20 =	vcvt.s32.f32 v6  }
0x237: {  	vm3 =	vgt.s32 v16, $0xFFFFFFFF;
	v16 =	vnsel vm1, $0x0, v17;
	vm1 =	vgt.s32 v11, $0x0  }
0x238: {  	v13 =	vnsel vm0, $0x0, v13;
	v17 =	vnsel vm2, $0x0, v8;
	v8 =	vadd.s32 $0xFFFFFFFF, v3  }
0x239: {  	vm2 =	vlt.s32 v3, $0x800;
	v21 =	vmul.f32 v17, v13;
	vm0 =	vgt.s32 v8, $0xFFFFFFFF  }
0x23a: {  	v11 =	vnsel vm1, $0x0, v11;
	v22 =	vcvt.s32.f32 v8;
	v8 =	vsub.f32 v12, v20  }
0x23b: {  	vm1 =	vlt.s32 v9, $0x800;
	v12 =	vnsel vm3, $0x0, v19;
	v19 =	vand.u32 $0xFFFF0000, v21  }
0x23c: {  	v11 =	vshll.u32 v11, $0xC;
	v13 =	vmul.f32 v16, v13;
	v20 =	vsub.f32 v10, v22  }
0x23d: {  	v17 =	vmul.f32 v17, v12;
	v10 =	vadd.s32 v14, v11;
	v11 =	vshll.u32 v18, $0xC  }
.Ltmp4:
0x23e: {  	v11 =	vadd.s32 v14, v11;
	v14 =	vmul.f32 v12, v16;
	v16 =	vand.u32 $0xFFFF0000, v13;
	[tilespmem:s13+$0x2000] =	vst v10;
	(pc) =	sbr.rel @p1 .LBB2_10-.Ltmp4, $4  }
0x23f: {  	v12 =	vnsel vm1, $0x0, v8;
	v10 =	vnsel vm2, $0x0, v20;
	[tilespmem:s13+$0x2800] =	vst v11;
	v11 =	vtrunc.f32 v15  }
0x240: {  	s26 =	sand.u32 $0x3C00, s17;
	s16 =	sand.u32 $0x70, s23;
	v15 =	vshrl.u32 v17, $0x10;
	v13 =	vmul.f32 v12, v10;
	v11 =	vcvt.f32.s32 v11  }
0x241: {  	s26 =	sor.u32 s16, s26;
	vm2 =	vlt.s32 v9, $0x7FF;
	v17 =	vor.u32 v19, v15;
	v15 =	vsub.f32 $1.000000000e+00, v20  }
0x242: {  	[tilespmem:s26+$0xA000] =	vst v17;
	v17 =	vshrl.u32 v14, $0x10;
	v14 =	vadd.s32 $0xFFFFFFFF, v11;
	vm1 =	vlt.s32 v11, $0x3FF  }
0x243: {  	v7 =	vtrunc.f32 v7  }
0x244: {  	v9 =	vnsel vm2, $0x7FF, v9;
	v4 =	vadd.f32 $-1.000000000e+00, v4;
	vm8 =	vgt.s32 v6, $0x0  }
0x245: {  	v16 =	vor.u32 v16, v17;
	v5 =	vmul.f32 v5, v0;
	vm5 =	vgt.s32 v14, $0x0  }
0x246: {  	vm9 =	vgt.s32 v14, $0xFFFFFFFF;
	v8 =	vsub.f32 $1.000000000e+00, v8;
	vm4 =	vlt.s32 v11, $0x400  }
0x247: {  	vm6 =	vgt.s32 v6, $0xFFFFFFFF;
	v15 =	vnsel vm0, $0x0, v15;
	v13 =	vand.u32 $0xFFFF0000, v13  }
0x248: {  	v11 =	vnsel vm1, $0x3FF, v11;
	v7 =	vcvt.f32.s32 v7;
	v9 =	vshll.u32 v9, $0xB  }
0x249: {  	v18 =	vnsel vm8, $0x0, v6;
	v12 =	vmul.f32 v15, v12;
	v9 =	vadd.s32 v3, v9  }
0x24a: {  	v4 =	vmul.f32 v4, v0;
	v20 =	vadd.f32 $1.000000000e+00, v5;
	v18 =	vshll.u32 v18, $0xB  }
0x24b: {  	v8 =	vnsel vm6, $0x0, v8;
	v17 =	vadd.s32 $0xFFFFFFFF, v7;
	vm3 =	vlt.s32 v7, $0x400  }
0x24c: {  	v3 =	vadd.s32 v3, v18;
	v15 =	vmul.f32 v8, v15;
	v8 =	vmul.f32 v8, v10  }
0x24d: {  	v10 =	vcvt.s32.f32 v14;
	v12 =	vshrl.u32 v12, $0x10;
	v19 =	vcvt.s32.f32 v17  }
0x24e: {  	v21 =	vadd.f32 $1.000000000e+00, v4;
	vm7 =	vgt.s32 v17, $0xFFFFFFFF;
	v17 =	vtrunc.f32 v20  }
0x24f: {  	v12 =	vor.u32 v13, v12;
	v13 =	vnsel vm5, $0x0, v14;
	v15 =	vshrl.u32 v15, $0x10  }
0x250: {  	v2 =	vsub.f32 v2, v10;
	v10 =	vshll.u32 v11, $0xA;
	v11 =	vcvt.f32.s32 v17  }
0x251: {  	v8 =	vand.u32 $0xFFFF0000, v8;
	v13 =	vshll.u32 v13, $0xA;
	v6 =	vtrunc.f32 v21  }
0x252: {  	v1 =	vsub.f32 v1, v19;
	v10 =	vadd.s32 v7, v10;
	v7 =	vadd.s32 v7, v13  }
0x253: {  	v8 =	vor.u32 v8, v15;
	v6 =	vcvt.f32.s32 v6;
	v14 =	vadd.s32 $0xFFFFFFFF, v11  }
0x254: {  	v62 =	vnsel vm4, $0x0, v2;
	vm13 =	vlt.s32 v11, $0x1FF;
	v2 =	vsub.f32 $1.000000000e+00, v2  }
0x255: {  	vm15 =	vlt.s32 v11, $0x200;
	v17 =	vsub.f32 $1.000000000e+00, v1;
	vm10 =	vgt.s32 v14, $0x0  }
0x256: {  	[tilespmem:s26+$0xA080] =	vst v16;
	v1 =	vnsel vm3, $0x0, v1;
	v19 =	vcvt.s32.f32 v14;
	v13 =	vnsel vm13, $0x1FF, v11  }
0x257: {  	[tilespmem:s13+$0x3800] =	vst v9;
	vm12 =	vgt.s32 v14, $0xFFFFFFFF;
	v18 =	vadd.s32 $0xFFFFFFFF, v6;
	v13 =	vshll.u32 v13, $0x9  }
0x258: {  	[tilespmem:s13+$0x3000] =	vst v3;
	v15 =	vmul.f32 v62, v1;
	vm14 =	vlt.s32 v6, $0x200;
	v2 =	vnsel vm9, $0x0, v2  }
0x259: {  	[tilespmem:s26+$0xA180] =	vst v12;
	v11 =	vnsel vm10, $0x0, v14;
	vm11 =	vgt.s32 v18, $0xFFFFFFFF;
	v18 =	vcvt.s32.f32 v18  }
0x25a: {  	[tilespmem:s26+$0xA100] =	vst v8;
	v17 =	vnsel vm7, $0x0, v17;
	v5 =	vsub.f32 v5, v19;
	v1 =	vmul.f32 v2, v1  }
0x25b: {  	[tilespmem:s13+$0x4000] =	vst v7;
	v7 =	vshll.u32 v11, $0x9;
	v63 =	vmul.f32 v17, v62;
	v4 =	vsub.f32 v4, v18  }
0x25c: {  	v8 =	vmul.f32 v2, v17;
	v9 =	vsub.f32 $1.000000000e+00, v5;
	v5 =	vnsel vm15, $0x0, v5  }
0x25d: {  	v1 =	vand.u32 $0xFFFF0000, v1;
	v19 =	vshrl.u32 v63, $0x10;
	v3 =	vsub.f32 $1.000000000e+00, v4  }
0x25e: {  	v8 =	vshrl.u32 v8, $0x10;
	v4 =	vnsel vm14, $0x0, v4;
	v9 =	vnsel vm12, $0x0, v9  }
0x25f: {  	[tilespmem:s13+$0x4800] =	vst v10;
	v1 =	vor.u32 v1, v8;
	v2 =	vnsel vm11, $0x0, v3;
	v3 =	vand.u32 $0xFFFF0000, v15  }
0x260: {  	v10 =	vmul.f32 v9, v4;
	[tilespmem:s26+$0xA200] =	vst v1;
	v3 =	vor.u32 v3, v19;
	v8 =	vmul.f32 v9, v2  }
0x261: {  	v2 =	vmul.f32 v2, v5;
	[tilespmem:s26+$0xA280] =	vst v3;
	v3 =	vmul.f32 v5, v4;
	v4 =	vadd.s32 v6, v7  }
0x262: {  	v1 =	vadd.s32 v6, v13;
	v5 =	vand.u32 $0xFFFF0000, v10;
	v6 =	vshrl.u32 v8, $0x10;
	[tilespmem:s13+$0x5000] =	vst v4  }
0x263: {  	v2 =	vshrl.u32 v2, $0x10;
	[tilespmem:s13+$0x5800] =	vst v1;
	v3 =	vand.u32 $0xFFFF0000, v3;
	v4 =	vor.u32 v5, v6  }
0x264: {  	s10 =	sor.u32 $0x380, s14;
	v1 =	vor.u32 v3, v2;
	[tilespmem:s26+$0xA300] =	vst v4  }
0x265: {  	s23 =	simm.s32 $0x2000;
	s26 =	simm.s32 $0x6000;
	[tilespmem:s10+$0xA000] =	vst v1  }
0x266: {  	[tilespmem:s26], [sflag:$0x1] =	stream.indirect.gather [hbm4b:s5+s22], $0x1, s23, s22, $0xb8;
	[tilespmem:$0x1B000] =	vst v63  }
0x267: {  	s29 =	simm.s32 $0x2800;
	s31 =	simm.s32 $0x6800  }
0x268: {  	[tilespmem:s31], [sflag:$0x1] =	stream.indirect.gather [hbm4b:s5+s22], $0x1, s29, s22, $0xb8;
	[tilespmem:$0x1B000] =	vst v63  }
0x269: {  	s14 =	simm.s32 $0x3000;
	s16 =	simm.s32 $0x7000  }
0x26a: {  	[tilespmem:s16], [sflag:$0x1] =	stream.indirect.gather [hbm4b:s6+s22], $0x1, s14, s22, $0xb8;
	[tilespmem:$0x1B000] =	vst v63  }
0x26b: {  	s17 =	simm.s32 $0x3800;
	s18 =	simm.s32 $0x7800  }
0x26c: {  	[tilespmem:s18], [sflag:$0x1] =	stream.indirect.gather [hbm4b:s6+s22], $0x1, s17, s22, $0xb8;
	[tilespmem:$0x1B000] =	vst v63  }
0x26d: {  	s23 =	simm.s32 $0x4000;
	s26 =	simm.s32 $0x8000  }
0x26e: {  	[tilespmem:s26], [sflag:$0x1] =	stream.indirect.gather [hbm4b:s7+s22], $0x1, s23, s22, $0xb8;
	[tilespmem:$0x1B000] =	vst v63  }
0x26f: {  	s29 =	simm.s32 $0x4800;
	s31 =	simm.s32 $0x8800;
	s18 =	rddreg [dreg:$0x8]  }
0x270: {  	[tilespmem:s31], [sflag:$0x1] =	stream.indirect.gather [hbm4b:s7+s22], $0x1, s29, s22, $0xb8;
	[tilespmem:$0x1B000] =	vst v63  }
0x271: {  	s13 =	simm.s32 $0x5000;
	s14 =	simm.s32 $0x9000;
	s10 =	sadd.s32 s12, s18  }
0x272: {  	[tilespmem:s14], [sflag:$0x1] =	stream.indirect.gather [hbm4b:s1+s22], $0x1, s13, s22, $0xb8;
	[tilespmem:$0x1B000] =	vst v63  }
0x273: {  	s16 =	simm.s32 $0x5800;
	s17 =	simm.s32 $0x9800;
	s10 =	sshrl.u32 s10, $0x2  }
0x274: {  	[tilespmem:s17], [sflag:$0x1] =	stream.indirect.gather [hbm4b:s1+s22], $0x1, s16, s22, $0xb8;
	[tilespmem:$0x1B000] =	vst v63  }
0x275: {  	s23 =	sadd.s32 s2, s10  }
0x276: {  	[tilespmem:s22], [sflag:$0x4] =	stream.strided.gather [hbm4b:s23+s19], $0x800, s20, s19, $0x38;
	[tilespmem:$0x1B000] =	vst v63  }
0x277: {  	s26 =	simm.s32 $0x1800;
	s10 =	sadd.s32 s10, s11  }
0x278: {  	[tilespmem:s26], [sflag:$0x4] =	stream.strided.gather [hbm4b:s10+s19], $0x800, s20, s19, $0x38;
	[tilespmem:$0x1B000] =	vst v63  }
0x279: {  	_ =	swait.ge [sflag:s30], $0x800  }
0x27a: {  	[sflag:s30] =	ssyncset.done $0x0  }
0x27b: {  	[sflag:s30] =	ssyncadd.s32 $0xFFFFF800  }
0x27c: {  	_ =	swait.ge [sflag:s30], $0x800  }
0x27d: {  	[sflag:s30] =	ssyncset.done $0x0  }
0x27e: {  	[sflag:s30] =	ssyncadd.s32 $0xFFFFF800  }
0x27f: {  	_ =	swait.ge [sflag:s30], $0x800  }
0x280: {  	[sflag:s30] =	ssyncset.done $0x0  }
0x281: {  	[sflag:s30] =	ssyncadd.s32 $0xFFFFF800  }
0x282: {  	_ =	swait.ge [sflag:s30], $0x800  }
0x283: {  	[sflag:s30] =	ssyncset.done $0x0  }
0x284: {  	[sflag:s30] =	ssyncadd.s32 $0xFFFFF800  }
0x285: {  	_ =	swait.ge [sflag:s30], $0x800  }
0x286: {  	[sflag:s30] =	ssyncset.done $0x0  }
0x287: {  	[sflag:s30] =	ssyncadd.s32 $0xFFFFF800  }
0x288: {  	_ =	swait.ge [sflag:s30], $0x800  }
0x289: {  	[sflag:s30] =	ssyncset.done $0x0  }
0x28a: {  	[sflag:s30] =	ssyncadd.s32 $0xFFFFF800  }
0x28b: {  	_ =	swait.ge [sflag:s30], $0x800  }
0x28c: {  	[sflag:s30] =	ssyncset.done $0x0  }
0x28d: {  	[sflag:s30] =	ssyncadd.s32 $0xFFFFF800  }
0x28e: {  	_ =	swait.ge [sflag:s30], $0x800  }
0x28f: {  	[sflag:s30] =	ssyncset.done $0x0  }
0x290: {  	s10 =	simm.s32 @!p0 $0x6;
	[sflag:s30] =	ssyncadd.s32 $0xFFFFF800  }
0x291: {  	_ =	swait.ge @!p0 [sflag:s10], $0x800  }
0x292: {  	[sflag:s10] =	ssyncset.done @!p0 $0x0  }
0x293: {  	[sflag:s10] =	ssyncadd.s32 @!p0 $0xFFFFF800;
	s10 =	simm.s32 $0x0  }
0x294: {  	v1 =	vld [tilespmem:s10+$0x15800]  }
0x295: {  	v7 =	vld [tilespmem:s10+$0x14800]  }
0x296: {  	v17 =	vld [tilespmem:s10+$0x15000]  }
0x297: {  	s12 =	simm.s32 $0x0;
	v12 =	vld [tilespmem:s10+$0x12800]  }
0x298: {  	s29 =	sand.u32 $0x7, s12;
	v18 =	vld [tilespmem:s10+$0x13800]  }
0x299: {  	s13 =	sshll.u32 s29, $0x4;
	v8 =	vld [tilespmem:s10+$0x14000]  }
0x29a: {  	s31 =	sand.u32 $0x70, s12;
	s13 =	sadd.s32 $0x0, s13;
	s16 =	sand.u32 $0x3C00, s12;
	v10 =	vld [tilespmem:s10+$0x12000]  }
0x29b: {  	s13 =	sor.u32 $0x380, s13;
	s23 =	sor.u32 s31, s16;
	v9 =	vld [tilespmem:s10+$0x13000]  }
0x29c: {  	s18 =	sadd.s32 $0x16000, s23;
	v2 =	vld [tilespmem:s13+$0x16000]  }
0x29d: {  	v4 =	vld [tilespmem:s18+$0x280];
	v6 =	vand.u32 $0xFFFF0000, v12;
	v3 =	vand.u32 $0xFFFF0000, v7;
	v14 =	vshll.u32 v1, $0x10  }
0x29e: {  	v15 =	vld [tilespmem:s18+$0x300];
	v5 =	vand.u32 $0xFFFF0000, v18;
	v16 =	vshll.u32 v7, $0x10;
	v13 =	vshll.u32 v17, $0x10  }
0x29f: {  	s14 =	simm.s32 $0x0;
	s17 =	simm.s32 $0x0;
	v11 =	vld [tilespmem:s18+$0x80];
	s13 =	simm.s32 $0x40;
	v12 =	vshll.u32 v12, $0x10;
	v7 =	vshll.u32 v18, $0x10;
	v17 =	vand.u32 $0xFFFF0000, v17  }
.LBB2_12:
0x2a0: {  	p0 =	sne.s32 s13, $0x1FC0;
	v18 =	vld [tilespmem:s23+$0x16000];
	v19 =	vshll.u32 v10, $0x10;
	v20 =	vshll.u32 v8, $0x10;
	v8 =	vand.u32 $0xFFFF0000, v8  }
0x2a1: {  	v10 =	vand.u32 $0xFFFF0000, v10;
	v21 =	vshll.u32 v9, $0x10;
	v22 =	vld [tilespmem:s18+$0x200];
	v23 =	vshll.u32 v2, $0x10  }
0x2a2: {  	v9 =	vand.u32 $0xFFFF0000, v9;
	v24 =	vld [tilespmem:s18+$0x100];
	v25 =	vshll.u32 v4, $0x10;
	v14 =	vmul.f32 v23, v14  }
0x2a3: {  	v16 =	vmul.f32 v25, v16;
	v23 =	vshll.u32 v15, $0x10;
	v15 =	vand.u32 $0xFFFF0000, v15  }
0x2a4: {  	v25 =	vshll.u32 v11, $0x10;
	v26 =	vld [tilespmem:s18+$0x180];
	v13 =	vmul.f32 v23, v13;
	v15 =	vmul.f32 v15, v17  }
0x2a5: {  	v11 =	vand.u32 $0xFFFF0000, v11;
	v17 =	vshll.u32 v18, $0x10;
	v12 =	vmul.f32 v25, v12  }
0x2a6: {  	v18 =	vand.u32 $0xFFFF0000, v18;
	v17 =	vmul.f32 v17, v19;
	v19 =	vshll.u32 v22, $0x10  }
0x2a7: {  	v10 =	vmul.f32 v18, v10;
	v18 =	vshll.u32 v24, $0x10;
	v23 =	vand.u32 $0xFFFF0000, v24  }
0x2a8: {  	v18 =	vmul.f32 v18, v21;
	v9 =	vmul.f32 v23, v9;
	v21 =	vand.u32 $0xFFFF0000, v22  }
0x2a9: {  	v19 =	vmul.f32 v19, v20;
	v22 =	vshll.u32 v26, $0x10;
	v8 =	vmul.f32 v21, v8  }
0x2aa: {  	v10 =	vadd.f32 v10, v17;
	v9 =	vadd.f32 v9, v18;
	v7 =	vmul.f32 v22, v7  }
0x2ab: {  	v6 =	vmul.f32 v11, v6;
	v11 =	vand.u32 $0xFFFF0000, v26;
	v8 =	vadd.f32 v8, v19  }
0x2ac: {  	v10 =	vadd.f32 v12, v10;
	v5 =	vmul.f32 v11, v5;
	v7 =	vadd.f32 v7, v9  }
0x2ad: {  	v4 =	vand.u32 $0xFFFF0000, v4;
	v9 =	vadd.f32 v15, v13;
	v8 =	vadd.f32 v16, v8  }
0x2ae: {  	s16 =	sshra.s32 s13, $0x2;
	v3 =	vmul.f32 v4, v3;
	v6 =	vadd.f32 v10, v6;
	v5 =	vadd.f32 v7, v5  }
0x2af: {  	v2 =	vand.u32 $0xFFFF0000, v2;
	v4 =	vand.u32 $0xFFFF0000, v1;
	v7 =	vadd.f32 v14, v9;
	v1 =	vld [tilespmem:s16+$0x15800]  }
0x2b0: {  	v2 =	vmul.f32 v2, v4;
	v3 =	vadd.f32 v8, v3;
	v11 =	vld [tilespmem:s16+$0x14800];
	v5 =	vadd.f32 v5, v6  }
0x2b1: {  	v17 =	vld [tilespmem:s16+$0x15000]  }
0x2b2: {  	s12 =	sadd.s32 $0x1, s12;
	v2 =	vadd.f32 v7, v2;
	v12 =	vld [tilespmem:s16+$0x12800];
	v3 =	vadd.f32 v3, v5  }
0x2b3: {  	s18 =	sand.u32 $0x7, s12;
	v7 =	vld [tilespmem:s16+$0x13800]  }
0x2b4: {  	s14 =	sadd.s32 $0x80, s14;
	s17 =	sadd.s32 $0x10, s17;
	s18 =	sshll.u32 s18, $0x4;
	v8 =	vld [tilespmem:s16+$0x14000];
	v2 =	vadd.f32 v2, v3  }
0x2b5: {  	s23 =	sand.u32 $0x70, s17;
	s26 =	sand.u32 $0x3C00, s14;
	s18 =	sadd.s32 s18, s14;
	v10 =	vld [tilespmem:s16+$0x12000]  }
.Ltmp5:
0x2b6: {  	s23 =	sor.u32 s23, s26;
	s26 =	sor.u32 $0x380, s18;
	v9 =	vld [tilespmem:s16+$0x13000];
	[tilespmem:s10+$0x1A800] =	vst v2;
	(pc) =	sbr.rel @p0 .LBB2_12-.Ltmp5, $4  }
0x2b7: {  	s18 =	sadd.s32 $0x16000, s23;
	s10 =	smov.u32 s16;
	v2 =	vld [tilespmem:s26+$0x16000]  }
0x2b8: {  	v14 =	vshll.u32 v1, $0x10;
	v3 =	vand.u32 $0xFFFF0000, v11;
	v6 =	vand.u32 $0xFFFF0000, v12;
	v4 =	vld [tilespmem:s18+$0x280]  }
0x2b9: {  	v16 =	vshll.u32 v11, $0x10;
	v13 =	vshll.u32 v17, $0x10;
	v5 =	vand.u32 $0xFFFF0000, v7;
	v15 =	vld [tilespmem:s18+$0x300]  }
0x2ba: {  	s13 =	sadd.s32 $0x40, s13;
	v17 =	vand.u32 $0xFFFF0000, v17;
	v12 =	vshll.u32 v12, $0x10;
	v7 =	vshll.u32 v7, $0x10;
	v11 =	vld [tilespmem:s18+$0x80]  }
0x2bb: {  	v18 =	vld [tilespmem:s23+$0x16000]  }
0x2bc: {  	v19 =	vshll.u32 v10, $0x10;
	v20 =	vshll.u32 v8, $0x10;
	v47 =	vand.u32 $0xFFFF0000, v8;
	v22 =	vld [tilespmem:s18+$0x200]  }
0x2bd: {  	v48 =	vand.u32 $0xFFFF0000, v10;
	v21 =	vshll.u32 v9, $0x10;
	v24 =	vld [tilespmem:s18+$0x100];
	v23 =	vshll.u32 v2, $0x10  }
0x2be: {  	v49 =	vand.u32 $0xFFFF0000, v9;
	v25 =	vshll.u32 v4, $0x10;
	v14 =	vmul.f32 v23, v14  }
0x2bf: {  	v16 =	vmul.f32 v25, v16;
	v50 =	vshll.u32 v15, $0x10;
	v51 =	vand.u32 $0xFFFF0000, v15  }
0x2c0: {  	v26 =	vld [tilespmem:s18+$0x180];
	v52 =	vshll.u32 v11, $0x10;
	v13 =	vmul.f32 v50, v13;
	v15 =	vmul.f32 v51, v17  }
0x2c1: {  	v54 =	vand.u32 $0xFFFF0000, v11;
	v53 =	vshll.u32 v18, $0x10;
	v12 =	vmul.f32 v52, v12  }
0x2c2: {  	v18 =	vand.u32 $0xFFFF0000, v18;
	v55 =	vshll.u32 v22, $0x10;
	v56 =	vshll.u32 v24, $0x10  }
0x2c3: {  	v57 =	vand.u32 $0xFFFF0000, v24;
	v17 =	vmul.f32 v53, v19;
	v10 =	vmul.f32 v18, v48  }
0x2c4: {  	v58 =	vand.u32 $0xFFFF0000, v22;
	v18 =	vmul.f32 v56, v21;
	v9 =	vmul.f32 v57, v49  }
0x2c5: {  	v59 =	vshll.u32 v26, $0x10;
	v19 =	vmul.f32 v55, v20;
	v8 =	vmul.f32 v58, v47  }
0x2c6: {  	v7 =	vmul.f32 v59, v7;
	v10 =	vadd.f32 v10, v17;
	v9 =	vadd.f32 v9, v18  }
0x2c7: {  	v6 =	vmul.f32 v54, v6;
	v60 =	vand.u32 $0xFFFF0000, v26;
	v8 =	vadd.f32 v8, v19  }
0x2c8: {  	v5 =	vmul.f32 v60, v5;
	v10 =	vadd.f32 v12, v10;
	v7 =	vadd.f32 v7, v9  }
0x2c9: {  	v61 =	vand.u32 $0xFFFF0000, v4;
	v62 =	vadd.f32 v15, v13;
	v8 =	vadd.f32 v16, v8  }
0x2ca: {  	v3 =	vmul.f32 v61, v3;
	v6 =	vadd.f32 v10, v6;
	v5 =	vadd.f32 v7, v5  }
0x2cb: {  	v1 =	vand.u32 $0xFFFF0000, v1;
	v2 =	vand.u32 $0xFFFF0000, v2;
	v63 =	vadd.f32 v14, v62  }
0x2cc: {  	v1 =	vmul.f32 v2, v1;
	v3 =	vadd.f32 v8, v3;
	v5 =	vadd.f32 v5, v6;
	_ =	sdelay $0x1  }
0x2cd: {  	v1 =	vadd.f32 v63, v1;
	v2 =	vadd.f32 v3, v5  }
.Ltmp6:
0x2ce: {  	_ = 	snop;
	(pc) =	sbr.rel .LBB2_4-.Ltmp6, $4  }
0x2cf: {  	v1 =	vadd.f32 v1, v2  }
0x2d0: {  	s12 =	sadd.s32 s21, s9  }
0x2d1: {  	s31 =	simm.s32 $0x1A800;
	s3 =	sadd.s32 $0x1, s3;
	s29 =	sadd.s32 $0x100, s12;
	[tilespmem:s10+$0x1A800] =	vst v1  }
0x2d2: {  	[hbm4b:s29+s4] =	stream.linear.scatter [tilespmem:s31], [sflag:$0x6], $0x800, $0x38;
	[tilespmem:$0x1B000] =	vst v63  }
.LBB2_14:
0x2d3: {  	_ =	swait.ge [sflag:s30], $0x800  }
0x2d4: {  	[sflag:s30] =	ssyncset.done $0x0  }
0x2d5: {  	[sflag:s30] =	ssyncadd.s32 $0xFFFFF800  }
0x2d6: {  	_ =	swait.ge [sflag:s30], $0x800  }
0x2d7: {  	[sflag:s30] =	ssyncset.done $0x0  }
0x2d8: {  	[sflag:s30] =	ssyncadd.s32 $0xFFFFF800  }
0x2d9: {  	_ =	swait.ge [sflag:s30], $0x800  }
0x2da: {  	[sflag:s30] =	ssyncset.done $0x0  }
0x2db: {  	[sflag:s30] =	ssyncadd.s32 $0xFFFFF800  }
0x2dc: {  	_ =	swait.ge [sflag:s30], $0x800  }
0x2dd: {  	[sflag:s30] =	ssyncset.done $0x0  }
0x2de: {  	[sflag:s30] =	ssyncadd.s32 $0xFFFFF800  }
0x2df: {  	_ =	swait.ge [sflag:s30], $0x800  }
0x2e0: {  	[sflag:s30] =	ssyncset.done $0x0  }
0x2e1: {  	[sflag:s30] =	ssyncadd.s32 $0xFFFFF800  }
0x2e2: {  	_ =	swait.ge [sflag:s30], $0x800  }
0x2e3: {  	[sflag:s30] =	ssyncset.done $0x0  }
0x2e4: {  	[sflag:s30] =	ssyncadd.s32 $0xFFFFF800  }
0x2e5: {  	_ =	swait.ge [sflag:s30], $0x800  }
0x2e6: {  	[sflag:s30] =	ssyncset.done $0x0  }
0x2e7: {  	[sflag:s30] =	ssyncadd.s32 $0xFFFFF800  }
0x2e8: {  	_ =	swait.ge [sflag:s30], $0x800  }
0x2e9: {  	[sflag:s30] =	ssyncset.done $0x0  }
0x2ea: {  	s21 =	simm.s32 $0x6;
	[sflag:s30] =	ssyncadd.s32 $0xFFFFF800  }
0x2eb: {  	_ =	swait.ge [sflag:s21], $0x800  }
0x2ec: {  	[sflag:s21] =	ssyncset.done $0x0  }
0x2ed: {  	s0 =	simm.s32 $0x0;
	[sflag:s21] =	ssyncadd.s32 $0xFFFFF800  }
0x2ee: {  	v1 =	vld [tilespmem:s0+$0x15800]  }
0x2ef: {  	v7 =	vld [tilespmem:s0+$0x14800]  }
0x2f0: {  	v17 =	vld [tilespmem:s0+$0x15000]  }
0x2f1: {  	s3 =	simm.s32 $0x0;
	v12 =	vld [tilespmem:s0+$0x12800]  }
0x2f2: {  	s10 =	sand.u32 $0x7, s3;
	v18 =	vld [tilespmem:s0+$0x13800]  }
0x2f3: {  	s10 =	sshll.u32 s10, $0x4;
	v8 =	vld [tilespmem:s0+$0x14000]  }
0x2f4: {  	s12 =	sand.u32 $0x70, s3;
	s13 =	sand.u32 $0x3C00, s3;
	s10 =	sadd.s32 $0x0, s10;
	v10 =	vld [tilespmem:s0+$0x12000]  }
0x2f5: {  	s17 =	sor.u32 s12, s13;
	s10 =	sor.u32 $0x380, s10;
	v9 =	vld [tilespmem:s0+$0x13000]  }
0x2f6: {  	s14 =	sadd.s32 $0x16000, s17;
	v2 =	vld [tilespmem:s10+$0x16000]  }
0x2f7: {  	v4 =	vld [tilespmem:s14+$0x280];
	v6 =	vand.u32 $0xFFFF0000, v12;
	v3 =	vand.u32 $0xFFFF0000, v7;
	v14 =	vshll.u32 v1, $0x10  }
0x2f8: {  	v15 =	vld [tilespmem:s14+$0x300];
	v5 =	vand.u32 $0xFFFF0000, v18;
	v16 =	vshll.u32 v7, $0x10;
	v13 =	vshll.u32 v17, $0x10  }
0x2f9: {  	s12 =	simm.s32 $0x0;
	s13 =	simm.s32 $0x0;
	v11 =	vld [tilespmem:s14+$0x80];
	s10 =	simm.s32 $0x40;
	v12 =	vshll.u32 v12, $0x10;
	v7 =	vshll.u32 v18, $0x10;
	v17 =	vand.u32 $0xFFFF0000, v17  }
.LBB2_15:
0x2fa: {  	p0 =	sne.s32 s10, $0x1FC0;
	v18 =	vld [tilespmem:s17+$0x16000];
	v19 =	vshll.u32 v10, $0x10;
	v20 =	vshll.u32 v8, $0x10;
	v8 =	vand.u32 $0xFFFF0000, v8  }
0x2fb: {  	v10 =	vand.u32 $0xFFFF0000, v10;
	v21 =	vshll.u32 v9, $0x10;
	v22 =	vld [tilespmem:s14+$0x200];
	v23 =	vshll.u32 v2, $0x10  }
0x2fc: {  	v9 =	vand.u32 $0xFFFF0000, v9;
	v24 =	vld [tilespmem:s14+$0x100];
	v25 =	vshll.u32 v4, $0x10;
	v14 =	vmul.f32 v23, v14  }
0x2fd: {  	v16 =	vmul.f32 v25, v16;
	v23 =	vshll.u32 v15, $0x10;
	v15 =	vand.u32 $0xFFFF0000, v15  }
0x2fe: {  	v25 =	vshll.u32 v11, $0x10;
	v26 =	vld [tilespmem:s14+$0x180];
	v13 =	vmul.f32 v23, v13;
	v15 =	vmul.f32 v15, v17  }
0x2ff: {  	v11 =	vand.u32 $0xFFFF0000, v11;
	v17 =	vshll.u32 v18, $0x10;
	v12 =	vmul.f32 v25, v12  }
0x300: {  	v18 =	vand.u32 $0xFFFF0000, v18;
	v17 =	vmul.f32 v17, v19;
	v19 =	vshll.u32 v22, $0x10  }
0x301: {  	v10 =	vmul.f32 v18, v10;
	v18 =	vshll.u32 v24, $0x10;
	v23 =	vand.u32 $0xFFFF0000, v24  }
0x302: {  	v18 =	vmul.f32 v18, v21;
	v9 =	vmul.f32 v23, v9;
	v21 =	vand.u32 $0xFFFF0000, v22  }
0x303: {  	v19 =	vmul.f32 v19, v20;
	v22 =	vshll.u32 v26, $0x10;
	v8 =	vmul.f32 v21, v8  }
0x304: {  	v10 =	vadd.f32 v10, v17;
	v9 =	vadd.f32 v9, v18;
	v7 =	vmul.f32 v22, v7  }
0x305: {  	v6 =	vmul.f32 v11, v6;
	v11 =	vand.u32 $0xFFFF0000, v26;
	v8 =	vadd.f32 v8, v19  }
0x306: {  	v10 =	vadd.f32 v12, v10;
	v5 =	vmul.f32 v11, v5;
	v7 =	vadd.f32 v7, v9  }
0x307: {  	v4 =	vand.u32 $0xFFFF0000, v4;
	v9 =	vadd.f32 v15, v13;
	v8 =	vadd.f32 v16, v8  }
0x308: {  	s16 =	sshra.s32 s10, $0x2;
	v3 =	vmul.f32 v4, v3;
	v6 =	vadd.f32 v10, v6;
	v5 =	vadd.f32 v7, v5  }
0x309: {  	v2 =	vand.u32 $0xFFFF0000, v2;
	v4 =	vand.u32 $0xFFFF0000, v1;
	v7 =	vadd.f32 v14, v9;
	v1 =	vld [tilespmem:s16+$0x15800]  }
0x30a: {  	v2 =	vmul.f32 v2, v4;
	v3 =	vadd.f32 v8, v3;
	v11 =	vld [tilespmem:s16+$0x14800];
	v5 =	vadd.f32 v5, v6  }
0x30b: {  	v17 =	vld [tilespmem:s16+$0x15000]  }
0x30c: {  	s3 =	sadd.s32 $0x1, s3;
	v2 =	vadd.f32 v7, v2;
	v12 =	vld [tilespmem:s16+$0x12800];
	v3 =	vadd.f32 v3, v5  }
0x30d: {  	s14 =	sand.u32 $0x7, s3;
	v7 =	vld [tilespmem:s16+$0x13800]  }
0x30e: {  	s12 =	sadd.s32 $0x80, s12;
	s13 =	sadd.s32 $0x10, s13;
	s14 =	sshll.u32 s14, $0x4;
	v8 =	vld [tilespmem:s16+$0x14000];
	v2 =	vadd.f32 v2, v3  }
0x30f: {  	s17 =	sand.u32 $0x70, s13;
	s18 =	sand.u32 $0x3C00, s12;
	s14 =	sadd.s32 s14, s12;
	v10 =	vld [tilespmem:s16+$0x12000]  }
.Ltmp7:
0x310: {  	s17 =	sor.u32 s17, s18;
	s18 =	sor.u32 $0x380, s14;
	v9 =	vld [tilespmem:s16+$0x13000];
	[tilespmem:s0+$0x1A800] =	vst v2;
	(pc) =	sbr.rel @p0 .LBB2_15-.Ltmp7, $4  }
0x311: {  	s14 =	sadd.s32 $0x16000, s17;
	s0 =	smov.u32 s16;
	v2 =	vld [tilespmem:s18+$0x16000]  }
0x312: {  	v14 =	vshll.u32 v1, $0x10;
	v3 =	vand.u32 $0xFFFF0000, v11;
	v6 =	vand.u32 $0xFFFF0000, v12;
	v4 =	vld [tilespmem:s14+$0x280]  }
0x313: {  	v16 =	vshll.u32 v11, $0x10;
	v13 =	vshll.u32 v17, $0x10;
	v5 =	vand.u32 $0xFFFF0000, v7;
	v15 =	vld [tilespmem:s14+$0x300]  }
0x314: {  	s10 =	sadd.s32 $0x40, s10;
	v17 =	vand.u32 $0xFFFF0000, v17;
	v12 =	vshll.u32 v12, $0x10;
	v7 =	vshll.u32 v7, $0x10;
	v11 =	vld [tilespmem:s14+$0x80]  }
0x315: {  	v18 =	vld [tilespmem:s17+$0x16000]  }
0x316: {  	v19 =	vshll.u32 v10, $0x10;
	v20 =	vshll.u32 v8, $0x10;
	v47 =	vand.u32 $0xFFFF0000, v8;
	v22 =	vld [tilespmem:s14+$0x200]  }
0x317: {  	v48 =	vand.u32 $0xFFFF0000, v10;
	v21 =	vshll.u32 v9, $0x10;
	v24 =	vld [tilespmem:s14+$0x100];
	v23 =	vshll.u32 v2, $0x10  }
0x318: {  	v49 =	vand.u32 $0xFFFF0000, v9;
	v25 =	vshll.u32 v4, $0x10;
	v14 =	vmul.f32 v23, v14  }
0x319: {  	v16 =	vmul.f32 v25, v16;
	v50 =	vshll.u32 v15, $0x10;
	v51 =	vand.u32 $0xFFFF0000, v15  }
0x31a: {  	v26 =	vld [tilespmem:s14+$0x180];
	v52 =	vshll.u32 v11, $0x10;
	v13 =	vmul.f32 v50, v13;
	v15 =	vmul.f32 v51, v17  }
0x31b: {  	v54 =	vand.u32 $0xFFFF0000, v11;
	v53 =	vshll.u32 v18, $0x10;
	v12 =	vmul.f32 v52, v12  }
0x31c: {  	v18 =	vand.u32 $0xFFFF0000, v18;
	v55 =	vshll.u32 v22, $0x10;
	v56 =	vshll.u32 v24, $0x10  }
0x31d: {  	v57 =	vand.u32 $0xFFFF0000, v24;
	v17 =	vmul.f32 v53, v19;
	v10 =	vmul.f32 v18, v48  }
0x31e: {  	v58 =	vand.u32 $0xFFFF0000, v22;
	v18 =	vmul.f32 v56, v21;
	v9 =	vmul.f32 v57, v49  }
0x31f: {  	v59 =	vshll.u32 v26, $0x10;
	v19 =	vmul.f32 v55, v20;
	v8 =	vmul.f32 v58, v47  }
0x320: {  	v7 =	vmul.f32 v59, v7;
	v10 =	vadd.f32 v10, v17;
	v9 =	vadd.f32 v9, v18  }
0x321: {  	v6 =	vmul.f32 v54, v6;
	v60 =	vand.u32 $0xFFFF0000, v26;
	v8 =	vadd.f32 v8, v19  }
0x322: {  	v5 =	vmul.f32 v60, v5;
	v10 =	vadd.f32 v12, v10;
	v7 =	vadd.f32 v7, v9  }
0x323: {  	v61 =	vand.u32 $0xFFFF0000, v4;
	v62 =	vadd.f32 v15, v13;
	v8 =	vadd.f32 v16, v8  }
0x324: {  	v3 =	vmul.f32 v61, v3;
	v6 =	vadd.f32 v10, v6;
	v5 =	vadd.f32 v7, v5  }
0x325: {  	v1 =	vand.u32 $0xFFFF0000, v1;
	v2 =	vand.u32 $0xFFFF0000, v2;
	v63 =	vadd.f32 v14, v62  }
0x326: {  	v1 =	vmul.f32 v2, v1;
	v3 =	vadd.f32 v8, v3;
	v5 =	vadd.f32 v5, v6;
	_ =	sdelay $0x1  }
0x327: {  	v1 =	vadd.f32 v63, v1;
	v2 =	vadd.f32 v3, v5;
	_ =	sdelay $0x1  }
0x328: {  	v1 =	vadd.f32 v1, v2;
	_ =	sdelay $0x1  }
0x329: {  	s23 =	rddreg [dreg:$0x9];
	s3 =	simm.s32 $0x1A800;
	s26 =	simm.s32 $0x5;
	[tilespmem:s0+$0x1A800] =	vst v1  }
0x32a: {  	[hbm4b:s23+s4] =	stream.linear.scatter [tilespmem:s3], [sflag:$0x6], $0x800, $0x38;
	[tilespmem:$0x1B000] =	vst v63  }
0x32b: {  	_ =	swait.ge [sflag:s26], $0x800  }
0x32c: {  	[sflag:s26] =	ssyncset.done $0x0  }
0x32d: {  	[sflag:s26] =	ssyncadd.s32 $0xFFFFF800  }
0x32e: {  	_ =	swait.ge [sflag:s21], $0x800  }
0x32f: {  	s29 =	rddreg [dreg:$0xb]  }
0x330: {  	s31 =	rddreg [dreg:$0xa];
	s3 =	sadd.s32 $0x1, s29  }
0x331: {  	p0 =	sne.s32 s3, s31  }
.Ltmp8:
0x332: {  	_ = 	snop;
	(pc) =	sbr.rel @p0 .LBB2_1-.Ltmp8, $3  }
0x333: {  	_ =	sdelay $0x1  }
0x334: {  	[sflag:s21] =	ssyncset.done $0x0  }
0x335: {  	[sflag:s21] =	ssyncadd.s32 $0xFFFFF800  }
0x336: {  	_ =	sfence.sel $0x180000  }
0x337: {  	[bflag:$0x0] =	sbarrier.arrive $0xFFFF  }
0x338: {  	_ =	strace $0x9000004A  }
0x339: {  	s0 =	stileid.u32;
	[bflag:$0x2] =	sbarrier.arrive $0xFFFF  }
0x33a: {  	p0 =	sne.s32 s0, $0x0;
	s0 =	rddreg [dreg:$0x3]  }
0x33b: {  	s0 =	sadd.s32 @!p0 $0x100000, s0  }
0x33c: {  	[sflag:s0] =	ssyncadd.tile.s32 @!p0 $0x1;
	_ =	shalt  }
.Lfunc_end2:
_tile_overlayer_lowered:
.L_overlay_start_2:
0x33d: {  	(tag) =	ssettag $0x2  }
0x33e: {  	s0 =	rddreg [dreg:$0x0];
	s2 =	stileid.u32  }
0x33f: {  	s1 =	rddreg [dreg:$0x1];
	p0 =	sne.s32 s2, $0x0  }
0x340: {  	s3 =	rddreg [dreg:$0x2];
	[bflag:$0x3] =	sbarrier.arrive $0xFFFF;
	s2 =	simm.s32 @!p0 $0x1C07  }
0x341: {  	[timem:s3], [sflag:s2] =	dma.local @!p0 [hbm:s0], s1  }
0x342: {  	s0 =	simm.s32 @!p0 $0x7  }
0x343: {  	_ =	swait.ge @!p0 [sflag:s0], s1  }
0x344: {  	s1 =	ssub.s32 @!p0 $0x0, s1;
	[sflag:s0] =	ssyncset.done @!p0 $0x0  }
0x345: {  	[sflag:s0] =	ssyncadd.s32 @!p0 s1  }
0x346: {  	[bflag:$0x3] =	sbarrier.arrive $0xFFFF  }
0x347: {  	_ =	shalt  }

// kernel: sparse-core-data-format-call.cloned.1.call-start
scs
called_computation_lowered:
.L_overlay_start_0:
0x0: {  	s1 =	sld [smem:$0x3FD9]  }
0x1: {  	s2 =	sld [smem:$0x3FFE];
	_ =	sdelay $0x1  }
0x2: {  	s3 =	srdreg.scid  }
0x3: {  	s0 =	sand.u32 $0x1, s3  }
0x4: {  	s17 =	sshll.u32 s0, $0xA;
	s1 =	sadd.s32 s2, s1  }
0x5: {  	s1 =	sadd.s32 s1, s17  }
0x6: {  	[smem:$0x3FC3] =	sst s1  }
0x7: {  	_ = 	snop  }
0x8: {  	(tm) =	ssettm $0x1  }
0x9: {  	s18 =	sld [smem:$0x3FFB];
	_ =	sdelay $0x3  }
0xa: {  	_ =	strace s18  }
0xb: {  	s1 =	sld [smem:$0x3FFC];
	_ =	sdelay $0x3  }
0xc: {  	_ =	strace s1  }
0xd: {  	s1 =	sld [smem:$0x3FFD];
	_ =	sdelay $0x3  }
0xe: {  	_ =	strace s1  }
0xf: {  	_ =	strace $0x8FFFFFFF  }
0x10: {  	s19 =	sld [smem:$0x3FDB];
	_ =	sdelay $0x1  }
0x11: {  	s20 =	simm.s32 $_scs_section_size  }
0x12: {  	s4 =	simm.s32 $_size__tile_overlayer_lowered;
	s5 =	simm.s32 $_tile_overlayer_lowered  }
0x13: {  	s23 =	simm.s32 $0x1BFF;
	s22 =	sshll.u32 s5, $0x1;
	s1 =	sadd.s32 s20, s19  }
0x14: {  	s6 =	simm.s32 $0x0;
	s21 =	sshll.u32 s4, $0x1;
	s4 =	sadd.s32 s22, s1  }
0x15: {  	[timem:s6], [sflag:s23] =	dma.local [hbm:s4], s21  }
0x16: {  	_ =	swait.ge [sflag:s23], s21  }
0x17: {  	s2 =	ssub.s32 $0x0, s21;
	[sflag:s23] =	ssyncset.done $0x0  }
0x18: {  	[sflag:s23] =	ssyncadd.s32 s2;
	_ =	sdelay $0x1  }
0x19: {  	s24 =	simm.s32 $0x1B8B  }
0x1a: {  	_ =	swait.ge [sflag:s24], $0x1  }
0x1b: {  	[sflag:s24] =	ssyncset.done $0x0  }
0x1c: {  	s26 =	simm.s32 $0x1B8E;
	s25 =	sld [smem:$0x3FFE];
	[sflag:s24] =	ssyncadd.s32 $0xFFFFFFFF  }
0x1d: {  	s27 =	simm.s32 $execute0_lowered;
	[smem:$0x3FD2] =	sst s26  }
0x1e: {  	s4 =	sshll.u32 s27, $0x1;
	_ =	strace $0x80000046;
	[dreg:$0x1] =	wrdreg $0xFFFFFFFF  }
0x1f: {  	s28 =	simm.s32 $_size_execute0_lowered;
	s1 =	sadd.s32 s1, s4;
	[dreg:$0x0] =	wrdreg $0x0  }
0x20: {  	s4 =	sshll.u32 s28, $0x1;
	[dreg:$0x2] =	wrdreg s1  }
0x21: {  	[dreg:$0x3] =	wrdreg s4  }
0x22: {  	[dreg:$0x4] =	wrdreg $0xC0  }
0x23: {  	_ =	task [dreg:s6], $0x5FFFF  }
0x24: {  	[dreg:$0x1] =	wrdreg $0xFFFFFFFF  }
0x25: {  	[dreg:$0x0] =	wrdreg $0x60  }
0x26: {  	[dreg:$0x2] =	wrdreg s25  }
0x27: {  	[dreg:$0x3] =	wrdreg $0x9  }
0x28: {  	_ =	task.clear_ibuf [dreg:s6], $0x4FFFF;
	_ =	strace $0x90000046  }
0x29: {  	s29 =	simm.s32 $0x9;
	_ =	strace $0x80000048  }
0x2a: {  	_ =	swait.ge [sflag:s29], $0x1  }
0x2b: {  	[sflag:s29] =	ssyncadd.s32 $0xFFFFFFFF  }
0x2c: {  	_ =	strace $0x90000048  }
0x2d: {  	_ =	sfence  }
0x2e: {  	s30 =	sld [smem:$0x0];
	_ =	sdelay $0x2  }
0x2f: {  	s31 =	sshll.u32 s3, $0xD;
	s3 =	sshrl.u32 s3, $0x2  }
0x30: {  	s2 =	sand.u32 $0x4000, s31;
	s1 =	sadd.s32 s3, s30  }
0x31: {  	s0 =	sor.u32 s2, s0;
	s1 =	sshll.u32 s1, $0x11  }
0x32: {  	s0 =	sor.u32 s1, s0  }
0x33: {  	s0 =	sadd.s32 $0x8F2B, s0  }
0x34: {  	[sflag:s0] =	ssyncadd.remote.s32 $0x1  }
0x35: {  	_ =	sfence.sel $0xFFFF  }
0x36: {  	[dreg:$0x0] =	wrdreg $0xFFFFFFFF;
	(pc) =	sbr.abs _section_cstart, $3  }
0x37: {  	[dreg:$0x1] =	wrdreg $0xFFFFFFFF  }
0x38: {  	_ =	task.clear_ibuf [dreg:s6], $0x2FFFF;
	_ =	strace $0x9FFFFFFF  }
0x39: {  	(tm) =	ssettm $0x7FFFFFFF  }
tec
execute0_lowered:
.L_overlay_start_1:
0x0: {  	(tag) =	ssettag $0x1  }
0x1: {  	s1 =	rddreg [dreg:$0x0]  }
0x2: {  	s0 =	rddreg [dreg:$0x1]  }
0x3: {  	_ =	strace $0x80000047;
	s4 =	srdreg.scid;
	s6 =	simm.s32 $0x2  }
0x4: {  	s11 =	simm.s32 $0x0;
	p0 =	por $0x0, $0x0;
	s7 =	simm.s32 $0x1000  }
.Ltmp0:
0x5: {  	s12 =	simm.s32 $0x0;
	s9 =	simm.s32 $0x0;
	(pc) =	sbr.rel .LBB1_1-.Ltmp0, $4  }
0x6: {  	s2 =	sadd.s32 $0xC00, s1;
	s3 =	sadd.s32 $0x200C00, s1;
	s5 =	sshll.u32 s4, $0x4  }
0x7: {  	s1 =	stileid.u32;
	s4 =	simm.s32 $0x1;
	s5 =	sand.u32 $0x10, s5  }
0x8: {  	s8 =	simm.s32 $0x0;
	[sflag:s4] =	ssyncpa.u1 $0x0;
	s5 =	sor.u32 s1, s5  }
0x9: {  	[sflag:s6] =	ssyncpa.u1 $0x0;
	s6 =	simm.s32 $0x800;
	s10 =	smov.u32 s5  }
.LBB1_7:
0xa: {  	s13 =	sadd.s32 $0x10, s9  }
0xb: {  	s11 =	sadd.s32 $0x20, s10;
	s15 =	smov.u32 s10;
	p2 =	sgt.s32 s13, $0x1F  }
0xc: {  	p1 =	slt.u32 s8, $0x2;
	s15 =	smov.u32 @p2 s11  }
0xd: {  	s8 =	sadd.s32 $0x1, s8;
	s13 =	simm.s32 @p2 $0x0;
	p2 =	sgt.s32 s15, $0x1FF  }
0xe: {  	s15 =	smov.u32 @p2 s5;
	p2 =	sne.s32 s8, $0x22  }
.Ltmp1:
0xf: {  	_ = 	snop;
	(pc) =	sbr.rel @!p2 .LBB1_8-.Ltmp1, $4  }
0x10: {  	s14 =	simm.s32 @!p1 $0x2  }
0x11: {  	s12 =	smov.u32 s10;
	_ =	swait.ge @!p1 [sflag:s14], $0x4000  }
0x12: {  	p0 =	por !p0, !p0;
	s11 =	smov.u32 s9;
	[sflag:s14] =	ssyncset.done @!p1 $0x0  }
0x13: {  	s9 =	smov.u32 s13;
	[sflag:s14] =	ssyncadd.s32 @!p1 $0xFFFFC000;
	s10 =	smov.u32 s15  }
.LBB1_1:
0x14: {  	p1 =	sgt.u32 s8, $0x1F  }
0x15: {  	s13 =	sxor.u32 @!p1 $0xFFFFFFFF, s8;
	s14 =	sshll.u32 @!p1 s10, $0xC  }
0x16: {  	s15 =	sshll.u32 @!p1 s9, $0x7;
	s13 =	sshll.u32 @!p1 s13, $0xE;
	s14 =	sadd.s32 @!p1 s2, s14  }
0x17: {  	s13 =	sand.u32 @!p1 $0x4000, s13;
	s14 =	sadd.s32 @!p1 s15, s14;
	s15 =	simm.s32 @!p1 $0x0  }
0x18: {  	[tilespmem:s13], [sflag:$0x1] =	stream.linear.gather @!p1 [hbm4b:s14+s15], $0x4000, $0x38;
	[tilespmem:$0x10000] =	vst v63  }
0x19: {  	p1 =	seq.s32 s8, $0x0  }
0x1a: {  	p2 =	seq.s32 @!p1 s8, $0x21  }
0x1b: {  	p1 =	por p1, p2  }
.Ltmp2:
0x1c: {  	_ = 	snop;
	(pc) =	sbr.rel @p1 .LBB1_7-.Ltmp2, $1  }
0x1d: {  	_ =	sdelay $0x3  }
0x1e: {  	s13 =	simm.s32 $0x1;
	_ =	swait.ge [sflag:s4], $0x4000;
	s16 =	sshll.u32 s8, $0xE  }
0x1f: {  	s13 =	simm.s32 @!p0 $0x0;
	[sflag:s4] =	ssyncset.done $0x0;
	s31 =	sand.u32 $0x4000, s16  }
0x20: {  	s16 =	simm.s32 $0x0;
	s14 =	sshll.u32 s13, $0xE;
	[sflag:s4] =	ssyncadd.s32 $0xFFFFC000  }
0x21: {  	s13 =	sor.u32 $0x8040, s14;
	s15 =	sor.u32 $0x40, s14;
	s14 =	sor.u32 $0x8000, s31  }
.LBB1_3:
0x22: {  	v0 =	vmov s15;
	_ =	sdelay $0x3  }
0x23: {  	s18 =	simm.s32 $0x0  }
0x24: {  	v6 =	vld.idx.msk [tilespmem:v0+s18+$0x30 ss:$0x1], $0xffff  }
0x25: {  	v7 =	vld.idx.msk [tilespmem:v0+s18+$0xFFFFFFC0 ss:$0x1], $0xffff  }
0x26: {  	v5 =	vld.idx.msk [tilespmem:v0+s18+$0xFFFFFFD0 ss:$0x1], $0xffff  }
0x27: {  	v4 =	vld.idx.msk [tilespmem:v0+s18+$0xFFFFFFE0 ss:$0x1], $0xffff  }
0x28: {  	v3 =	vld.idx.msk [tilespmem:v0+s18+$0xFFFFFFF0 ss:$0x1], $0xffff  }
0x29: {  	v1 =	vld.idx.msk [tilespmem:v0+s18+$0x0 ss:$0x1], $0xffff  }
0x2a: {  	v2 =	vld.idx.msk [tilespmem:v0+s18+$0x10 ss:$0x1], $0xffff;
	[tilespmem:s13+$0x30] =	vst v6  }
0x2b: {  	s17 =	simm.s32 $0x80;
	s19 =	simm.s32 $0x400;
	[tilespmem:s13+$0xFFFFFFC0] =	vst v7;
	v6 =	vld.idx.msk [tilespmem:v0+s18+$0x20 ss:$0x1], $0xffff;
	s18 =	smov.u32 s13  }
.LBB1_4:
0x2c: {  	p1 =	sne.s32 s19, $0xE00;
	v7 =	vld.idx.msk [tilespmem:v0+s17+$0x30 ss:$0x1], $0xffff;
	[tilespmem:s18+$0xFFFFFFD0] =	vst v5  }
0x2d: {  	v8 =	vld.idx.msk [tilespmem:v0+s17+$0xFFFFFFC0 ss:$0x1], $0xffff;
	[tilespmem:s18+$0xFFFFFFE0] =	vst v4  }
0x2e: {  	v5 =	vld.idx.msk [tilespmem:v0+s17+$0xFFFFFFD0 ss:$0x1], $0xffff;
	[tilespmem:s18+$0xFFFFFFF0] =	vst v3  }
.Ltmp3:
0x2f: {  	v4 =	vld.idx.msk [tilespmem:v0+s17+$0xFFFFFFE0 ss:$0x1], $0xffff;
	[tilespmem:s18+$0x0] =	vst v1;
	(pc) =	sbr.rel @p1 .LBB1_4-.Ltmp3, $4  }
0x30: {  	v3 =	vld.idx.msk [tilespmem:v0+s17+$0xFFFFFFF0 ss:$0x1], $0xffff;
	[tilespmem:s18+$0x10] =	vst v2  }
0x31: {  	v1 =	vld.idx.msk [tilespmem:v0+s17+$0x0 ss:$0x1], $0xffff;
	[tilespmem:s18+$0x20] =	vst v6;
	s18 =	sadd.s32 $0x800, s18  }
0x32: {  	v2 =	vld.idx.msk [tilespmem:v0+s17+$0x10 ss:$0x1], $0xffff;
	[tilespmem:s18+$0x30] =	vst v7  }
0x33: {  	[tilespmem:s18+$0xFFFFFFC0] =	vst v8;
	v6 =	vld.idx.msk [tilespmem:v0+s17+$0x20 ss:$0x1], $0xffff;
	s17 =	sshra.s32 s19, $0x2;
	s19 =	sadd.s32 $0x200, s19  }
0x34: {  	_ =	sdelay $0x2  }
0x35: {  	[tilespmem:s18+$0xFFFFFFD0] =	vst v5  }
0x36: {  	v56 =	vld.idx.msk [tilespmem:v0+s17+$0x30 ss:$0x1], $0xffff;
	[tilespmem:s18+$0xFFFFFFE0] =	vst v4  }
0x37: {  	v57 =	vld.idx.msk [tilespmem:v0+s17+$0xFFFFFFC0 ss:$0x1], $0xffff;
	[tilespmem:s18+$0xFFFFFFF0] =	vst v3  }
0x38: {  	v58 =	vld.idx.msk [tilespmem:v0+s17+$0xFFFFFFD0 ss:$0x1], $0xffff;
	[tilespmem:s18+$0x0] =	vst v1  }
0x39: {  	v59 =	vld.idx.msk [tilespmem:v0+s17+$0xFFFFFFE0 ss:$0x1], $0xffff;
	[tilespmem:s18+$0x10] =	vst v2  }
0x3a: {  	v60 =	vld.idx.msk [tilespmem:v0+s17+$0xFFFFFFF0 ss:$0x1], $0xffff;
	s31 =	sadd.s32 $0x800, s18;
	[tilespmem:s18+$0x20] =	vst v6  }
0x3b: {  	v61 =	vld.idx.msk [tilespmem:v0+s17+$0x0 ss:$0x1], $0xffff;
	[tilespmem:s31+$0x30] =	vst v56  }
0x3c: {  	v62 =	vld.idx.msk [tilespmem:v0+s17+$0x10 ss:$0x1], $0xffff;
	s16 =	sadd.s32 $0x1, s16;
	[tilespmem:s31+$0xFFFFFFC0] =	vst v57  }
0x3d: {  	v63 =	vld.idx.msk [tilespmem:v0+s17+$0x20 ss:$0x1], $0xffff;
	p1 =	sne.s32 s16, $0x10;
	[tilespmem:s31+$0xFFFFFFD0] =	vst v58  }
.Ltmp4:
0x3e: {  	[tilespmem:s31+$0xFFFFFFE0] =	vst v59;
	(pc) =	sbr.rel @p1 .LBB1_3-.Ltmp4, $4  }
0x3f: {  	[tilespmem:s31+$0xFFFFFFF0] =	vst v60  }
0x40: {  	[tilespmem:s31+$0x0] =	vst v61  }
0x41: {  	[tilespmem:s31+$0x10] =	vst v62  }
0x42: {  	s13 =	sadd.s32 $0x80, s13;
	s15 =	sadd.s32 $0x400, s15;
	[tilespmem:s31+$0x20] =	vst v63  }
.Ltmp5:
0x43: {  	(pc) =	sbr.rel .LBB1_7-.Ltmp5, $4  }
0x44: {  	s12 =	sshll.u32 s12, $0xC;
	s11 =	sshll.u32 s11, $0x4  }
0x45: {  	s11 =	sand.u32 $0x1F0, s11;
	s12 =	sadd.s32 s3, s12  }
0x46: {  	s11 =	sadd.s32 s11, s12  }
0x47: {  	[hbm4b:s11+s6] =	stream.strided.scatter [tilespmem:s14], [sflag:$0x2], $0x4000, s7, s6, $0x38;
	[tilespmem:$0x10000] =	vst v63  }
.LBB1_8:
0x48: {  	_ =	sfence.sel $0x180000  }
0x49: {  	s2 =	simm.s32 $0x1;
	[bflag:$0x0] =	sbarrier.arrive $0xFFFF  }
0x4a: {  	s31 =	simm.s32 $0x2;
	[sflag:s2] =	ssyncpa.u1 $0x1  }
0x4b: {  	[sflag:s31] =	ssyncpa.u1 $0x1  }
0x4c: {  	p0 =	sne.s32 s1, $0x0;
	_ =	strace $0x90000047  }
0x4d: {  	s0 =	sadd.s32 @!p0 $0x100000, s0;
	[bflag:$0x2] =	sbarrier.arrive $0xFFFF  }
0x4e: {  	[sflag:s0] =	ssyncadd.tile.s32 @!p0 $0x1;
	_ =	shalt  }
.Lfunc_end1:
_tile_overlayer_lowered:
.L_overlay_start_2:
0x4f: {  	(tag) =	ssettag $0x2  }
0x50: {  	s0 =	rddreg [dreg:$0x0];
	s2 =	stileid.u32  }
0x51: {  	s1 =	rddreg [dreg:$0x1];
	p0 =	sne.s32 s2, $0x0  }
0x52: {  	s3 =	rddreg [dreg:$0x2];
	[bflag:$0x3] =	sbarrier.arrive $0xFFFF;
	s2 =	simm.s32 @!p0 $0x1C01  }
0x53: {  	[timem:s3], [sflag:s2] =	dma.local @!p0 [hbm:s0], s1  }
0x54: {  	s0 =	simm.s32 @!p0 $0x1  }
0x55: {  	_ =	swait.ge @!p0 [sflag:s0], s1  }
0x56: {  	s1 =	ssub.s32 @!p0 $0x0, s1;
	[sflag:s0] =	ssyncset.done @!p0 $0x0  }
0x57: {  	[sflag:s0] =	ssyncadd.s32 @!p0 s1  }
0x58: {  	[bflag:$0x3] =	sbarrier.arrive $0xFFFF  }
0x59: {  	_ =	shalt  }

</sc_bundles>
